<compile_context>
chip_gen: v7x
topology: tpu7x:2x2x1
jax: 0.10.2.dev20260603
libtpu: 0.0.44.dev20260713+nightly
codegen_flags: <defaults>
</compile_context>

<pallas_src>
import functools

import jax
import jax.numpy as jnp
import numpy as np
from jax import lax
from jax.experimental import pallas as pl
from jax.experimental.pallas import tpu as pltpu
from jax.experimental.pallas import tpu_sc as plsc

_IMG_W = 224
_IMG_H = 224
_WPAD = 256
_PPIX = _IMG_H * _WPAD


def _mask_indices():
    bw = (_IMG_W - 3) // 2
    bh = (_IMG_H - 3) // 2
    lines_cnt = 2 * bw * bh + bw + bh
    mat = np.zeros((_IMG_H, _IMG_W), dtype=bool)
    for idx in range(lines_cnt):
        y1 = idx // (2 * bw + 1)
        r = idx % (2 * bw + 1)
        if r < bw:
            x1, x2, y2 = r, r + 1, y1
        else:
            x1, x2, y2 = r - bw, r - bw, y1 + 1
        px = x2 * 2 + (y2 - y1)
        py = y2 * 2 + (x2 - x1)
        mat[py, px] = True
    return np.flatnonzero(mat.reshape(-1)).astype(np.int32)


_GIDX = _mask_indices()
_OUT_DIM = int(_GIDX.shape[0])
_N_VEC = (_OUT_DIM + 15) // 16

_N_VECP = 1528
_SPLIT_VEC = 758
_SPLIT_PAIR = _SPLIT_VEC // 2
_N_PAIR = _N_VECP // 2
_H0_LO = _WPAD
_H0_LEN = 28128
_H1_LO = 110 * _WPAD
_H1_LEN = 28640

_SRC_PAD = (_GIDX // _IMG_W) * _WPAD + (_GIDX % _IMG_W)
_LIDX = np.zeros(_N_VECP * 16, dtype=np.int32)
_LIDX[:_OUT_DIM] = _SRC_PAD - np.where(
    np.arange(_OUT_DIM) < _SPLIT_VEC * 16, _H0_LO, _H1_LO
)
assert (_LIDX[: _SPLIT_VEC * 16] < _H0_LEN).all() and (_LIDX >= 0).all()
assert (_LIDX[_SPLIT_VEC * 16 :] < min(_H1_LEN, 1 << 15)).all()
_LPAIR = _LIDX.reshape(_N_PAIR, 2, 16)
_PIDX = (_LPAIR[:, 0, :] | (_LPAIR[:, 1, :] << 16)).astype(np.int32).reshape(-1)

_N_IMG = 256
_N_FULL_CHUNK = _OUT_DIM // 128
_TAIL = _OUT_DIM - _N_FULL_CHUNK * 128


def _make_sc_gather():
    info = plsc.get_sparse_core_info()
    nc, ns = info.num_cores, info.num_subcores
    nw = nc * ns
    imgs_per_w = _N_IMG // nw
    mesh = plsc.VectorSubcoreMesh(core_axis_name="c", subcore_axis_name="s")

    @functools.partial(
        pl.kernel,
        mesh=mesh,
        out_type=(
            jax.ShapeDtypeStruct((_N_IMG, _OUT_DIM), jnp.float32),
            jax.ShapeDtypeStruct((_N_IMG, 128), jnp.float32),
        ),
        scratch_types=[
            pltpu.VMEM((_N_PAIR * 16,), jnp.int32),
            pltpu.VMEM((_H0_LEN,), jnp.float32),
            pltpu.VMEM((_H1_LEN,), jnp.float32),
            pltpu.VMEM((_N_VECP * 16,), jnp.float32),
            pltpu.VMEM((_N_VECP * 16,), jnp.float32),
            pltpu.SemaphoreType.DMA,
            pltpu.SemaphoreType.DMA,
            pltpu.SemaphoreType.DMA,
        ],
        compiler_params=pltpu.CompilerParams(needs_layout_passes=False),
    )
    def sc_gather(
        x_hbm, idx_hbm, out_hbm, tail_hbm,
        idx_v, buf_a, buf_b, out_v0, out_v1, sem_a, sem_b, sem_out,
    ):
        wid = lax.axis_index("s") * nc + lax.axis_index("c")
        pltpu.sync_copy(idx_hbm, idx_v)
        row0 = wid * imgs_per_w

        def in_slices(i, lo, ln, buf):
            return x_hbm.at[pl.ds((row0 + i) * _PPIX + lo, ln)], buf

        def fire_in(i, lo, ln, buf, sem):
            src, dst = in_slices(i, lo, ln, buf)
            pltpu.async_copy(src, dst, sem)

        def wait_in(i, lo, ln, buf, sem):
            src, dst = in_slices(i, lo, ln, buf)
            pltpu.make_async_copy(src, dst, sem).wait()

        out_bufs = (out_v0, out_v1)

        def fire_out(ov, row):
            def fire_chunk(kt, carry):
                pltpu.async_copy(
                    ov.at[pl.ds(kt * 128, 128)],
                    out_hbm.at[row, pl.ds(kt * 128, 128)],
                    sem_out,
                )
                return carry

            lax.fori_loop(0, _N_FULL_CHUNK, fire_chunk, 0, unroll=8)
            pltpu.async_copy(
                ov.at[pl.ds(_N_FULL_CHUNK * 128, 128)],
                tail_hbm.at[row],
                sem_out,
            )

        def drain_out(ov, row):
            pltpu.make_async_copy(
                ov.at[pl.ds(0, (_N_FULL_CHUNK + 1) * 128)],
                x_hbm.at[pl.ds(0, (_N_FULL_CHUNK + 1) * 128)],
                sem_out,
            ).wait()

        fire_in(0, _H0_LO, _H0_LEN, buf_a, sem_a)
        fire_in(0, _H1_LO, _H1_LEN, buf_b, sem_b)
        for i in range(imgs_per_w):
            ov = out_bufs[i % 2]
            wait_in(i, _H0_LO, _H0_LEN, buf_a, sem_a)
            if i >= 2:
                drain_out(out_bufs[i % 2], row0 + i - 2)

            @plsc.parallel_loop(0, _SPLIT_PAIR, unroll=8)
            def gather_h0(p, ov=ov):
                pk = idx_v[pl.ds(p * 16, 16)]
                lo = lax.bitwise_and(pk, 0xFFFF)
                hi = lax.shift_right_logical(pk, 16)
                ov[pl.ds(p * 32, 16)] = plsc.load_gather(buf_a, [lo])
                ov[pl.ds(p * 32 + 16, 16)] = plsc.load_gather(buf_a, [hi])

            if i + 1 < imgs_per_w:
                fire_in(i + 1, _H0_LO, _H0_LEN, buf_a, sem_a)
            wait_in(i, _H1_LO, _H1_LEN, buf_b, sem_b)

            @plsc.parallel_loop(_SPLIT_PAIR, _N_PAIR, unroll=8)
            def gather_h1(p, ov=ov):
                pk = idx_v[pl.ds(p * 16, 16)]
                lo = lax.bitwise_and(pk, 0xFFFF)
                hi = lax.shift_right_logical(pk, 16)
                ov[pl.ds(p * 32, 16)] = plsc.load_gather(buf_b, [lo])
                ov[pl.ds(p * 32 + 16, 16)] = plsc.load_gather(buf_b, [hi])

            if i + 1 < imgs_per_w:
                fire_in(i + 1, _H1_LO, _H1_LEN, buf_b, sem_b)
            fire_out(ov, row0 + i)
        drain_out(out_bufs[imgs_per_w % 2], row0 + imgs_per_w - 2)
        drain_out(out_bufs[(imgs_per_w - 1) % 2], row0 + imgs_per_w - 1)

    return sc_gather


_SC_GATHER = _make_sc_gather()


def kernel(x):
    B, T, H, W, _ = x.shape
    xp = jnp.pad(x, ((0, 0), (0, 0), (0, 0), (0, _WPAD - W), (0, 0)))
    flat = xp.reshape(B * T * H * _WPAD)
    idx = jnp.asarray(_PIDX)
    out, tail = _SC_GATHER(flat, idx)
    out = jax.lax.dynamic_update_slice(
        out, tail[:, :_TAIL], (0, _N_FULL_CHUNK * 128)
    )
    return out.reshape(B, T, _OUT_DIM)

# --- scband reference (transcript-rebuilt; emitter-appended) ---
"""Pipeline reference for scband-sequence-line-filter-layer-69243462746804 (READ-ONLY COPY).

The authoritative reference and input builder live on the scoring server;
editing this copy changes nothing except your own understanding.
"""

import jax, jax.numpy as jnp
import numpy as np

IMG_W = 224
IMG_H = 224


def _img_size_to_boxes(x):
    return (x - 3) // 2


def _line_filter_matrix(img_width, img_height):
    bw = _img_size_to_boxes(img_width)
    bh = _img_size_to_boxes(img_height)
    lines_cnt = 2 * bw * bh + bw + bh
    mat = np.zeros((img_height, img_width), dtype=bool)
    for idx in range(lines_cnt):
        y1 = idx // (2 * bw + 1)
        r = idx % (2 * bw + 1)
        if r < bw:
            x1 = r
            x2 = x1 + 1
            y2 = y1
        else:
            x1 = r - bw
            x2 = x1
            y2 = y1 + 1
        px = x2 * 2 + (y2 - y1)
        py = y2 * 2 + (x2 - x1)
        mat[py, px] = True
    return mat


_MASK = _line_filter_matrix(IMG_W, IMG_H)
# tf.boolean_mask with a 2D mask starting at axis=2 selects True positions in
# row-major order over the flattened (H, W) dims -> equivalent to a gather.
_IDX = np.flatnonzero(_MASK.reshape(-1)).astype(np.int32)
OUTPUT_DIM = int(_IDX.shape[0])  # 2*bw*bh + bw + bh = 24420 for 224x224


def setup_inputs(seed: int = 0) -> dict:
    key = jax.random.key(seed)
    x = jax.random.normal(key, (8, 32, IMG_H, IMG_W, 1), dtype=jnp.float32)
    return {"x": x}


def reference(x):
    idx = jnp.asarray(_IDX)
    B, T, H, W, _ = x.shape
    flat = x.reshape(B, T, H * W)
    lines = jnp.take(flat, idx, axis=2)
    return lines.reshape(B, T, OUTPUT_DIM)

if __name__ == "__main__":
    import jax
    _d = setup_inputs()
    print(jax.jit(kernel)(*tuple(_d.values())))

</pallas_src>

<mosaic_0001>
#map = affine_map<(d0, d1) -> (0)>
#map1 = affine_map<(d0, d1) -> (0, 0)>
module attributes {stable_mosaic.version = 14 : i64} {
  func.func @sc_gather(%arg0: i32, %arg1: i32, %arg2: memref<14680064xf32, #tpu.memory_space<hbm>>, %arg3: memref<12224xi32, #tpu.memory_space<hbm>>, %arg4: memref<256x24420xf32, #tpu.memory_space<hbm>>, %arg5: memref<256x128xf32, #tpu.memory_space<hbm>>, %arg6: memref<12224xi32, #tpu.memory_space<vmem>>, %arg7: memref<28128xf32, #tpu.memory_space<vmem>>, %arg8: memref<28640xf32, #tpu.memory_space<vmem>>, %arg9: memref<24448xf32, #tpu.memory_space<vmem>>, %arg10: memref<24448xf32, #tpu.memory_space<vmem>>, %arg11: memref<!tpu.dma_semaphore, #tpu.memory_space<semaphore_mem>>, %arg12: memref<!tpu.dma_semaphore, #tpu.memory_space<semaphore_mem>>, %arg13: memref<!tpu.dma_semaphore, #tpu.memory_space<semaphore_mem>>) attributes {dimension_semantics = [#tpu.dimension_semantics<core_parallel>, #tpu.dimension_semantics<subcore_parallel>], iteration_bounds = array<i64: 2, 16>, scalar_prefetch = 0 : i64, scratch_operands = 8 : i64, tpu.core_type = #tpu.core_type<sc_vector_subcore>, window_params = [{transform_indices = #map}, {transform_indices = #map}, {transform_indices = #map1}, {transform_indices = #map1}]} {
    %mul3A = arith.constant 2 : i32
    %mul3A_0 = arith.muli %arg1, %mul3A : i32
    %add3A = arith.addi %mul3A_0, %arg0 : i32
    "tpu.region"() ({
      %run_scoped3A = tpu.sem_alloc : memref<!tpu.dma_semaphore, #tpu.memory_space<semaphore_mem>>
      tpu.enqueue_dma source(%arg3 : memref<12224xi32, #tpu.memory_space<hbm>>) target(%arg6 : memref<12224xi32, #tpu.memory_space<vmem>>) target_semaphore(%run_scoped3A : memref<!tpu.dma_semaphore, #tpu.memory_space<semaphore_mem>>)
      tpu.wait_dma2 semaphore(%run_scoped3A : memref<!tpu.dma_semaphore, #tpu.memory_space<semaphore_mem>>) src(%arg3 : memref<12224xi32, #tpu.memory_space<hbm>>) dst(%arg6 : memref<12224xi32, #tpu.memory_space<vmem>>)
      tpu.yield
    }) : () -> ()
    %mul3A_1 = arith.constant 8 : i32
    %mul3A_2 = arith.muli %add3A, %mul3A_1 : i32
    %add3A_3 = arith.constant 0 : i32
    %add3A_4 = arith.addi %mul3A_2, %add3A_3 : i32
    %mul3A_5 = arith.constant 57344 : i32
    %mul3A_6 = arith.muli %add3A_4, %mul3A_5 : i32
    %add3A_7 = arith.constant 256 : i32
    %add3A_8 = arith.addi %mul3A_6, %add3A_7 : i32
    %dma_start3A = tpu.memref_slice %arg2[%add3A_8] : memref<14680064xf32, #tpu.memory_space<hbm>> -> memref<28128xf32, #tpu.memory_space<hbm>>
    %dma_start3A_9 = tpu.memref_slice %arg2[%add3A_8] : memref<14680064xf32, #tpu.memory_space<hbm>> -> memref<28128xf32, #tpu.memory_space<hbm>>
    tpu.enqueue_dma source(%dma_start3A_9 : memref<28128xf32, #tpu.memory_space<hbm>>) target(%arg7 : memref<28128xf32, #tpu.memory_space<vmem>>) target_semaphore(%arg11 : memref<!tpu.dma_semaphore, #tpu.memory_space<semaphore_mem>>)
    %add3A_10 = arith.constant 0 : i32
    %add3A_11 = arith.addi %mul3A_2, %add3A_10 : i32
    %mul3A_12 = arith.constant 57344 : i32
    %mul3A_13 = arith.muli %add3A_11, %mul3A_12 : i32
    %add3A_14 = arith.constant 28160 : i32
    %add3A_15 = arith.addi %mul3A_13, %add3A_14 : i32
    %dma_start3A_16 = tpu.memref_slice %arg2[%add3A_15] : memref<14680064xf32, #tpu.memory_space<hbm>> -> memref<28640xf32, #tpu.memory_space<hbm>>
    %dma_start3A_17 = tpu.memref_slice %arg2[%add3A_15] : memref<14680064xf32, #tpu.memory_space<hbm>> -> memref<28640xf32, #tpu.memory_space<hbm>>
    tpu.enqueue_dma source(%dma_start3A_17 : memref<28640xf32, #tpu.memory_space<hbm>>) target(%arg8 : memref<28640xf32, #tpu.memory_space<vmem>>) target_semaphore(%arg12 : memref<!tpu.dma_semaphore, #tpu.memory_space<semaphore_mem>>)
    %add3A_18 = arith.constant 0 : i32
    %add3A_19 = arith.addi %mul3A_2, %add3A_18 : i32
    %mul3A_20 = arith.constant 57344 : i32
    %mul3A_21 = arith.muli %add3A_19, %mul3A_20 : i32
    %add3A_22 = arith.constant 256 : i32
    %add3A_23 = arith.addi %mul3A_21, %add3A_22 : i32
    %dma_wait3A = tpu.memref_slice %arg2[%add3A_23] : memref<14680064xf32, #tpu.memory_space<hbm>> -> memref<28128xf32, #tpu.memory_space<hbm>>
    %dma_wait3A_24 = tpu.memref_slice %arg2[%add3A_23] : memref<14680064xf32, #tpu.memory_space<hbm>> -> memref<28128xf32, #tpu.memory_space<hbm>>
    tpu.wait_dma2 semaphore(%arg11 : memref<!tpu.dma_semaphore, #tpu.memory_space<semaphore_mem>>) src(%dma_wait3A_24 : memref<28128xf32, #tpu.memory_space<hbm>>) dst(%arg7 : memref<28128xf32, #tpu.memory_space<vmem>>)
    %parallel_loop3A = arith.constant 0 : i32
    %parallel_loop3A_25 = arith.constant 379 : i32
    %parallel_loop3A_26 = arith.constant 1 : i32
    scf.for %parallel_loop3A_1118 = %parallel_loop3A to %parallel_loop3A_25 step %parallel_loop3A_26  : i32 {
      %parallel_loop3A_1119 = arith.constant 16 : i32
      %parallel_loop3A_1120 = arith.muli %parallel_loop3A_1118, %parallel_loop3A_1119 : i32
      %parallel_loop3A_1121 = arith.index_cast %parallel_loop3A_1120 : i32 to index
      %parallel_loop3A_1122 = tpu.vector_load %arg6[%parallel_loop3A_1121] {strides = array<i32>} : memref<12224xi32, #tpu.memory_space<vmem>>, vector<16xi32>,
      %parallel_loop3A_1123 = arith.constant 65535 : i32
      %parallel_loop3A_1124 = vector.broadcast %parallel_loop3A_1123 : i32 to vector<16xi32>
      %parallel_loop3A_1125 = arith.andi %parallel_loop3A_1122, %parallel_loop3A_1124 : vector<16xi32>
      %parallel_loop3A_1126 = arith.constant 16 : i32
      %parallel_loop3A_1127 = vector.broadcast %parallel_loop3A_1126 : i32 to vector<16xi32>
      %parallel_loop3A_1128 = arith.shrui %parallel_loop3A_1122, %parallel_loop3A_1127 : vector<16xi32>
      %parallel_loop3A_1129 = tpu.vector_load_idx %arg7[%parallel_loop3A_1125] : memref<28128xf32, #tpu.memory_space<vmem>>[vector<16xi32>], vector<16xf32>,
      %parallel_loop3A_1130 = arith.constant 32 : i32
      %parallel_loop3A_1131 = arith.muli %parallel_loop3A_1118, %parallel_loop3A_1130 : i32
      %parallel_loop3A_1132 = arith.index_cast %parallel_loop3A_1131 : i32 to index
      %parallel_loop3A_1133 = tpu.vector_load %arg9[%parallel_loop3A_1132] {strides = array<i32>} : memref<24448xf32, #tpu.memory_space<vmem>>, vector<16xf32>,
      tpu.vector_store %arg9[%parallel_loop3A_1132], %parallel_loop3A_1129 {strides = array<i32>} : memref<24448xf32, #tpu.memory_space<vmem>>, vector<16xf32>,
      %parallel_loop3A_1134 = tpu.vector_load_idx %arg7[%parallel_loop3A_1128] : memref<28128xf32, #tpu.memory_space<vmem>>[vector<16xi32>], vector<16xf32>,
      %parallel_loop3A_1135 = arith.constant 32 : i32
      %parallel_loop3A_1136 = arith.muli %parallel_loop3A_1118, %parallel_loop3A_1135 : i32
      %parallel_loop3A_1137 = arith.constant 16 : i32
      %parallel_loop3A_1138 = arith.addi %parallel_loop3A_1136, %parallel_loop3A_1137 : i32
      %parallel_loop3A_1139 = arith.index_cast %parallel_loop3A_1138 : i32 to index
      %parallel_loop3A_1140 = tpu.vector_load %arg9[%parallel_loop3A_1139] {strides = array<i32>} : memref<24448xf32, #tpu.memory_space<vmem>>, vector<16xf32>,
      tpu.vector_store %arg9[%parallel_loop3A_1139], %parallel_loop3A_1134 {strides = array<i32>} : memref<24448xf32, #tpu.memory_space<vmem>>, vector<16xf32>,
    } {sc.loop_unroll_factor = 8 : i64, sc.parallel_access}
    %add3A_27 = arith.constant 1 : i32
    %add3A_28 = arith.addi %mul3A_2, %add3A_27 : i32
    %mul3A_29 = arith.constant 57344 : i32
    %mul3A_30 = arith.muli %add3A_28, %mul3A_29 : i32
    %add3A_31 = arith.constant 256 : i32
    %add3A_32 = arith.addi %mul3A_30, %add3A_31 : i32
    %dma_start3A_33 = tpu.memref_slice %arg2[%add3A_32] : memref<14680064xf32, #tpu.memory_space<hbm>> -> memref<28128xf32, #tpu.memory_space<hbm>>
    %dma_start3A_34 = tpu.memref_slice %arg2[%add3A_32] : memref<14680064xf32, #tpu.memory_space<hbm>> -> memref<28128xf32, #tpu.memory_space<hbm>>
    tpu.enqueue_dma source(%dma_start3A_34 : memref<28128xf32, #tpu.memory_space<hbm>>) target(%arg7 : memref<28128xf32, #tpu.memory_space<vmem>>) target_semaphore(%arg11 : memref<!tpu.dma_semaphore, #tpu.memory_space<semaphore_mem>>)
    %add3A_35 = arith.constant 0 : i32
    %add3A_36 = arith.addi %mul3A_2, %add3A_35 : i32
    %mul3A_37 = arith.constant 57344 : i32
    %mul3A_38 = arith.muli %add3A_36, %mul3A_37 : i32
    %add3A_39 = arith.constant 28160 : i32
    %add3A_40 = arith.addi %mul3A_38, %add3A_39 : i32
    %dma_wait3A_41 = tpu.memref_slice %arg2[%add3A_40] : memref<14680064xf32, #tpu.memory_space<hbm>> -> memref<28640xf32, #tpu.memory_space<hbm>>
    %dma_wait3A_42 = tpu.memref_slice %arg2[%add3A_40] : memref<14680064xf32, #tpu.memory_space<hbm>> -> memref<28640xf32, #tpu.memory_space<hbm>>
    tpu.wait_dma2 semaphore(%arg12 : memref<!tpu.dma_semaphore, #tpu.memory_space<semaphore_mem>>) src(%dma_wait3A_42 : memref<28640xf32, #tpu.memory_space<hbm>>) dst(%arg8 : memref<28640xf32, #tpu.memory_space<vmem>>)
    %parallel_loop3A_43 = arith.constant 379 : i32
    %parallel_loop3A_44 = arith.constant 764 : i32
    %parallel_loop3A_45 = arith.constant 1 : i32
    scf.for %parallel_loop3A_1118 = %parallel_loop3A_43 to %parallel_loop3A_44 step %parallel_loop3A_45  : i32 {
      %parallel_loop3A_1119 = arith.constant 16 : i32
      %parallel_loop3A_1120 = arith.muli %parallel_loop3A_1118, %parallel_loop3A_1119 : i32
      %parallel_loop3A_1121 = arith.index_cast %parallel_loop3A_1120 : i32 to index
      %parallel_loop3A_1122 = tpu.vector_load %arg6[%parallel_loop3A_1121] {strides = array<i32>} : memref<12224xi32, #tpu.memory_space<vmem>>, vector<16xi32>,
      %parallel_loop3A_1123 = arith.constant 65535 : i32
      %parallel_loop3A_1124 = vector.broadcast %parallel_loop3A_1123 : i32 to vector<16xi32>
      %parallel_loop3A_1125 = arith.andi %parallel_loop3A_1122, %parallel_loop3A_1124 : vector<16xi32>
      %parallel_loop3A_1126 = arith.constant 16 : i32
      %parallel_loop3A_1127 = vector.broadcast %parallel_loop3A_1126 : i32 to vector<16xi32>
      %parallel_loop3A_1128 = arith.shrui %parallel_loop3A_1122, %parallel_loop3A_1127 : vector<16xi32>
      %parallel_loop3A_1129 = tpu.vector_load_idx %arg8[%parallel_loop3A_1125] : memref<28640xf32, #tpu.memory_space<vmem>>[vector<16xi32>], vector<16xf32>,
      %parallel_loop3A_1130 = arith.constant 32 : i32
      %parallel_loop3A_1131 = arith.muli %parallel_loop3A_1118, %parallel_loop3A_1130 : i32
      %parallel_loop3A_1132 = arith.index_cast %parallel_loop3A_1131 : i32 to index
      %parallel_loop3A_1133 = tpu.vector_load %arg9[%parallel_loop3A_1132] {strides = array<i32>} : memref<24448xf32, #tpu.memory_space<vmem>>, vector<16xf32>,
      tpu.vector_store %arg9[%parallel_loop3A_1132], %parallel_loop3A_1129 {strides = array<i32>} : memref<24448xf32, #tpu.memory_space<vmem>>, vector<16xf32>,
      %parallel_loop3A_1134 = tpu.vector_load_idx %arg8[%parallel_loop3A_1128] : memref<28640xf32, #tpu.memory_space<vmem>>[vector<16xi32>], vector<16xf32>,
      %parallel_loop3A_1135 = arith.constant 32 : i32
      %parallel_loop3A_1136 = arith.muli %parallel_loop3A_1118, %parallel_loop3A_1135 : i32
      %parallel_loop3A_1137 = arith.constant 16 : i32
      %parallel_loop3A_1138 = arith.addi %parallel_loop3A_1136, %parallel_loop3A_1137 : i32
      %parallel_loop3A_1139 = arith.index_cast %parallel_loop3A_1138 : i32 to index
      %parallel_loop3A_1140 = tpu.vector_load %arg9[%parallel_loop3A_1139] {strides = array<i32>} : memref<24448xf32, #tpu.memory_space<vmem>>, vector<16xf32>,
      tpu.vector_store %arg9[%parallel_loop3A_1139], %parallel_loop3A_1134 {strides = array<i32>} : memref<24448xf32, #tpu.memory_space<vmem>>, vector<16xf32>,
    } {sc.loop_unroll_factor = 8 : i64, sc.parallel_access}
    %add3A_46 = arith.constant 1 : i32
    %add3A_47 = arith.addi %mul3A_2, %add3A_46 : i32
    %mul3A_48 = arith.constant 57344 : i32
    %mul3A_49 = arith.muli %add3A_47, %mul3A_48 : i32
    %add3A_50 = arith.constant 28160 : i32
    %add3A_51 = arith.addi %mul3A_49, %add3A_50 : i32
    %dma_start3A_52 = tpu.memref_slice %arg2[%add3A_51] : memref<14680064xf32, #tpu.memory_space<hbm>> -> memref<28640xf32, #tpu.memory_space<hbm>>
    %dma_start3A_53 = tpu.memref_slice %arg2[%add3A_51] : memref<14680064xf32, #tpu.memory_space<hbm>> -> memref<28640xf32, #tpu.memory_space<hbm>>
    tpu.enqueue_dma source(%dma_start3A_53 : memref<28640xf32, #tpu.memory_space<hbm>>) target(%arg8 : memref<28640xf32, #tpu.memory_space<vmem>>) target_semaphore(%arg12 : memref<!tpu.dma_semaphore, #tpu.memory_space<semaphore_mem>>)
    %add3A_54 = arith.constant 0 : i32
    %add3A_55 = arith.addi %mul3A_2, %add3A_54 : i32
    %scan3A = arith.constant 0 : i32
    %scan3A_56 = arith.constant 0 : i32
    %scan3A_57 = arith.constant 184 : i32
    %scan3A_58 = arith.addi %scan3A_56, %scan3A_57 : i32
    %scan3A_59 = arith.constant 8 : i32
    scf.for %scan3A_1118 = %scan3A_56 to %scan3A_58 step %scan3A_59  : i32 {
      %mul3A_1119 = arith.constant 128 : i32
      %mul3A_1120 = arith.muli %scan3A_1118, %mul3A_1119 : i32
      %mul3A_1121 = arith.constant 128 : i32
      %mul3A_1122 = arith.muli %scan3A_1118, %mul3A_1121 : i32
      %dma_start3A_1123 = tpu.memref_slice %arg9[%mul3A_1120] : memref<24448xf32, #tpu.memory_space<vmem>> -> memref<128xf32, #tpu.memory_space<vmem>>
      %dma_start3A_1124 = tpu.memref_slice %arg4[%add3A_55, %mul3A_1122] : memref<256x24420xf32, #tpu.memory_space<hbm>> -> memref<1x128xf32, #tpu.memory_space<hbm>>
      %dma_start3A_1125 = tpu.memref_squeeze %dma_start3A_1124 : memref<1x128xf32, #tpu.memory_space<hbm>> -> memref<128xf32, #tpu.memory_space<hbm>>
      %dma_start3A_1126 = tpu.memref_slice %arg4[%add3A_55, %mul3A_1122] : memref<256x24420xf32, #tpu.memory_space<hbm>> -> memref<1x128xf32, #tpu.memory_space<hbm>>
      %dma_start3A_1127 = tpu.memref_squeeze %dma_start3A_1126 : memref<1x128xf32, #tpu.memory_space<hbm>> -> memref<128xf32, #tpu.memory_space<hbm>>
      %dma_start3A_1128 = tpu.memref_slice %arg9[%mul3A_1120] : memref<24448xf32, #tpu.memory_space<vmem>> -> memref<128xf32, #tpu.memory_space<vmem>>
      tpu.enqueue_dma source(%dma_start3A_1128 : memref<128xf32, #tpu.memory_space<vmem>>) target(%dma_start3A_1127 : memref<128xf32, #tpu.memory_space<hbm>>) target_semaphore(%arg13 : memref<!tpu.dma_semaphore, #tpu.memory_space<semaphore_mem>>)
      %scan3A_1129 = arith.constant 1 : i32
      %scan3A_1130 = arith.addi %scan3A_1118, %scan3A_1129 : i32
      %mul3A_1131 = arith.constant 128 : i32
      %mul3A_1132 = arith.muli %scan3A_1130, %mul3A_1131 : i32
      %mul3A_1133 = arith.constant 128 : i32
      %mul3A_1134 = arith.muli %scan3A_1130, %mul3A_1133 : i32
      %dma_start3A_1135 = tpu.memref_slice %arg9[%mul3A_1132] : memref<24448xf32, #tpu.memory_space<vmem>> -> memref<128xf32, #tpu.memory_space<vmem>>
      %dma_start3A_1136 = tpu.memref_slice %arg4[%add3A_55, %mul3A_1134] : memref<256x24420xf32, #tpu.memory_space<hbm>> -> memref<1x128xf32, #tpu.memory_space<hbm>>
      %dma_start3A_1137 = tpu.memref_squeeze %dma_start3A_1136 : memref<1x128xf32, #tpu.memory_space<hbm>> -> memref<128xf32, #tpu.memory_space<hbm>>
      %dma_start3A_1138 = tpu.memref_slice %arg4[%add3A_55, %mul3A_1134] : memref<256x24420xf32, #tpu.memory_space<hbm>> -> memref<1x128xf32, #tpu.memory_space<hbm>>
      %dma_start3A_1139 = tpu.memref_squeeze %dma_start3A_1138 : memref<1x128xf32, #tpu.memory_space<hbm>> -> memref<128xf32, #tpu.memory_space<hbm>>
      %dma_start3A_1140 = tpu.memref_slice %arg9[%mul3A_1132] : memref<24448xf32, #tpu.memory_space<vmem>> -> memref<128xf32, #tpu.memory_space<vmem>>
      tpu.enqueue_dma source(%dma_start3A_1140 : memref<128xf32, #tpu.memory_space<vmem>>) target(%dma_start3A_1139 : memref<128xf32, #tpu.memory_space<hbm>>) target_semaphore(%arg13 : memref<!tpu.dma_semaphore, #tpu.memory_space<semaphore_mem>>)
      %scan3A_1141 = arith.constant 2 : i32
      %scan3A_1142 = arith.addi %scan3A_1118, %scan3A_1141 : i32
      %mul3A_1143 = arith.constant 128 : i32
      %mul3A_1144 = arith.muli %scan3A_1142, %mul3A_1143 : i32
      %mul3A_1145 = arith.constant 128 : i32
      %mul3A_1146 = arith.muli %scan3A_1142, %mul3A_1145 : i32
      %dma_start3A_1147 = tpu.memref_slice %arg9[%mul3A_1144] : memref<24448xf32, #tpu.memory_space<vmem>> -> memref<128xf32, #tpu.memory_space<vmem>>
      %dma_start3A_1148 = tpu.memref_slice %arg4[%add3A_55, %mul3A_1146] : memref<256x24420xf32, #tpu.memory_space<hbm>> -> memref<1x128xf32, #tpu.memory_space<hbm>>
      %dma_start3A_1149 = tpu.memref_squeeze %dma_start3A_1148 : memref<1x128xf32, #tpu.memory_space<hbm>> -> memref<128xf32, #tpu.memory_space<hbm>>
      %dma_start3A_1150 = tpu.memref_slice %arg4[%add3A_55, %mul3A_1146] : memref<256x24420xf32, #tpu.memory_space<hbm>> -> memref<1x128xf32, #tpu.memory_space<hbm>>
      %dma_start3A_1151 = tpu.memref_squeeze %dma_start3A_1150 : memref<1x128xf32, #tpu.memory_space<hbm>> -> memref<128xf32, #tpu.memory_space<hbm>>
      %dma_start3A_1152 = tpu.memref_slice %arg9[%mul3A_1144] : memref<24448xf32, #tpu.memory_space<vmem>> -> memref<128xf32, #tpu.memory_space<vmem>>
      tpu.enqueue_dma source(%dma_start3A_1152 : memref<128xf32, #tpu.memory_space<vmem>>) target(%dma_start3A_1151 : memref<128xf32, #tpu.memory_space<hbm>>) target_semaphore(%arg13 : memref<!tpu.dma_semaphore, #tpu.memory_space<semaphore_mem>>)
      %scan3A_1153 = arith.constant 3 : i32
      %scan3A_1154 = arith.addi %scan3A_1118, %scan3A_1153 : i32
      %mul3A_1155 = arith.constant 128 : i32
      %mul3A_1156 = arith.muli %scan3A_1154, %mul3A_1155 : i32
      %mul3A_1157 = arith.constant 128 : i32
      %mul3A_1158 = arith.muli %scan3A_1154, %mul3A_1157 : i32
      %dma_start3A_1159 = tpu.memref_slice %arg9[%mul3A_1156] : memref<24448xf32, #tpu.memory_space<vmem>> -> memref<128xf32, #tpu.memory_space<vmem>>
      %dma_start3A_1160 = tpu.memref_slice %arg4[%add3A_55, %mul3A_1158] : memref<256x24420xf32, #tpu.memory_space<hbm>> -> memref<1x128xf32, #tpu.memory_space<hbm>>
      %dma_start3A_1161 = tpu.memref_squeeze %dma_start3A_1160 : memref<1x128xf32, #tpu.memory_space<hbm>> -> memref<128xf32, #tpu.memory_space<hbm>>
      %dma_start3A_1162 = tpu.memref_slice %arg4[%add3A_55, %mul3A_1158] : memref<256x24420xf32, #tpu.memory_space<hbm>> -> memref<1x128xf32, #tpu.memory_space<hbm>>
      %dma_start3A_1163 = tpu.memref_squeeze %dma_start3A_1162 : memref<1x128xf32, #tpu.memory_space<hbm>> -> memref<128xf32, #tpu.memory_space<hbm>>
      %dma_start3A_1164 = tpu.memref_slice %arg9[%mul3A_1156] : memref<24448xf32, #tpu.memory_space<vmem>> -> memref<128xf32, #tpu.memory_space<vmem>>
      tpu.enqueue_dma source(%dma_start3A_1164 : memref<128xf32, #tpu.memory_space<vmem>>) target(%dma_start3A_1163 : memref<128xf32, #tpu.memory_space<hbm>>) target_semaphore(%arg13 : memref<!tpu.dma_semaphore, #tpu.memory_space<semaphore_mem>>)
      %scan3A_1165 = arith.constant 4 : i32
      %scan3A_1166 = arith.addi %scan3A_1118, %scan3A_1165 : i32
      %mul3A_1167 = arith.constant 128 : i32
      %mul3A_1168 = arith.muli %scan3A_1166, %mul3A_1167 : i32
      %mul3A_1169 = arith.constant 128 : i32
      %mul3A_1170 = arith.muli %scan3A_1166, %mul3A_1169 : i32
      %dma_start3A_1171 = tpu.memref_slice %arg9[%mul3A_1168] : memref<24448xf32, #tpu.memory_space<vmem>> -> memref<128xf32, #tpu.memory_space<vmem>>
      %dma_start3A_1172 = tpu.memref_slice %arg4[%add3A_55, %mul3A_1170] : memref<256x24420xf32, #tpu.memory_space<hbm>> -> memref<1x128xf32, #tpu.memory_space<hbm>>
      %dma_start3A_1173 = tpu.memref_squeeze %dma_start3A_1172 : memref<1x128xf32, #tpu.memory_space<hbm>> -> memref<128xf32, #tpu.memory_space<hbm>>
      %dma_start3A_1174 = tpu.memref_slice %arg4[%add3A_55, %mul3A_1170] : memref<256x24420xf32, #tpu.memory_space<hbm>> -> memref<1x128xf32, #tpu.memory_space<hbm>>
      %dma_start3A_1175 = tpu.memref_squeeze %dma_start3A_1174 : memref<1x128xf32, #tpu.memory_space<hbm>> -> memref<128xf32, #tpu.memory_space<hbm>>
      %dma_start3A_1176 = tpu.memref_slice %arg9[%mul3A_1168] : memref<24448xf32, #tpu.memory_space<vmem>> -> memref<128xf32, #tpu.memory_space<vmem>>
      tpu.enqueue_dma source(%dma_start3A_1176 : memref<128xf32, #tpu.memory_space<vmem>>) target(%dma_start3A_1175 : memref<128xf32, #tpu.memory_space<hbm>>) target_semaphore(%arg13 : memref<!tpu.dma_semaphore, #tpu.memory_space<semaphore_mem>>)
      %scan3A_1177 = arith.constant 5 : i32
      %scan3A_1178 = arith.addi %scan3A_1118, %scan3A_1177 : i32
      %mul3A_1179 = arith.constant 128 : i32
      %mul3A_1180 = arith.muli %scan3A_1178, %mul3A_1179 : i32
      %mul3A_1181 = arith.constant 128 : i32
      %mul3A_1182 = arith.muli %scan3A_1178, %mul3A_1181 : i32
      %dma_start3A_1183 = tpu.memref_slice %arg9[%mul3A_1180] : memref<24448xf32, #tpu.memory_space<vmem>> -> memref<128xf32, #tpu.memory_space<vmem>>
      %dma_start3A_1184 = tpu.memref_slice %arg4[%add3A_55, %mul3A_1182] : memref<256x24420xf32, #tpu.memory_space<hbm>> -> memref<1x128xf32, #tpu.memory_space<hbm>>
      %dma_start3A_1185 = tpu.memref_squeeze %dma_start3A_1184 : memref<1x128xf32, #tpu.memory_space<hbm>> -> memref<128xf32, #tpu.memory_space<hbm>>
      %dma_start3A_1186 = tpu.memref_slice %arg4[%add3A_55, %mul3A_1182] : memref<256x24420xf32, #tpu.memory_space<hbm>> -> memref<1x128xf32, #tpu.memory_space<hbm>>
      %dma_start3A_1187 = tpu.memref_squeeze %dma_start3A_1186 : memref<1x128xf32, #tpu.memory_space<hbm>> -> memref<128xf32, #tpu.memory_space<hbm>>
      %dma_start3A_1188 = tpu.memref_slice %arg9[%mul3A_1180] : memref<24448xf32, #tpu.memory_space<vmem>> -> memref<128xf32, #tpu.memory_space<vmem>>
      tpu.enqueue_dma source(%dma_start3A_1188 : memref<128xf32, #tpu.memory_space<vmem>>) target(%dma_start3A_1187 : memref<128xf32, #tpu.memory_space<hbm>>) target_semaphore(%arg13 : memref<!tpu.dma_semaphore, #tpu.memory_space<semaphore_mem>>)
      %scan3A_1189 = arith.constant 6 : i32
      %scan3A_1190 = arith.addi %scan3A_1118, %scan3A_1189 : i32
      %mul3A_1191 = arith.constant 128 : i32
      %mul3A_1192 = arith.muli %scan3A_1190, %mul3A_1191 : i32
      %mul3A_1193 = arith.constant 128 : i32
      %mul3A_1194 = arith.muli %scan3A_1190, %mul3A_1193 : i32
      %dma_start3A_1195 = tpu.memref_slice %arg9[%mul3A_1192] : memref<24448xf32, #tpu.memory_space<vmem>> -> memref<128xf32, #tpu.memory_space<vmem>>
      %dma_start3A_1196 = tpu.memref_slice %arg4[%add3A_55, %mul3A_1194] : memref<256x24420xf32, #tpu.memory_space<hbm>> -> memref<1x128xf32, #tpu.memory_space<hbm>>
      %dma_start3A_1197 = tpu.memref_squeeze %dma_start3A_1196 : memref<1x128xf32, #tpu.memory_space<hbm>> -> memref<128xf32, #tpu.memory_space<hbm>>
      %dma_start3A_1198 = tpu.memref_slice %arg4[%add3A_55, %mul3A_1194] : memref<256x24420xf32, #tpu.memory_space<hbm>> -> memref<1x128xf32, #tpu.memory_space<hbm>>
      %dma_start3A_1199 = tpu.memref_squeeze %dma_start3A_1198 : memref<1x128xf32, #tpu.memory_space<hbm>> -> memref<128xf32, #tpu.memory_space<hbm>>
      %dma_start3A_1200 = tpu.memref_slice %arg9[%mul3A_1192] : memref<24448xf32, #tpu.memory_space<vmem>> -> memref<128xf32, #tpu.memory_space<vmem>>
      tpu.enqueue_dma source(%dma_start3A_1200 : memref<128xf32, #tpu.memory_space<vmem>>) target(%dma_start3A_1199 : memref<128xf32, #tpu.memory_space<hbm>>) target_semaphore(%arg13 : memref<!tpu.dma_semaphore, #tpu.memory_space<semaphore_mem>>)
      %scan3A_1201 = arith.constant 7 : i32
      %scan3A_1202 = arith.addi %scan3A_1118, %scan3A_1201 : i32
      %mul3A_1203 = arith.constant 128 : i32
      %mul3A_1204 = arith.muli %scan3A_1202, %mul3A_1203 : i32
      %mul3A_1205 = arith.constant 128 : i32
      %mul3A_1206 = arith.muli %scan3A_1202, %mul3A_1205 : i32
      %dma_start3A_1207 = tpu.memref_slice %arg9[%mul3A_1204] : memref<24448xf32, #tpu.memory_space<vmem>> -> memref<128xf32, #tpu.memory_space<vmem>>
      %dma_start3A_1208 = tpu.memref_slice %arg4[%add3A_55, %mul3A_1206] : memref<256x24420xf32, #tpu.memory_space<hbm>> -> memref<1x128xf32, #tpu.memory_space<hbm>>
      %dma_start3A_1209 = tpu.memref_squeeze %dma_start3A_1208 : memref<1x128xf32, #tpu.memory_space<hbm>> -> memref<128xf32, #tpu.memory_space<hbm>>
      %dma_start3A_1210 = tpu.memref_slice %arg4[%add3A_55, %mul3A_1206] : memref<256x24420xf32, #tpu.memory_space<hbm>> -> memref<1x128xf32, #tpu.memory_space<hbm>>
      %dma_start3A_1211 = tpu.memref_squeeze %dma_start3A_1210 : memref<1x128xf32, #tpu.memory_space<hbm>> -> memref<128xf32, #tpu.memory_space<hbm>>
      %dma_start3A_1212 = tpu.memref_slice %arg9[%mul3A_1204] : memref<24448xf32, #tpu.memory_space<vmem>> -> memref<128xf32, #tpu.memory_space<vmem>>
      tpu.enqueue_dma source(%dma_start3A_1212 : memref<128xf32, #tpu.memory_space<vmem>>) target(%dma_start3A_1211 : memref<128xf32, #tpu.memory_space<hbm>>) target_semaphore(%arg13 : memref<!tpu.dma_semaphore, #tpu.memory_space<semaphore_mem>>)
    }
    %scan3A_60 = arith.constant 184 : i32
    %scan3A_61 = arith.addi %scan3A_56, %scan3A_60 : i32
    %mul3A_62 = arith.constant 128 : i32
    %mul3A_63 = arith.muli %scan3A_61, %mul3A_62 : i32
    %mul3A_64 = arith.constant 128 : i32
    %mul3A_65 = arith.muli %scan3A_61, %mul3A_64 : i32
    %dma_start3A_66 = tpu.memref_slice %arg9[%mul3A_63] : memref<24448xf32, #tpu.memory_space<vmem>> -> memref<128xf32, #tpu.memory_space<vmem>>
    %dma_start3A_67 = tpu.memref_slice %arg4[%add3A_55, %mul3A_65] : memref<256x24420xf32, #tpu.memory_space<hbm>> -> memref<1x128xf32, #tpu.memory_space<hbm>>
    %dma_start3A_68 = tpu.memref_squeeze %dma_start3A_67 : memref<1x128xf32, #tpu.memory_space<hbm>> -> memref<128xf32, #tpu.memory_space<hbm>>
    %dma_start3A_69 = tpu.memref_slice %arg4[%add3A_55, %mul3A_65] : memref<256x24420xf32, #tpu.memory_space<hbm>> -> memref<1x128xf32, #tpu.memory_space<hbm>>
    %dma_start3A_70 = tpu.memref_squeeze %dma_start3A_69 : memref<1x128xf32, #tpu.memory_space<hbm>> -> memref<128xf32, #tpu.memory_space<hbm>>
    %dma_start3A_71 = tpu.memref_slice %arg9[%mul3A_63] : memref<24448xf32, #tpu.memory_space<vmem>> -> memref<128xf32, #tpu.memory_space<vmem>>
    tpu.enqueue_dma source(%dma_start3A_71 : memref<128xf32, #tpu.memory_space<vmem>>) target(%dma_start3A_70 : memref<128xf32, #tpu.memory_space<hbm>>) target_semaphore(%arg13 : memref<!tpu.dma_semaphore, #tpu.memory_space<semaphore_mem>>)
    %scan3A_72 = arith.constant 185 : i32
    %scan3A_73 = arith.addi %scan3A_56, %scan3A_72 : i32
    %mul3A_74 = arith.constant 128 : i32
    %mul3A_75 = arith.muli %scan3A_73, %mul3A_74 : i32
    %mul3A_76 = arith.constant 128 : i32
    %mul3A_77 = arith.muli %scan3A_73, %mul3A_76 : i32
    %dma_start3A_78 = tpu.memref_slice %arg9[%mul3A_75] : memref<24448xf32, #tpu.memory_space<vmem>> -> memref<128xf32, #tpu.memory_space<vmem>>
    %dma_start3A_79 = tpu.memref_slice %arg4[%add3A_55, %mul3A_77] : memref<256x24420xf32, #tpu.memory_space<hbm>> -> memref<1x128xf32, #tpu.memory_space<hbm>>
    %dma_start3A_80 = tpu.memref_squeeze %dma_start3A_79 : memref<1x128xf32, #tpu.memory_space<hbm>> -> memref<128xf32, #tpu.memory_space<hbm>>
    %dma_start3A_81 = tpu.memref_slice %arg4[%add3A_55, %mul3A_77] : memref<256x24420xf32, #tpu.memory_space<hbm>> -> memref<1x128xf32, #tpu.memory_space<hbm>>
    %dma_start3A_82 = tpu.memref_squeeze %dma_start3A_81 : memref<1x128xf32, #tpu.memory_space<hbm>> -> memref<128xf32, #tpu.memory_space<hbm>>
    %dma_start3A_83 = tpu.memref_slice %arg9[%mul3A_75] : memref<24448xf32, #tpu.memory_space<vmem>> -> memref<128xf32, #tpu.memory_space<vmem>>
    tpu.enqueue_dma source(%dma_start3A_83 : memref<128xf32, #tpu.memory_space<vmem>>) target(%dma_start3A_82 : memref<128xf32, #tpu.memory_space<hbm>>) target_semaphore(%arg13 : memref<!tpu.dma_semaphore, #tpu.memory_space<semaphore_mem>>)
    %scan3A_84 = arith.constant 186 : i32
    %scan3A_85 = arith.addi %scan3A_56, %scan3A_84 : i32
    %mul3A_86 = arith.constant 128 : i32
    %mul3A_87 = arith.muli %scan3A_85, %mul3A_86 : i32
    %mul3A_88 = arith.constant 128 : i32
    %mul3A_89 = arith.muli %scan3A_85, %mul3A_88 : i32
    %dma_start3A_90 = tpu.memref_slice %arg9[%mul3A_87] : memref<24448xf32, #tpu.memory_space<vmem>> -> memref<128xf32, #tpu.memory_space<vmem>>
    %dma_start3A_91 = tpu.memref_slice %arg4[%add3A_55, %mul3A_89] : memref<256x24420xf32, #tpu.memory_space<hbm>> -> memref<1x128xf32, #tpu.memory_space<hbm>>
    %dma_start3A_92 = tpu.memref_squeeze %dma_start3A_91 : memref<1x128xf32, #tpu.memory_space<hbm>> -> memref<128xf32, #tpu.memory_space<hbm>>
    %dma_start3A_93 = tpu.memref_slice %arg4[%add3A_55, %mul3A_89] : memref<256x24420xf32, #tpu.memory_space<hbm>> -> memref<1x128xf32, #tpu.memory_space<hbm>>
    %dma_start3A_94 = tpu.memref_squeeze %dma_start3A_93 : memref<1x128xf32, #tpu.memory_space<hbm>> -> memref<128xf32, #tpu.memory_space<hbm>>
    %dma_start3A_95 = tpu.memref_slice %arg9[%mul3A_87] : memref<24448xf32, #tpu.memory_space<vmem>> -> memref<128xf32, #tpu.memory_space<vmem>>
    tpu.enqueue_dma source(%dma_start3A_95 : memref<128xf32, #tpu.memory_space<vmem>>) target(%dma_start3A_94 : memref<128xf32, #tpu.memory_space<hbm>>) target_semaphore(%arg13 : memref<!tpu.dma_semaphore, #tpu.memory_space<semaphore_mem>>)
    %scan3A_96 = arith.constant 187 : i32
    %scan3A_97 = arith.addi %scan3A_56, %scan3A_96 : i32
    %mul3A_98 = arith.constant 128 : i32
    %mul3A_99 = arith.muli %scan3A_97, %mul3A_98 : i32
    %mul3A_100 = arith.constant 128 : i32
    %mul3A_101 = arith.muli %scan3A_97, %mul3A_100 : i32
    %dma_start3A_102 = tpu.memref_slice %arg9[%mul3A_99] : memref<24448xf32, #tpu.memory_space<vmem>> -> memref<128xf32, #tpu.memory_space<vmem>>
    %dma_start3A_103 = tpu.memref_slice %arg4[%add3A_55, %mul3A_101] : memref<256x24420xf32, #tpu.memory_space<hbm>> -> memref<1x128xf32, #tpu.memory_space<hbm>>
    %dma_start3A_104 = tpu.memref_squeeze %dma_start3A_103 : memref<1x128xf32, #tpu.memory_space<hbm>> -> memref<128xf32, #tpu.memory_space<hbm>>
    %dma_start3A_105 = tpu.memref_slice %arg4[%add3A_55, %mul3A_101] : memref<256x24420xf32, #tpu.memory_space<hbm>> -> memref<1x128xf32, #tpu.memory_space<hbm>>
    %dma_start3A_106 = tpu.memref_squeeze %dma_start3A_105 : memref<1x128xf32, #tpu.memory_space<hbm>> -> memref<128xf32, #tpu.memory_space<hbm>>
    %dma_start3A_107 = tpu.memref_slice %arg9[%mul3A_99] : memref<24448xf32, #tpu.memory_space<vmem>> -> memref<128xf32, #tpu.memory_space<vmem>>
    tpu.enqueue_dma source(%dma_start3A_107 : memref<128xf32, #tpu.memory_space<vmem>>) target(%dma_start3A_106 : memref<128xf32, #tpu.memory_space<hbm>>) target_semaphore(%arg13 : memref<!tpu.dma_semaphore, #tpu.memory_space<semaphore_mem>>)
    %scan3A_108 = arith.constant 188 : i32
    %scan3A_109 = arith.addi %scan3A_56, %scan3A_108 : i32
    %mul3A_110 = arith.constant 128 : i32
    %mul3A_111 = arith.muli %scan3A_109, %mul3A_110 : i32
    %mul3A_112 = arith.constant 128 : i32
    %mul3A_113 = arith.muli %scan3A_109, %mul3A_112 : i32
    %dma_start3A_114 = tpu.memref_slice %arg9[%mul3A_111] : memref<24448xf32, #tpu.memory_space<vmem>> -> memref<128xf32, #tpu.memory_space<vmem>>
    %dma_start3A_115 = tpu.memref_slice %arg4[%add3A_55, %mul3A_113] : memref<256x24420xf32, #tpu.memory_space<hbm>> -> memref<1x128xf32, #tpu.memory_space<hbm>>
    %dma_start3A_116 = tpu.memref_squeeze %dma_start3A_115 : memref<1x128xf32, #tpu.memory_space<hbm>> -> memref<128xf32, #tpu.memory_space<hbm>>
    %dma_start3A_117 = tpu.memref_slice %arg4[%add3A_55, %mul3A_113] : memref<256x24420xf32, #tpu.memory_space<hbm>> -> memref<1x128xf32, #tpu.memory_space<hbm>>
    %dma_start3A_118 = tpu.memref_squeeze %dma_start3A_117 : memref<1x128xf32, #tpu.memory_space<hbm>> -> memref<128xf32, #tpu.memory_space<hbm>>
    %dma_start3A_119 = tpu.memref_slice %arg9[%mul3A_111] : memref<24448xf32, #tpu.memory_space<vmem>> -> memref<128xf32, #tpu.memory_space<vmem>>
    tpu.enqueue_dma source(%dma_start3A_119 : memref<128xf32, #tpu.memory_space<vmem>>) target(%dma_start3A_118 : memref<128xf32, #tpu.memory_space<hbm>>) target_semaphore(%arg13 : memref<!tpu.dma_semaphore, #tpu.memory_space<semaphore_mem>>)
    %scan3A_120 = arith.constant 189 : i32
    %scan3A_121 = arith.addi %scan3A_56, %scan3A_120 : i32
    %mul3A_122 = arith.constant 128 : i32
    %mul3A_123 = arith.muli %scan3A_121, %mul3A_122 : i32
    %mul3A_124 = arith.constant 128 : i32
    %mul3A_125 = arith.muli %scan3A_121, %mul3A_124 : i32
    %dma_start3A_126 = tpu.memref_slice %arg9[%mul3A_123] : memref<24448xf32, #tpu.memory_space<vmem>> -> memref<128xf32, #tpu.memory_space<vmem>>
    %dma_start3A_127 = tpu.memref_slice %arg4[%add3A_55, %mul3A_125] : memref<256x24420xf32, #tpu.memory_space<hbm>> -> memref<1x128xf32, #tpu.memory_space<hbm>>
    %dma_start3A_128 = tpu.memref_squeeze %dma_start3A_127 : memref<1x128xf32, #tpu.memory_space<hbm>> -> memref<128xf32, #tpu.memory_space<hbm>>
    %dma_start3A_129 = tpu.memref_slice %arg4[%add3A_55, %mul3A_125] : memref<256x24420xf32, #tpu.memory_space<hbm>> -> memref<1x128xf32, #tpu.memory_space<hbm>>
    %dma_start3A_130 = tpu.memref_squeeze %dma_start3A_129 : memref<1x128xf32, #tpu.memory_space<hbm>> -> memref<128xf32, #tpu.memory_space<hbm>>
    %dma_start3A_131 = tpu.memref_slice %arg9[%mul3A_123] : memref<24448xf32, #tpu.memory_space<vmem>> -> memref<128xf32, #tpu.memory_space<vmem>>
    tpu.enqueue_dma source(%dma_start3A_131 : memref<128xf32, #tpu.memory_space<vmem>>) target(%dma_start3A_130 : memref<128xf32, #tpu.memory_space<hbm>>) target_semaphore(%arg13 : memref<!tpu.dma_semaphore, #tpu.memory_space<semaphore_mem>>)
    %scan3A_132 = arith.constant 190 : i32
    %dma_start3A_133 = arith.constant 24320 : i32
    %dma_start3A_134 = tpu.memref_slice %arg9[%dma_start3A_133] : memref<24448xf32, #tpu.memory_space<vmem>> -> memref<128xf32, #tpu.memory_space<vmem>>
    %dma_start3A_135 = arith.constant 0 : i32
    %dma_start3A_136 = tpu.memref_slice %arg5[%add3A_55, %dma_start3A_135] : memref<256x128xf32, #tpu.memory_space<hbm>> -> memref<1x128xf32, #tpu.memory_space<hbm>>
    %dma_start3A_137 = tpu.memref_squeeze %dma_start3A_136 : memref<1x128xf32, #tpu.memory_space<hbm>> -> memref<128xf32, #tpu.memory_space<hbm>>
    %dma_start3A_138 = arith.constant 0 : i32
    %dma_start3A_139 = tpu.memref_slice %arg5[%add3A_55, %dma_start3A_138] : memref<256x128xf32, #tpu.memory_space<hbm>> -> memref<1x128xf32, #tpu.memory_space<hbm>>
    %dma_start3A_140 = tpu.memref_squeeze %dma_start3A_139 : memref<1x128xf32, #tpu.memory_space<hbm>> -> memref<128xf32, #tpu.memory_space<hbm>>
    %dma_start3A_141 = arith.constant 24320 : i32
    %dma_start3A_142 = tpu.memref_slice %arg9[%dma_start3A_141] : memref<24448xf32, #tpu.memory_space<vmem>> -> memref<128xf32, #tpu.memory_space<vmem>>
    tpu.enqueue_dma source(%dma_start3A_142 : memref<128xf32, #tpu.memory_space<vmem>>) target(%dma_start3A_140 : memref<128xf32, #tpu.memory_space<hbm>>) target_semaphore(%arg13 : memref<!tpu.dma_semaphore, #tpu.memory_space<semaphore_mem>>)
    %add3A_143 = arith.constant 1 : i32
    %add3A_144 = arith.addi %mul3A_2, %add3A_143 : i32
    %mul3A_145 = arith.constant 57344 : i32
    %mul3A_146 = arith.muli %add3A_144, %mul3A_145 : i32
    %add3A_147 = arith.constant 256 : i32
    %add3A_148 = arith.addi %mul3A_146, %add3A_147 : i32
    %dma_wait3A_149 = tpu.memref_slice %arg2[%add3A_148] : memref<14680064xf32, #tpu.memory_space<hbm>> -> memref<28128xf32, #tpu.memory_space<hbm>>
    %dma_wait3A_150 = tpu.memref_slice %arg2[%add3A_148] : memref<14680064xf32, #tpu.memory_space<hbm>> -> memref<28128xf32, #tpu.memory_space<hbm>>
    tpu.wait_dma2 semaphore(%arg11 : memref<!tpu.dma_semaphore, #tpu.memory_space<semaphore_mem>>) src(%dma_wait3A_150 : memref<28128xf32, #tpu.memory_space<hbm>>) dst(%arg7 : memref<28128xf32, #tpu.memory_space<vmem>>)
    %parallel_loop3A_151 = arith.constant 0 : i32
    %parallel_loop3A_152 = arith.constant 379 : i32
    %parallel_loop3A_153 = arith.constant 1 : i32
    scf.for %parallel_loop3A_1118 = %parallel_loop3A_151 to %parallel_loop3A_152 step %parallel_loop3A_153  : i32 {
      %parallel_loop3A_1119 = arith.constant 16 : i32
      %parallel_loop3A_1120 = arith.muli %parallel_loop3A_1118, %parallel_loop3A_1119 : i32
      %parallel_loop3A_1121 = arith.index_cast %parallel_loop3A_1120 : i32 to index
      %parallel_loop3A_1122 = tpu.vector_load %arg6[%parallel_loop3A_1121] {strides = array<i32>} : memref<12224xi32, #tpu.memory_space<vmem>>, vector<16xi32>,
      %parallel_loop3A_1123 = arith.constant 65535 : i32
      %parallel_loop3A_1124 = vector.broadcast %parallel_loop3A_1123 : i32 to vector<16xi32>
      %parallel_loop3A_1125 = arith.andi %parallel_loop3A_1122, %parallel_loop3A_1124 : vector<16xi32>
      %parallel_loop3A_1126 = arith.constant 16 : i32
      %parallel_loop3A_1127 = vector.broadcast %parallel_loop3A_1126 : i32 to vector<16xi32>
      %parallel_loop3A_1128 = arith.shrui %parallel_loop3A_1122, %parallel_loop3A_1127 : vector<16xi32>
      %parallel_loop3A_1129 = tpu.vector_load_idx %arg7[%parallel_loop3A_1125] : memref<28128xf32, #tpu.memory_space<vmem>>[vector<16xi32>], vector<16xf32>,
      %parallel_loop3A_1130 = arith.constant 32 : i32
      %parallel_loop3A_1131 = arith.muli %parallel_loop3A_1118, %parallel_loop3A_1130 : i32
      %parallel_loop3A_1132 = arith.index_cast %parallel_loop3A_1131 : i32 to index
      %parallel_loop3A_1133 = tpu.vector_load %arg10[%parallel_loop3A_1132] {strides = array<i32>} : memref<24448xf32, #tpu.memory_space<vmem>>, vector<16xf32>,
      tpu.vector_store %arg10[%parallel_loop3A_1132], %parallel_loop3A_1129 {strides = array<i32>} : memref<24448xf32, #tpu.memory_space<vmem>>, vector<16xf32>,
      %parallel_loop3A_1134 = tpu.vector_load_idx %arg7[%parallel_loop3A_1128] : memref<28128xf32, #tpu.memory_space<vmem>>[vector<16xi32>], vector<16xf32>,
      %parallel_loop3A_1135 = arith.constant 32 : i32
      %parallel_loop3A_1136 = arith.muli %parallel_loop3A_1118, %parallel_loop3A_1135 : i32
      %parallel_loop3A_1137 = arith.constant 16 : i32
      %parallel_loop3A_1138 = arith.addi %parallel_loop3A_1136, %parallel_loop3A_1137 : i32
      %parallel_loop3A_1139 = arith.index_cast %parallel_loop3A_1138 : i32 to index
      %parallel_loop3A_1140 = tpu.vector_load %arg10[%parallel_loop3A_1139] {strides = array<i32>} : memref<24448xf32, #tpu.memory_space<vmem>>, vector<16xf32>,
      tpu.vector_store %arg10[%parallel_loop3A_1139], %parallel_loop3A_1134 {strides = array<i32>} : memref<24448xf32, #tpu.memory_space<vmem>>, vector<16xf32>,
    } {sc.loop_unroll_factor = 8 : i64, sc.parallel_access}
    %add3A_154 = arith.constant 2 : i32
    %add3A_155 = arith.addi %mul3A_2, %add3A_154 : i32
    %mul3A_156 = arith.constant 57344 : i32
    %mul3A_157 = arith.muli %add3A_155, %mul3A_156 : i32
    %add3A_158 = arith.constant 256 : i32
    %add3A_159 = arith.addi %mul3A_157, %add3A_158 : i32
    %dma_start3A_160 = tpu.memref_slice %arg2[%add3A_159] : memref<14680064xf32, #tpu.memory_space<hbm>> -> memref<28128xf32, #tpu.memory_space<hbm>>
    %dma_start3A_161 = tpu.memref_slice %arg2[%add3A_159] : memref<14680064xf32, #tpu.memory_space<hbm>> -> memref<28128xf32, #tpu.memory_space<hbm>>
    tpu.enqueue_dma source(%dma_start3A_161 : memref<28128xf32, #tpu.memory_space<hbm>>) target(%arg7 : memref<28128xf32, #tpu.memory_space<vmem>>) target_semaphore(%arg11 : memref<!tpu.dma_semaphore, #tpu.memory_space<semaphore_mem>>)
    %add3A_162 = arith.constant 1 : i32
    %add3A_163 = arith.addi %mul3A_2, %add3A_162 : i32
    %mul3A_164 = arith.constant 57344 : i32
    %mul3A_165 = arith.muli %add3A_163, %mul3A_164 : i32
    %add3A_166 = arith.constant 28160 : i32
    %add3A_167 = arith.addi %mul3A_165, %add3A_166 : i32
    %dma_wait3A_168 = tpu.memref_slice %arg2[%add3A_167] : memref<14680064xf32, #tpu.memory_space<hbm>> -> memref<28640xf32, #tpu.memory_space<hbm>>
    %dma_wait3A_169 = tpu.memref_slice %arg2[%add3A_167] : memref<14680064xf32, #tpu.memory_space<hbm>> -> memref<28640xf32, #tpu.memory_space<hbm>>
    tpu.wait_dma2 semaphore(%arg12 : memref<!tpu.dma_semaphore, #tpu.memory_space<semaphore_mem>>) src(%dma_wait3A_169 : memref<28640xf32, #tpu.memory_space<hbm>>) dst(%arg8 : memref<28640xf32, #tpu.memory_space<vmem>>)
    %parallel_loop3A_170 = arith.constant 379 : i32
    %parallel_loop3A_171 = arith.constant 764 : i32
    %parallel_loop3A_172 = arith.constant 1 : i32
    scf.for %parallel_loop3A_1118 = %parallel_loop3A_170 to %parallel_loop3A_171 step %parallel_loop3A_172  : i32 {
      %parallel_loop3A_1119 = arith.constant 16 : i32
      %parallel_loop3A_1120 = arith.muli %parallel_loop3A_1118, %parallel_loop3A_1119 : i32
      %parallel_loop3A_1121 = arith.index_cast %parallel_loop3A_1120 : i32 to index
      %parallel_loop3A_1122 = tpu.vector_load %arg6[%parallel_loop3A_1121] {strides = array<i32>} : memref<12224xi32, #tpu.memory_space<vmem>>, vector<16xi32>,
      %parallel_loop3A_1123 = arith.constant 65535 : i32
      %parallel_loop3A_1124 = vector.broadcast %parallel_loop3A_1123 : i32 to vector<16xi32>
      %parallel_loop3A_1125 = arith.andi %parallel_loop3A_1122, %parallel_loop3A_1124 : vector<16xi32>
      %parallel_loop3A_1126 = arith.constant 16 : i32
      %parallel_loop3A_1127 = vector.broadcast %parallel_loop3A_1126 : i32 to vector<16xi32>
      %parallel_loop3A_1128 = arith.shrui %parallel_loop3A_1122, %parallel_loop3A_1127 : vector<16xi32>
      %parallel_loop3A_1129 = tpu.vector_load_idx %arg8[%parallel_loop3A_1125] : memref<28640xf32, #tpu.memory_space<vmem>>[vector<16xi32>], vector<16xf32>,
      %parallel_loop3A_1130 = arith.constant 32 : i32
      %parallel_loop3A_1131 = arith.muli %parallel_loop3A_1118, %parallel_loop3A_1130 : i32
      %parallel_loop3A_1132 = arith.index_cast %parallel_loop3A_1131 : i32 to index
      %parallel_loop3A_1133 = tpu.vector_load %arg10[%parallel_loop3A_1132] {strides = array<i32>} : memref<24448xf32, #tpu.memory_space<vmem>>, vector<16xf32>,
      tpu.vector_store %arg10[%parallel_loop3A_1132], %parallel_loop3A_1129 {strides = array<i32>} : memref<24448xf32, #tpu.memory_space<vmem>>, vector<16xf32>,
      %parallel_loop3A_1134 = tpu.vector_load_idx %arg8[%parallel_loop3A_1128] : memref<28640xf32, #tpu.memory_space<vmem>>[vector<16xi32>], vector<16xf32>,
      %parallel_loop3A_1135 = arith.constant 32 : i32
      %parallel_loop3A_1136 = arith.muli %parallel_loop3A_1118, %parallel_loop3A_1135 : i32
      %parallel_loop3A_1137 = arith.constant 16 : i32
      %parallel_loop3A_1138 = arith.addi %parallel_loop3A_1136, %parallel_loop3A_1137 : i32
      %parallel_loop3A_1139 = arith.index_cast %parallel_loop3A_1138 : i32 to index
      %parallel_loop3A_1140 = tpu.vector_load %arg10[%parallel_loop3A_1139] {strides = array<i32>} : memref<24448xf32, #tpu.memory_space<vmem>>, vector<16xf32>,
      tpu.vector_store %arg10[%parallel_loop3A_1139], %parallel_loop3A_1134 {strides = array<i32>} : memref<24448xf32, #tpu.memory_space<vmem>>, vector<16xf32>,
    } {sc.loop_unroll_factor = 8 : i64, sc.parallel_access}
    %add3A_173 = arith.constant 2 : i32
    %add3A_174 = arith.addi %mul3A_2, %add3A_173 : i32
    %mul3A_175 = arith.constant 57344 : i32
    %mul3A_176 = arith.muli %add3A_174, %mul3A_175 : i32
    %add3A_177 = arith.constant 28160 : i32
    %add3A_178 = arith.addi %mul3A_176, %add3A_177 : i32
    %dma_start3A_179 = tpu.memref_slice %arg2[%add3A_178] : memref<14680064xf32, #tpu.memory_space<hbm>> -> memref<28640xf32, #tpu.memory_space<hbm>>
    %dma_start3A_180 = tpu.memref_slice %arg2[%add3A_178] : memref<14680064xf32, #tpu.memory_space<hbm>> -> memref<28640xf32, #tpu.memory_space<hbm>>
    tpu.enqueue_dma source(%dma_start3A_180 : memref<28640xf32, #tpu.memory_space<hbm>>) target(%arg8 : memref<28640xf32, #tpu.memory_space<vmem>>) target_semaphore(%arg12 : memref<!tpu.dma_semaphore, #tpu.memory_space<semaphore_mem>>)
    %add3A_181 = arith.constant 1 : i32
    %add3A_182 = arith.addi %mul3A_2, %add3A_181 : i32
    %scan3A_183 = arith.constant 0 : i32
    %scan3A_184 = arith.constant 0 : i32
    %scan3A_185 = arith.constant 184 : i32
    %scan3A_186 = arith.addi %scan3A_184, %scan3A_185 : i32
    %scan3A_187 = arith.constant 8 : i32
    scf.for %scan3A_1118 = %scan3A_184 to %scan3A_186 step %scan3A_187  : i32 {
      %mul3A_1119 = arith.constant 128 : i32
      %mul3A_1120 = arith.muli %scan3A_1118, %mul3A_1119 : i32
      %mul3A_1121 = arith.constant 128 : i32
      %mul3A_1122 = arith.muli %scan3A_1118, %mul3A_1121 : i32
      %dma_start3A_1123 = tpu.memref_slice %arg10[%mul3A_1120] : memref<24448xf32, #tpu.memory_space<vmem>> -> memref<128xf32, #tpu.memory_space<vmem>>
      %dma_start3A_1124 = tpu.memref_slice %arg4[%add3A_182, %mul3A_1122] : memref<256x24420xf32, #tpu.memory_space<hbm>> -> memref<1x128xf32, #tpu.memory_space<hbm>>
      %dma_start3A_1125 = tpu.memref_squeeze %dma_start3A_1124 : memref<1x128xf32, #tpu.memory_space<hbm>> -> memref<128xf32, #tpu.memory_space<hbm>>
      %dma_start3A_1126 = tpu.memref_slice %arg4[%add3A_182, %mul3A_1122] : memref<256x24420xf32, #tpu.memory_space<hbm>> -> memref<1x128xf32, #tpu.memory_space<hbm>>
      %dma_start3A_1127 = tpu.memref_squeeze %dma_start3A_1126 : memref<1x128xf32, #tpu.memory_space<hbm>> -> memref<128xf32, #tpu.memory_space<hbm>>
      %dma_start3A_1128 = tpu.memref_slice %arg10[%mul3A_1120] : memref<24448xf32, #tpu.memory_space<vmem>> -> memref<128xf32, #tpu.memory_space<vmem>>
      tpu.enqueue_dma source(%dma_start3A_1128 : memref<128xf32, #tpu.memory_space<vmem>>) target(%dma_start3A_1127 : memref<128xf32, #tpu.memory_space<hbm>>) target_semaphore(%arg13 : memref<!tpu.dma_semaphore, #tpu.memory_space<semaphore_mem>>)
      %scan3A_1129 = arith.constant 1 : i32
      %scan3A_1130 = arith.addi %scan3A_1118, %scan3A_1129 : i32
      %mul3A_1131 = arith.constant 128 : i32
      %mul3A_1132 = arith.muli %scan3A_1130, %mul3A_1131 : i32
      %mul3A_1133 = arith.constant 128 : i32
      %mul3A_1134 = arith.muli %scan3A_1130, %mul3A_1133 : i32
      %dma_start3A_1135 = tpu.memref_slice %arg10[%mul3A_1132] : memref<24448xf32, #tpu.memory_space<vmem>> -> memref<128xf32, #tpu.memory_space<vmem>>
      %dma_start3A_1136 = tpu.memref_slice %arg4[%add3A_182, %mul3A_1134] : memref<256x24420xf32, #tpu.memory_space<hbm>> -> memref<1x128xf32, #tpu.memory_space<hbm>>
      %dma_start3A_1137 = tpu.memref_squeeze %dma_start3A_1136 : memref<1x128xf32, #tpu.memory_space<hbm>> -> memref<128xf32, #tpu.memory_space<hbm>>
      %dma_start3A_1138 = tpu.memref_slice %arg4[%add3A_182, %mul3A_1134] : memref<256x24420xf32, #tpu.memory_space<hbm>> -> memref<1x128xf32, #tpu.memory_space<hbm>>
      %dma_start3A_1139 = tpu.memref_squeeze %dma_start3A_1138 : memref<1x128xf32, #tpu.memory_space<hbm>> -> memref<128xf32, #tpu.memory_space<hbm>>
      %dma_start3A_1140 = tpu.memref_slice %arg10[%mul3A_1132] : memref<24448xf32, #tpu.memory_space<vmem>> -> memref<128xf32, #tpu.memory_space<vmem>>
      tpu.enqueue_dma source(%dma_start3A_1140 : memref<128xf32, #tpu.memory_space<vmem>>) target(%dma_start3A_1139 : memref<128xf32, #tpu.memory_space<hbm>>) target_semaphore(%arg13 : memref<!tpu.dma_semaphore, #tpu.memory_space<semaphore_mem>>)
      %scan3A_1141 = arith.constant 2 : i32
      %scan3A_1142 = arith.addi %scan3A_1118, %scan3A_1141 : i32
      %mul3A_1143 = arith.constant 128 : i32
      %mul3A_1144 = arith.muli %scan3A_1142, %mul3A_1143 : i32
      %mul3A_1145 = arith.constant 128 : i32
      %mul3A_1146 = arith.muli %scan3A_1142, %mul3A_1145 : i32
      %dma_start3A_1147 = tpu.memref_slice %arg10[%mul3A_1144] : memref<24448xf32, #tpu.memory_space<vmem>> -> memref<128xf32, #tpu.memory_space<vmem>>
      %dma_start3A_1148 = tpu.memref_slice %arg4[%add3A_182, %mul3A_1146] : memref<256x24420xf32, #tpu.memory_space<hbm>> -> memref<1x128xf32, #tpu.memory_space<hbm>>
      %dma_start3A_1149 = tpu.memref_squeeze %dma_start3A_1148 : memref<1x128xf32, #tpu.memory_space<hbm>> -> memref<128xf32, #tpu.memory_space<hbm>>
      %dma_start3A_1150 = tpu.memref_slice %arg4[%add3A_182, %mul3A_1146] : memref<256x24420xf32, #tpu.memory_space<hbm>> -> memref<1x128xf32, #tpu.memory_space<hbm>>
      %dma_start3A_1151 = tpu.memref_squeeze %dma_start3A_1150 : memref<1x128xf32, #tpu.memory_space<hbm>> -> memref<128xf32, #tpu.memory_space<hbm>>
      %dma_start3A_1152 = tpu.memref_slice %arg10[%mul3A_1144] : memref<24448xf32, #tpu.memory_space<vmem>> -> memref<128xf32, #tpu.memory_space<vmem>>
      tpu.enqueue_dma source(%dma_start3A_1152 : memref<128xf32, #tpu.memory_space<vmem>>) target(%dma_start3A_1151 : memref<128xf32, #tpu.memory_space<hbm>>) target_semaphore(%arg13 : memref<!tpu.dma_semaphore, #tpu.memory_space<semaphore_mem>>)
      %scan3A_1153 = arith.constant 3 : i32
      %scan3A_1154 = arith.addi %scan3A_1118, %scan3A_1153 : i32
      %mul3A_1155 = arith.constant 128 : i32
      %mul3A_1156 = arith.muli %scan3A_1154, %mul3A_1155 : i32
      %mul3A_1157 = arith.constant 128 : i32
      %mul3A_1158 = arith.muli %scan3A_1154, %mul3A_1157 : i32
      %dma_start3A_1159 = tpu.memref_slice %arg10[%mul3A_1156] : memref<24448xf32, #tpu.memory_space<vmem>> -> memref<128xf32, #tpu.memory_space<vmem>>
      %dma_start3A_1160 = tpu.memref_slice %arg4[%add3A_182, %mul3A_1158] : memref<256x24420xf32, #tpu.memory_space<hbm>> -> memref<1x128xf32, #tpu.memory_space<hbm>>
      %dma_start3A_1161 = tpu.memref_squeeze %dma_start3A_1160 : memref<1x128xf32, #tpu.memory_space<hbm>> -> memref<128xf32, #tpu.memory_space<hbm>>
      %dma_start3A_1162 = tpu.memref_slice %arg4[%add3A_182, %mul3A_1158] : memref<256x24420xf32, #tpu.memory_space<hbm>> -> memref<1x128xf32, #tpu.memory_space<hbm>>
      %dma_start3A_1163 = tpu.memref_squeeze %dma_start3A_1162 : memref<1x128xf32, #tpu.memory_space<hbm>> -> memref<128xf32, #tpu.memory_space<hbm>>
      %dma_start3A_1164 = tpu.memref_slice %arg10[%mul3A_1156] : memref<24448xf32, #tpu.memory_space<vmem>> -> memref<128xf32, #tpu.memory_space<vmem>>
      tpu.enqueue_dma source(%dma_start3A_1164 : memref<128xf32, #tpu.memory_space<vmem>>) target(%dma_start3A_1163 : memref<128xf32, #tpu.memory_space<hbm>>) target_semaphore(%arg13 : memref<!tpu.dma_semaphore, #tpu.memory_space<semaphore_mem>>)
      %scan3A_1165 = arith.constant 4 : i32
      %scan3A_1166 = arith.addi %scan3A_1118, %scan3A_1165 : i32
      %mul3A_1167 = arith.constant 128 : i32
      %mul3A_1168 = arith.muli %scan3A_1166, %mul3A_1167 : i32
      %mul3A_1169 = arith.constant 128 : i32
      %mul3A_1170 = arith.muli %scan3A_1166, %mul3A_1169 : i32
      %dma_start3A_1171 = tpu.memref_slice %arg10[%mul3A_1168] : memref<24448xf32, #tpu.memory_space<vmem>> -> memref<128xf32, #tpu.memory_space<vmem>>
      %dma_start3A_1172 = tpu.memref_slice %arg4[%add3A_182, %mul3A_1170] : memref<256x24420xf32, #tpu.memory_space<hbm>> -> memref<1x128xf32, #tpu.memory_space<hbm>>
      %dma_start3A_1173 = tpu.memref_squeeze %dma_start3A_1172 : memref<1x128xf32, #tpu.memory_space<hbm>> -> memref<128xf32, #tpu.memory_space<hbm>>
      %dma_start3A_1174 = tpu.memref_slice %arg4[%add3A_182, %mul3A_1170] : memref<256x24420xf32, #tpu.memory_space<hbm>> -> memref<1x128xf32, #tpu.memory_space<hbm>>
      %dma_start3A_1175 = tpu.memref_squeeze %dma_start3A_1174 : memref<1x128xf32, #tpu.memory_space<hbm>> -> memref<128xf32, #tpu.memory_space<hbm>>
      %dma_start3A_1176 = tpu.memref_slice %arg10[%mul3A_1168] : memref<24448xf32, #tpu.memory_space<vmem>> -> memref<128xf32, #tpu.memory_space<vmem>>
      tpu.enqueue_dma source(%dma_start3A_1176 : memref<128xf32, #tpu.memory_space<vmem>>) target(%dma_start3A_1175 : memref<128xf32, #tpu.memory_space<hbm>>) target_semaphore(%arg13 : memref<!tpu.dma_semaphore, #tpu.memory_space<semaphore_mem>>)
      %scan3A_1177 = arith.constant 5 : i32
      %scan3A_1178 = arith.addi %scan3A_1118, %scan3A_1177 : i32
      %mul3A_1179 = arith.constant 128 : i32
      %mul3A_1180 = arith.muli %scan3A_1178, %mul3A_1179 : i32
      %mul3A_1181 = arith.constant 128 : i32
      %mul3A_1182 = arith.muli %scan3A_1178, %mul3A_1181 : i32
      %dma_start3A_1183 = tpu.memref_slice %arg10[%mul3A_1180] : memref<24448xf32, #tpu.memory_space<vmem>> -> memref<128xf32, #tpu.memory_space<vmem>>
      %dma_start3A_1184 = tpu.memref_slice %arg4[%add3A_182, %mul3A_1182] : memref<256x24420xf32, #tpu.memory_space<hbm>> -> memref<1x128xf32, #tpu.memory_space<hbm>>
      %dma_start3A_1185 = tpu.memref_squeeze %dma_start3A_1184 : memref<1x128xf32, #tpu.memory_space<hbm>> -> memref<128xf32, #tpu.memory_space<hbm>>
      %dma_start3A_1186 = tpu.memref_slice %arg4[%add3A_182, %mul3A_1182] : memref<256x24420xf32, #tpu.memory_space<hbm>> -> memref<1x128xf32, #tpu.memory_space<hbm>>
      %dma_start3A_1187 = tpu.memref_squeeze %dma_start3A_1186 : memref<1x128xf32, #tpu.memory_space<hbm>> -> memref<128xf32, #tpu.memory_space<hbm>>
      %dma_start3A_1188 = tpu.memref_slice %arg10[%mul3A_1180] : memref<24448xf32, #tpu.memory_space<vmem>> -> memref<128xf32, #tpu.memory_space<vmem>>
      tpu.enqueue_dma source(%dma_start3A_1188 : memref<128xf32, #tpu.memory_space<vmem>>) target(%dma_start3A_1187 : memref<128xf32, #tpu.memory_space<hbm>>) target_semaphore(%arg13 : memref<!tpu.dma_semaphore, #tpu.memory_space<semaphore_mem>>)
      %scan3A_1189 = arith.constant 6 : i32
      %scan3A_1190 = arith.addi %scan3A_1118, %scan3A_1189 : i32
      %mul3A_1191 = arith.constant 128 : i32
      %mul3A_1192 = arith.muli %scan3A_1190, %mul3A_1191 : i32
      %mul3A_1193 = arith.constant 128 : i32
      %mul3A_1194 = arith.muli %scan3A_1190, %mul3A_1193 : i32
      %dma_start3A_1195 = tpu.memref_slice %arg10[%mul3A_1192] : memref<24448xf32, #tpu.memory_space<vmem>> -> memref<128xf32, #tpu.memory_space<vmem>>
      %dma_start3A_1196 = tpu.memref_slice %arg4[%add3A_182, %mul3A_1194] : memref<256x24420xf32, #tpu.memory_space<hbm>> -> memref<1x128xf32, #tpu.memory_space<hbm>>
      %dma_start3A_1197 = tpu.memref_squeeze %dma_start3A_1196 : memref<1x128xf32, #tpu.memory_space<hbm>> -> memref<128xf32, #tpu.memory_space<hbm>>
      %dma_start3A_1198 = tpu.memref_slice %arg4[%add3A_182, %mul3A_1194] : memref<256x24420xf32, #tpu.memory_space<hbm>> -> memref<1x128xf32, #tpu.memory_space<hbm>>
      %dma_start3A_1199 = tpu.memref_squeeze %dma_start3A_1198 : memref<1x128xf32, #tpu.memory_space<hbm>> -> memref<128xf32, #tpu.memory_space<hbm>>
      %dma_start3A_1200 = tpu.memref_slice %arg10[%mul3A_1192] : memref<24448xf32, #tpu.memory_space<vmem>> -> memref<128xf32, #tpu.memory_space<vmem>>
      tpu.enqueue_dma source(%dma_start3A_1200 : memref<128xf32, #tpu.memory_space<vmem>>) target(%dma_start3A_1199 : memref<128xf32, #tpu.memory_space<hbm>>) target_semaphore(%arg13 : memref<!tpu.dma_semaphore, #tpu.memory_space<semaphore_mem>>)
      %scan3A_1201 = arith.constant 7 : i32
      %scan3A_1202 = arith.addi %scan3A_1118, %scan3A_1201 : i32
      %mul3A_1203 = arith.constant 128 : i32
      %mul3A_1204 = arith.muli %scan3A_1202, %mul3A_1203 : i32
      %mul3A_1205 = arith.constant 128 : i32
      %mul3A_1206 = arith.muli %scan3A_1202, %mul3A_1205 : i32
      %dma_start3A_1207 = tpu.memref_slice %arg10[%mul3A_1204] : memref<24448xf32, #tpu.memory_space<vmem>> -> memref<128xf32, #tpu.memory_space<vmem>>
      %dma_start3A_1208 = tpu.memref_slice %arg4[%add3A_182, %mul3A_1206] : memref<256x24420xf32, #tpu.memory_space<hbm>> -> memref<1x128xf32, #tpu.memory_space<hbm>>
      %dma_start3A_1209 = tpu.memref_squeeze %dma_start3A_1208 : memref<1x128xf32, #tpu.memory_space<hbm>> -> memref<128xf32, #tpu.memory_space<hbm>>
      %dma_start3A_1210 = tpu.memref_slice %arg4[%add3A_182, %mul3A_1206] : memref<256x24420xf32, #tpu.memory_space<hbm>> -> memref<1x128xf32, #tpu.memory_space<hbm>>
      %dma_start3A_1211 = tpu.memref_squeeze %dma_start3A_1210 : memref<1x128xf32, #tpu.memory_space<hbm>> -> memref<128xf32, #tpu.memory_space<hbm>>
      %dma_start3A_1212 = tpu.memref_slice %arg10[%mul3A_1204] : memref<24448xf32, #tpu.memory_space<vmem>> -> memref<128xf32, #tpu.memory_space<vmem>>
      tpu.enqueue_dma source(%dma_start3A_1212 : memref<128xf32, #tpu.memory_space<vmem>>) target(%dma_start3A_1211 : memref<128xf32, #tpu.memory_space<hbm>>) target_semaphore(%arg13 : memref<!tpu.dma_semaphore, #tpu.memory_space<semaphore_mem>>)
    }
    %scan3A_188 = arith.constant 184 : i32
    %scan3A_189 = arith.addi %scan3A_184, %scan3A_188 : i32
    %mul3A_190 = arith.constant 128 : i32
    %mul3A_191 = arith.muli %scan3A_189, %mul3A_190 : i32
    %mul3A_192 = arith.constant 128 : i32
    %mul3A_193 = arith.muli %scan3A_189, %mul3A_192 : i32
    %dma_start3A_194 = tpu.memref_slice %arg10[%mul3A_191] : memref<24448xf32, #tpu.memory_space<vmem>> -> memref<128xf32, #tpu.memory_space<vmem>>
    %dma_start3A_195 = tpu.memref_slice %arg4[%add3A_182, %mul3A_193] : memref<256x24420xf32, #tpu.memory_space<hbm>> -> memref<1x128xf32, #tpu.memory_space<hbm>>
    %dma_start3A_196 = tpu.memref_squeeze %dma_start3A_195 : memref<1x128xf32, #tpu.memory_space<hbm>> -> memref<128xf32, #tpu.memory_space<hbm>>
    %dma_start3A_197 = tpu.memref_slice %arg4[%add3A_182, %mul3A_193] : memref<256x24420xf32, #tpu.memory_space<hbm>> -> memref<1x128xf32, #tpu.memory_space<hbm>>
    %dma_start3A_198 = tpu.memref_squeeze %dma_start3A_197 : memref<1x128xf32, #tpu.memory_space<hbm>> -> memref<128xf32, #tpu.memory_space<hbm>>
    %dma_start3A_199 = tpu.memref_slice %arg10[%mul3A_191] : memref<24448xf32, #tpu.memory_space<vmem>> -> memref<128xf32, #tpu.memory_space<vmem>>
    tpu.enqueue_dma source(%dma_start3A_199 : memref<128xf32, #tpu.memory_space<vmem>>) target(%dma_start3A_198 : memref<128xf32, #tpu.memory_space<hbm>>) target_semaphore(%arg13 : memref<!tpu.dma_semaphore, #tpu.memory_space<semaphore_mem>>)
    %scan3A_200 = arith.constant 185 : i32
    %scan3A_201 = arith.addi %scan3A_184, %scan3A_200 : i32
    %mul3A_202 = arith.constant 128 : i32
    %mul3A_203 = arith.muli %scan3A_201, %mul3A_202 : i32
    %mul3A_204 = arith.constant 128 : i32
    %mul3A_205 = arith.muli %scan3A_201, %mul3A_204 : i32
    %dma_start3A_206 = tpu.memref_slice %arg10[%mul3A_203] : memref<24448xf32, #tpu.memory_space<vmem>> -> memref<128xf32, #tpu.memory_space<vmem>>
    %dma_start3A_207 = tpu.memref_slice %arg4[%add3A_182, %mul3A_205] : memref<256x24420xf32, #tpu.memory_space<hbm>> -> memref<1x128xf32, #tpu.memory_space<hbm>>
    %dma_start3A_208 = tpu.memref_squeeze %dma_start3A_207 : memref<1x128xf32, #tpu.memory_space<hbm>> -> memref<128xf32, #tpu.memory_space<hbm>>
    %dma_start3A_209 = tpu.memref_slice %arg4[%add3A_182, %mul3A_205] : memref<256x24420xf32, #tpu.memory_space<hbm>> -> memref<1x128xf32, #tpu.memory_space<hbm>>
    %dma_start3A_210 = tpu.memref_squeeze %dma_start3A_209 : memref<1x128xf32, #tpu.memory_space<hbm>> -> memref<128xf32, #tpu.memory_space<hbm>>
    %dma_start3A_211 = tpu.memref_slice %arg10[%mul3A_203] : memref<24448xf32, #tpu.memory_space<vmem>> -> memref<128xf32, #tpu.memory_space<vmem>>
    tpu.enqueue_dma source(%dma_start3A_211 : memref<128xf32, #tpu.memory_space<vmem>>) target(%dma_start3A_210 : memref<128xf32, #tpu.memory_space<hbm>>) target_semaphore(%arg13 : memref<!tpu.dma_semaphore, #tpu.memory_space<semaphore_mem>>)
    %scan3A_212 = arith.constant 186 : i32
    %scan3A_213 = arith.addi %scan3A_184, %scan3A_212 : i32
    %mul3A_214 = arith.constant 128 : i32
    %mul3A_215 = arith.muli %scan3A_213, %mul3A_214 : i32
    %mul3A_216 = arith.constant 128 : i32
    %mul3A_217 = arith.muli %scan3A_213, %mul3A_216 : i32
    %dma_start3A_218 = tpu.memref_slice %arg10[%mul3A_215] : memref<24448xf32, #tpu.memory_space<vmem>> -> memref<128xf32, #tpu.memory_space<vmem>>
    %dma_start3A_219 = tpu.memref_slice %arg4[%add3A_182, %mul3A_217] : memref<256x24420xf32, #tpu.memory_space<hbm>> -> memref<1x128xf32, #tpu.memory_space<hbm>>
    %dma_start3A_220 = tpu.memref_squeeze %dma_start3A_219 : memref<1x128xf32, #tpu.memory_space<hbm>> -> memref<128xf32, #tpu.memory_space<hbm>>
    %dma_start3A_221 = tpu.memref_slice %arg4[%add3A_182, %mul3A_217] : memref<256x24420xf32, #tpu.memory_space<hbm>> -> memref<1x128xf32, #tpu.memory_space<hbm>>
    %dma_start3A_222 = tpu.memref_squeeze %dma_start3A_221 : memref<1x128xf32, #tpu.memory_space<hbm>> -> memref<128xf32, #tpu.memory_space<hbm>>
    %dma_start3A_223 = tpu.memref_slice %arg10[%mul3A_215] : memref<24448xf32, #tpu.memory_space<vmem>> -> memref<128xf32, #tpu.memory_space<vmem>>
    tpu.enqueue_dma source(%dma_start3A_223 : memref<128xf32, #tpu.memory_space<vmem>>) target(%dma_start3A_222 : memref<128xf32, #tpu.memory_space<hbm>>) target_semaphore(%arg13 : memref<!tpu.dma_semaphore, #tpu.memory_space<semaphore_mem>>)
    %scan3A_224 = arith.constant 187 : i32
    %scan3A_225 = arith.addi %scan3A_184, %scan3A_224 : i32
    %mul3A_226 = arith.constant 128 : i32
    %mul3A_227 = arith.muli %scan3A_225, %mul3A_226 : i32
    %mul3A_228 = arith.constant 128 : i32
    %mul3A_229 = arith.muli %scan3A_225, %mul3A_228 : i32
    %dma_start3A_230 = tpu.memref_slice %arg10[%mul3A_227] : memref<24448xf32, #tpu.memory_space<vmem>> -> memref<128xf32, #tpu.memory_space<vmem>>
    %dma_start3A_231 = tpu.memref_slice %arg4[%add3A_182, %mul3A_229] : memref<256x24420xf32, #tpu.memory_space<hbm>> -> memref<1x128xf32, #tpu.memory_space<hbm>>
    %dma_start3A_232 = tpu.memref_squeeze %dma_start3A_231 : memref<1x128xf32, #tpu.memory_space<hbm>> -> memref<128xf32, #tpu.memory_space<hbm>>
    %dma_start3A_233 = tpu.memref_slice %arg4[%add3A_182, %mul3A_229] : memref<256x24420xf32, #tpu.memory_space<hbm>> -> memref<1x128xf32, #tpu.memory_space<hbm>>
    %dma_start3A_234 = tpu.memref_squeeze %dma_start3A_233 : memref<1x128xf32, #tpu.memory_space<hbm>> -> memref<128xf32, #tpu.memory_space<hbm>>
    %dma_start3A_235 = tpu.memref_slice %arg10[%mul3A_227] : memref<24448xf32, #tpu.memory_space<vmem>> -> memref<128xf32, #tpu.memory_space<vmem>>
    tpu.enqueue_dma source(%dma_start3A_235 : memref<128xf32, #tpu.memory_space<vmem>>) target(%dma_start3A_234 : memref<128xf32, #tpu.memory_space<hbm>>) target_semaphore(%arg13 : memref<!tpu.dma_semaphore, #tpu.memory_space<semaphore_mem>>)
    %scan3A_236 = arith.constant 188 : i32
    %scan3A_237 = arith.addi %scan3A_184, %scan3A_236 : i32
    %mul3A_238 = arith.constant 128 : i32
    %mul3A_239 = arith.muli %scan3A_237, %mul3A_238 : i32
    %mul3A_240 = arith.constant 128 : i32
    %mul3A_241 = arith.muli %scan3A_237, %mul3A_240 : i32
    %dma_start3A_242 = tpu.memref_slice %arg10[%mul3A_239] : memref<24448xf32, #tpu.memory_space<vmem>> -> memref<128xf32, #tpu.memory_space<vmem>>
    %dma_start3A_243 = tpu.memref_slice %arg4[%add3A_182, %mul3A_241] : memref<256x24420xf32, #tpu.memory_space<hbm>> -> memref<1x128xf32, #tpu.memory_space<hbm>>
    %dma_start3A_244 = tpu.memref_squeeze %dma_start3A_243 : memref<1x128xf32, #tpu.memory_space<hbm>> -> memref<128xf32, #tpu.memory_space<hbm>>
    %dma_start3A_245 = tpu.memref_slice %arg4[%add3A_182, %mul3A_241] : memref<256x24420xf32, #tpu.memory_space<hbm>> -> memref<1x128xf32, #tpu.memory_space<hbm>>
    %dma_start3A_246 = tpu.memref_squeeze %dma_start3A_245 : memref<1x128xf32, #tpu.memory_space<hbm>> -> memref<128xf32, #tpu.memory_space<hbm>>
    %dma_start3A_247 = tpu.memref_slice %arg10[%mul3A_239] : memref<24448xf32, #tpu.memory_space<vmem>> -> memref<128xf32, #tpu.memory_space<vmem>>
    tpu.enqueue_dma source(%dma_start3A_247 : memref<128xf32, #tpu.memory_space<vmem>>) target(%dma_start3A_246 : memref<128xf32, #tpu.memory_space<hbm>>) target_semaphore(%arg13 : memref<!tpu.dma_semaphore, #tpu.memory_space<semaphore_mem>>)
    %scan3A_248 = arith.constant 189 : i32
    %scan3A_249 = arith.addi %scan3A_184, %scan3A_248 : i32
    %mul3A_250 = arith.constant 128 : i32
    %mul3A_251 = arith.muli %scan3A_249, %mul3A_250 : i32
    %mul3A_252 = arith.constant 128 : i32
    %mul3A_253 = arith.muli %scan3A_249, %mul3A_252 : i32
    %dma_start3A_254 = tpu.memref_slice %arg10[%mul3A_251] : memref<24448xf32, #tpu.memory_space<vmem>> -> memref<128xf32, #tpu.memory_space<vmem>>
    %dma_start3A_255 = tpu.memref_slice %arg4[%add3A_182, %mul3A_253] : memref<256x24420xf32, #tpu.memory_space<hbm>> -> memref<1x128xf32, #tpu.memory_space<hbm>>
    %dma_start3A_256 = tpu.memref_squeeze %dma_start3A_255 : memref<1x128xf32, #tpu.memory_space<hbm>> -> memref<128xf32, #tpu.memory_space<hbm>>
    %dma_start3A_257 = tpu.memref_slice %arg4[%add3A_182, %mul3A_253] : memref<256x24420xf32, #tpu.memory_space<hbm>> -> memref<1x128xf32, #tpu.memory_space<hbm>>
    %dma_start3A_258 = tpu.memref_squeeze %dma_start3A_257 : memref<1x128xf32, #tpu.memory_space<hbm>> -> memref<128xf32, #tpu.memory_space<hbm>>
    %dma_start3A_259 = tpu.memref_slice %arg10[%mul3A_251] : memref<24448xf32, #tpu.memory_space<vmem>> -> memref<128xf32, #tpu.memory_space<vmem>>
    tpu.enqueue_dma source(%dma_start3A_259 : memref<128xf32, #tpu.memory_space<vmem>>) target(%dma_start3A_258 : memref<128xf32, #tpu.memory_space<hbm>>) target_semaphore(%arg13 : memref<!tpu.dma_semaphore, #tpu.memory_space<semaphore_mem>>)
    %scan3A_260 = arith.constant 190 : i32
    %dma_start3A_261 = arith.constant 24320 : i32
    %dma_start3A_262 = tpu.memref_slice %arg10[%dma_start3A_261] : memref<24448xf32, #tpu.memory_space<vmem>> -> memref<128xf32, #tpu.memory_space<vmem>>
    %dma_start3A_263 = arith.constant 0 : i32
    %dma_start3A_264 = tpu.memref_slice %arg5[%add3A_182, %dma_start3A_263] : memref<256x128xf32, #tpu.memory_space<hbm>> -> memref<1x128xf32, #tpu.memory_space<hbm>>
    %dma_start3A_265 = tpu.memref_squeeze %dma_start3A_264 : memref<1x128xf32, #tpu.memory_space<hbm>> -> memref<128xf32, #tpu.memory_space<hbm>>
    %dma_start3A_266 = arith.constant 0 : i32
    %dma_start3A_267 = tpu.memref_slice %arg5[%add3A_182, %dma_start3A_266] : memref<256x128xf32, #tpu.memory_space<hbm>> -> memref<1x128xf32, #tpu.memory_space<hbm>>
    %dma_start3A_268 = tpu.memref_squeeze %dma_start3A_267 : memref<1x128xf32, #tpu.memory_space<hbm>> -> memref<128xf32, #tpu.memory_space<hbm>>
    %dma_start3A_269 = arith.constant 24320 : i32
    %dma_start3A_270 = tpu.memref_slice %arg10[%dma_start3A_269] : memref<24448xf32, #tpu.memory_space<vmem>> -> memref<128xf32, #tpu.memory_space<vmem>>
    tpu.enqueue_dma source(%dma_start3A_270 : memref<128xf32, #tpu.memory_space<vmem>>) target(%dma_start3A_268 : memref<128xf32, #tpu.memory_space<hbm>>) target_semaphore(%arg13 : memref<!tpu.dma_semaphore, #tpu.memory_space<semaphore_mem>>)
    %add3A_271 = arith.constant 2 : i32
    %add3A_272 = arith.addi %mul3A_2, %add3A_271 : i32
    %mul3A_273 = arith.constant 57344 : i32
    %mul3A_274 = arith.muli %add3A_272, %mul3A_273 : i32
    %add3A_275 = arith.constant 256 : i32
    %add3A_276 = arith.addi %mul3A_274, %add3A_275 : i32
    %dma_wait3A_277 = tpu.memref_slice %arg2[%add3A_276] : memref<14680064xf32, #tpu.memory_space<hbm>> -> memref<28128xf32, #tpu.memory_space<hbm>>
    %dma_wait3A_278 = tpu.memref_slice %arg2[%add3A_276] : memref<14680064xf32, #tpu.memory_space<hbm>> -> memref<28128xf32, #tpu.memory_space<hbm>>
    tpu.wait_dma2 semaphore(%arg11 : memref<!tpu.dma_semaphore, #tpu.memory_space<semaphore_mem>>) src(%dma_wait3A_278 : memref<28128xf32, #tpu.memory_space<hbm>>) dst(%arg7 : memref<28128xf32, #tpu.memory_space<vmem>>)
    %add3A_279 = arith.constant 2 : i32
    %add3A_280 = arith.addi %mul3A_2, %add3A_279 : i32
    %sub3A = arith.constant 2 : i32
    %sub3A_281 = arith.subi %add3A_280, %sub3A : i32
    %dma_wait3A_282 = arith.constant 0 : i32
    %dma_wait3A_283 = tpu.memref_slice %arg9[%dma_wait3A_282] : memref<24448xf32, #tpu.memory_space<vmem>> -> memref<24448xf32, #tpu.memory_space<vmem>>
    %dma_wait3A_284 = arith.constant 0 : i32
    %dma_wait3A_285 = tpu.memref_slice %arg2[%dma_wait3A_284] : memref<14680064xf32, #tpu.memory_space<hbm>> -> memref<24448xf32, #tpu.memory_space<hbm>>
    %dma_wait3A_286 = arith.constant 0 : i32
    %dma_wait3A_287 = tpu.memref_slice %arg2[%dma_wait3A_286] : memref<14680064xf32, #tpu.memory_space<hbm>> -> memref<24448xf32, #tpu.memory_space<hbm>>
    %dma_wait3A_288 = arith.constant 0 : i32
    %dma_wait3A_289 = tpu.memref_slice %arg9[%dma_wait3A_288] : memref<24448xf32, #tpu.memory_space<vmem>> -> memref<24448xf32, #tpu.memory_space<vmem>>
    tpu.wait_dma2 semaphore(%arg13 : memref<!tpu.dma_semaphore, #tpu.memory_space<semaphore_mem>>) src(%dma_wait3A_289 : memref<24448xf32, #tpu.memory_space<vmem>>) dst(%dma_wait3A_287 : memref<24448xf32, #tpu.memory_space<hbm>>)
    %parallel_loop3A_290 = arith.constant 0 : i32
    %parallel_loop3A_291 = arith.constant 379 : i32
    %parallel_loop3A_292 = arith.constant 1 : i32
    scf.for %parallel_loop3A_1118 = %parallel_loop3A_290 to %parallel_loop3A_291 step %parallel_loop3A_292  : i32 {
      %parallel_loop3A_1119 = arith.constant 16 : i32
      %parallel_loop3A_1120 = arith.muli %parallel_loop3A_1118, %parallel_loop3A_1119 : i32
      %parallel_loop3A_1121 = arith.index_cast %parallel_loop3A_1120 : i32 to index
      %parallel_loop3A_1122 = tpu.vector_load %arg6[%parallel_loop3A_1121] {strides = array<i32>} : memref<12224xi32, #tpu.memory_space<vmem>>, vector<16xi32>,
      %parallel_loop3A_1123 = arith.constant 65535 : i32
      %parallel_loop3A_1124 = vector.broadcast %parallel_loop3A_1123 : i32 to vector<16xi32>
      %parallel_loop3A_1125 = arith.andi %parallel_loop3A_1122, %parallel_loop3A_1124 : vector<16xi32>
      %parallel_loop3A_1126 = arith.constant 16 : i32
      %parallel_loop3A_1127 = vector.broadcast %parallel_loop3A_1126 : i32 to vector<16xi32>
      %parallel_loop3A_1128 = arith.shrui %parallel_loop3A_1122, %parallel_loop3A_1127 : vector<16xi32>
      %parallel_loop3A_1129 = tpu.vector_load_idx %arg7[%parallel_loop3A_1125] : memref<28128xf32, #tpu.memory_space<vmem>>[vector<16xi32>], vector<16xf32>,
      %parallel_loop3A_1130 = arith.constant 32 : i32
      %parallel_loop3A_1131 = arith.muli %parallel_loop3A_1118, %parallel_loop3A_1130 : i32
      %parallel_loop3A_1132 = arith.index_cast %parallel_loop3A_1131 : i32 to index
      %parallel_loop3A_1133 = tpu.vector_load %arg9[%parallel_loop3A_1132] {strides = array<i32>} : memref<24448xf32, #tpu.memory_space<vmem>>, vector<16xf32>,
      tpu.vector_store %arg9[%parallel_loop3A_1132], %parallel_loop3A_1129 {strides = array<i32>} : memref<24448xf32, #tpu.memory_space<vmem>>, vector<16xf32>,
      %parallel_loop3A_1134 = tpu.vector_load_idx %arg7[%parallel_loop3A_1128] : memref<28128xf32, #tpu.memory_space<vmem>>[vector<16xi32>], vector<16xf32>,
      %parallel_loop3A_1135 = arith.constant 32 : i32
      %parallel_loop3A_1136 = arith.muli %parallel_loop3A_1118, %parallel_loop3A_1135 : i32
      %parallel_loop3A_1137 = arith.constant 16 : i32
      %parallel_loop3A_1138 = arith.addi %parallel_loop3A_1136, %parallel_loop3A_1137 : i32
      %parallel_loop3A_1139 = arith.index_cast %parallel_loop3A_1138 : i32 to index
      %parallel_loop3A_1140 = tpu.vector_load %arg9[%parallel_loop3A_1139] {strides = array<i32>} : memref<24448xf32, #tpu.memory_space<vmem>>, vector<16xf32>,
      tpu.vector_store %arg9[%parallel_loop3A_1139], %parallel_loop3A_1134 {strides = array<i32>} : memref<24448xf32, #tpu.memory_space<vmem>>, vector<16xf32>,
    } {sc.loop_unroll_factor = 8 : i64, sc.parallel_access}
    %add3A_293 = arith.constant 3 : i32
    %add3A_294 = arith.addi %mul3A_2, %add3A_293 : i32
    %mul3A_295 = arith.constant 57344 : i32
    %mul3A_296 = arith.muli %add3A_294, %mul3A_295 : i32
    %add3A_297 = arith.constant 256 : i32
    %add3A_298 = arith.addi %mul3A_296, %add3A_297 : i32
    %dma_start3A_299 = tpu.memref_slice %arg2[%add3A_298] : memref<14680064xf32, #tpu.memory_space<hbm>> -> memref<28128xf32, #tpu.memory_space<hbm>>
    %dma_start3A_300 = tpu.memref_slice %arg2[%add3A_298] : memref<14680064xf32, #tpu.memory_space<hbm>> -> memref<28128xf32, #tpu.memory_space<hbm>>
    tpu.enqueue_dma source(%dma_start3A_300 : memref<28128xf32, #tpu.memory_space<hbm>>) target(%arg7 : memref<28128xf32, #tpu.memory_space<vmem>>) target_semaphore(%arg11 : memref<!tpu.dma_semaphore, #tpu.memory_space<semaphore_mem>>)
    %add3A_301 = arith.constant 2 : i32
    %add3A_302 = arith.addi %mul3A_2, %add3A_301 : i32
    %mul3A_303 = arith.constant 57344 : i32
    %mul3A_304 = arith.muli %add3A_302, %mul3A_303 : i32
    %add3A_305 = arith.constant 28160 : i32
    %add3A_306 = arith.addi %mul3A_304, %add3A_305 : i32
    %dma_wait3A_307 = tpu.memref_slice %arg2[%add3A_306] : memref<14680064xf32, #tpu.memory_space<hbm>> -> memref<28640xf32, #tpu.memory_space<hbm>>
    %dma_wait3A_308 = tpu.memref_slice %arg2[%add3A_306] : memref<14680064xf32, #tpu.memory_space<hbm>> -> memref<28640xf32, #tpu.memory_space<hbm>>
    tpu.wait_dma2 semaphore(%arg12 : memref<!tpu.dma_semaphore, #tpu.memory_space<semaphore_mem>>) src(%dma_wait3A_308 : memref<28640xf32, #tpu.memory_space<hbm>>) dst(%arg8 : memref<28640xf32, #tpu.memory_space<vmem>>)
    %parallel_loop3A_309 = arith.constant 379 : i32
    %parallel_loop3A_310 = arith.constant 764 : i32
    %parallel_loop3A_311 = arith.constant 1 : i32
    scf.for %parallel_loop3A_1118 = %parallel_loop3A_309 to %parallel_loop3A_310 step %parallel_loop3A_311  : i32 {
      %parallel_loop3A_1119 = arith.constant 16 : i32
      %parallel_loop3A_1120 = arith.muli %parallel_loop3A_1118, %parallel_loop3A_1119 : i32
      %parallel_loop3A_1121 = arith.index_cast %parallel_loop3A_1120 : i32 to index
      %parallel_loop3A_1122 = tpu.vector_load %arg6[%parallel_loop3A_1121] {strides = array<i32>} : memref<12224xi32, #tpu.memory_space<vmem>>, vector<16xi32>,
      %parallel_loop3A_1123 = arith.constant 65535 : i32
      %parallel_loop3A_1124 = vector.broadcast %parallel_loop3A_1123 : i32 to vector<16xi32>
      %parallel_loop3A_1125 = arith.andi %parallel_loop3A_1122, %parallel_loop3A_1124 : vector<16xi32>
      %parallel_loop3A_1126 = arith.constant 16 : i32
      %parallel_loop3A_1127 = vector.broadcast %parallel_loop3A_1126 : i32 to vector<16xi32>
      %parallel_loop3A_1128 = arith.shrui %parallel_loop3A_1122, %parallel_loop3A_1127 : vector<16xi32>
      %parallel_loop3A_1129 = tpu.vector_load_idx %arg8[%parallel_loop3A_1125] : memref<28640xf32, #tpu.memory_space<vmem>>[vector<16xi32>], vector<16xf32>,
      %parallel_loop3A_1130 = arith.constant 32 : i32
      %parallel_loop3A_1131 = arith.muli %parallel_loop3A_1118, %parallel_loop3A_1130 : i32
      %parallel_loop3A_1132 = arith.index_cast %parallel_loop3A_1131 : i32 to index
      %parallel_loop3A_1133 = tpu.vector_load %arg9[%parallel_loop3A_1132] {strides = array<i32>} : memref<24448xf32, #tpu.memory_space<vmem>>, vector<16xf32>,
      tpu.vector_store %arg9[%parallel_loop3A_1132], %parallel_loop3A_1129 {strides = array<i32>} : memref<24448xf32, #tpu.memory_space<vmem>>, vector<16xf32>,
      %parallel_loop3A_1134 = tpu.vector_load_idx %arg8[%parallel_loop3A_1128] : memref<28640xf32, #tpu.memory_space<vmem>>[vector<16xi32>], vector<16xf32>,
      %parallel_loop3A_1135 = arith.constant 32 : i32
      %parallel_loop3A_1136 = arith.muli %parallel_loop3A_1118, %parallel_loop3A_1135 : i32
      %parallel_loop3A_1137 = arith.constant 16 : i32
      %parallel_loop3A_1138 = arith.addi %parallel_loop3A_1136, %parallel_loop3A_1137 : i32
      %parallel_loop3A_1139 = arith.index_cast %parallel_loop3A_1138 : i32 to index
      %parallel_loop3A_1140 = tpu.vector_load %arg9[%parallel_loop3A_1139] {strides = array<i32>} : memref<24448xf32, #tpu.memory_space<vmem>>, vector<16xf32>,
      tpu.vector_store %arg9[%parallel_loop3A_1139], %parallel_loop3A_1134 {strides = array<i32>} : memref<24448xf32, #tpu.memory_space<vmem>>, vector<16xf32>,
    } {sc.loop_unroll_factor = 8 : i64, sc.parallel_access}
    %add3A_312 = arith.constant 3 : i32
    %add3A_313 = arith.addi %mul3A_2, %add3A_312 : i32
    %mul3A_314 = arith.constant 57344 : i32
    %mul3A_315 = arith.muli %add3A_313, %mul3A_314 : i32
    %add3A_316 = arith.constant 28160 : i32
    %add3A_317 = arith.addi %mul3A_315, %add3A_316 : i32
    %dma_start3A_318 = tpu.memref_slice %arg2[%add3A_317] : memref<14680064xf32, #tpu.memory_space<hbm>> -> memref<28640xf32, #tpu.memory_space<hbm>>
    %dma_start3A_319 = tpu.memref_slice %arg2[%add3A_317] : memref<14680064xf32, #tpu.memory_space<hbm>> -> memref<28640xf32, #tpu.memory_space<hbm>>
    tpu.enqueue_dma source(%dma_start3A_319 : memref<28640xf32, #tpu.memory_space<hbm>>) target(%arg8 : memref<28640xf32, #tpu.memory_space<vmem>>) target_semaphore(%arg12 : memref<!tpu.dma_semaphore, #tpu.memory_space<semaphore_mem>>)
    %add3A_320 = arith.constant 2 : i32
    %add3A_321 = arith.addi %mul3A_2, %add3A_320 : i32
    %scan3A_322 = arith.constant 0 : i32
    %scan3A_323 = arith.constant 0 : i32
    %scan3A_324 = arith.constant 184 : i32
    %scan3A_325 = arith.addi %scan3A_323, %scan3A_324 : i32
    %scan3A_326 = arith.constant 8 : i32
    scf.for %scan3A_1118 = %scan3A_323 to %scan3A_325 step %scan3A_326  : i32 {
      %mul3A_1119 = arith.constant 128 : i32
      %mul3A_1120 = arith.muli %scan3A_1118, %mul3A_1119 : i32
      %mul3A_1121 = arith.constant 128 : i32
      %mul3A_1122 = arith.muli %scan3A_1118, %mul3A_1121 : i32
      %dma_start3A_1123 = tpu.memref_slice %arg9[%mul3A_1120] : memref<24448xf32, #tpu.memory_space<vmem>> -> memref<128xf32, #tpu.memory_space<vmem>>
      %dma_start3A_1124 = tpu.memref_slice %arg4[%add3A_321, %mul3A_1122] : memref<256x24420xf32, #tpu.memory_space<hbm>> -> memref<1x128xf32, #tpu.memory_space<hbm>>
      %dma_start3A_1125 = tpu.memref_squeeze %dma_start3A_1124 : memref<1x128xf32, #tpu.memory_space<hbm>> -> memref<128xf32, #tpu.memory_space<hbm>>
      %dma_start3A_1126 = tpu.memref_slice %arg4[%add3A_321, %mul3A_1122] : memref<256x24420xf32, #tpu.memory_space<hbm>> -> memref<1x128xf32, #tpu.memory_space<hbm>>
      %dma_start3A_1127 = tpu.memref_squeeze %dma_start3A_1126 : memref<1x128xf32, #tpu.memory_space<hbm>> -> memref<128xf32, #tpu.memory_space<hbm>>
      %dma_start3A_1128 = tpu.memref_slice %arg9[%mul3A_1120] : memref<24448xf32, #tpu.memory_space<vmem>> -> memref<128xf32, #tpu.memory_space<vmem>>
      tpu.enqueue_dma source(%dma_start3A_1128 : memref<128xf32, #tpu.memory_space<vmem>>) target(%dma_start3A_1127 : memref<128xf32, #tpu.memory_space<hbm>>) target_semaphore(%arg13 : memref<!tpu.dma_semaphore, #tpu.memory_space<semaphore_mem>>)
      %scan3A_1129 = arith.constant 1 : i32
      %scan3A_1130 = arith.addi %scan3A_1118, %scan3A_1129 : i32
      %mul3A_1131 = arith.constant 128 : i32
      %mul3A_1132 = arith.muli %scan3A_1130, %mul3A_1131 : i32
      %mul3A_1133 = arith.constant 128 : i32
      %mul3A_1134 = arith.muli %scan3A_1130, %mul3A_1133 : i32
      %dma_start3A_1135 = tpu.memref_slice %arg9[%mul3A_1132] : memref<24448xf32, #tpu.memory_space<vmem>> -> memref<128xf32, #tpu.memory_space<vmem>>
      %dma_start3A_1136 = tpu.memref_slice %arg4[%add3A_321, %mul3A_1134] : memref<256x24420xf32, #tpu.memory_space<hbm>> -> memref<1x128xf32, #tpu.memory_space<hbm>>
      %dma_start3A_1137 = tpu.memref_squeeze %dma_start3A_1136 : memref<1x128xf32, #tpu.memory_space<hbm>> -> memref<128xf32, #tpu.memory_space<hbm>>
      %dma_start3A_1138 = tpu.memref_slice %arg4[%add3A_321, %mul3A_1134] : memref<256x24420xf32, #tpu.memory_space<hbm>> -> memref<1x128xf32, #tpu.memory_space<hbm>>
      %dma_start3A_1139 = tpu.memref_squeeze %dma_start3A_1138 : memref<1x128xf32, #tpu.memory_space<hbm>> -> memref<128xf32, #tpu.memory_space<hbm>>
      %dma_start3A_1140 = tpu.memref_slice %arg9[%mul3A_1132] : memref<24448xf32, #tpu.memory_space<vmem>> -> memref<128xf32, #tpu.memory_space<vmem>>
      tpu.enqueue_dma source(%dma_start3A_1140 : memref<128xf32, #tpu.memory_space<vmem>>) target(%dma_start3A_1139 : memref<128xf32, #tpu.memory_space<hbm>>) target_semaphore(%arg13 : memref<!tpu.dma_semaphore, #tpu.memory_space<semaphore_mem>>)
      %scan3A_1141 = arith.constant 2 : i32
      %scan3A_1142 = arith.addi %scan3A_1118, %scan3A_1141 : i32
      %mul3A_1143 = arith.constant 128 : i32
      %mul3A_1144 = arith.muli %scan3A_1142, %mul3A_1143 : i32
      %mul3A_1145 = arith.constant 128 : i32
      %mul3A_1146 = arith.muli %scan3A_1142, %mul3A_1145 : i32
      %dma_start3A_1147 = tpu.memref_slice %arg9[%mul3A_1144] : memref<24448xf32, #tpu.memory_space<vmem>> -> memref<128xf32, #tpu.memory_space<vmem>>
      %dma_start3A_1148 = tpu.memref_slice %arg4[%add3A_321, %mul3A_1146] : memref<256x24420xf32, #tpu.memory_space<hbm>> -> memref<1x128xf32, #tpu.memory_space<hbm>>
      %dma_start3A_1149 = tpu.memref_squeeze %dma_start3A_1148 : memref<1x128xf32, #tpu.memory_space<hbm>> -> memref<128xf32, #tpu.memory_space<hbm>>
      %dma_start3A_1150 = tpu.memref_slice %arg4[%add3A_321, %mul3A_1146] : memref<256x24420xf32, #tpu.memory_space<hbm>> -> memref<1x128xf32, #tpu.memory_space<hbm>>
      %dma_start3A_1151 = tpu.memref_squeeze %dma_start3A_1150 : memref<1x128xf32, #tpu.memory_space<hbm>> -> memref<128xf32, #tpu.memory_space<hbm>>
      %dma_start3A_1152 = tpu.memref_slice %arg9[%mul3A_1144] : memref<24448xf32, #tpu.memory_space<vmem>> -> memref<128xf32, #tpu.memory_space<vmem>>
      tpu.enqueue_dma source(%dma_start3A_1152 : memref<128xf32, #tpu.memory_space<vmem>>) target(%dma_start3A_1151 : memref<128xf32, #tpu.memory_space<hbm>>) target_semaphore(%arg13 : memref<!tpu.dma_semaphore, #tpu.memory_space<semaphore_mem>>)
      %scan3A_1153 = arith.constant 3 : i32
      %scan3A_1154 = arith.addi %scan3A_1118, %scan3A_1153 : i32
      %mul3A_1155 = arith.constant 128 : i32
      %mul3A_1156 = arith.muli %scan3A_1154, %mul3A_1155 : i32
      %mul3A_1157 = arith.constant 128 : i32
      %mul3A_1158 = arith.muli %scan3A_1154, %mul3A_1157 : i32
      %dma_start3A_1159 = tpu.memref_slice %arg9[%mul3A_1156] : memref<24448xf32, #tpu.memory_space<vmem>> -> memref<128xf32, #tpu.memory_space<vmem>>
      %dma_start3A_1160 = tpu.memref_slice %arg4[%add3A_321, %mul3A_1158] : memref<256x24420xf32, #tpu.memory_space<hbm>> -> memref<1x128xf32, #tpu.memory_space<hbm>>
      %dma_start3A_1161 = tpu.memref_squeeze %dma_start3A_1160 : memref<1x128xf32, #tpu.memory_space<hbm>> -> memref<128xf32, #tpu.memory_space<hbm>>
      %dma_start3A_1162 = tpu.memref_slice %arg4[%add3A_321, %mul3A_1158] : memref<256x24420xf32, #tpu.memory_space<hbm>> -> memref<1x128xf32, #tpu.memory_space<hbm>>
      %dma_start3A_1163 = tpu.memref_squeeze %dma_start3A_1162 : memref<1x128xf32, #tpu.memory_space<hbm>> -> memref<128xf32, #tpu.memory_space<hbm>>
      %dma_start3A_1164 = tpu.memref_slice %arg9[%mul3A_1156] : memref<24448xf32, #tpu.memory_space<vmem>> -> memref<128xf32, #tpu.memory_space<vmem>>
      tpu.enqueue_dma source(%dma_start3A_1164 : memref<128xf32, #tpu.memory_space<vmem>>) target(%dma_start3A_1163 : memref<128xf32, #tpu.memory_space<hbm>>) target_semaphore(%arg13 : memref<!tpu.dma_semaphore, #tpu.memory_space<semaphore_mem>>)
      %scan3A_1165 = arith.constant 4 : i32
      %scan3A_1166 = arith.addi %scan3A_1118, %scan3A_1165 : i32
      %mul3A_1167 = arith.constant 128 : i32
      %mul3A_1168 = arith.muli %scan3A_1166, %mul3A_1167 : i32
      %mul3A_1169 = arith.constant 128 : i32
      %mul3A_1170 = arith.muli %scan3A_1166, %mul3A_1169 : i32
      %dma_start3A_1171 = tpu.memref_slice %arg9[%mul3A_1168] : memref<24448xf32, #tpu.memory_space<vmem>> -> memref<128xf32, #tpu.memory_space<vmem>>
      %dma_start3A_1172 = tpu.memref_slice %arg4[%add3A_321, %mul3A_1170] : memref<256x24420xf32, #tpu.memory_space<hbm>> -> memref<1x128xf32, #tpu.memory_space<hbm>>
      %dma_start3A_1173 = tpu.memref_squeeze %dma_start3A_1172 : memref<1x128xf32, #tpu.memory_space<hbm>> -> memref<128xf32, #tpu.memory_space<hbm>>
      %dma_start3A_1174 = tpu.memref_slice %arg4[%add3A_321, %mul3A_1170] : memref<256x24420xf32, #tpu.memory_space<hbm>> -> memref<1x128xf32, #tpu.memory_space<hbm>>
      %dma_start3A_1175 = tpu.memref_squeeze %dma_start3A_1174 : memref<1x128xf32, #tpu.memory_space<hbm>> -> memref<128xf32, #tpu.memory_space<hbm>>
      %dma_start3A_1176 = tpu.memref_slice %arg9[%mul3A_1168] : memref<24448xf32, #tpu.memory_space<vmem>> -> memref<128xf32, #tpu.memory_space<vmem>>
      tpu.enqueue_dma source(%dma_start3A_1176 : memref<128xf32, #tpu.memory_space<vmem>>) target(%dma_start3A_1175 : memref<128xf32, #tpu.memory_space<hbm>>) target_semaphore(%arg13 : memref<!tpu.dma_semaphore, #tpu.memory_space<semaphore_mem>>)
      %scan3A_1177 = arith.constant 5 : i32
      %scan3A_1178 = arith.addi %scan3A_1118, %scan3A_1177 : i32
      %mul3A_1179 = arith.constant 128 : i32
      %mul3A_1180 = arith.muli %scan3A_1178, %mul3A_1179 : i32
      %mul3A_1181 = arith.constant 128 : i32
      %mul3A_1182 = arith.muli %scan3A_1178, %mul3A_1181 : i32
      %dma_start3A_1183 = tpu.memref_slice %arg9[%mul3A_1180] : memref<24448xf32, #tpu.memory_space<vmem>> -> memref<128xf32, #tpu.memory_space<vmem>>
      %dma_start3A_1184 = tpu.memref_slice %arg4[%add3A_321, %mul3A_1182] : memref<256x24420xf32, #tpu.memory_space<hbm>> -> memref<1x128xf32, #tpu.memory_space<hbm>>
      %dma_start3A_1185 = tpu.memref_squeeze %dma_start3A_1184 : memref<1x128xf32, #tpu.memory_space<hbm>> -> memref<128xf32, #tpu.memory_space<hbm>>
      %dma_start3A_1186 = tpu.memref_slice %arg4[%add3A_321, %mul3A_1182] : memref<256x24420xf32, #tpu.memory_space<hbm>> -> memref<1x128xf32, #tpu.memory_space<hbm>>
      %dma_start3A_1187 = tpu.memref_squeeze %dma_start3A_1186 : memref<1x128xf32, #tpu.memory_space<hbm>> -> memref<128xf32, #tpu.memory_space<hbm>>
      %dma_start3A_1188 = tpu.memref_slice %arg9[%mul3A_1180] : memref<24448xf32, #tpu.memory_space<vmem>> -> memref<128xf32, #tpu.memory_space<vmem>>
      tpu.enqueue_dma source(%dma_start3A_1188 : memref<128xf32, #tpu.memory_space<vmem>>) target(%dma_start3A_1187 : memref<128xf32, #tpu.memory_space<hbm>>) target_semaphore(%arg13 : memref<!tpu.dma_semaphore, #tpu.memory_space<semaphore_mem>>)
      %scan3A_1189 = arith.constant 6 : i32
      %scan3A_1190 = arith.addi %scan3A_1118, %scan3A_1189 : i32
      %mul3A_1191 = arith.constant 128 : i32
      %mul3A_1192 = arith.muli %scan3A_1190, %mul3A_1191 : i32
      %mul3A_1193 = arith.constant 128 : i32
      %mul3A_1194 = arith.muli %scan3A_1190, %mul3A_1193 : i32
      %dma_start3A_1195 = tpu.memref_slice %arg9[%mul3A_1192] : memref<24448xf32, #tpu.memory_space<vmem>> -> memref<128xf32, #tpu.memory_space<vmem>>
      %dma_start3A_1196 = tpu.memref_slice %arg4[%add3A_321, %mul3A_1194] : memref<256x24420xf32, #tpu.memory_space<hbm>> -> memref<1x128xf32, #tpu.memory_space<hbm>>
      %dma_start3A_1197 = tpu.memref_squeeze %dma_start3A_1196 : memref<1x128xf32, #tpu.memory_space<hbm>> -> memref<128xf32, #tpu.memory_space<hbm>>
      %dma_start3A_1198 = tpu.memref_slice %arg4[%add3A_321, %mul3A_1194] : memref<256x24420xf32, #tpu.memory_space<hbm>> -> memref<1x128xf32, #tpu.memory_space<hbm>>
      %dma_start3A_1199 = tpu.memref_squeeze %dma_start3A_1198 : memref<1x128xf32, #tpu.memory_space<hbm>> -> memref<128xf32, #tpu.memory_space<hbm>>
      %dma_start3A_1200 = tpu.memref_slice %arg9[%mul3A_1192] : memref<24448xf32, #tpu.memory_space<vmem>> -> memref<128xf32, #tpu.memory_space<vmem>>
      tpu.enqueue_dma source(%dma_start3A_1200 : memref<128xf32, #tpu.memory_space<vmem>>) target(%dma_start3A_1199 : memref<128xf32, #tpu.memory_space<hbm>>) target_semaphore(%arg13 : memref<!tpu.dma_semaphore, #tpu.memory_space<semaphore_mem>>)
      %scan3A_1201 = arith.constant 7 : i32
      %scan3A_1202 = arith.addi %scan3A_1118, %scan3A_1201 : i32
      %mul3A_1203 = arith.constant 128 : i32
      %mul3A_1204 = arith.muli %scan3A_1202, %mul3A_1203 : i32
      %mul3A_1205 = arith.constant 128 : i32
      %mul3A_1206 = arith.muli %scan3A_1202, %mul3A_1205 : i32
      %dma_start3A_1207 = tpu.memref_slice %arg9[%mul3A_1204] : memref<24448xf32, #tpu.memory_space<vmem>> -> memref<128xf32, #tpu.memory_space<vmem>>
      %dma_start3A_1208 = tpu.memref_slice %arg4[%add3A_321, %mul3A_1206] : memref<256x24420xf32, #tpu.memory_space<hbm>> -> memref<1x128xf32, #tpu.memory_space<hbm>>
      %dma_start3A_1209 = tpu.memref_squeeze %dma_start3A_1208 : memref<1x128xf32, #tpu.memory_space<hbm>> -> memref<128xf32, #tpu.memory_space<hbm>>
      %dma_start3A_1210 = tpu.memref_slice %arg4[%add3A_321, %mul3A_1206] : memref<256x24420xf32, #tpu.memory_space<hbm>> -> memref<1x128xf32, #tpu.memory_space<hbm>>
      %dma_start3A_1211 = tpu.memref_squeeze %dma_start3A_1210 : memref<1x128xf32, #tpu.memory_space<hbm>> -> memref<128xf32, #tpu.memory_space<hbm>>
      %dma_start3A_1212 = tpu.memref_slice %arg9[%mul3A_1204] : memref<24448xf32, #tpu.memory_space<vmem>> -> memref<128xf32, #tpu.memory_space<vmem>>
      tpu.enqueue_dma source(%dma_start3A_1212 : memref<128xf32, #tpu.memory_space<vmem>>) target(%dma_start3A_1211 : memref<128xf32, #tpu.memory_space<hbm>>) target_semaphore(%arg13 : memref<!tpu.dma_semaphore, #tpu.memory_space<semaphore_mem>>)
    }
    %scan3A_327 = arith.constant 184 : i32
    %scan3A_328 = arith.addi %scan3A_323, %scan3A_327 : i32
    %mul3A_329 = arith.constant 128 : i32
    %mul3A_330 = arith.muli %scan3A_328, %mul3A_329 : i32
    %mul3A_331 = arith.constant 128 : i32
    %mul3A_332 = arith.muli %scan3A_328, %mul3A_331 : i32
    %dma_start3A_333 = tpu.memref_slice %arg9[%mul3A_330] : memref<24448xf32, #tpu.memory_space<vmem>> -> memref<128xf32, #tpu.memory_space<vmem>>
    %dma_start3A_334 = tpu.memref_slice %arg4[%add3A_321, %mul3A_332] : memref<256x24420xf32, #tpu.memory_space<hbm>> -> memref<1x128xf32, #tpu.memory_space<hbm>>
    %dma_start3A_335 = tpu.memref_squeeze %dma_start3A_334 : memref<1x128xf32, #tpu.memory_space<hbm>> -> memref<128xf32, #tpu.memory_space<hbm>>
    %dma_start3A_336 = tpu.memref_slice %arg4[%add3A_321, %mul3A_332] : memref<256x24420xf32, #tpu.memory_space<hbm>> -> memref<1x128xf32, #tpu.memory_space<hbm>>
    %dma_start3A_337 = tpu.memref_squeeze %dma_start3A_336 : memref<1x128xf32, #tpu.memory_space<hbm>> -> memref<128xf32, #tpu.memory_space<hbm>>
    %dma_start3A_338 = tpu.memref_slice %arg9[%mul3A_330] : memref<24448xf32, #tpu.memory_space<vmem>> -> memref<128xf32, #tpu.memory_space<vmem>>
    tpu.enqueue_dma source(%dma_start3A_338 : memref<128xf32, #tpu.memory_space<vmem>>) target(%dma_start3A_337 : memref<128xf32, #tpu.memory_space<hbm>>) target_semaphore(%arg13 : memref<!tpu.dma_semaphore, #tpu.memory_space<semaphore_mem>>)
    %scan3A_339 = arith.constant 185 : i32
    %scan3A_340 = arith.addi %scan3A_323, %scan3A_339 : i32
    %mul3A_341 = arith.constant 128 : i32
    %mul3A_342 = arith.muli %scan3A_340, %mul3A_341 : i32
    %mul3A_343 = arith.constant 128 : i32
    %mul3A_344 = arith.muli %scan3A_340, %mul3A_343 : i32
    %dma_start3A_345 = tpu.memref_slice %arg9[%mul3A_342] : memref<24448xf32, #tpu.memory_space<vmem>> -> memref<128xf32, #tpu.memory_space<vmem>>
    %dma_start3A_346 = tpu.memref_slice %arg4[%add3A_321, %mul3A_344] : memref<256x24420xf32, #tpu.memory_space<hbm>> -> memref<1x128xf32, #tpu.memory_space<hbm>>
    %dma_start3A_347 = tpu.memref_squeeze %dma_start3A_346 : memref<1x128xf32, #tpu.memory_space<hbm>> -> memref<128xf32, #tpu.memory_space<hbm>>
    %dma_start3A_348 = tpu.memref_slice %arg4[%add3A_321, %mul3A_344] : memref<256x24420xf32, #tpu.memory_space<hbm>> -> memref<1x128xf32, #tpu.memory_space<hbm>>
    %dma_start3A_349 = tpu.memref_squeeze %dma_start3A_348 : memref<1x128xf32, #tpu.memory_space<hbm>> -> memref<128xf32, #tpu.memory_space<hbm>>
    %dma_start3A_350 = tpu.memref_slice %arg9[%mul3A_342] : memref<24448xf32, #tpu.memory_space<vmem>> -> memref<128xf32, #tpu.memory_space<vmem>>
    tpu.enqueue_dma source(%dma_start3A_350 : memref<128xf32, #tpu.memory_space<vmem>>) target(%dma_start3A_349 : memref<128xf32, #tpu.memory_space<hbm>>) target_semaphore(%arg13 : memref<!tpu.dma_semaphore, #tpu.memory_space<semaphore_mem>>)
    %scan3A_351 = arith.constant 186 : i32
    %scan3A_352 = arith.addi %scan3A_323, %scan3A_351 : i32
    %mul3A_353 = arith.constant 128 : i32
    %mul3A_354 = arith.muli %scan3A_352, %mul3A_353 : i32
    %mul3A_355 = arith.constant 128 : i32
    %mul3A_356 = arith.muli %scan3A_352, %mul3A_355 : i32
    %dma_start3A_357 = tpu.memref_slice %arg9[%mul3A_354] : memref<24448xf32, #tpu.memory_space<vmem>> -> memref<128xf32, #tpu.memory_space<vmem>>
    %dma_start3A_358 = tpu.memref_slice %arg4[%add3A_321, %mul3A_356] : memref<256x24420xf32, #tpu.memory_space<hbm>> -> memref<1x128xf32, #tpu.memory_space<hbm>>
    %dma_start3A_359 = tpu.memref_squeeze %dma_start3A_358 : memref<1x128xf32, #tpu.memory_space<hbm>> -> memref<128xf32, #tpu.memory_space<hbm>>
    %dma_start3A_360 = tpu.memref_slice %arg4[%add3A_321, %mul3A_356] : memref<256x24420xf32, #tpu.memory_space<hbm>> -> memref<1x128xf32, #tpu.memory_space<hbm>>
    %dma_start3A_361 = tpu.memref_squeeze %dma_start3A_360 : memref<1x128xf32, #tpu.memory_space<hbm>> -> memref<128xf32, #tpu.memory_space<hbm>>
    %dma_start3A_362 = tpu.memref_slice %arg9[%mul3A_354] : memref<24448xf32, #tpu.memory_space<vmem>> -> memref<128xf32, #tpu.memory_space<vmem>>
    tpu.enqueue_dma source(%dma_start3A_362 : memref<128xf32, #tpu.memory_space<vmem>>) target(%dma_start3A_361 : memref<128xf32, #tpu.memory_space<hbm>>) target_semaphore(%arg13 : memref<!tpu.dma_semaphore, #tpu.memory_space<semaphore_mem>>)
    %scan3A_363 = arith.constant 187 : i32
    %scan3A_364 = arith.addi %scan3A_323, %scan3A_363 : i32
    %mul3A_365 = arith.constant 128 : i32
    %mul3A_366 = arith.muli %scan3A_364, %mul3A_365 : i32
    %mul3A_367 = arith.constant 128 : i32
    %mul3A_368 = arith.muli %scan3A_364, %mul3A_367 : i32
    %dma_start3A_369 = tpu.memref_slice %arg9[%mul3A_366] : memref<24448xf32, #tpu.memory_space<vmem>> -> memref<128xf32, #tpu.memory_space<vmem>>
    %dma_start3A_370 = tpu.memref_slice %arg4[%add3A_321, %mul3A_368] : memref<256x24420xf32, #tpu.memory_space<hbm>> -> memref<1x128xf32, #tpu.memory_space<hbm>>
    %dma_start3A_371 = tpu.memref_squeeze %dma_start3A_370 : memref<1x128xf32, #tpu.memory_space<hbm>> -> memref<128xf32, #tpu.memory_space<hbm>>
    %dma_start3A_372 = tpu.memref_slice %arg4[%add3A_321, %mul3A_368] : memref<256x24420xf32, #tpu.memory_space<hbm>> -> memref<1x128xf32, #tpu.memory_space<hbm>>
    %dma_start3A_373 = tpu.memref_squeeze %dma_start3A_372 : memref<1x128xf32, #tpu.memory_space<hbm>> -> memref<128xf32, #tpu.memory_space<hbm>>
    %dma_start3A_374 = tpu.memref_slice %arg9[%mul3A_366] : memref<24448xf32, #tpu.memory_space<vmem>> -> memref<128xf32, #tpu.memory_space<vmem>>
    tpu.enqueue_dma source(%dma_start3A_374 : memref<128xf32, #tpu.memory_space<vmem>>) target(%dma_start3A_373 : memref<128xf32, #tpu.memory_space<hbm>>) target_semaphore(%arg13 : memref<!tpu.dma_semaphore, #tpu.memory_space<semaphore_mem>>)
    %scan3A_375 = arith.constant 188 : i32
    %scan3A_376 = arith.addi %scan3A_323, %scan3A_375 : i32
    %mul3A_377 = arith.constant 128 : i32
    %mul3A_378 = arith.muli %scan3A_376, %mul3A_377 : i32
    %mul3A_379 = arith.constant 128 : i32
    %mul3A_380 = arith.muli %scan3A_376, %mul3A_379 : i32
    %dma_start3A_381 = tpu.memref_slice %arg9[%mul3A_378] : memref<24448xf32, #tpu.memory_space<vmem>> -> memref<128xf32, #tpu.memory_space<vmem>>
    %dma_start3A_382 = tpu.memref_slice %arg4[%add3A_321, %mul3A_380] : memref<256x24420xf32, #tpu.memory_space<hbm>> -> memref<1x128xf32, #tpu.memory_space<hbm>>
    %dma_start3A_383 = tpu.memref_squeeze %dma_start3A_382 : memref<1x128xf32, #tpu.memory_space<hbm>> -> memref<128xf32, #tpu.memory_space<hbm>>
    %dma_start3A_384 = tpu.memref_slice %arg4[%add3A_321, %mul3A_380] : memref<256x24420xf32, #tpu.memory_space<hbm>> -> memref<1x128xf32, #tpu.memory_space<hbm>>
    %dma_start3A_385 = tpu.memref_squeeze %dma_start3A_384 : memref<1x128xf32, #tpu.memory_space<hbm>> -> memref<128xf32, #tpu.memory_space<hbm>>
    %dma_start3A_386 = tpu.memref_slice %arg9[%mul3A_378] : memref<24448xf32, #tpu.memory_space<vmem>> -> memref<128xf32, #tpu.memory_space<vmem>>
    tpu.enqueue_dma source(%dma_start3A_386 : memref<128xf32, #tpu.memory_space<vmem>>) target(%dma_start3A_385 : memref<128xf32, #tpu.memory_space<hbm>>) target_semaphore(%arg13 : memref<!tpu.dma_semaphore, #tpu.memory_space<semaphore_mem>>)
    %scan3A_387 = arith.constant 189 : i32
    %scan3A_388 = arith.addi %scan3A_323, %scan3A_387 : i32
    %mul3A_389 = arith.constant 128 : i32
    %mul3A_390 = arith.muli %scan3A_388, %mul3A_389 : i32
    %mul3A_391 = arith.constant 128 : i32
    %mul3A_392 = arith.muli %scan3A_388, %mul3A_391 : i32
    %dma_start3A_393 = tpu.memref_slice %arg9[%mul3A_390] : memref<24448xf32, #tpu.memory_space<vmem>> -> memref<128xf32, #tpu.memory_space<vmem>>
    %dma_start3A_394 = tpu.memref_slice %arg4[%add3A_321, %mul3A_392] : memref<256x24420xf32, #tpu.memory_space<hbm>> -> memref<1x128xf32, #tpu.memory_space<hbm>>
    %dma_start3A_395 = tpu.memref_squeeze %dma_start3A_394 : memref<1x128xf32, #tpu.memory_space<hbm>> -> memref<128xf32, #tpu.memory_space<hbm>>
    %dma_start3A_396 = tpu.memref_slice %arg4[%add3A_321, %mul3A_392] : memref<256x24420xf32, #tpu.memory_space<hbm>> -> memref<1x128xf32, #tpu.memory_space<hbm>>
    %dma_start3A_397 = tpu.memref_squeeze %dma_start3A_396 : memref<1x128xf32, #tpu.memory_space<hbm>> -> memref<128xf32, #tpu.memory_space<hbm>>
    %dma_start3A_398 = tpu.memref_slice %arg9[%mul3A_390] : memref<24448xf32, #tpu.memory_space<vmem>> -> memref<128xf32, #tpu.memory_space<vmem>>
    tpu.enqueue_dma source(%dma_start3A_398 : memref<128xf32, #tpu.memory_space<vmem>>) target(%dma_start3A_397 : memref<128xf32, #tpu.memory_space<hbm>>) target_semaphore(%arg13 : memref<!tpu.dma_semaphore, #tpu.memory_space<semaphore_mem>>)
    %scan3A_399 = arith.constant 190 : i32
    %dma_start3A_400 = arith.constant 24320 : i32
    %dma_start3A_401 = tpu.memref_slice %arg9[%dma_start3A_400] : memref<24448xf32, #tpu.memory_space<vmem>> -> memref<128xf32, #tpu.memory_space<vmem>>
    %dma_start3A_402 = arith.constant 0 : i32
    %dma_start3A_403 = tpu.memref_slice %arg5[%add3A_321, %dma_start3A_402] : memref<256x128xf32, #tpu.memory_space<hbm>> -> memref<1x128xf32, #tpu.memory_space<hbm>>
    %dma_start3A_404 = tpu.memref_squeeze %dma_start3A_403 : memref<1x128xf32, #tpu.memory_space<hbm>> -> memref<128xf32, #tpu.memory_space<hbm>>
    %dma_start3A_405 = arith.constant 0 : i32
    %dma_start3A_406 = tpu.memref_slice %arg5[%add3A_321, %dma_start3A_405] : memref<256x128xf32, #tpu.memory_space<hbm>> -> memref<1x128xf32, #tpu.memory_space<hbm>>
    %dma_start3A_407 = tpu.memref_squeeze %dma_start3A_406 : memref<1x128xf32, #tpu.memory_space<hbm>> -> memref<128xf32, #tpu.memory_space<hbm>>
    %dma_start3A_408 = arith.constant 24320 : i32
    %dma_start3A_409 = tpu.memref_slice %arg9[%dma_start3A_408] : memref<24448xf32, #tpu.memory_space<vmem>> -> memref<128xf32, #tpu.memory_space<vmem>>
    tpu.enqueue_dma source(%dma_start3A_409 : memref<128xf32, #tpu.memory_space<vmem>>) target(%dma_start3A_407 : memref<128xf32, #tpu.memory_space<hbm>>) target_semaphore(%arg13 : memref<!tpu.dma_semaphore, #tpu.memory_space<semaphore_mem>>)
    %add3A_410 = arith.constant 3 : i32
    %add3A_411 = arith.addi %mul3A_2, %add3A_410 : i32
    %mul3A_412 = arith.constant 57344 : i32
    %mul3A_413 = arith.muli %add3A_411, %mul3A_412 : i32
    %add3A_414 = arith.constant 256 : i32
    %add3A_415 = arith.addi %mul3A_413, %add3A_414 : i32
    %dma_wait3A_416 = tpu.memref_slice %arg2[%add3A_415] : memref<14680064xf32, #tpu.memory_space<hbm>> -> memref<28128xf32, #tpu.memory_space<hbm>>
    %dma_wait3A_417 = tpu.memref_slice %arg2[%add3A_415] : memref<14680064xf32, #tpu.memory_space<hbm>> -> memref<28128xf32, #tpu.memory_space<hbm>>
    tpu.wait_dma2 semaphore(%arg11 : memref<!tpu.dma_semaphore, #tpu.memory_space<semaphore_mem>>) src(%dma_wait3A_417 : memref<28128xf32, #tpu.memory_space<hbm>>) dst(%arg7 : memref<28128xf32, #tpu.memory_space<vmem>>)
    %add3A_418 = arith.constant 3 : i32
    %add3A_419 = arith.addi %mul3A_2, %add3A_418 : i32
    %sub3A_420 = arith.constant 2 : i32
    %sub3A_421 = arith.subi %add3A_419, %sub3A_420 : i32
    %dma_wait3A_422 = arith.constant 0 : i32
    %dma_wait3A_423 = tpu.memref_slice %arg10[%dma_wait3A_422] : memref<24448xf32, #tpu.memory_space<vmem>> -> memref<24448xf32, #tpu.memory_space<vmem>>
    %dma_wait3A_424 = arith.constant 0 : i32
    %dma_wait3A_425 = tpu.memref_slice %arg2[%dma_wait3A_424] : memref<14680064xf32, #tpu.memory_space<hbm>> -> memref<24448xf32, #tpu.memory_space<hbm>>
    %dma_wait3A_426 = arith.constant 0 : i32
    %dma_wait3A_427 = tpu.memref_slice %arg2[%dma_wait3A_426] : memref<14680064xf32, #tpu.memory_space<hbm>> -> memref<24448xf32, #tpu.memory_space<hbm>>
    %dma_wait3A_428 = arith.constant 0 : i32
    %dma_wait3A_429 = tpu.memref_slice %arg10[%dma_wait3A_428] : memref<24448xf32, #tpu.memory_space<vmem>> -> memref<24448xf32, #tpu.memory_space<vmem>>
    tpu.wait_dma2 semaphore(%arg13 : memref<!tpu.dma_semaphore, #tpu.memory_space<semaphore_mem>>) src(%dma_wait3A_429 : memref<24448xf32, #tpu.memory_space<vmem>>) dst(%dma_wait3A_427 : memref<24448xf32, #tpu.memory_space<hbm>>)
    %parallel_loop3A_430 = arith.constant 0 : i32
    %parallel_loop3A_431 = arith.constant 379 : i32
    %parallel_loop3A_432 = arith.constant 1 : i32
    scf.for %parallel_loop3A_1118 = %parallel_loop3A_430 to %parallel_loop3A_431 step %parallel_loop3A_432  : i32 {
      %parallel_loop3A_1119 = arith.constant 16 : i32
      %parallel_loop3A_1120 = arith.muli %parallel_loop3A_1118, %parallel_loop3A_1119 : i32
      %parallel_loop3A_1121 = arith.index_cast %parallel_loop3A_1120 : i32 to index
      %parallel_loop3A_1122 = tpu.vector_load %arg6[%parallel_loop3A_1121] {strides = array<i32>} : memref<12224xi32, #tpu.memory_space<vmem>>, vector<16xi32>,
      %parallel_loop3A_1123 = arith.constant 65535 : i32
      %parallel_loop3A_1124 = vector.broadcast %parallel_loop3A_1123 : i32 to vector<16xi32>
      %parallel_loop3A_1125 = arith.andi %parallel_loop3A_1122, %parallel_loop3A_1124 : vector<16xi32>
      %parallel_loop3A_1126 = arith.constant 16 : i32
      %parallel_loop3A_1127 = vector.broadcast %parallel_loop3A_1126 : i32 to vector<16xi32>
      %parallel_loop3A_1128 = arith.shrui %parallel_loop3A_1122, %parallel_loop3A_1127 : vector<16xi32>
      %parallel_loop3A_1129 = tpu.vector_load_idx %arg7[%parallel_loop3A_1125] : memref<28128xf32, #tpu.memory_space<vmem>>[vector<16xi32>], vector<16xf32>,
      %parallel_loop3A_1130 = arith.constant 32 : i32
      %parallel_loop3A_1131 = arith.muli %parallel_loop3A_1118, %parallel_loop3A_1130 : i32
      %parallel_loop3A_1132 = arith.index_cast %parallel_loop3A_1131 : i32 to index
      %parallel_loop3A_1133 = tpu.vector_load %arg10[%parallel_loop3A_1132] {strides = array<i32>} : memref<24448xf32, #tpu.memory_space<vmem>>, vector<16xf32>,
      tpu.vector_store %arg10[%parallel_loop3A_1132], %parallel_loop3A_1129 {strides = array<i32>} : memref<24448xf32, #tpu.memory_space<vmem>>, vector<16xf32>,
      %parallel_loop3A_1134 = tpu.vector_load_idx %arg7[%parallel_loop3A_1128] : memref<28128xf32, #tpu.memory_space<vmem>>[vector<16xi32>], vector<16xf32>,
      %parallel_loop3A_1135 = arith.constant 32 : i32
      %parallel_loop3A_1136 = arith.muli %parallel_loop3A_1118, %parallel_loop3A_1135 : i32
      %parallel_loop3A_1137 = arith.constant 16 : i32
      %parallel_loop3A_1138 = arith.addi %parallel_loop3A_1136, %parallel_loop3A_1137 : i32
      %parallel_loop3A_1139 = arith.index_cast %parallel_loop3A_1138 : i32 to index
      %parallel_loop3A_1140 = tpu.vector_load %arg10[%parallel_loop3A_1139] {strides = array<i32>} : memref<24448xf32, #tpu.memory_space<vmem>>, vector<16xf32>,
      tpu.vector_store %arg10[%parallel_loop3A_1139], %parallel_loop3A_1134 {strides = array<i32>} : memref<24448xf32, #tpu.memory_space<vmem>>, vector<16xf32>,
    } {sc.loop_unroll_factor = 8 : i64, sc.parallel_access}
    %add3A_433 = arith.constant 4 : i32
    %add3A_434 = arith.addi %mul3A_2, %add3A_433 : i32
    %mul3A_435 = arith.constant 57344 : i32
    %mul3A_436 = arith.muli %add3A_434, %mul3A_435 : i32
    %add3A_437 = arith.constant 256 : i32
    %add3A_438 = arith.addi %mul3A_436, %add3A_437 : i32
    %dma_start3A_439 = tpu.memref_slice %arg2[%add3A_438] : memref<14680064xf32, #tpu.memory_space<hbm>> -> memref<28128xf32, #tpu.memory_space<hbm>>
    %dma_start3A_440 = tpu.memref_slice %arg2[%add3A_438] : memref<14680064xf32, #tpu.memory_space<hbm>> -> memref<28128xf32, #tpu.memory_space<hbm>>
    tpu.enqueue_dma source(%dma_start3A_440 : memref<28128xf32, #tpu.memory_space<hbm>>) target(%arg7 : memref<28128xf32, #tpu.memory_space<vmem>>) target_semaphore(%arg11 : memref<!tpu.dma_semaphore, #tpu.memory_space<semaphore_mem>>)
    %add3A_441 = arith.constant 3 : i32
    %add3A_442 = arith.addi %mul3A_2, %add3A_441 : i32
    %mul3A_443 = arith.constant 57344 : i32
    %mul3A_444 = arith.muli %add3A_442, %mul3A_443 : i32
    %add3A_445 = arith.constant 28160 : i32
    %add3A_446 = arith.addi %mul3A_444, %add3A_445 : i32
    %dma_wait3A_447 = tpu.memref_slice %arg2[%add3A_446] : memref<14680064xf32, #tpu.memory_space<hbm>> -> memref<28640xf32, #tpu.memory_space<hbm>>
    %dma_wait3A_448 = tpu.memref_slice %arg2[%add3A_446] : memref<14680064xf32, #tpu.memory_space<hbm>> -> memref<28640xf32, #tpu.memory_space<hbm>>
    tpu.wait_dma2 semaphore(%arg12 : memref<!tpu.dma_semaphore, #tpu.memory_space<semaphore_mem>>) src(%dma_wait3A_448 : memref<28640xf32, #tpu.memory_space<hbm>>) dst(%arg8 : memref<28640xf32, #tpu.memory_space<vmem>>)
    %parallel_loop3A_449 = arith.constant 379 : i32
    %parallel_loop3A_450 = arith.constant 764 : i32
    %parallel_loop3A_451 = arith.constant 1 : i32
    scf.for %parallel_loop3A_1118 = %parallel_loop3A_449 to %parallel_loop3A_450 step %parallel_loop3A_451  : i32 {
      %parallel_loop3A_1119 = arith.constant 16 : i32
      %parallel_loop3A_1120 = arith.muli %parallel_loop3A_1118, %parallel_loop3A_1119 : i32
      %parallel_loop3A_1121 = arith.index_cast %parallel_loop3A_1120 : i32 to index
      %parallel_loop3A_1122 = tpu.vector_load %arg6[%parallel_loop3A_1121] {strides = array<i32>} : memref<12224xi32, #tpu.memory_space<vmem>>, vector<16xi32>,
      %parallel_loop3A_1123 = arith.constant 65535 : i32
      %parallel_loop3A_1124 = vector.broadcast %parallel_loop3A_1123 : i32 to vector<16xi32>
      %parallel_loop3A_1125 = arith.andi %parallel_loop3A_1122, %parallel_loop3A_1124 : vector<16xi32>
      %parallel_loop3A_1126 = arith.constant 16 : i32
      %parallel_loop3A_1127 = vector.broadcast %parallel_loop3A_1126 : i32 to vector<16xi32>
      %parallel_loop3A_1128 = arith.shrui %parallel_loop3A_1122, %parallel_loop3A_1127 : vector<16xi32>
      %parallel_loop3A_1129 = tpu.vector_load_idx %arg8[%parallel_loop3A_1125] : memref<28640xf32, #tpu.memory_space<vmem>>[vector<16xi32>], vector<16xf32>,
      %parallel_loop3A_1130 = arith.constant 32 : i32
      %parallel_loop3A_1131 = arith.muli %parallel_loop3A_1118, %parallel_loop3A_1130 : i32
      %parallel_loop3A_1132 = arith.index_cast %parallel_loop3A_1131 : i32 to index
      %parallel_loop3A_1133 = tpu.vector_load %arg10[%parallel_loop3A_1132] {strides = array<i32>} : memref<24448xf32, #tpu.memory_space<vmem>>, vector<16xf32>,
      tpu.vector_store %arg10[%parallel_loop3A_1132], %parallel_loop3A_1129 {strides = array<i32>} : memref<24448xf32, #tpu.memory_space<vmem>>, vector<16xf32>,
      %parallel_loop3A_1134 = tpu.vector_load_idx %arg8[%parallel_loop3A_1128] : memref<28640xf32, #tpu.memory_space<vmem>>[vector<16xi32>], vector<16xf32>,
      %parallel_loop3A_1135 = arith.constant 32 : i32
      %parallel_loop3A_1136 = arith.muli %parallel_loop3A_1118, %parallel_loop3A_1135 : i32
      %parallel_loop3A_1137 = arith.constant 16 : i32
      %parallel_loop3A_1138 = arith.addi %parallel_loop3A_1136, %parallel_loop3A_1137 : i32
      %parallel_loop3A_1139 = arith.index_cast %parallel_loop3A_1138 : i32 to index
      %parallel_loop3A_1140 = tpu.vector_load %arg10[%parallel_loop3A_1139] {strides = array<i32>} : memref<24448xf32, #tpu.memory_space<vmem>>, vector<16xf32>,
      tpu.vector_store %arg10[%parallel_loop3A_1139], %parallel_loop3A_1134 {strides = array<i32>} : memref<24448xf32, #tpu.memory_space<vmem>>, vector<16xf32>,
    } {sc.loop_unroll_factor = 8 : i64, sc.parallel_access}
    %add3A_452 = arith.constant 4 : i32
    %add3A_453 = arith.addi %mul3A_2, %add3A_452 : i32
    %mul3A_454 = arith.constant 57344 : i32
    %mul3A_455 = arith.muli %add3A_453, %mul3A_454 : i32
    %add3A_456 = arith.constant 28160 : i32
    %add3A_457 = arith.addi %mul3A_455, %add3A_456 : i32
    %dma_start3A_458 = tpu.memref_slice %arg2[%add3A_457] : memref<14680064xf32, #tpu.memory_space<hbm>> -> memref<28640xf32, #tpu.memory_space<hbm>>
    %dma_start3A_459 = tpu.memref_slice %arg2[%add3A_457] : memref<14680064xf32, #tpu.memory_space<hbm>> -> memref<28640xf32, #tpu.memory_space<hbm>>
    tpu.enqueue_dma source(%dma_start3A_459 : memref<28640xf32, #tpu.memory_space<hbm>>) target(%arg8 : memref<28640xf32, #tpu.memory_space<vmem>>) target_semaphore(%arg12 : memref<!tpu.dma_semaphore, #tpu.memory_space<semaphore_mem>>)
    %add3A_460 = arith.constant 3 : i32
    %add3A_461 = arith.addi %mul3A_2, %add3A_460 : i32
    %scan3A_462 = arith.constant 0 : i32
    %scan3A_463 = arith.constant 0 : i32
    %scan3A_464 = arith.constant 184 : i32
    %scan3A_465 = arith.addi %scan3A_463, %scan3A_464 : i32
    %scan3A_466 = arith.constant 8 : i32
    scf.for %scan3A_1118 = %scan3A_463 to %scan3A_465 step %scan3A_466  : i32 {
      %mul3A_1119 = arith.constant 128 : i32
      %mul3A_1120 = arith.muli %scan3A_1118, %mul3A_1119 : i32
      %mul3A_1121 = arith.constant 128 : i32
      %mul3A_1122 = arith.muli %scan3A_1118, %mul3A_1121 : i32
      %dma_start3A_1123 = tpu.memref_slice %arg10[%mul3A_1120] : memref<24448xf32, #tpu.memory_space<vmem>> -> memref<128xf32, #tpu.memory_space<vmem>>
      %dma_start3A_1124 = tpu.memref_slice %arg4[%add3A_461, %mul3A_1122] : memref<256x24420xf32, #tpu.memory_space<hbm>> -> memref<1x128xf32, #tpu.memory_space<hbm>>
      %dma_start3A_1125 = tpu.memref_squeeze %dma_start3A_1124 : memref<1x128xf32, #tpu.memory_space<hbm>> -> memref<128xf32, #tpu.memory_space<hbm>>
      %dma_start3A_1126 = tpu.memref_slice %arg4[%add3A_461, %mul3A_1122] : memref<256x24420xf32, #tpu.memory_space<hbm>> -> memref<1x128xf32, #tpu.memory_space<hbm>>
      %dma_start3A_1127 = tpu.memref_squeeze %dma_start3A_1126 : memref<1x128xf32, #tpu.memory_space<hbm>> -> memref<128xf32, #tpu.memory_space<hbm>>
      %dma_start3A_1128 = tpu.memref_slice %arg10[%mul3A_1120] : memref<24448xf32, #tpu.memory_space<vmem>> -> memref<128xf32, #tpu.memory_space<vmem>>
      tpu.enqueue_dma source(%dma_start3A_1128 : memref<128xf32, #tpu.memory_space<vmem>>) target(%dma_start3A_1127 : memref<128xf32, #tpu.memory_space<hbm>>) target_semaphore(%arg13 : memref<!tpu.dma_semaphore, #tpu.memory_space<semaphore_mem>>)
      %scan3A_1129 = arith.constant 1 : i32
      %scan3A_1130 = arith.addi %scan3A_1118, %scan3A_1129 : i32
      %mul3A_1131 = arith.constant 128 : i32
      %mul3A_1132 = arith.muli %scan3A_1130, %mul3A_1131 : i32
      %mul3A_1133 = arith.constant 128 : i32
      %mul3A_1134 = arith.muli %scan3A_1130, %mul3A_1133 : i32
      %dma_start3A_1135 = tpu.memref_slice %arg10[%mul3A_1132] : memref<24448xf32, #tpu.memory_space<vmem>> -> memref<128xf32, #tpu.memory_space<vmem>>
      %dma_start3A_1136 = tpu.memref_slice %arg4[%add3A_461, %mul3A_1134] : memref<256x24420xf32, #tpu.memory_space<hbm>> -> memref<1x128xf32, #tpu.memory_space<hbm>>
      %dma_start3A_1137 = tpu.memref_squeeze %dma_start3A_1136 : memref<1x128xf32, #tpu.memory_space<hbm>> -> memref<128xf32, #tpu.memory_space<hbm>>
      %dma_start3A_1138 = tpu.memref_slice %arg4[%add3A_461, %mul3A_1134] : memref<256x24420xf32, #tpu.memory_space<hbm>> -> memref<1x128xf32, #tpu.memory_space<hbm>>
      %dma_start3A_1139 = tpu.memref_squeeze %dma_start3A_1138 : memref<1x128xf32, #tpu.memory_space<hbm>> -> memref<128xf32, #tpu.memory_space<hbm>>
      %dma_start3A_1140 = tpu.memref_slice %arg10[%mul3A_1132] : memref<24448xf32, #tpu.memory_space<vmem>> -> memref<128xf32, #tpu.memory_space<vmem>>
      tpu.enqueue_dma source(%dma_start3A_1140 : memref<128xf32, #tpu.memory_space<vmem>>) target(%dma_start3A_1139 : memref<128xf32, #tpu.memory_space<hbm>>) target_semaphore(%arg13 : memref<!tpu.dma_semaphore, #tpu.memory_space<semaphore_mem>>)
      %scan3A_1141 = arith.constant 2 : i32
      %scan3A_1142 = arith.addi %scan3A_1118, %scan3A_1141 : i32
      %mul3A_1143 = arith.constant 128 : i32
      %mul3A_1144 = arith.muli %scan3A_1142, %mul3A_1143 : i32
      %mul3A_1145 = arith.constant 128 : i32
      %mul3A_1146 = arith.muli %scan3A_1142, %mul3A_1145 : i32
      %dma_start3A_1147 = tpu.memref_slice %arg10[%mul3A_1144] : memref<24448xf32, #tpu.memory_space<vmem>> -> memref<128xf32, #tpu.memory_space<vmem>>
      %dma_start3A_1148 = tpu.memref_slice %arg4[%add3A_461, %mul3A_1146] : memref<256x24420xf32, #tpu.memory_space<hbm>> -> memref<1x128xf32, #tpu.memory_space<hbm>>
      %dma_start3A_1149 = tpu.memref_squeeze %dma_start3A_1148 : memref<1x128xf32, #tpu.memory_space<hbm>> -> memref<128xf32, #tpu.memory_space<hbm>>
      %dma_start3A_1150 = tpu.memref_slice %arg4[%add3A_461, %mul3A_1146] : memref<256x24420xf32, #tpu.memory_space<hbm>> -> memref<1x128xf32, #tpu.memory_space<hbm>>
      %dma_start3A_1151 = tpu.memref_squeeze %dma_start3A_1150 : memref<1x128xf32, #tpu.memory_space<hbm>> -> memref<128xf32, #tpu.memory_space<hbm>>
      %dma_start3A_1152 = tpu.memref_slice %arg10[%mul3A_1144] : memref<24448xf32, #tpu.memory_space<vmem>> -> memref<128xf32, #tpu.memory_space<vmem>>
      tpu.enqueue_dma source(%dma_start3A_1152 : memref<128xf32, #tpu.memory_space<vmem>>) target(%dma_start3A_1151 : memref<128xf32, #tpu.memory_space<hbm>>) target_semaphore(%arg13 : memref<!tpu.dma_semaphore, #tpu.memory_space<semaphore_mem>>)
      %scan3A_1153 = arith.constant 3 : i32
      %scan3A_1154 = arith.addi %scan3A_1118, %scan3A_1153 : i32
      %mul3A_1155 = arith.constant 128 : i32
      %mul3A_1156 = arith.muli %scan3A_1154, %mul3A_1155 : i32
      %mul3A_1157 = arith.constant 128 : i32
      %mul3A_1158 = arith.muli %scan3A_1154, %mul3A_1157 : i32
      %dma_start3A_1159 = tpu.memref_slice %arg10[%mul3A_1156] : memref<24448xf32, #tpu.memory_space<vmem>> -> memref<128xf32, #tpu.memory_space<vmem>>
      %dma_start3A_1160 = tpu.memref_slice %arg4[%add3A_461, %mul3A_1158] : memref<256x24420xf32, #tpu.memory_space<hbm>> -> memref<1x128xf32, #tpu.memory_space<hbm>>
      %dma_start3A_1161 = tpu.memref_squeeze %dma_start3A_1160 : memref<1x128xf32, #tpu.memory_space<hbm>> -> memref<128xf32, #tpu.memory_space<hbm>>
      %dma_start3A_1162 = tpu.memref_slice %arg4[%add3A_461, %mul3A_1158] : memref<256x24420xf32, #tpu.memory_space<hbm>> -> memref<1x128xf32, #tpu.memory_space<hbm>>
      %dma_start3A_1163 = tpu.memref_squeeze %dma_start3A_1162 : memref<1x128xf32, #tpu.memory_space<hbm>> -> memref<128xf32, #tpu.memory_space<hbm>>
      %dma_start3A_1164 = tpu.memref_slice %arg10[%mul3A_1156] : memref<24448xf32, #tpu.memory_space<vmem>> -> memref<128xf32, #tpu.memory_space<vmem>>
      tpu.enqueue_dma source(%dma_start3A_1164 : memref<128xf32, #tpu.memory_space<vmem>>) target(%dma_start3A_1163 : memref<128xf32, #tpu.memory_space<hbm>>) target_semaphore(%arg13 : memref<!tpu.dma_semaphore, #tpu.memory_space<semaphore_mem>>)
      %scan3A_1165 = arith.constant 4 : i32
      %scan3A_1166 = arith.addi %scan3A_1118, %scan3A_1165 : i32
      %mul3A_1167 = arith.constant 128 : i32
      %mul3A_1168 = arith.muli %scan3A_1166, %mul3A_1167 : i32
      %mul3A_1169 = arith.constant 128 : i32
      %mul3A_1170 = arith.muli %scan3A_1166, %mul3A_1169 : i32
      %dma_start3A_1171 = tpu.memref_slice %arg10[%mul3A_1168] : memref<24448xf32, #tpu.memory_space<vmem>> -> memref<128xf32, #tpu.memory_space<vmem>>
      %dma_start3A_1172 = tpu.memref_slice %arg4[%add3A_461, %mul3A_1170] : memref<256x24420xf32, #tpu.memory_space<hbm>> -> memref<1x128xf32, #tpu.memory_space<hbm>>
      %dma_start3A_1173 = tpu.memref_squeeze %dma_start3A_1172 : memref<1x128xf32, #tpu.memory_space<hbm>> -> memref<128xf32, #tpu.memory_space<hbm>>
      %dma_start3A_1174 = tpu.memref_slice %arg4[%add3A_461, %mul3A_1170] : memref<256x24420xf32, #tpu.memory_space<hbm>> -> memref<1x128xf32, #tpu.memory_space<hbm>>
      %dma_start3A_1175 = tpu.memref_squeeze %dma_start3A_1174 : memref<1x128xf32, #tpu.memory_space<hbm>> -> memref<128xf32, #tpu.memory_space<hbm>>
      %dma_start3A_1176 = tpu.memref_slice %arg10[%mul3A_1168] : memref<24448xf32, #tpu.memory_space<vmem>> -> memref<128xf32, #tpu.memory_space<vmem>>
      tpu.enqueue_dma source(%dma_start3A_1176 : memref<128xf32, #tpu.memory_space<vmem>>) target(%dma_start3A_1175 : memref<128xf32, #tpu.memory_space<hbm>>) target_semaphore(%arg13 : memref<!tpu.dma_semaphore, #tpu.memory_space<semaphore_mem>>)
      %scan3A_1177 = arith.constant 5 : i32
      %scan3A_1178 = arith.addi %scan3A_1118, %scan3A_1177 : i32
      %mul3A_1179 = arith.constant 128 : i32
      %mul3A_1180 = arith.muli %scan3A_1178, %mul3A_1179 : i32
      %mul3A_1181 = arith.constant 128 : i32
      %mul3A_1182 = arith.muli %scan3A_1178, %mul3A_1181 : i32
      %dma_start3A_1183 = tpu.memref_slice %arg10[%mul3A_1180] : memref<24448xf32, #tpu.memory_space<vmem>> -> memref<128xf32, #tpu.memory_space<vmem>>
      %dma_start3A_1184 = tpu.memref_slice %arg4[%add3A_461, %mul3A_1182] : memref<256x24420xf32, #tpu.memory_space<hbm>> -> memref<1x128xf32, #tpu.memory_space<hbm>>
      %dma_start3A_1185 = tpu.memref_squeeze %dma_start3A_1184 : memref<1x128xf32, #tpu.memory_space<hbm>> -> memref<128xf32, #tpu.memory_space<hbm>>
      %dma_start3A_1186 = tpu.memref_slice %arg4[%add3A_461, %mul3A_1182] : memref<256x24420xf32, #tpu.memory_space<hbm>> -> memref<1x128xf32, #tpu.memory_space<hbm>>
      %dma_start3A_1187 = tpu.memref_squeeze %dma_start3A_1186 : memref<1x128xf32, #tpu.memory_space<hbm>> -> memref<128xf32, #tpu.memory_space<hbm>>
      %dma_start3A_1188 = tpu.memref_slice %arg10[%mul3A_1180] : memref<24448xf32, #tpu.memory_space<vmem>> -> memref<128xf32, #tpu.memory_space<vmem>>
      tpu.enqueue_dma source(%dma_start3A_1188 : memref<128xf32, #tpu.memory_space<vmem>>) target(%dma_start3A_1187 : memref<128xf32, #tpu.memory_space<hbm>>) target_semaphore(%arg13 : memref<!tpu.dma_semaphore, #tpu.memory_space<semaphore_mem>>)
      %scan3A_1189 = arith.constant 6 : i32
      %scan3A_1190 = arith.addi %scan3A_1118, %scan3A_1189 : i32
      %mul3A_1191 = arith.constant 128 : i32
      %mul3A_1192 = arith.muli %scan3A_1190, %mul3A_1191 : i32
      %mul3A_1193 = arith.constant 128 : i32
      %mul3A_1194 = arith.muli %scan3A_1190, %mul3A_1193 : i32
      %dma_start3A_1195 = tpu.memref_slice %arg10[%mul3A_1192] : memref<24448xf32, #tpu.memory_space<vmem>> -> memref<128xf32, #tpu.memory_space<vmem>>
      %dma_start3A_1196 = tpu.memref_slice %arg4[%add3A_461, %mul3A_1194] : memref<256x24420xf32, #tpu.memory_space<hbm>> -> memref<1x128xf32, #tpu.memory_space<hbm>>
      %dma_start3A_1197 = tpu.memref_squeeze %dma_start3A_1196 : memref<1x128xf32, #tpu.memory_space<hbm>> -> memref<128xf32, #tpu.memory_space<hbm>>
      %dma_start3A_1198 = tpu.memref_slice %arg4[%add3A_461, %mul3A_1194] : memref<256x24420xf32, #tpu.memory_space<hbm>> -> memref<1x128xf32, #tpu.memory_space<hbm>>
      %dma_start3A_1199 = tpu.memref_squeeze %dma_start3A_1198 : memref<1x128xf32, #tpu.memory_space<hbm>> -> memref<128xf32, #tpu.memory_space<hbm>>
      %dma_start3A_1200 = tpu.memref_slice %arg10[%mul3A_1192] : memref<24448xf32, #tpu.memory_space<vmem>> -> memref<128xf32, #tpu.memory_space<vmem>>
      tpu.enqueue_dma source(%dma_start3A_1200 : memref<128xf32, #tpu.memory_space<vmem>>) target(%dma_start3A_1199 : memref<128xf32, #tpu.memory_space<hbm>>) target_semaphore(%arg13 : memref<!tpu.dma_semaphore, #tpu.memory_space<semaphore_mem>>)
      %scan3A_1201 = arith.constant 7 : i32
      %scan3A_1202 = arith.addi %scan3A_1118, %scan3A_1201 : i32
      %mul3A_1203 = arith.constant 128 : i32
      %mul3A_1204 = arith.muli %scan3A_1202, %mul3A_1203 : i32
      %mul3A_1205 = arith.constant 128 : i32
      %mul3A_1206 = arith.muli %scan3A_1202, %mul3A_1205 : i32
      %dma_start3A_1207 = tpu.memref_slice %arg10[%mul3A_1204] : memref<24448xf32, #tpu.memory_space<vmem>> -> memref<128xf32, #tpu.memory_space<vmem>>
      %dma_start3A_1208 = tpu.memref_slice %arg4[%add3A_461, %mul3A_1206] : memref<256x24420xf32, #tpu.memory_space<hbm>> -> memref<1x128xf32, #tpu.memory_space<hbm>>
      %dma_start3A_1209 = tpu.memref_squeeze %dma_start3A_1208 : memref<1x128xf32, #tpu.memory_space<hbm>> -> memref<128xf32, #tpu.memory_space<hbm>>
      %dma_start3A_1210 = tpu.memref_slice %arg4[%add3A_461, %mul3A_1206] : memref<256x24420xf32, #tpu.memory_space<hbm>> -> memref<1x128xf32, #tpu.memory_space<hbm>>
      %dma_start3A_1211 = tpu.memref_squeeze %dma_start3A_1210 : memref<1x128xf32, #tpu.memory_space<hbm>> -> memref<128xf32, #tpu.memory_space<hbm>>
      %dma_start3A_1212 = tpu.memref_slice %arg10[%mul3A_1204] : memref<24448xf32, #tpu.memory_space<vmem>> -> memref<128xf32, #tpu.memory_space<vmem>>
      tpu.enqueue_dma source(%dma_start3A_1212 : memref<128xf32, #tpu.memory_space<vmem>>) target(%dma_start3A_1211 : memref<128xf32, #tpu.memory_space<hbm>>) target_semaphore(%arg13 : memref<!tpu.dma_semaphore, #tpu.memory_space<semaphore_mem>>)
    }
    %scan3A_467 = arith.constant 184 : i32
    %scan3A_468 = arith.addi %scan3A_463, %scan3A_467 : i32
    %mul3A_469 = arith.constant 128 : i32
    %mul3A_470 = arith.muli %scan3A_468, %mul3A_469 : i32
    %mul3A_471 = arith.constant 128 : i32
    %mul3A_472 = arith.muli %scan3A_468, %mul3A_471 : i32
    %dma_start3A_473 = tpu.memref_slice %arg10[%mul3A_470] : memref<24448xf32, #tpu.memory_space<vmem>> -> memref<128xf32, #tpu.memory_space<vmem>>
    %dma_start3A_474 = tpu.memref_slice %arg4[%add3A_461, %mul3A_472] : memref<256x24420xf32, #tpu.memory_space<hbm>> -> memref<1x128xf32, #tpu.memory_space<hbm>>
    %dma_start3A_475 = tpu.memref_squeeze %dma_start3A_474 : memref<1x128xf32, #tpu.memory_space<hbm>> -> memref<128xf32, #tpu.memory_space<hbm>>
    %dma_start3A_476 = tpu.memref_slice %arg4[%add3A_461, %mul3A_472] : memref<256x24420xf32, #tpu.memory_space<hbm>> -> memref<1x128xf32, #tpu.memory_space<hbm>>
    %dma_start3A_477 = tpu.memref_squeeze %dma_start3A_476 : memref<1x128xf32, #tpu.memory_space<hbm>> -> memref<128xf32, #tpu.memory_space<hbm>>
    %dma_start3A_478 = tpu.memref_slice %arg10[%mul3A_470] : memref<24448xf32, #tpu.memory_space<vmem>> -> memref<128xf32, #tpu.memory_space<vmem>>
    tpu.enqueue_dma source(%dma_start3A_478 : memref<128xf32, #tpu.memory_space<vmem>>) target(%dma_start3A_477 : memref<128xf32, #tpu.memory_space<hbm>>) target_semaphore(%arg13 : memref<!tpu.dma_semaphore, #tpu.memory_space<semaphore_mem>>)
    %scan3A_479 = arith.constant 185 : i32
    %scan3A_480 = arith.addi %scan3A_463, %scan3A_479 : i32
    %mul3A_481 = arith.constant 128 : i32
    %mul3A_482 = arith.muli %scan3A_480, %mul3A_481 : i32
    %mul3A_483 = arith.constant 128 : i32
    %mul3A_484 = arith.muli %scan3A_480, %mul3A_483 : i32
    %dma_start3A_485 = tpu.memref_slice %arg10[%mul3A_482] : memref<24448xf32, #tpu.memory_space<vmem>> -> memref<128xf32, #tpu.memory_space<vmem>>
    %dma_start3A_486 = tpu.memref_slice %arg4[%add3A_461, %mul3A_484] : memref<256x24420xf32, #tpu.memory_space<hbm>> -> memref<1x128xf32, #tpu.memory_space<hbm>>
    %dma_start3A_487 = tpu.memref_squeeze %dma_start3A_486 : memref<1x128xf32, #tpu.memory_space<hbm>> -> memref<128xf32, #tpu.memory_space<hbm>>
    %dma_start3A_488 = tpu.memref_slice %arg4[%add3A_461, %mul3A_484] : memref<256x24420xf32, #tpu.memory_space<hbm>> -> memref<1x128xf32, #tpu.memory_space<hbm>>
    %dma_start3A_489 = tpu.memref_squeeze %dma_start3A_488 : memref<1x128xf32, #tpu.memory_space<hbm>> -> memref<128xf32, #tpu.memory_space<hbm>>
    %dma_start3A_490 = tpu.memref_slice %arg10[%mul3A_482] : memref<24448xf32, #tpu.memory_space<vmem>> -> memref<128xf32, #tpu.memory_space<vmem>>
    tpu.enqueue_dma source(%dma_start3A_490 : memref<128xf32, #tpu.memory_space<vmem>>) target(%dma_start3A_489 : memref<128xf32, #tpu.memory_space<hbm>>) target_semaphore(%arg13 : memref<!tpu.dma_semaphore, #tpu.memory_space<semaphore_mem>>)
    %scan3A_491 = arith.constant 186 : i32
    %scan3A_492 = arith.addi %scan3A_463, %scan3A_491 : i32
    %mul3A_493 = arith.constant 128 : i32
    %mul3A_494 = arith.muli %scan3A_492, %mul3A_493 : i32
    %mul3A_495 = arith.constant 128 : i32
    %mul3A_496 = arith.muli %scan3A_492, %mul3A_495 : i32
    %dma_start3A_497 = tpu.memref_slice %arg10[%mul3A_494] : memref<24448xf32, #tpu.memory_space<vmem>> -> memref<128xf32, #tpu.memory_space<vmem>>
    %dma_start3A_498 = tpu.memref_slice %arg4[%add3A_461, %mul3A_496] : memref<256x24420xf32, #tpu.memory_space<hbm>> -> memref<1x128xf32, #tpu.memory_space<hbm>>
    %dma_start3A_499 = tpu.memref_squeeze %dma_start3A_498 : memref<1x128xf32, #tpu.memory_space<hbm>> -> memref<128xf32, #tpu.memory_space<hbm>>
    %dma_start3A_500 = tpu.memref_slice %arg4[%add3A_461, %mul3A_496] : memref<256x24420xf32, #tpu.memory_space<hbm>> -> memref<1x128xf32, #tpu.memory_space<hbm>>
    %dma_start3A_501 = tpu.memref_squeeze %dma_start3A_500 : memref<1x128xf32, #tpu.memory_space<hbm>> -> memref<128xf32, #tpu.memory_space<hbm>>
    %dma_start3A_502 = tpu.memref_slice %arg10[%mul3A_494] : memref<24448xf32, #tpu.memory_space<vmem>> -> memref<128xf32, #tpu.memory_space<vmem>>
    tpu.enqueue_dma source(%dma_start3A_502 : memref<128xf32, #tpu.memory_space<vmem>>) target(%dma_start3A_501 : memref<128xf32, #tpu.memory_space<hbm>>) target_semaphore(%arg13 : memref<!tpu.dma_semaphore, #tpu.memory_space<semaphore_mem>>)
    %scan3A_503 = arith.constant 187 : i32
    %scan3A_504 = arith.addi %scan3A_463, %scan3A_503 : i32
    %mul3A_505 = arith.constant 128 : i32
    %mul3A_506 = arith.muli %scan3A_504, %mul3A_505 : i32
    %mul3A_507 = arith.constant 128 : i32
    %mul3A_508 = arith.muli %scan3A_504, %mul3A_507 : i32
    %dma_start3A_509 = tpu.memref_slice %arg10[%mul3A_506] : memref<24448xf32, #tpu.memory_space<vmem>> -> memref<128xf32, #tpu.memory_space<vmem>>
    %dma_start3A_510 = tpu.memref_slice %arg4[%add3A_461, %mul3A_508] : memref<256x24420xf32, #tpu.memory_space<hbm>> -> memref<1x128xf32, #tpu.memory_space<hbm>>
    %dma_start3A_511 = tpu.memref_squeeze %dma_start3A_510 : memref<1x128xf32, #tpu.memory_space<hbm>> -> memref<128xf32, #tpu.memory_space<hbm>>
    %dma_start3A_512 = tpu.memref_slice %arg4[%add3A_461, %mul3A_508] : memref<256x24420xf32, #tpu.memory_space<hbm>> -> memref<1x128xf32, #tpu.memory_space<hbm>>
    %dma_start3A_513 = tpu.memref_squeeze %dma_start3A_512 : memref<1x128xf32, #tpu.memory_space<hbm>> -> memref<128xf32, #tpu.memory_space<hbm>>
    %dma_start3A_514 = tpu.memref_slice %arg10[%mul3A_506] : memref<24448xf32, #tpu.memory_space<vmem>> -> memref<128xf32, #tpu.memory_space<vmem>>
    tpu.enqueue_dma source(%dma_start3A_514 : memref<128xf32, #tpu.memory_space<vmem>>) target(%dma_start3A_513 : memref<128xf32, #tpu.memory_space<hbm>>) target_semaphore(%arg13 : memref<!tpu.dma_semaphore, #tpu.memory_space<semaphore_mem>>)
    %scan3A_515 = arith.constant 188 : i32
    %scan3A_516 = arith.addi %scan3A_463, %scan3A_515 : i32
    %mul3A_517 = arith.constant 128 : i32
    %mul3A_518 = arith.muli %scan3A_516, %mul3A_517 : i32
    %mul3A_519 = arith.constant 128 : i32
    %mul3A_520 = arith.muli %scan3A_516, %mul3A_519 : i32
    %dma_start3A_521 = tpu.memref_slice %arg10[%mul3A_518] : memref<24448xf32, #tpu.memory_space<vmem>> -> memref<128xf32, #tpu.memory_space<vmem>>
    %dma_start3A_522 = tpu.memref_slice %arg4[%add3A_461, %mul3A_520] : memref<256x24420xf32, #tpu.memory_space<hbm>> -> memref<1x128xf32, #tpu.memory_space<hbm>>
    %dma_start3A_523 = tpu.memref_squeeze %dma_start3A_522 : memref<1x128xf32, #tpu.memory_space<hbm>> -> memref<128xf32, #tpu.memory_space<hbm>>
    %dma_start3A_524 = tpu.memref_slice %arg4[%add3A_461, %mul3A_520] : memref<256x24420xf32, #tpu.memory_space<hbm>> -> memref<1x128xf32, #tpu.memory_space<hbm>>
    %dma_start3A_525 = tpu.memref_squeeze %dma_start3A_524 : memref<1x128xf32, #tpu.memory_space<hbm>> -> memref<128xf32, #tpu.memory_space<hbm>>
    %dma_start3A_526 = tpu.memref_slice %arg10[%mul3A_518] : memref<24448xf32, #tpu.memory_space<vmem>> -> memref<128xf32, #tpu.memory_space<vmem>>
    tpu.enqueue_dma source(%dma_start3A_526 : memref<128xf32, #tpu.memory_space<vmem>>) target(%dma_start3A_525 : memref<128xf32, #tpu.memory_space<hbm>>) target_semaphore(%arg13 : memref<!tpu.dma_semaphore, #tpu.memory_space<semaphore_mem>>)
    %scan3A_527 = arith.constant 189 : i32
    %scan3A_528 = arith.addi %scan3A_463, %scan3A_527 : i32
    %mul3A_529 = arith.constant 128 : i32
    %mul3A_530 = arith.muli %scan3A_528, %mul3A_529 : i32
    %mul3A_531 = arith.constant 128 : i32
    %mul3A_532 = arith.muli %scan3A_528, %mul3A_531 : i32
    %dma_start3A_533 = tpu.memref_slice %arg10[%mul3A_530] : memref<24448xf32, #tpu.memory_space<vmem>> -> memref<128xf32, #tpu.memory_space<vmem>>
    %dma_start3A_534 = tpu.memref_slice %arg4[%add3A_461, %mul3A_532] : memref<256x24420xf32, #tpu.memory_space<hbm>> -> memref<1x128xf32, #tpu.memory_space<hbm>>
    %dma_start3A_535 = tpu.memref_squeeze %dma_start3A_534 : memref<1x128xf32, #tpu.memory_space<hbm>> -> memref<128xf32, #tpu.memory_space<hbm>>
    %dma_start3A_536 = tpu.memref_slice %arg4[%add3A_461, %mul3A_532] : memref<256x24420xf32, #tpu.memory_space<hbm>> -> memref<1x128xf32, #tpu.memory_space<hbm>>
    %dma_start3A_537 = tpu.memref_squeeze %dma_start3A_536 : memref<1x128xf32, #tpu.memory_space<hbm>> -> memref<128xf32, #tpu.memory_space<hbm>>
    %dma_start3A_538 = tpu.memref_slice %arg10[%mul3A_530] : memref<24448xf32, #tpu.memory_space<vmem>> -> memref<128xf32, #tpu.memory_space<vmem>>
    tpu.enqueue_dma source(%dma_start3A_538 : memref<128xf32, #tpu.memory_space<vmem>>) target(%dma_start3A_537 : memref<128xf32, #tpu.memory_space<hbm>>) target_semaphore(%arg13 : memref<!tpu.dma_semaphore, #tpu.memory_space<semaphore_mem>>)
    %scan3A_539 = arith.constant 190 : i32
    %dma_start3A_540 = arith.constant 24320 : i32
    %dma_start3A_541 = tpu.memref_slice %arg10[%dma_start3A_540] : memref<24448xf32, #tpu.memory_space<vmem>> -> memref<128xf32, #tpu.memory_space<vmem>>
    %dma_start3A_542 = arith.constant 0 : i32
    %dma_start3A_543 = tpu.memref_slice %arg5[%add3A_461, %dma_start3A_542] : memref<256x128xf32, #tpu.memory_space<hbm>> -> memref<1x128xf32, #tpu.memory_space<hbm>>
    %dma_start3A_544 = tpu.memref_squeeze %dma_start3A_543 : memref<1x128xf32, #tpu.memory_space<hbm>> -> memref<128xf32, #tpu.memory_space<hbm>>
    %dma_start3A_545 = arith.constant 0 : i32
    %dma_start3A_546 = tpu.memref_slice %arg5[%add3A_461, %dma_start3A_545] : memref<256x128xf32, #tpu.memory_space<hbm>> -> memref<1x128xf32, #tpu.memory_space<hbm>>
    %dma_start3A_547 = tpu.memref_squeeze %dma_start3A_546 : memref<1x128xf32, #tpu.memory_space<hbm>> -> memref<128xf32, #tpu.memory_space<hbm>>
    %dma_start3A_548 = arith.constant 24320 : i32
    %dma_start3A_549 = tpu.memref_slice %arg10[%dma_start3A_548] : memref<24448xf32, #tpu.memory_space<vmem>> -> memref<128xf32, #tpu.memory_space<vmem>>
    tpu.enqueue_dma source(%dma_start3A_549 : memref<128xf32, #tpu.memory_space<vmem>>) target(%dma_start3A_547 : memref<128xf32, #tpu.memory_space<hbm>>) target_semaphore(%arg13 : memref<!tpu.dma_semaphore, #tpu.memory_space<semaphore_mem>>)
    %add3A_550 = arith.constant 4 : i32
    %add3A_551 = arith.addi %mul3A_2, %add3A_550 : i32
    %mul3A_552 = arith.constant 57344 : i32
    %mul3A_553 = arith.muli %add3A_551, %mul3A_552 : i32
    %add3A_554 = arith.constant 256 : i32
    %add3A_555 = arith.addi %mul3A_553, %add3A_554 : i32
    %dma_wait3A_556 = tpu.memref_slice %arg2[%add3A_555] : memref<14680064xf32, #tpu.memory_space<hbm>> -> memref<28128xf32, #tpu.memory_space<hbm>>
    %dma_wait3A_557 = tpu.memref_slice %arg2[%add3A_555] : memref<14680064xf32, #tpu.memory_space<hbm>> -> memref<28128xf32, #tpu.memory_space<hbm>>
    tpu.wait_dma2 semaphore(%arg11 : memref<!tpu.dma_semaphore, #tpu.memory_space<semaphore_mem>>) src(%dma_wait3A_557 : memref<28128xf32, #tpu.memory_space<hbm>>) dst(%arg7 : memref<28128xf32, #tpu.memory_space<vmem>>)
    %add3A_558 = arith.constant 4 : i32
    %add3A_559 = arith.addi %mul3A_2, %add3A_558 : i32
    %sub3A_560 = arith.constant 2 : i32
    %sub3A_561 = arith.subi %add3A_559, %sub3A_560 : i32
    %dma_wait3A_562 = arith.constant 0 : i32
    %dma_wait3A_563 = tpu.memref_slice %arg9[%dma_wait3A_562] : memref<24448xf32, #tpu.memory_space<vmem>> -> memref<24448xf32, #tpu.memory_space<vmem>>
    %dma_wait3A_564 = arith.constant 0 : i32
    %dma_wait3A_565 = tpu.memref_slice %arg2[%dma_wait3A_564] : memref<14680064xf32, #tpu.memory_space<hbm>> -> memref<24448xf32, #tpu.memory_space<hbm>>
    %dma_wait3A_566 = arith.constant 0 : i32
    %dma_wait3A_567 = tpu.memref_slice %arg2[%dma_wait3A_566] : memref<14680064xf32, #tpu.memory_space<hbm>> -> memref<24448xf32, #tpu.memory_space<hbm>>
    %dma_wait3A_568 = arith.constant 0 : i32
    %dma_wait3A_569 = tpu.memref_slice %arg9[%dma_wait3A_568] : memref<24448xf32, #tpu.memory_space<vmem>> -> memref<24448xf32, #tpu.memory_space<vmem>>
    tpu.wait_dma2 semaphore(%arg13 : memref<!tpu.dma_semaphore, #tpu.memory_space<semaphore_mem>>) src(%dma_wait3A_569 : memref<24448xf32, #tpu.memory_space<vmem>>) dst(%dma_wait3A_567 : memref<24448xf32, #tpu.memory_space<hbm>>)
    %parallel_loop3A_570 = arith.constant 0 : i32
    %parallel_loop3A_571 = arith.constant 379 : i32
    %parallel_loop3A_572 = arith.constant 1 : i32
    scf.for %parallel_loop3A_1118 = %parallel_loop3A_570 to %parallel_loop3A_571 step %parallel_loop3A_572  : i32 {
      %parallel_loop3A_1119 = arith.constant 16 : i32
      %parallel_loop3A_1120 = arith.muli %parallel_loop3A_1118, %parallel_loop3A_1119 : i32
      %parallel_loop3A_1121 = arith.index_cast %parallel_loop3A_1120 : i32 to index
      %parallel_loop3A_1122 = tpu.vector_load %arg6[%parallel_loop3A_1121] {strides = array<i32>} : memref<12224xi32, #tpu.memory_space<vmem>>, vector<16xi32>,
      %parallel_loop3A_1123 = arith.constant 65535 : i32
      %parallel_loop3A_1124 = vector.broadcast %parallel_loop3A_1123 : i32 to vector<16xi32>
      %parallel_loop3A_1125 = arith.andi %parallel_loop3A_1122, %parallel_loop3A_1124 : vector<16xi32>
      %parallel_loop3A_1126 = arith.constant 16 : i32
      %parallel_loop3A_1127 = vector.broadcast %parallel_loop3A_1126 : i32 to vector<16xi32>
      %parallel_loop3A_1128 = arith.shrui %parallel_loop3A_1122, %parallel_loop3A_1127 : vector<16xi32>
      %parallel_loop3A_1129 = tpu.vector_load_idx %arg7[%parallel_loop3A_1125] : memref<28128xf32, #tpu.memory_space<vmem>>[vector<16xi32>], vector<16xf32>,
      %parallel_loop3A_1130 = arith.constant 32 : i32
      %parallel_loop3A_1131 = arith.muli %parallel_loop3A_1118, %parallel_loop3A_1130 : i32
      %parallel_loop3A_1132 = arith.index_cast %parallel_loop3A_1131 : i32 to index
      %parallel_loop3A_1133 = tpu.vector_load %arg9[%parallel_loop3A_1132] {strides = array<i32>} : memref<24448xf32, #tpu.memory_space<vmem>>, vector<16xf32>,
      tpu.vector_store %arg9[%parallel_loop3A_1132], %parallel_loop3A_1129 {strides = array<i32>} : memref<24448xf32, #tpu.memory_space<vmem>>, vector<16xf32>,
      %parallel_loop3A_1134 = tpu.vector_load_idx %arg7[%parallel_loop3A_1128] : memref<28128xf32, #tpu.memory_space<vmem>>[vector<16xi32>], vector<16xf32>,
      %parallel_loop3A_1135 = arith.constant 32 : i32
      %parallel_loop3A_1136 = arith.muli %parallel_loop3A_1118, %parallel_loop3A_1135 : i32
      %parallel_loop3A_1137 = arith.constant 16 : i32
      %parallel_loop3A_1138 = arith.addi %parallel_loop3A_1136, %parallel_loop3A_1137 : i32
      %parallel_loop3A_1139 = arith.index_cast %parallel_loop3A_1138 : i32 to index
      %parallel_loop3A_1140 = tpu.vector_load %arg9[%parallel_loop3A_1139] {strides = array<i32>} : memref<24448xf32, #tpu.memory_space<vmem>>, vector<16xf32>,
      tpu.vector_store %arg9[%parallel_loop3A_1139], %parallel_loop3A_1134 {strides = array<i32>} : memref<24448xf32, #tpu.memory_space<vmem>>, vector<16xf32>,
    } {sc.loop_unroll_factor = 8 : i64, sc.parallel_access}
    %add3A_573 = arith.constant 5 : i32
    %add3A_574 = arith.addi %mul3A_2, %add3A_573 : i32
    %mul3A_575 = arith.constant 57344 : i32
    %mul3A_576 = arith.muli %add3A_574, %mul3A_575 : i32
    %add3A_577 = arith.constant 256 : i32
    %add3A_578 = arith.addi %mul3A_576, %add3A_577 : i32
    %dma_start3A_579 = tpu.memref_slice %arg2[%add3A_578] : memref<14680064xf32, #tpu.memory_space<hbm>> -> memref<28128xf32, #tpu.memory_space<hbm>>
    %dma_start3A_580 = tpu.memref_slice %arg2[%add3A_578] : memref<14680064xf32, #tpu.memory_space<hbm>> -> memref<28128xf32, #tpu.memory_space<hbm>>
    tpu.enqueue_dma source(%dma_start3A_580 : memref<28128xf32, #tpu.memory_space<hbm>>) target(%arg7 : memref<28128xf32, #tpu.memory_space<vmem>>) target_semaphore(%arg11 : memref<!tpu.dma_semaphore, #tpu.memory_space<semaphore_mem>>)
    %add3A_581 = arith.constant 4 : i32
    %add3A_582 = arith.addi %mul3A_2, %add3A_581 : i32
    %mul3A_583 = arith.constant 57344 : i32
    %mul3A_584 = arith.muli %add3A_582, %mul3A_583 : i32
    %add3A_585 = arith.constant 28160 : i32
    %add3A_586 = arith.addi %mul3A_584, %add3A_585 : i32
    %dma_wait3A_587 = tpu.memref_slice %arg2[%add3A_586] : memref<14680064xf32, #tpu.memory_space<hbm>> -> memref<28640xf32, #tpu.memory_space<hbm>>
    %dma_wait3A_588 = tpu.memref_slice %arg2[%add3A_586] : memref<14680064xf32, #tpu.memory_space<hbm>> -> memref<28640xf32, #tpu.memory_space<hbm>>
    tpu.wait_dma2 semaphore(%arg12 : memref<!tpu.dma_semaphore, #tpu.memory_space<semaphore_mem>>) src(%dma_wait3A_588 : memref<28640xf32, #tpu.memory_space<hbm>>) dst(%arg8 : memref<28640xf32, #tpu.memory_space<vmem>>)
    %parallel_loop3A_589 = arith.constant 379 : i32
    %parallel_loop3A_590 = arith.constant 764 : i32
    %parallel_loop3A_591 = arith.constant 1 : i32
    scf.for %parallel_loop3A_1118 = %parallel_loop3A_589 to %parallel_loop3A_590 step %parallel_loop3A_591  : i32 {
      %parallel_loop3A_1119 = arith.constant 16 : i32
      %parallel_loop3A_1120 = arith.muli %parallel_loop3A_1118, %parallel_loop3A_1119 : i32
      %parallel_loop3A_1121 = arith.index_cast %parallel_loop3A_1120 : i32 to index
      %parallel_loop3A_1122 = tpu.vector_load %arg6[%parallel_loop3A_1121] {strides = array<i32>} : memref<12224xi32, #tpu.memory_space<vmem>>, vector<16xi32>,
      %parallel_loop3A_1123 = arith.constant 65535 : i32
      %parallel_loop3A_1124 = vector.broadcast %parallel_loop3A_1123 : i32 to vector<16xi32>
      %parallel_loop3A_1125 = arith.andi %parallel_loop3A_1122, %parallel_loop3A_1124 : vector<16xi32>
      %parallel_loop3A_1126 = arith.constant 16 : i32
      %parallel_loop3A_1127 = vector.broadcast %parallel_loop3A_1126 : i32 to vector<16xi32>
      %parallel_loop3A_1128 = arith.shrui %parallel_loop3A_1122, %parallel_loop3A_1127 : vector<16xi32>
      %parallel_loop3A_1129 = tpu.vector_load_idx %arg8[%parallel_loop3A_1125] : memref<28640xf32, #tpu.memory_space<vmem>>[vector<16xi32>], vector<16xf32>,
      %parallel_loop3A_1130 = arith.constant 32 : i32
      %parallel_loop3A_1131 = arith.muli %parallel_loop3A_1118, %parallel_loop3A_1130 : i32
      %parallel_loop3A_1132 = arith.index_cast %parallel_loop3A_1131 : i32 to index
      %parallel_loop3A_1133 = tpu.vector_load %arg9[%parallel_loop3A_1132] {strides = array<i32>} : memref<24448xf32, #tpu.memory_space<vmem>>, vector<16xf32>,
      tpu.vector_store %arg9[%parallel_loop3A_1132], %parallel_loop3A_1129 {strides = array<i32>} : memref<24448xf32, #tpu.memory_space<vmem>>, vector<16xf32>,
      %parallel_loop3A_1134 = tpu.vector_load_idx %arg8[%parallel_loop3A_1128] : memref<28640xf32, #tpu.memory_space<vmem>>[vector<16xi32>], vector<16xf32>,
      %parallel_loop3A_1135 = arith.constant 32 : i32
      %parallel_loop3A_1136 = arith.muli %parallel_loop3A_1118, %parallel_loop3A_1135 : i32
      %parallel_loop3A_1137 = arith.constant 16 : i32
      %parallel_loop3A_1138 = arith.addi %parallel_loop3A_1136, %parallel_loop3A_1137 : i32
      %parallel_loop3A_1139 = arith.index_cast %parallel_loop3A_1138 : i32 to index
      %parallel_loop3A_1140 = tpu.vector_load %arg9[%parallel_loop3A_1139] {strides = array<i32>} : memref<24448xf32, #tpu.memory_space<vmem>>, vector<16xf32>,
      tpu.vector_store %arg9[%parallel_loop3A_1139], %parallel_loop3A_1134 {strides = array<i32>} : memref<24448xf32, #tpu.memory_space<vmem>>, vector<16xf32>,
    } {sc.loop_unroll_factor = 8 : i64, sc.parallel_access}
    %add3A_592 = arith.constant 5 : i32
    %add3A_593 = arith.addi %mul3A_2, %add3A_592 : i32
    %mul3A_594 = arith.constant 57344 : i32
    %mul3A_595 = arith.muli %add3A_593, %mul3A_594 : i32
    %add3A_596 = arith.constant 28160 : i32
    %add3A_597 = arith.addi %mul3A_595, %add3A_596 : i32
    %dma_start3A_598 = tpu.memref_slice %arg2[%add3A_597] : memref<14680064xf32, #tpu.memory_space<hbm>> -> memref<28640xf32, #tpu.memory_space<hbm>>
    %dma_start3A_599 = tpu.memref_slice %arg2[%add3A_597] : memref<14680064xf32, #tpu.memory_space<hbm>> -> memref<28640xf32, #tpu.memory_space<hbm>>
    tpu.enqueue_dma source(%dma_start3A_599 : memref<28640xf32, #tpu.memory_space<hbm>>) target(%arg8 : memref<28640xf32, #tpu.memory_space<vmem>>) target_semaphore(%arg12 : memref<!tpu.dma_semaphore, #tpu.memory_space<semaphore_mem>>)
    %add3A_600 = arith.constant 4 : i32
    %add3A_601 = arith.addi %mul3A_2, %add3A_600 : i32
    %scan3A_602 = arith.constant 0 : i32
    %scan3A_603 = arith.constant 0 : i32
    %scan3A_604 = arith.constant 184 : i32
    %scan3A_605 = arith.addi %scan3A_603, %scan3A_604 : i32
    %scan3A_606 = arith.constant 8 : i32
    scf.for %scan3A_1118 = %scan3A_603 to %scan3A_605 step %scan3A_606  : i32 {
      %mul3A_1119 = arith.constant 128 : i32
      %mul3A_1120 = arith.muli %scan3A_1118, %mul3A_1119 : i32
      %mul3A_1121 = arith.constant 128 : i32
      %mul3A_1122 = arith.muli %scan3A_1118, %mul3A_1121 : i32
      %dma_start3A_1123 = tpu.memref_slice %arg9[%mul3A_1120] : memref<24448xf32, #tpu.memory_space<vmem>> -> memref<128xf32, #tpu.memory_space<vmem>>
      %dma_start3A_1124 = tpu.memref_slice %arg4[%add3A_601, %mul3A_1122] : memref<256x24420xf32, #tpu.memory_space<hbm>> -> memref<1x128xf32, #tpu.memory_space<hbm>>
      %dma_start3A_1125 = tpu.memref_squeeze %dma_start3A_1124 : memref<1x128xf32, #tpu.memory_space<hbm>> -> memref<128xf32, #tpu.memory_space<hbm>>
      %dma_start3A_1126 = tpu.memref_slice %arg4[%add3A_601, %mul3A_1122] : memref<256x24420xf32, #tpu.memory_space<hbm>> -> memref<1x128xf32, #tpu.memory_space<hbm>>
      %dma_start3A_1127 = tpu.memref_squeeze %dma_start3A_1126 : memref<1x128xf32, #tpu.memory_space<hbm>> -> memref<128xf32, #tpu.memory_space<hbm>>
      %dma_start3A_1128 = tpu.memref_slice %arg9[%mul3A_1120] : memref<24448xf32, #tpu.memory_space<vmem>> -> memref<128xf32, #tpu.memory_space<vmem>>
      tpu.enqueue_dma source(%dma_start3A_1128 : memref<128xf32, #tpu.memory_space<vmem>>) target(%dma_start3A_1127 : memref<128xf32, #tpu.memory_space<hbm>>) target_semaphore(%arg13 : memref<!tpu.dma_semaphore, #tpu.memory_space<semaphore_mem>>)
      %scan3A_1129 = arith.constant 1 : i32
      %scan3A_1130 = arith.addi %scan3A_1118, %scan3A_1129 : i32
      %mul3A_1131 = arith.constant 128 : i32
      %mul3A_1132 = arith.muli %scan3A_1130, %mul3A_1131 : i32
      %mul3A_1133 = arith.constant 128 : i32
      %mul3A_1134 = arith.muli %scan3A_1130, %mul3A_1133 : i32
      %dma_start3A_1135 = tpu.memref_slice %arg9[%mul3A_1132] : memref<24448xf32, #tpu.memory_space<vmem>> -> memref<128xf32, #tpu.memory_space<vmem>>
      %dma_start3A_1136 = tpu.memref_slice %arg4[%add3A_601, %mul3A_1134] : memref<256x24420xf32, #tpu.memory_space<hbm>> -> memref<1x128xf32, #tpu.memory_space<hbm>>
      %dma_start3A_1137 = tpu.memref_squeeze %dma_start3A_1136 : memref<1x128xf32, #tpu.memory_space<hbm>> -> memref<128xf32, #tpu.memory_space<hbm>>
      %dma_start3A_1138 = tpu.memref_slice %arg4[%add3A_601, %mul3A_1134] : memref<256x24420xf32, #tpu.memory_space<hbm>> -> memref<1x128xf32, #tpu.memory_space<hbm>>
      %dma_start3A_1139 = tpu.memref_squeeze %dma_start3A_1138 : memref<1x128xf32, #tpu.memory_space<hbm>> -> memref<128xf32, #tpu.memory_space<hbm>>
      %dma_start3A_1140 = tpu.memref_slice %arg9[%mul3A_1132] : memref<24448xf32, #tpu.memory_space<vmem>> -> memref<128xf32, #tpu.memory_space<vmem>>
      tpu.enqueue_dma source(%dma_start3A_1140 : memref<128xf32, #tpu.memory_space<vmem>>) target(%dma_start3A_1139 : memref<128xf32, #tpu.memory_space<hbm>>) target_semaphore(%arg13 : memref<!tpu.dma_semaphore, #tpu.memory_space<semaphore_mem>>)
      %scan3A_1141 = arith.constant 2 : i32
      %scan3A_1142 = arith.addi %scan3A_1118, %scan3A_1141 : i32
      %mul3A_1143 = arith.constant 128 : i32
      %mul3A_1144 = arith.muli %scan3A_1142, %mul3A_1143 : i32
      %mul3A_1145 = arith.constant 128 : i32
      %mul3A_1146 = arith.muli %scan3A_1142, %mul3A_1145 : i32
      %dma_start3A_1147 = tpu.memref_slice %arg9[%mul3A_1144] : memref<24448xf32, #tpu.memory_space<vmem>> -> memref<128xf32, #tpu.memory_space<vmem>>
      %dma_start3A_1148 = tpu.memref_slice %arg4[%add3A_601, %mul3A_1146] : memref<256x24420xf32, #tpu.memory_space<hbm>> -> memref<1x128xf32, #tpu.memory_space<hbm>>
      %dma_start3A_1149 = tpu.memref_squeeze %dma_start3A_1148 : memref<1x128xf32, #tpu.memory_space<hbm>> -> memref<128xf32, #tpu.memory_space<hbm>>
      %dma_start3A_1150 = tpu.memref_slice %arg4[%add3A_601, %mul3A_1146] : memref<256x24420xf32, #tpu.memory_space<hbm>> -> memref<1x128xf32, #tpu.memory_space<hbm>>
      %dma_start3A_1151 = tpu.memref_squeeze %dma_start3A_1150 : memref<1x128xf32, #tpu.memory_space<hbm>> -> memref<128xf32, #tpu.memory_space<hbm>>
      %dma_start3A_1152 = tpu.memref_slice %arg9[%mul3A_1144] : memref<24448xf32, #tpu.memory_space<vmem>> -> memref<128xf32, #tpu.memory_space<vmem>>
      tpu.enqueue_dma source(%dma_start3A_1152 : memref<128xf32, #tpu.memory_space<vmem>>) target(%dma_start3A_1151 : memref<128xf32, #tpu.memory_space<hbm>>) target_semaphore(%arg13 : memref<!tpu.dma_semaphore, #tpu.memory_space<semaphore_mem>>)
      %scan3A_1153 = arith.constant 3 : i32
      %scan3A_1154 = arith.addi %scan3A_1118, %scan3A_1153 : i32
      %mul3A_1155 = arith.constant 128 : i32
      %mul3A_1156 = arith.muli %scan3A_1154, %mul3A_1155 : i32
      %mul3A_1157 = arith.constant 128 : i32
      %mul3A_1158 = arith.muli %scan3A_1154, %mul3A_1157 : i32
      %dma_start3A_1159 = tpu.memref_slice %arg9[%mul3A_1156] : memref<24448xf32, #tpu.memory_space<vmem>> -> memref<128xf32, #tpu.memory_space<vmem>>
      %dma_start3A_1160 = tpu.memref_slice %arg4[%add3A_601, %mul3A_1158] : memref<256x24420xf32, #tpu.memory_space<hbm>> -> memref<1x128xf32, #tpu.memory_space<hbm>>
      %dma_start3A_1161 = tpu.memref_squeeze %dma_start3A_1160 : memref<1x128xf32, #tpu.memory_space<hbm>> -> memref<128xf32, #tpu.memory_space<hbm>>
      %dma_start3A_1162 = tpu.memref_slice %arg4[%add3A_601, %mul3A_1158] : memref<256x24420xf32, #tpu.memory_space<hbm>> -> memref<1x128xf32, #tpu.memory_space<hbm>>
      %dma_start3A_1163 = tpu.memref_squeeze %dma_start3A_1162 : memref<1x128xf32, #tpu.memory_space<hbm>> -> memref<128xf32, #tpu.memory_space<hbm>>
      %dma_start3A_1164 = tpu.memref_slice %arg9[%mul3A_1156] : memref<24448xf32, #tpu.memory_space<vmem>> -> memref<128xf32, #tpu.memory_space<vmem>>
      tpu.enqueue_dma source(%dma_start3A_1164 : memref<128xf32, #tpu.memory_space<vmem>>) target(%dma_start3A_1163 : memref<128xf32, #tpu.memory_space<hbm>>) target_semaphore(%arg13 : memref<!tpu.dma_semaphore, #tpu.memory_space<semaphore_mem>>)
      %scan3A_1165 = arith.constant 4 : i32
      %scan3A_1166 = arith.addi %scan3A_1118, %scan3A_1165 : i32
      %mul3A_1167 = arith.constant 128 : i32
      %mul3A_1168 = arith.muli %scan3A_1166, %mul3A_1167 : i32
      %mul3A_1169 = arith.constant 128 : i32
      %mul3A_1170 = arith.muli %scan3A_1166, %mul3A_1169 : i32
      %dma_start3A_1171 = tpu.memref_slice %arg9[%mul3A_1168] : memref<24448xf32, #tpu.memory_space<vmem>> -> memref<128xf32, #tpu.memory_space<vmem>>
      %dma_start3A_1172 = tpu.memref_slice %arg4[%add3A_601, %mul3A_1170] : memref<256x24420xf32, #tpu.memory_space<hbm>> -> memref<1x128xf32, #tpu.memory_space<hbm>>
      %dma_start3A_1173 = tpu.memref_squeeze %dma_start3A_1172 : memref<1x128xf32, #tpu.memory_space<hbm>> -> memref<128xf32, #tpu.memory_space<hbm>>
      %dma_start3A_1174 = tpu.memref_slice %arg4[%add3A_601, %mul3A_1170] : memref<256x24420xf32, #tpu.memory_space<hbm>> -> memref<1x128xf32, #tpu.memory_space<hbm>>
      %dma_start3A_1175 = tpu.memref_squeeze %dma_start3A_1174 : memref<1x128xf32, #tpu.memory_space<hbm>> -> memref<128xf32, #tpu.memory_space<hbm>>
      %dma_start3A_1176 = tpu.memref_slice %arg9[%mul3A_1168] : memref<24448xf32, #tpu.memory_space<vmem>> -> memref<128xf32, #tpu.memory_space<vmem>>
      tpu.enqueue_dma source(%dma_start3A_1176 : memref<128xf32, #tpu.memory_space<vmem>>) target(%dma_start3A_1175 : memref<128xf32, #tpu.memory_space<hbm>>) target_semaphore(%arg13 : memref<!tpu.dma_semaphore, #tpu.memory_space<semaphore_mem>>)
      %scan3A_1177 = arith.constant 5 : i32
      %scan3A_1178 = arith.addi %scan3A_1118, %scan3A_1177 : i32
      %mul3A_1179 = arith.constant 128 : i32
      %mul3A_1180 = arith.muli %scan3A_1178, %mul3A_1179 : i32
      %mul3A_1181 = arith.constant 128 : i32
      %mul3A_1182 = arith.muli %scan3A_1178, %mul3A_1181 : i32
      %dma_start3A_1183 = tpu.memref_slice %arg9[%mul3A_1180] : memref<24448xf32, #tpu.memory_space<vmem>> -> memref<128xf32, #tpu.memory_space<vmem>>
      %dma_start3A_1184 = tpu.memref_slice %arg4[%add3A_601, %mul3A_1182] : memref<256x24420xf32, #tpu.memory_space<hbm>> -> memref<1x128xf32, #tpu.memory_space<hbm>>
      %dma_start3A_1185 = tpu.memref_squeeze %dma_start3A_1184 : memref<1x128xf32, #tpu.memory_space<hbm>> -> memref<128xf32, #tpu.memory_space<hbm>>
      %dma_start3A_1186 = tpu.memref_slice %arg4[%add3A_601, %mul3A_1182] : memref<256x24420xf32, #tpu.memory_space<hbm>> -> memref<1x128xf32, #tpu.memory_space<hbm>>
      %dma_start3A_1187 = tpu.memref_squeeze %dma_start3A_1186 : memref<1x128xf32, #tpu.memory_space<hbm>> -> memref<128xf32, #tpu.memory_space<hbm>>
      %dma_start3A_1188 = tpu.memref_slice %arg9[%mul3A_1180] : memref<24448xf32, #tpu.memory_space<vmem>> -> memref<128xf32, #tpu.memory_space<vmem>>
      tpu.enqueue_dma source(%dma_start3A_1188 : memref<128xf32, #tpu.memory_space<vmem>>) target(%dma_start3A_1187 : memref<128xf32, #tpu.memory_space<hbm>>) target_semaphore(%arg13 : memref<!tpu.dma_semaphore, #tpu.memory_space<semaphore_mem>>)
      %scan3A_1189 = arith.constant 6 : i32
      %scan3A_1190 = arith.addi %scan3A_1118, %scan3A_1189 : i32
      %mul3A_1191 = arith.constant 128 : i32
      %mul3A_1192 = arith.muli %scan3A_1190, %mul3A_1191 : i32
      %mul3A_1193 = arith.constant 128 : i32
      %mul3A_1194 = arith.muli %scan3A_1190, %mul3A_1193 : i32
      %dma_start3A_1195 = tpu.memref_slice %arg9[%mul3A_1192] : memref<24448xf32, #tpu.memory_space<vmem>> -> memref<128xf32, #tpu.memory_space<vmem>>
      %dma_start3A_1196 = tpu.memref_slice %arg4[%add3A_601, %mul3A_1194] : memref<256x24420xf32, #tpu.memory_space<hbm>> -> memref<1x128xf32, #tpu.memory_space<hbm>>
      %dma_start3A_1197 = tpu.memref_squeeze %dma_start3A_1196 : memref<1x128xf32, #tpu.memory_space<hbm>> -> memref<128xf32, #tpu.memory_space<hbm>>
      %dma_start3A_1198 = tpu.memref_slice %arg4[%add3A_601, %mul3A_1194] : memref<256x24420xf32, #tpu.memory_space<hbm>> -> memref<1x128xf32, #tpu.memory_space<hbm>>
      %dma_start3A_1199 = tpu.memref_squeeze %dma_start3A_1198 : memref<1x128xf32, #tpu.memory_space<hbm>> -> memref<128xf32, #tpu.memory_space<hbm>>
      %dma_start3A_1200 = tpu.memref_slice %arg9[%mul3A_1192] : memref<24448xf32, #tpu.memory_space<vmem>> -> memref<128xf32, #tpu.memory_space<vmem>>
      tpu.enqueue_dma source(%dma_start3A_1200 : memref<128xf32, #tpu.memory_space<vmem>>) target(%dma_start3A_1199 : memref<128xf32, #tpu.memory_space<hbm>>) target_semaphore(%arg13 : memref<!tpu.dma_semaphore, #tpu.memory_space<semaphore_mem>>)
      %scan3A_1201 = arith.constant 7 : i32
      %scan3A_1202 = arith.addi %scan3A_1118, %scan3A_1201 : i32
      %mul3A_1203 = arith.constant 128 : i32
      %mul3A_1204 = arith.muli %scan3A_1202, %mul3A_1203 : i32
      %mul3A_1205 = arith.constant 128 : i32
      %mul3A_1206 = arith.muli %scan3A_1202, %mul3A_1205 : i32
      %dma_start3A_1207 = tpu.memref_slice %arg9[%mul3A_1204] : memref<24448xf32, #tpu.memory_space<vmem>> -> memref<128xf32, #tpu.memory_space<vmem>>
      %dma_start3A_1208 = tpu.memref_slice %arg4[%add3A_601, %mul3A_1206] : memref<256x24420xf32, #tpu.memory_space<hbm>> -> memref<1x128xf32, #tpu.memory_space<hbm>>
      %dma_start3A_1209 = tpu.memref_squeeze %dma_start3A_1208 : memref<1x128xf32, #tpu.memory_space<hbm>> -> memref<128xf32, #tpu.memory_space<hbm>>
      %dma_start3A_1210 = tpu.memref_slice %arg4[%add3A_601, %mul3A_1206] : memref<256x24420xf32, #tpu.memory_space<hbm>> -> memref<1x128xf32, #tpu.memory_space<hbm>>
      %dma_start3A_1211 = tpu.memref_squeeze %dma_start3A_1210 : memref<1x128xf32, #tpu.memory_space<hbm>> -> memref<128xf32, #tpu.memory_space<hbm>>
      %dma_start3A_1212 = tpu.memref_slice %arg9[%mul3A_1204] : memref<24448xf32, #tpu.memory_space<vmem>> -> memref<128xf32, #tpu.memory_space<vmem>>
      tpu.enqueue_dma source(%dma_start3A_1212 : memref<128xf32, #tpu.memory_space<vmem>>) target(%dma_start3A_1211 : memref<128xf32, #tpu.memory_space<hbm>>) target_semaphore(%arg13 : memref<!tpu.dma_semaphore, #tpu.memory_space<semaphore_mem>>)
    }
    %scan3A_607 = arith.constant 184 : i32
    %scan3A_608 = arith.addi %scan3A_603, %scan3A_607 : i32
    %mul3A_609 = arith.constant 128 : i32
    %mul3A_610 = arith.muli %scan3A_608, %mul3A_609 : i32
    %mul3A_611 = arith.constant 128 : i32
    %mul3A_612 = arith.muli %scan3A_608, %mul3A_611 : i32
    %dma_start3A_613 = tpu.memref_slice %arg9[%mul3A_610] : memref<24448xf32, #tpu.memory_space<vmem>> -> memref<128xf32, #tpu.memory_space<vmem>>
    %dma_start3A_614 = tpu.memref_slice %arg4[%add3A_601, %mul3A_612] : memref<256x24420xf32, #tpu.memory_space<hbm>> -> memref<1x128xf32, #tpu.memory_space<hbm>>
    %dma_start3A_615 = tpu.memref_squeeze %dma_start3A_614 : memref<1x128xf32, #tpu.memory_space<hbm>> -> memref<128xf32, #tpu.memory_space<hbm>>
    %dma_start3A_616 = tpu.memref_slice %arg4[%add3A_601, %mul3A_612] : memref<256x24420xf32, #tpu.memory_space<hbm>> -> memref<1x128xf32, #tpu.memory_space<hbm>>
    %dma_start3A_617 = tpu.memref_squeeze %dma_start3A_616 : memref<1x128xf32, #tpu.memory_space<hbm>> -> memref<128xf32, #tpu.memory_space<hbm>>
    %dma_start3A_618 = tpu.memref_slice %arg9[%mul3A_610] : memref<24448xf32, #tpu.memory_space<vmem>> -> memref<128xf32, #tpu.memory_space<vmem>>
    tpu.enqueue_dma source(%dma_start3A_618 : memref<128xf32, #tpu.memory_space<vmem>>) target(%dma_start3A_617 : memref<128xf32, #tpu.memory_space<hbm>>) target_semaphore(%arg13 : memref<!tpu.dma_semaphore, #tpu.memory_space<semaphore_mem>>)
    %scan3A_619 = arith.constant 185 : i32
    %scan3A_620 = arith.addi %scan3A_603, %scan3A_619 : i32
    %mul3A_621 = arith.constant 128 : i32
    %mul3A_622 = arith.muli %scan3A_620, %mul3A_621 : i32
    %mul3A_623 = arith.constant 128 : i32
    %mul3A_624 = arith.muli %scan3A_620, %mul3A_623 : i32
    %dma_start3A_625 = tpu.memref_slice %arg9[%mul3A_622] : memref<24448xf32, #tpu.memory_space<vmem>> -> memref<128xf32, #tpu.memory_space<vmem>>
    %dma_start3A_626 = tpu.memref_slice %arg4[%add3A_601, %mul3A_624] : memref<256x24420xf32, #tpu.memory_space<hbm>> -> memref<1x128xf32, #tpu.memory_space<hbm>>
    %dma_start3A_627 = tpu.memref_squeeze %dma_start3A_626 : memref<1x128xf32, #tpu.memory_space<hbm>> -> memref<128xf32, #tpu.memory_space<hbm>>
    %dma_start3A_628 = tpu.memref_slice %arg4[%add3A_601, %mul3A_624] : memref<256x24420xf32, #tpu.memory_space<hbm>> -> memref<1x128xf32, #tpu.memory_space<hbm>>
    %dma_start3A_629 = tpu.memref_squeeze %dma_start3A_628 : memref<1x128xf32, #tpu.memory_space<hbm>> -> memref<128xf32, #tpu.memory_space<hbm>>
    %dma_start3A_630 = tpu.memref_slice %arg9[%mul3A_622] : memref<24448xf32, #tpu.memory_space<vmem>> -> memref<128xf32, #tpu.memory_space<vmem>>
    tpu.enqueue_dma source(%dma_start3A_630 : memref<128xf32, #tpu.memory_space<vmem>>) target(%dma_start3A_629 : memref<128xf32, #tpu.memory_space<hbm>>) target_semaphore(%arg13 : memref<!tpu.dma_semaphore, #tpu.memory_space<semaphore_mem>>)
    %scan3A_631 = arith.constant 186 : i32
    %scan3A_632 = arith.addi %scan3A_603, %scan3A_631 : i32
    %mul3A_633 = arith.constant 128 : i32
    %mul3A_634 = arith.muli %scan3A_632, %mul3A_633 : i32
    %mul3A_635 = arith.constant 128 : i32
    %mul3A_636 = arith.muli %scan3A_632, %mul3A_635 : i32
    %dma_start3A_637 = tpu.memref_slice %arg9[%mul3A_634] : memref<24448xf32, #tpu.memory_space<vmem>> -> memref<128xf32, #tpu.memory_space<vmem>>
    %dma_start3A_638 = tpu.memref_slice %arg4[%add3A_601, %mul3A_636] : memref<256x24420xf32, #tpu.memory_space<hbm>> -> memref<1x128xf32, #tpu.memory_space<hbm>>
    %dma_start3A_639 = tpu.memref_squeeze %dma_start3A_638 : memref<1x128xf32, #tpu.memory_space<hbm>> -> memref<128xf32, #tpu.memory_space<hbm>>
    %dma_start3A_640 = tpu.memref_slice %arg4[%add3A_601, %mul3A_636] : memref<256x24420xf32, #tpu.memory_space<hbm>> -> memref<1x128xf32, #tpu.memory_space<hbm>>
    %dma_start3A_641 = tpu.memref_squeeze %dma_start3A_640 : memref<1x128xf32, #tpu.memory_space<hbm>> -> memref<128xf32, #tpu.memory_space<hbm>>
    %dma_start3A_642 = tpu.memref_slice %arg9[%mul3A_634] : memref<24448xf32, #tpu.memory_space<vmem>> -> memref<128xf32, #tpu.memory_space<vmem>>
    tpu.enqueue_dma source(%dma_start3A_642 : memref<128xf32, #tpu.memory_space<vmem>>) target(%dma_start3A_641 : memref<128xf32, #tpu.memory_space<hbm>>) target_semaphore(%arg13 : memref<!tpu.dma_semaphore, #tpu.memory_space<semaphore_mem>>)
    %scan3A_643 = arith.constant 187 : i32
    %scan3A_644 = arith.addi %scan3A_603, %scan3A_643 : i32
    %mul3A_645 = arith.constant 128 : i32
    %mul3A_646 = arith.muli %scan3A_644, %mul3A_645 : i32
    %mul3A_647 = arith.constant 128 : i32
    %mul3A_648 = arith.muli %scan3A_644, %mul3A_647 : i32
    %dma_start3A_649 = tpu.memref_slice %arg9[%mul3A_646] : memref<24448xf32, #tpu.memory_space<vmem>> -> memref<128xf32, #tpu.memory_space<vmem>>
    %dma_start3A_650 = tpu.memref_slice %arg4[%add3A_601, %mul3A_648] : memref<256x24420xf32, #tpu.memory_space<hbm>> -> memref<1x128xf32, #tpu.memory_space<hbm>>
    %dma_start3A_651 = tpu.memref_squeeze %dma_start3A_650 : memref<1x128xf32, #tpu.memory_space<hbm>> -> memref<128xf32, #tpu.memory_space<hbm>>
    %dma_start3A_652 = tpu.memref_slice %arg4[%add3A_601, %mul3A_648] : memref<256x24420xf32, #tpu.memory_space<hbm>> -> memref<1x128xf32, #tpu.memory_space<hbm>>
    %dma_start3A_653 = tpu.memref_squeeze %dma_start3A_652 : memref<1x128xf32, #tpu.memory_space<hbm>> -> memref<128xf32, #tpu.memory_space<hbm>>
    %dma_start3A_654 = tpu.memref_slice %arg9[%mul3A_646] : memref<24448xf32, #tpu.memory_space<vmem>> -> memref<128xf32, #tpu.memory_space<vmem>>
    tpu.enqueue_dma source(%dma_start3A_654 : memref<128xf32, #tpu.memory_space<vmem>>) target(%dma_start3A_653 : memref<128xf32, #tpu.memory_space<hbm>>) target_semaphore(%arg13 : memref<!tpu.dma_semaphore, #tpu.memory_space<semaphore_mem>>)
    %scan3A_655 = arith.constant 188 : i32
    %scan3A_656 = arith.addi %scan3A_603, %scan3A_655 : i32
    %mul3A_657 = arith.constant 128 : i32
    %mul3A_658 = arith.muli %scan3A_656, %mul3A_657 : i32
    %mul3A_659 = arith.constant 128 : i32
    %mul3A_660 = arith.muli %scan3A_656, %mul3A_659 : i32
    %dma_start3A_661 = tpu.memref_slice %arg9[%mul3A_658] : memref<24448xf32, #tpu.memory_space<vmem>> -> memref<128xf32, #tpu.memory_space<vmem>>
    %dma_start3A_662 = tpu.memref_slice %arg4[%add3A_601, %mul3A_660] : memref<256x24420xf32, #tpu.memory_space<hbm>> -> memref<1x128xf32, #tpu.memory_space<hbm>>
    %dma_start3A_663 = tpu.memref_squeeze %dma_start3A_662 : memref<1x128xf32, #tpu.memory_space<hbm>> -> memref<128xf32, #tpu.memory_space<hbm>>
    %dma_start3A_664 = tpu.memref_slice %arg4[%add3A_601, %mul3A_660] : memref<256x24420xf32, #tpu.memory_space<hbm>> -> memref<1x128xf32, #tpu.memory_space<hbm>>
    %dma_start3A_665 = tpu.memref_squeeze %dma_start3A_664 : memref<1x128xf32, #tpu.memory_space<hbm>> -> memref<128xf32, #tpu.memory_space<hbm>>
    %dma_start3A_666 = tpu.memref_slice %arg9[%mul3A_658] : memref<24448xf32, #tpu.memory_space<vmem>> -> memref<128xf32, #tpu.memory_space<vmem>>
    tpu.enqueue_dma source(%dma_start3A_666 : memref<128xf32, #tpu.memory_space<vmem>>) target(%dma_start3A_665 : memref<128xf32, #tpu.memory_space<hbm>>) target_semaphore(%arg13 : memref<!tpu.dma_semaphore, #tpu.memory_space<semaphore_mem>>)
    %scan3A_667 = arith.constant 189 : i32
    %scan3A_668 = arith.addi %scan3A_603, %scan3A_667 : i32
    %mul3A_669 = arith.constant 128 : i32
    %mul3A_670 = arith.muli %scan3A_668, %mul3A_669 : i32
    %mul3A_671 = arith.constant 128 : i32
    %mul3A_672 = arith.muli %scan3A_668, %mul3A_671 : i32
    %dma_start3A_673 = tpu.memref_slice %arg9[%mul3A_670] : memref<24448xf32, #tpu.memory_space<vmem>> -> memref<128xf32, #tpu.memory_space<vmem>>
    %dma_start3A_674 = tpu.memref_slice %arg4[%add3A_601, %mul3A_672] : memref<256x24420xf32, #tpu.memory_space<hbm>> -> memref<1x128xf32, #tpu.memory_space<hbm>>
    %dma_start3A_675 = tpu.memref_squeeze %dma_start3A_674 : memref<1x128xf32, #tpu.memory_space<hbm>> -> memref<128xf32, #tpu.memory_space<hbm>>
    %dma_start3A_676 = tpu.memref_slice %arg4[%add3A_601, %mul3A_672] : memref<256x24420xf32, #tpu.memory_space<hbm>> -> memref<1x128xf32, #tpu.memory_space<hbm>>
    %dma_start3A_677 = tpu.memref_squeeze %dma_start3A_676 : memref<1x128xf32, #tpu.memory_space<hbm>> -> memref<128xf32, #tpu.memory_space<hbm>>
    %dma_start3A_678 = tpu.memref_slice %arg9[%mul3A_670] : memref<24448xf32, #tpu.memory_space<vmem>> -> memref<128xf32, #tpu.memory_space<vmem>>
    tpu.enqueue_dma source(%dma_start3A_678 : memref<128xf32, #tpu.memory_space<vmem>>) target(%dma_start3A_677 : memref<128xf32, #tpu.memory_space<hbm>>) target_semaphore(%arg13 : memref<!tpu.dma_semaphore, #tpu.memory_space<semaphore_mem>>)
    %scan3A_679 = arith.constant 190 : i32
    %dma_start3A_680 = arith.constant 24320 : i32
    %dma_start3A_681 = tpu.memref_slice %arg9[%dma_start3A_680] : memref<24448xf32, #tpu.memory_space<vmem>> -> memref<128xf32, #tpu.memory_space<vmem>>
    %dma_start3A_682 = arith.constant 0 : i32
    %dma_start3A_683 = tpu.memref_slice %arg5[%add3A_601, %dma_start3A_682] : memref<256x128xf32, #tpu.memory_space<hbm>> -> memref<1x128xf32, #tpu.memory_space<hbm>>
    %dma_start3A_684 = tpu.memref_squeeze %dma_start3A_683 : memref<1x128xf32, #tpu.memory_space<hbm>> -> memref<128xf32, #tpu.memory_space<hbm>>
    %dma_start3A_685 = arith.constant 0 : i32
    %dma_start3A_686 = tpu.memref_slice %arg5[%add3A_601, %dma_start3A_685] : memref<256x128xf32, #tpu.memory_space<hbm>> -> memref<1x128xf32, #tpu.memory_space<hbm>>
    %dma_start3A_687 = tpu.memref_squeeze %dma_start3A_686 : memref<1x128xf32, #tpu.memory_space<hbm>> -> memref<128xf32, #tpu.memory_space<hbm>>
    %dma_start3A_688 = arith.constant 24320 : i32
    %dma_start3A_689 = tpu.memref_slice %arg9[%dma_start3A_688] : memref<24448xf32, #tpu.memory_space<vmem>> -> memref<128xf32, #tpu.memory_space<vmem>>
    tpu.enqueue_dma source(%dma_start3A_689 : memref<128xf32, #tpu.memory_space<vmem>>) target(%dma_start3A_687 : memref<128xf32, #tpu.memory_space<hbm>>) target_semaphore(%arg13 : memref<!tpu.dma_semaphore, #tpu.memory_space<semaphore_mem>>)
    %add3A_690 = arith.constant 5 : i32
    %add3A_691 = arith.addi %mul3A_2, %add3A_690 : i32
    %mul3A_692 = arith.constant 57344 : i32
    %mul3A_693 = arith.muli %add3A_691, %mul3A_692 : i32
    %add3A_694 = arith.constant 256 : i32
    %add3A_695 = arith.addi %mul3A_693, %add3A_694 : i32
    %dma_wait3A_696 = tpu.memref_slice %arg2[%add3A_695] : memref<14680064xf32, #tpu.memory_space<hbm>> -> memref<28128xf32, #tpu.memory_space<hbm>>
    %dma_wait3A_697 = tpu.memref_slice %arg2[%add3A_695] : memref<14680064xf32, #tpu.memory_space<hbm>> -> memref<28128xf32, #tpu.memory_space<hbm>>
    tpu.wait_dma2 semaphore(%arg11 : memref<!tpu.dma_semaphore, #tpu.memory_space<semaphore_mem>>) src(%dma_wait3A_697 : memref<28128xf32, #tpu.memory_space<hbm>>) dst(%arg7 : memref<28128xf32, #tpu.memory_space<vmem>>)
    %add3A_698 = arith.constant 5 : i32
    %add3A_699 = arith.addi %mul3A_2, %add3A_698 : i32
    %sub3A_700 = arith.constant 2 : i32
    %sub3A_701 = arith.subi %add3A_699, %sub3A_700 : i32
    %dma_wait3A_702 = arith.constant 0 : i32
    %dma_wait3A_703 = tpu.memref_slice %arg10[%dma_wait3A_702] : memref<24448xf32, #tpu.memory_space<vmem>> -> memref<24448xf32, #tpu.memory_space<vmem>>
    %dma_wait3A_704 = arith.constant 0 : i32
    %dma_wait3A_705 = tpu.memref_slice %arg2[%dma_wait3A_704] : memref<14680064xf32, #tpu.memory_space<hbm>> -> memref<24448xf32, #tpu.memory_space<hbm>>
    %dma_wait3A_706 = arith.constant 0 : i32
    %dma_wait3A_707 = tpu.memref_slice %arg2[%dma_wait3A_706] : memref<14680064xf32, #tpu.memory_space<hbm>> -> memref<24448xf32, #tpu.memory_space<hbm>>
    %dma_wait3A_708 = arith.constant 0 : i32
    %dma_wait3A_709 = tpu.memref_slice %arg10[%dma_wait3A_708] : memref<24448xf32, #tpu.memory_space<vmem>> -> memref<24448xf32, #tpu.memory_space<vmem>>
    tpu.wait_dma2 semaphore(%arg13 : memref<!tpu.dma_semaphore, #tpu.memory_space<semaphore_mem>>) src(%dma_wait3A_709 : memref<24448xf32, #tpu.memory_space<vmem>>) dst(%dma_wait3A_707 : memref<24448xf32, #tpu.memory_space<hbm>>)
    %parallel_loop3A_710 = arith.constant 0 : i32
    %parallel_loop3A_711 = arith.constant 379 : i32
    %parallel_loop3A_712 = arith.constant 1 : i32
    scf.for %parallel_loop3A_1118 = %parallel_loop3A_710 to %parallel_loop3A_711 step %parallel_loop3A_712  : i32 {
      %parallel_loop3A_1119 = arith.constant 16 : i32
      %parallel_loop3A_1120 = arith.muli %parallel_loop3A_1118, %parallel_loop3A_1119 : i32
      %parallel_loop3A_1121 = arith.index_cast %parallel_loop3A_1120 : i32 to index
      %parallel_loop3A_1122 = tpu.vector_load %arg6[%parallel_loop3A_1121] {strides = array<i32>} : memref<12224xi32, #tpu.memory_space<vmem>>, vector<16xi32>,
      %parallel_loop3A_1123 = arith.constant 65535 : i32
      %parallel_loop3A_1124 = vector.broadcast %parallel_loop3A_1123 : i32 to vector<16xi32>
      %parallel_loop3A_1125 = arith.andi %parallel_loop3A_1122, %parallel_loop3A_1124 : vector<16xi32>
      %parallel_loop3A_1126 = arith.constant 16 : i32
      %parallel_loop3A_1127 = vector.broadcast %parallel_loop3A_1126 : i32 to vector<16xi32>
      %parallel_loop3A_1128 = arith.shrui %parallel_loop3A_1122, %parallel_loop3A_1127 : vector<16xi32>
      %parallel_loop3A_1129 = tpu.vector_load_idx %arg7[%parallel_loop3A_1125] : memref<28128xf32, #tpu.memory_space<vmem>>[vector<16xi32>], vector<16xf32>,
      %parallel_loop3A_1130 = arith.constant 32 : i32
      %parallel_loop3A_1131 = arith.muli %parallel_loop3A_1118, %parallel_loop3A_1130 : i32
      %parallel_loop3A_1132 = arith.index_cast %parallel_loop3A_1131 : i32 to index
      %parallel_loop3A_1133 = tpu.vector_load %arg10[%parallel_loop3A_1132] {strides = array<i32>} : memref<24448xf32, #tpu.memory_space<vmem>>, vector<16xf32>,
      tpu.vector_store %arg10[%parallel_loop3A_1132], %parallel_loop3A_1129 {strides = array<i32>} : memref<24448xf32, #tpu.memory_space<vmem>>, vector<16xf32>,
      %parallel_loop3A_1134 = tpu.vector_load_idx %arg7[%parallel_loop3A_1128] : memref<28128xf32, #tpu.memory_space<vmem>>[vector<16xi32>], vector<16xf32>,
      %parallel_loop3A_1135 = arith.constant 32 : i32
      %parallel_loop3A_1136 = arith.muli %parallel_loop3A_1118, %parallel_loop3A_1135 : i32
      %parallel_loop3A_1137 = arith.constant 16 : i32
      %parallel_loop3A_1138 = arith.addi %parallel_loop3A_1136, %parallel_loop3A_1137 : i32
      %parallel_loop3A_1139 = arith.index_cast %parallel_loop3A_1138 : i32 to index
      %parallel_loop3A_1140 = tpu.vector_load %arg10[%parallel_loop3A_1139] {strides = array<i32>} : memref<24448xf32, #tpu.memory_space<vmem>>, vector<16xf32>,
      tpu.vector_store %arg10[%parallel_loop3A_1139], %parallel_loop3A_1134 {strides = array<i32>} : memref<24448xf32, #tpu.memory_space<vmem>>, vector<16xf32>,
    } {sc.loop_unroll_factor = 8 : i64, sc.parallel_access}
    %add3A_713 = arith.constant 6 : i32
    %add3A_714 = arith.addi %mul3A_2, %add3A_713 : i32
    %mul3A_715 = arith.constant 57344 : i32
    %mul3A_716 = arith.muli %add3A_714, %mul3A_715 : i32
    %add3A_717 = arith.constant 256 : i32
    %add3A_718 = arith.addi %mul3A_716, %add3A_717 : i32
    %dma_start3A_719 = tpu.memref_slice %arg2[%add3A_718] : memref<14680064xf32, #tpu.memory_space<hbm>> -> memref<28128xf32, #tpu.memory_space<hbm>>
    %dma_start3A_720 = tpu.memref_slice %arg2[%add3A_718] : memref<14680064xf32, #tpu.memory_space<hbm>> -> memref<28128xf32, #tpu.memory_space<hbm>>
    tpu.enqueue_dma source(%dma_start3A_720 : memref<28128xf32, #tpu.memory_space<hbm>>) target(%arg7 : memref<28128xf32, #tpu.memory_space<vmem>>) target_semaphore(%arg11 : memref<!tpu.dma_semaphore, #tpu.memory_space<semaphore_mem>>)
    %add3A_721 = arith.constant 5 : i32
    %add3A_722 = arith.addi %mul3A_2, %add3A_721 : i32
    %mul3A_723 = arith.constant 57344 : i32
    %mul3A_724 = arith.muli %add3A_722, %mul3A_723 : i32
    %add3A_725 = arith.constant 28160 : i32
    %add3A_726 = arith.addi %mul3A_724, %add3A_725 : i32
    %dma_wait3A_727 = tpu.memref_slice %arg2[%add3A_726] : memref<14680064xf32, #tpu.memory_space<hbm>> -> memref<28640xf32, #tpu.memory_space<hbm>>
    %dma_wait3A_728 = tpu.memref_slice %arg2[%add3A_726] : memref<14680064xf32, #tpu.memory_space<hbm>> -> memref<28640xf32, #tpu.memory_space<hbm>>
    tpu.wait_dma2 semaphore(%arg12 : memref<!tpu.dma_semaphore, #tpu.memory_space<semaphore_mem>>) src(%dma_wait3A_728 : memref<28640xf32, #tpu.memory_space<hbm>>) dst(%arg8 : memref<28640xf32, #tpu.memory_space<vmem>>)
    %parallel_loop3A_729 = arith.constant 379 : i32
    %parallel_loop3A_730 = arith.constant 764 : i32
    %parallel_loop3A_731 = arith.constant 1 : i32
    scf.for %parallel_loop3A_1118 = %parallel_loop3A_729 to %parallel_loop3A_730 step %parallel_loop3A_731  : i32 {
      %parallel_loop3A_1119 = arith.constant 16 : i32
      %parallel_loop3A_1120 = arith.muli %parallel_loop3A_1118, %parallel_loop3A_1119 : i32
      %parallel_loop3A_1121 = arith.index_cast %parallel_loop3A_1120 : i32 to index
      %parallel_loop3A_1122 = tpu.vector_load %arg6[%parallel_loop3A_1121] {strides = array<i32>} : memref<12224xi32, #tpu.memory_space<vmem>>, vector<16xi32>,
      %parallel_loop3A_1123 = arith.constant 65535 : i32
      %parallel_loop3A_1124 = vector.broadcast %parallel_loop3A_1123 : i32 to vector<16xi32>
      %parallel_loop3A_1125 = arith.andi %parallel_loop3A_1122, %parallel_loop3A_1124 : vector<16xi32>
      %parallel_loop3A_1126 = arith.constant 16 : i32
      %parallel_loop3A_1127 = vector.broadcast %parallel_loop3A_1126 : i32 to vector<16xi32>
      %parallel_loop3A_1128 = arith.shrui %parallel_loop3A_1122, %parallel_loop3A_1127 : vector<16xi32>
      %parallel_loop3A_1129 = tpu.vector_load_idx %arg8[%parallel_loop3A_1125] : memref<28640xf32, #tpu.memory_space<vmem>>[vector<16xi32>], vector<16xf32>,
      %parallel_loop3A_1130 = arith.constant 32 : i32
      %parallel_loop3A_1131 = arith.muli %parallel_loop3A_1118, %parallel_loop3A_1130 : i32
      %parallel_loop3A_1132 = arith.index_cast %parallel_loop3A_1131 : i32 to index
      %parallel_loop3A_1133 = tpu.vector_load %arg10[%parallel_loop3A_1132] {strides = array<i32>} : memref<24448xf32, #tpu.memory_space<vmem>>, vector<16xf32>,
      tpu.vector_store %arg10[%parallel_loop3A_1132], %parallel_loop3A_1129 {strides = array<i32>} : memref<24448xf32, #tpu.memory_space<vmem>>, vector<16xf32>,
      %parallel_loop3A_1134 = tpu.vector_load_idx %arg8[%parallel_loop3A_1128] : memref<28640xf32, #tpu.memory_space<vmem>>[vector<16xi32>], vector<16xf32>,
      %parallel_loop3A_1135 = arith.constant 32 : i32
      %parallel_loop3A_1136 = arith.muli %parallel_loop3A_1118, %parallel_loop3A_1135 : i32
      %parallel_loop3A_1137 = arith.constant 16 : i32
      %parallel_loop3A_1138 = arith.addi %parallel_loop3A_1136, %parallel_loop3A_1137 : i32
      %parallel_loop3A_1139 = arith.index_cast %parallel_loop3A_1138 : i32 to index
      %parallel_loop3A_1140 = tpu.vector_load %arg10[%parallel_loop3A_1139] {strides = array<i32>} : memref<24448xf32, #tpu.memory_space<vmem>>, vector<16xf32>,
      tpu.vector_store %arg10[%parallel_loop3A_1139], %parallel_loop3A_1134 {strides = array<i32>} : memref<24448xf32, #tpu.memory_space<vmem>>, vector<16xf32>,
    } {sc.loop_unroll_factor = 8 : i64, sc.parallel_access}
    %add3A_732 = arith.constant 6 : i32
    %add3A_733 = arith.addi %mul3A_2, %add3A_732 : i32
    %mul3A_734 = arith.constant 57344 : i32
    %mul3A_735 = arith.muli %add3A_733, %mul3A_734 : i32
    %add3A_736 = arith.constant 28160 : i32
    %add3A_737 = arith.addi %mul3A_735, %add3A_736 : i32
    %dma_start3A_738 = tpu.memref_slice %arg2[%add3A_737] : memref<14680064xf32, #tpu.memory_space<hbm>> -> memref<28640xf32, #tpu.memory_space<hbm>>
    %dma_start3A_739 = tpu.memref_slice %arg2[%add3A_737] : memref<14680064xf32, #tpu.memory_space<hbm>> -> memref<28640xf32, #tpu.memory_space<hbm>>
    tpu.enqueue_dma source(%dma_start3A_739 : memref<28640xf32, #tpu.memory_space<hbm>>) target(%arg8 : memref<28640xf32, #tpu.memory_space<vmem>>) target_semaphore(%arg12 : memref<!tpu.dma_semaphore, #tpu.memory_space<semaphore_mem>>)
    %add3A_740 = arith.constant 5 : i32
    %add3A_741 = arith.addi %mul3A_2, %add3A_740 : i32
    %scan3A_742 = arith.constant 0 : i32
    %scan3A_743 = arith.constant 0 : i32
    %scan3A_744 = arith.constant 184 : i32
    %scan3A_745 = arith.addi %scan3A_743, %scan3A_744 : i32
    %scan3A_746 = arith.constant 8 : i32
    scf.for %scan3A_1118 = %scan3A_743 to %scan3A_745 step %scan3A_746  : i32 {
      %mul3A_1119 = arith.constant 128 : i32
      %mul3A_1120 = arith.muli %scan3A_1118, %mul3A_1119 : i32
      %mul3A_1121 = arith.constant 128 : i32
      %mul3A_1122 = arith.muli %scan3A_1118, %mul3A_1121 : i32
      %dma_start3A_1123 = tpu.memref_slice %arg10[%mul3A_1120] : memref<24448xf32, #tpu.memory_space<vmem>> -> memref<128xf32, #tpu.memory_space<vmem>>
      %dma_start3A_1124 = tpu.memref_slice %arg4[%add3A_741, %mul3A_1122] : memref<256x24420xf32, #tpu.memory_space<hbm>> -> memref<1x128xf32, #tpu.memory_space<hbm>>
      %dma_start3A_1125 = tpu.memref_squeeze %dma_start3A_1124 : memref<1x128xf32, #tpu.memory_space<hbm>> -> memref<128xf32, #tpu.memory_space<hbm>>
      %dma_start3A_1126 = tpu.memref_slice %arg4[%add3A_741, %mul3A_1122] : memref<256x24420xf32, #tpu.memory_space<hbm>> -> memref<1x128xf32, #tpu.memory_space<hbm>>
      %dma_start3A_1127 = tpu.memref_squeeze %dma_start3A_1126 : memref<1x128xf32, #tpu.memory_space<hbm>> -> memref<128xf32, #tpu.memory_space<hbm>>
      %dma_start3A_1128 = tpu.memref_slice %arg10[%mul3A_1120] : memref<24448xf32, #tpu.memory_space<vmem>> -> memref<128xf32, #tpu.memory_space<vmem>>
      tpu.enqueue_dma source(%dma_start3A_1128 : memref<128xf32, #tpu.memory_space<vmem>>) target(%dma_start3A_1127 : memref<128xf32, #tpu.memory_space<hbm>>) target_semaphore(%arg13 : memref<!tpu.dma_semaphore, #tpu.memory_space<semaphore_mem>>)
      %scan3A_1129 = arith.constant 1 : i32
      %scan3A_1130 = arith.addi %scan3A_1118, %scan3A_1129 : i32
      %mul3A_1131 = arith.constant 128 : i32
      %mul3A_1132 = arith.muli %scan3A_1130, %mul3A_1131 : i32
      %mul3A_1133 = arith.constant 128 : i32
      %mul3A_1134 = arith.muli %scan3A_1130, %mul3A_1133 : i32
      %dma_start3A_1135 = tpu.memref_slice %arg10[%mul3A_1132] : memref<24448xf32, #tpu.memory_space<vmem>> -> memref<128xf32, #tpu.memory_space<vmem>>
      %dma_start3A_1136 = tpu.memref_slice %arg4[%add3A_741, %mul3A_1134] : memref<256x24420xf32, #tpu.memory_space<hbm>> -> memref<1x128xf32, #tpu.memory_space<hbm>>
      %dma_start3A_1137 = tpu.memref_squeeze %dma_start3A_1136 : memref<1x128xf32, #tpu.memory_space<hbm>> -> memref<128xf32, #tpu.memory_space<hbm>>
      %dma_start3A_1138 = tpu.memref_slice %arg4[%add3A_741, %mul3A_1134] : memref<256x24420xf32, #tpu.memory_space<hbm>> -> memref<1x128xf32, #tpu.memory_space<hbm>>
      %dma_start3A_1139 = tpu.memref_squeeze %dma_start3A_1138 : memref<1x128xf32, #tpu.memory_space<hbm>> -> memref<128xf32, #tpu.memory_space<hbm>>
      %dma_start3A_1140 = tpu.memref_slice %arg10[%mul3A_1132] : memref<24448xf32, #tpu.memory_space<vmem>> -> memref<128xf32, #tpu.memory_space<vmem>>
      tpu.enqueue_dma source(%dma_start3A_1140 : memref<128xf32, #tpu.memory_space<vmem>>) target(%dma_start3A_1139 : memref<128xf32, #tpu.memory_space<hbm>>) target_semaphore(%arg13 : memref<!tpu.dma_semaphore, #tpu.memory_space<semaphore_mem>>)
      %scan3A_1141 = arith.constant 2 : i32
      %scan3A_1142 = arith.addi %scan3A_1118, %scan3A_1141 : i32
      %mul3A_1143 = arith.constant 128 : i32
      %mul3A_1144 = arith.muli %scan3A_1142, %mul3A_1143 : i32
      %mul3A_1145 = arith.constant 128 : i32
      %mul3A_1146 = arith.muli %scan3A_1142, %mul3A_1145 : i32
      %dma_start3A_1147 = tpu.memref_slice %arg10[%mul3A_1144] : memref<24448xf32, #tpu.memory_space<vmem>> -> memref<128xf32, #tpu.memory_space<vmem>>
      %dma_start3A_1148 = tpu.memref_slice %arg4[%add3A_741, %mul3A_1146] : memref<256x24420xf32, #tpu.memory_space<hbm>> -> memref<1x128xf32, #tpu.memory_space<hbm>>
      %dma_start3A_1149 = tpu.memref_squeeze %dma_start3A_1148 : memref<1x128xf32, #tpu.memory_space<hbm>> -> memref<128xf32, #tpu.memory_space<hbm>>
      %dma_start3A_1150 = tpu.memref_slice %arg4[%add3A_741, %mul3A_1146] : memref<256x24420xf32, #tpu.memory_space<hbm>> -> memref<1x128xf32, #tpu.memory_space<hbm>>
      %dma_start3A_1151 = tpu.memref_squeeze %dma_start3A_1150 : memref<1x128xf32, #tpu.memory_space<hbm>> -> memref<128xf32, #tpu.memory_space<hbm>>
      %dma_start3A_1152 = tpu.memref_slice %arg10[%mul3A_1144] : memref<24448xf32, #tpu.memory_space<vmem>> -> memref<128xf32, #tpu.memory_space<vmem>>
      tpu.enqueue_dma source(%dma_start3A_1152 : memref<128xf32, #tpu.memory_space<vmem>>) target(%dma_start3A_1151 : memref<128xf32, #tpu.memory_space<hbm>>) target_semaphore(%arg13 : memref<!tpu.dma_semaphore, #tpu.memory_space<semaphore_mem>>)
      %scan3A_1153 = arith.constant 3 : i32
      %scan3A_1154 = arith.addi %scan3A_1118, %scan3A_1153 : i32
      %mul3A_1155 = arith.constant 128 : i32
      %mul3A_1156 = arith.muli %scan3A_1154, %mul3A_1155 : i32
      %mul3A_1157 = arith.constant 128 : i32
      %mul3A_1158 = arith.muli %scan3A_1154, %mul3A_1157 : i32
      %dma_start3A_1159 = tpu.memref_slice %arg10[%mul3A_1156] : memref<24448xf32, #tpu.memory_space<vmem>> -> memref<128xf32, #tpu.memory_space<vmem>>
      %dma_start3A_1160 = tpu.memref_slice %arg4[%add3A_741, %mul3A_1158] : memref<256x24420xf32, #tpu.memory_space<hbm>> -> memref<1x128xf32, #tpu.memory_space<hbm>>
      %dma_start3A_1161 = tpu.memref_squeeze %dma_start3A_1160 : memref<1x128xf32, #tpu.memory_space<hbm>> -> memref<128xf32, #tpu.memory_space<hbm>>
      %dma_start3A_1162 = tpu.memref_slice %arg4[%add3A_741, %mul3A_1158] : memref<256x24420xf32, #tpu.memory_space<hbm>> -> memref<1x128xf32, #tpu.memory_space<hbm>>
      %dma_start3A_1163 = tpu.memref_squeeze %dma_start3A_1162 : memref<1x128xf32, #tpu.memory_space<hbm>> -> memref<128xf32, #tpu.memory_space<hbm>>
      %dma_start3A_1164 = tpu.memref_slice %arg10[%mul3A_1156] : memref<24448xf32, #tpu.memory_space<vmem>> -> memref<128xf32, #tpu.memory_space<vmem>>
      tpu.enqueue_dma source(%dma_start3A_1164 : memref<128xf32, #tpu.memory_space<vmem>>) target(%dma_start3A_1163 : memref<128xf32, #tpu.memory_space<hbm>>) target_semaphore(%arg13 : memref<!tpu.dma_semaphore, #tpu.memory_space<semaphore_mem>>)
      %scan3A_1165 = arith.constant 4 : i32
      %scan3A_1166 = arith.addi %scan3A_1118, %scan3A_1165 : i32
      %mul3A_1167 = arith.constant 128 : i32
      %mul3A_1168 = arith.muli %scan3A_1166, %mul3A_1167 : i32
      %mul3A_1169 = arith.constant 128 : i32
      %mul3A_1170 = arith.muli %scan3A_1166, %mul3A_1169 : i32
      %dma_start3A_1171 = tpu.memref_slice %arg10[%mul3A_1168] : memref<24448xf32, #tpu.memory_space<vmem>> -> memref<128xf32, #tpu.memory_space<vmem>>
      %dma_start3A_1172 = tpu.memref_slice %arg4[%add3A_741, %mul3A_1170] : memref<256x24420xf32, #tpu.memory_space<hbm>> -> memref<1x128xf32, #tpu.memory_space<hbm>>
      %dma_start3A_1173 = tpu.memref_squeeze %dma_start3A_1172 : memref<1x128xf32, #tpu.memory_space<hbm>> -> memref<128xf32, #tpu.memory_space<hbm>>
      %dma_start3A_1174 = tpu.memref_slice %arg4[%add3A_741, %mul3A_1170] : memref<256x24420xf32, #tpu.memory_space<hbm>> -> memref<1x128xf32, #tpu.memory_space<hbm>>
      %dma_start3A_1175 = tpu.memref_squeeze %dma_start3A_1174 : memref<1x128xf32, #tpu.memory_space<hbm>> -> memref<128xf32, #tpu.memory_space<hbm>>
      %dma_start3A_1176 = tpu.memref_slice %arg10[%mul3A_1168] : memref<24448xf32, #tpu.memory_space<vmem>> -> memref<128xf32, #tpu.memory_space<vmem>>
      tpu.enqueue_dma source(%dma_start3A_1176 : memref<128xf32, #tpu.memory_space<vmem>>) target(%dma_start3A_1175 : memref<128xf32, #tpu.memory_space<hbm>>) target_semaphore(%arg13 : memref<!tpu.dma_semaphore, #tpu.memory_space<semaphore_mem>>)
      %scan3A_1177 = arith.constant 5 : i32
      %scan3A_1178 = arith.addi %scan3A_1118, %scan3A_1177 : i32
      %mul3A_1179 = arith.constant 128 : i32
      %mul3A_1180 = arith.muli %scan3A_1178, %mul3A_1179 : i32
      %mul3A_1181 = arith.constant 128 : i32
      %mul3A_1182 = arith.muli %scan3A_1178, %mul3A_1181 : i32
      %dma_start3A_1183 = tpu.memref_slice %arg10[%mul3A_1180] : memref<24448xf32, #tpu.memory_space<vmem>> -> memref<128xf32, #tpu.memory_space<vmem>>
      %dma_start3A_1184 = tpu.memref_slice %arg4[%add3A_741, %mul3A_1182] : memref<256x24420xf32, #tpu.memory_space<hbm>> -> memref<1x128xf32, #tpu.memory_space<hbm>>
      %dma_start3A_1185 = tpu.memref_squeeze %dma_start3A_1184 : memref<1x128xf32, #tpu.memory_space<hbm>> -> memref<128xf32, #tpu.memory_space<hbm>>
      %dma_start3A_1186 = tpu.memref_slice %arg4[%add3A_741, %mul3A_1182] : memref<256x24420xf32, #tpu.memory_space<hbm>> -> memref<1x128xf32, #tpu.memory_space<hbm>>
      %dma_start3A_1187 = tpu.memref_squeeze %dma_start3A_1186 : memref<1x128xf32, #tpu.memory_space<hbm>> -> memref<128xf32, #tpu.memory_space<hbm>>
      %dma_start3A_1188 = tpu.memref_slice %arg10[%mul3A_1180] : memref<24448xf32, #tpu.memory_space<vmem>> -> memref<128xf32, #tpu.memory_space<vmem>>
      tpu.enqueue_dma source(%dma_start3A_1188 : memref<128xf32, #tpu.memory_space<vmem>>) target(%dma_start3A_1187 : memref<128xf32, #tpu.memory_space<hbm>>) target_semaphore(%arg13 : memref<!tpu.dma_semaphore, #tpu.memory_space<semaphore_mem>>)
      %scan3A_1189 = arith.constant 6 : i32
      %scan3A_1190 = arith.addi %scan3A_1118, %scan3A_1189 : i32
      %mul3A_1191 = arith.constant 128 : i32
      %mul3A_1192 = arith.muli %scan3A_1190, %mul3A_1191 : i32
      %mul3A_1193 = arith.constant 128 : i32
      %mul3A_1194 = arith.muli %scan3A_1190, %mul3A_1193 : i32
      %dma_start3A_1195 = tpu.memref_slice %arg10[%mul3A_1192] : memref<24448xf32, #tpu.memory_space<vmem>> -> memref<128xf32, #tpu.memory_space<vmem>>
      %dma_start3A_1196 = tpu.memref_slice %arg4[%add3A_741, %mul3A_1194] : memref<256x24420xf32, #tpu.memory_space<hbm>> -> memref<1x128xf32, #tpu.memory_space<hbm>>
      %dma_start3A_1197 = tpu.memref_squeeze %dma_start3A_1196 : memref<1x128xf32, #tpu.memory_space<hbm>> -> memref<128xf32, #tpu.memory_space<hbm>>
      %dma_start3A_1198 = tpu.memref_slice %arg4[%add3A_741, %mul3A_1194] : memref<256x24420xf32, #tpu.memory_space<hbm>> -> memref<1x128xf32, #tpu.memory_space<hbm>>
      %dma_start3A_1199 = tpu.memref_squeeze %dma_start3A_1198 : memref<1x128xf32, #tpu.memory_space<hbm>> -> memref<128xf32, #tpu.memory_space<hbm>>
      %dma_start3A_1200 = tpu.memref_slice %arg10[%mul3A_1192] : memref<24448xf32, #tpu.memory_space<vmem>> -> memref<128xf32, #tpu.memory_space<vmem>>
      tpu.enqueue_dma source(%dma_start3A_1200 : memref<128xf32, #tpu.memory_space<vmem>>) target(%dma_start3A_1199 : memref<128xf32, #tpu.memory_space<hbm>>) target_semaphore(%arg13 : memref<!tpu.dma_semaphore, #tpu.memory_space<semaphore_mem>>)
      %scan3A_1201 = arith.constant 7 : i32
      %scan3A_1202 = arith.addi %scan3A_1118, %scan3A_1201 : i32
      %mul3A_1203 = arith.constant 128 : i32
      %mul3A_1204 = arith.muli %scan3A_1202, %mul3A_1203 : i32
      %mul3A_1205 = arith.constant 128 : i32
      %mul3A_1206 = arith.muli %scan3A_1202, %mul3A_1205 : i32
      %dma_start3A_1207 = tpu.memref_slice %arg10[%mul3A_1204] : memref<24448xf32, #tpu.memory_space<vmem>> -> memref<128xf32, #tpu.memory_space<vmem>>
      %dma_start3A_1208 = tpu.memref_slice %arg4[%add3A_741, %mul3A_1206] : memref<256x24420xf32, #tpu.memory_space<hbm>> -> memref<1x128xf32, #tpu.memory_space<hbm>>
      %dma_start3A_1209 = tpu.memref_squeeze %dma_start3A_1208 : memref<1x128xf32, #tpu.memory_space<hbm>> -> memref<128xf32, #tpu.memory_space<hbm>>
      %dma_start3A_1210 = tpu.memref_slice %arg4[%add3A_741, %mul3A_1206] : memref<256x24420xf32, #tpu.memory_space<hbm>> -> memref<1x128xf32, #tpu.memory_space<hbm>>
      %dma_start3A_1211 = tpu.memref_squeeze %dma_start3A_1210 : memref<1x128xf32, #tpu.memory_space<hbm>> -> memref<128xf32, #tpu.memory_space<hbm>>
      %dma_start3A_1212 = tpu.memref_slice %arg10[%mul3A_1204] : memref<24448xf32, #tpu.memory_space<vmem>> -> memref<128xf32, #tpu.memory_space<vmem>>
      tpu.enqueue_dma source(%dma_start3A_1212 : memref<128xf32, #tpu.memory_space<vmem>>) target(%dma_start3A_1211 : memref<128xf32, #tpu.memory_space<hbm>>) target_semaphore(%arg13 : memref<!tpu.dma_semaphore, #tpu.memory_space<semaphore_mem>>)
    }
    %scan3A_747 = arith.constant 184 : i32
    %scan3A_748 = arith.addi %scan3A_743, %scan3A_747 : i32
    %mul3A_749 = arith.constant 128 : i32
    %mul3A_750 = arith.muli %scan3A_748, %mul3A_749 : i32
    %mul3A_751 = arith.constant 128 : i32
    %mul3A_752 = arith.muli %scan3A_748, %mul3A_751 : i32
    %dma_start3A_753 = tpu.memref_slice %arg10[%mul3A_750] : memref<24448xf32, #tpu.memory_space<vmem>> -> memref<128xf32, #tpu.memory_space<vmem>>
    %dma_start3A_754 = tpu.memref_slice %arg4[%add3A_741, %mul3A_752] : memref<256x24420xf32, #tpu.memory_space<hbm>> -> memref<1x128xf32, #tpu.memory_space<hbm>>
    %dma_start3A_755 = tpu.memref_squeeze %dma_start3A_754 : memref<1x128xf32, #tpu.memory_space<hbm>> -> memref<128xf32, #tpu.memory_space<hbm>>
    %dma_start3A_756 = tpu.memref_slice %arg4[%add3A_741, %mul3A_752] : memref<256x24420xf32, #tpu.memory_space<hbm>> -> memref<1x128xf32, #tpu.memory_space<hbm>>
    %dma_start3A_757 = tpu.memref_squeeze %dma_start3A_756 : memref<1x128xf32, #tpu.memory_space<hbm>> -> memref<128xf32, #tpu.memory_space<hbm>>
    %dma_start3A_758 = tpu.memref_slice %arg10[%mul3A_750] : memref<24448xf32, #tpu.memory_space<vmem>> -> memref<128xf32, #tpu.memory_space<vmem>>
    tpu.enqueue_dma source(%dma_start3A_758 : memref<128xf32, #tpu.memory_space<vmem>>) target(%dma_start3A_757 : memref<128xf32, #tpu.memory_space<hbm>>) target_semaphore(%arg13 : memref<!tpu.dma_semaphore, #tpu.memory_space<semaphore_mem>>)
    %scan3A_759 = arith.constant 185 : i32
    %scan3A_760 = arith.addi %scan3A_743, %scan3A_759 : i32
    %mul3A_761 = arith.constant 128 : i32
    %mul3A_762 = arith.muli %scan3A_760, %mul3A_761 : i32
    %mul3A_763 = arith.constant 128 : i32
    %mul3A_764 = arith.muli %scan3A_760, %mul3A_763 : i32
    %dma_start3A_765 = tpu.memref_slice %arg10[%mul3A_762] : memref<24448xf32, #tpu.memory_space<vmem>> -> memref<128xf32, #tpu.memory_space<vmem>>
    %dma_start3A_766 = tpu.memref_slice %arg4[%add3A_741, %mul3A_764] : memref<256x24420xf32, #tpu.memory_space<hbm>> -> memref<1x128xf32, #tpu.memory_space<hbm>>
    %dma_start3A_767 = tpu.memref_squeeze %dma_start3A_766 : memref<1x128xf32, #tpu.memory_space<hbm>> -> memref<128xf32, #tpu.memory_space<hbm>>
    %dma_start3A_768 = tpu.memref_slice %arg4[%add3A_741, %mul3A_764] : memref<256x24420xf32, #tpu.memory_space<hbm>> -> memref<1x128xf32, #tpu.memory_space<hbm>>
    %dma_start3A_769 = tpu.memref_squeeze %dma_start3A_768 : memref<1x128xf32, #tpu.memory_space<hbm>> -> memref<128xf32, #tpu.memory_space<hbm>>
    %dma_start3A_770 = tpu.memref_slice %arg10[%mul3A_762] : memref<24448xf32, #tpu.memory_space<vmem>> -> memref<128xf32, #tpu.memory_space<vmem>>
    tpu.enqueue_dma source(%dma_start3A_770 : memref<128xf32, #tpu.memory_space<vmem>>) target(%dma_start3A_769 : memref<128xf32, #tpu.memory_space<hbm>>) target_semaphore(%arg13 : memref<!tpu.dma_semaphore, #tpu.memory_space<semaphore_mem>>)
    %scan3A_771 = arith.constant 186 : i32
    %scan3A_772 = arith.addi %scan3A_743, %scan3A_771 : i32
    %mul3A_773 = arith.constant 128 : i32
    %mul3A_774 = arith.muli %scan3A_772, %mul3A_773 : i32
    %mul3A_775 = arith.constant 128 : i32
    %mul3A_776 = arith.muli %scan3A_772, %mul3A_775 : i32
    %dma_start3A_777 = tpu.memref_slice %arg10[%mul3A_774] : memref<24448xf32, #tpu.memory_space<vmem>> -> memref<128xf32, #tpu.memory_space<vmem>>
    %dma_start3A_778 = tpu.memref_slice %arg4[%add3A_741, %mul3A_776] : memref<256x24420xf32, #tpu.memory_space<hbm>> -> memref<1x128xf32, #tpu.memory_space<hbm>>
    %dma_start3A_779 = tpu.memref_squeeze %dma_start3A_778 : memref<1x128xf32, #tpu.memory_space<hbm>> -> memref<128xf32, #tpu.memory_space<hbm>>
    %dma_start3A_780 = tpu.memref_slice %arg4[%add3A_741, %mul3A_776] : memref<256x24420xf32, #tpu.memory_space<hbm>> -> memref<1x128xf32, #tpu.memory_space<hbm>>
    %dma_start3A_781 = tpu.memref_squeeze %dma_start3A_780 : memref<1x128xf32, #tpu.memory_space<hbm>> -> memref<128xf32, #tpu.memory_space<hbm>>
    %dma_start3A_782 = tpu.memref_slice %arg10[%mul3A_774] : memref<24448xf32, #tpu.memory_space<vmem>> -> memref<128xf32, #tpu.memory_space<vmem>>
    tpu.enqueue_dma source(%dma_start3A_782 : memref<128xf32, #tpu.memory_space<vmem>>) target(%dma_start3A_781 : memref<128xf32, #tpu.memory_space<hbm>>) target_semaphore(%arg13 : memref<!tpu.dma_semaphore, #tpu.memory_space<semaphore_mem>>)
    %scan3A_783 = arith.constant 187 : i32
    %scan3A_784 = arith.addi %scan3A_743, %scan3A_783 : i32
    %mul3A_785 = arith.constant 128 : i32
    %mul3A_786 = arith.muli %scan3A_784, %mul3A_785 : i32
    %mul3A_787 = arith.constant 128 : i32
    %mul3A_788 = arith.muli %scan3A_784, %mul3A_787 : i32
    %dma_start3A_789 = tpu.memref_slice %arg10[%mul3A_786] : memref<24448xf32, #tpu.memory_space<vmem>> -> memref<128xf32, #tpu.memory_space<vmem>>
    %dma_start3A_790 = tpu.memref_slice %arg4[%add3A_741, %mul3A_788] : memref<256x24420xf32, #tpu.memory_space<hbm>> -> memref<1x128xf32, #tpu.memory_space<hbm>>
    %dma_start3A_791 = tpu.memref_squeeze %dma_start3A_790 : memref<1x128xf32, #tpu.memory_space<hbm>> -> memref<128xf32, #tpu.memory_space<hbm>>
    %dma_start3A_792 = tpu.memref_slice %arg4[%add3A_741, %mul3A_788] : memref<256x24420xf32, #tpu.memory_space<hbm>> -> memref<1x128xf32, #tpu.memory_space<hbm>>
    %dma_start3A_793 = tpu.memref_squeeze %dma_start3A_792 : memref<1x128xf32, #tpu.memory_space<hbm>> -> memref<128xf32, #tpu.memory_space<hbm>>
    %dma_start3A_794 = tpu.memref_slice %arg10[%mul3A_786] : memref<24448xf32, #tpu.memory_space<vmem>> -> memref<128xf32, #tpu.memory_space<vmem>>
    tpu.enqueue_dma source(%dma_start3A_794 : memref<128xf32, #tpu.memory_space<vmem>>) target(%dma_start3A_793 : memref<128xf32, #tpu.memory_space<hbm>>) target_semaphore(%arg13 : memref<!tpu.dma_semaphore, #tpu.memory_space<semaphore_mem>>)
    %scan3A_795 = arith.constant 188 : i32
    %scan3A_796 = arith.addi %scan3A_743, %scan3A_795 : i32
    %mul3A_797 = arith.constant 128 : i32
    %mul3A_798 = arith.muli %scan3A_796, %mul3A_797 : i32
    %mul3A_799 = arith.constant 128 : i32
    %mul3A_800 = arith.muli %scan3A_796, %mul3A_799 : i32
    %dma_start3A_801 = tpu.memref_slice %arg10[%mul3A_798] : memref<24448xf32, #tpu.memory_space<vmem>> -> memref<128xf32, #tpu.memory_space<vmem>>
    %dma_start3A_802 = tpu.memref_slice %arg4[%add3A_741, %mul3A_800] : memref<256x24420xf32, #tpu.memory_space<hbm>> -> memref<1x128xf32, #tpu.memory_space<hbm>>
    %dma_start3A_803 = tpu.memref_squeeze %dma_start3A_802 : memref<1x128xf32, #tpu.memory_space<hbm>> -> memref<128xf32, #tpu.memory_space<hbm>>
    %dma_start3A_804 = tpu.memref_slice %arg4[%add3A_741, %mul3A_800] : memref<256x24420xf32, #tpu.memory_space<hbm>> -> memref<1x128xf32, #tpu.memory_space<hbm>>
    %dma_start3A_805 = tpu.memref_squeeze %dma_start3A_804 : memref<1x128xf32, #tpu.memory_space<hbm>> -> memref<128xf32, #tpu.memory_space<hbm>>
    %dma_start3A_806 = tpu.memref_slice %arg10[%mul3A_798] : memref<24448xf32, #tpu.memory_space<vmem>> -> memref<128xf32, #tpu.memory_space<vmem>>
    tpu.enqueue_dma source(%dma_start3A_806 : memref<128xf32, #tpu.memory_space<vmem>>) target(%dma_start3A_805 : memref<128xf32, #tpu.memory_space<hbm>>) target_semaphore(%arg13 : memref<!tpu.dma_semaphore, #tpu.memory_space<semaphore_mem>>)
    %scan3A_807 = arith.constant 189 : i32
    %scan3A_808 = arith.addi %scan3A_743, %scan3A_807 : i32
    %mul3A_809 = arith.constant 128 : i32
    %mul3A_810 = arith.muli %scan3A_808, %mul3A_809 : i32
    %mul3A_811 = arith.constant 128 : i32
    %mul3A_812 = arith.muli %scan3A_808, %mul3A_811 : i32
    %dma_start3A_813 = tpu.memref_slice %arg10[%mul3A_810] : memref<24448xf32, #tpu.memory_space<vmem>> -> memref<128xf32, #tpu.memory_space<vmem>>
    %dma_start3A_814 = tpu.memref_slice %arg4[%add3A_741, %mul3A_812] : memref<256x24420xf32, #tpu.memory_space<hbm>> -> memref<1x128xf32, #tpu.memory_space<hbm>>
    %dma_start3A_815 = tpu.memref_squeeze %dma_start3A_814 : memref<1x128xf32, #tpu.memory_space<hbm>> -> memref<128xf32, #tpu.memory_space<hbm>>
    %dma_start3A_816 = tpu.memref_slice %arg4[%add3A_741, %mul3A_812] : memref<256x24420xf32, #tpu.memory_space<hbm>> -> memref<1x128xf32, #tpu.memory_space<hbm>>
    %dma_start3A_817 = tpu.memref_squeeze %dma_start3A_816 : memref<1x128xf32, #tpu.memory_space<hbm>> -> memref<128xf32, #tpu.memory_space<hbm>>
    %dma_start3A_818 = tpu.memref_slice %arg10[%mul3A_810] : memref<24448xf32, #tpu.memory_space<vmem>> -> memref<128xf32, #tpu.memory_space<vmem>>
    tpu.enqueue_dma source(%dma_start3A_818 : memref<128xf32, #tpu.memory_space<vmem>>) target(%dma_start3A_817 : memref<128xf32, #tpu.memory_space<hbm>>) target_semaphore(%arg13 : memref<!tpu.dma_semaphore, #tpu.memory_space<semaphore_mem>>)
    %scan3A_819 = arith.constant 190 : i32
    %dma_start3A_820 = arith.constant 24320 : i32
    %dma_start3A_821 = tpu.memref_slice %arg10[%dma_start3A_820] : memref<24448xf32, #tpu.memory_space<vmem>> -> memref<128xf32, #tpu.memory_space<vmem>>
    %dma_start3A_822 = arith.constant 0 : i32
    %dma_start3A_823 = tpu.memref_slice %arg5[%add3A_741, %dma_start3A_822] : memref<256x128xf32, #tpu.memory_space<hbm>> -> memref<1x128xf32, #tpu.memory_space<hbm>>
    %dma_start3A_824 = tpu.memref_squeeze %dma_start3A_823 : memref<1x128xf32, #tpu.memory_space<hbm>> -> memref<128xf32, #tpu.memory_space<hbm>>
    %dma_start3A_825 = arith.constant 0 : i32
    %dma_start3A_826 = tpu.memref_slice %arg5[%add3A_741, %dma_start3A_825] : memref<256x128xf32, #tpu.memory_space<hbm>> -> memref<1x128xf32, #tpu.memory_space<hbm>>
    %dma_start3A_827 = tpu.memref_squeeze %dma_start3A_826 : memref<1x128xf32, #tpu.memory_space<hbm>> -> memref<128xf32, #tpu.memory_space<hbm>>
    %dma_start3A_828 = arith.constant 24320 : i32
    %dma_start3A_829 = tpu.memref_slice %arg10[%dma_start3A_828] : memref<24448xf32, #tpu.memory_space<vmem>> -> memref<128xf32, #tpu.memory_space<vmem>>
    tpu.enqueue_dma source(%dma_start3A_829 : memref<128xf32, #tpu.memory_space<vmem>>) target(%dma_start3A_827 : memref<128xf32, #tpu.memory_space<hbm>>) target_semaphore(%arg13 : memref<!tpu.dma_semaphore, #tpu.memory_space<semaphore_mem>>)
    %add3A_830 = arith.constant 6 : i32
    %add3A_831 = arith.addi %mul3A_2, %add3A_830 : i32
    %mul3A_832 = arith.constant 57344 : i32
    %mul3A_833 = arith.muli %add3A_831, %mul3A_832 : i32
    %add3A_834 = arith.constant 256 : i32
    %add3A_835 = arith.addi %mul3A_833, %add3A_834 : i32
    %dma_wait3A_836 = tpu.memref_slice %arg2[%add3A_835] : memref<14680064xf32, #tpu.memory_space<hbm>> -> memref<28128xf32, #tpu.memory_space<hbm>>
    %dma_wait3A_837 = tpu.memref_slice %arg2[%add3A_835] : memref<14680064xf32, #tpu.memory_space<hbm>> -> memref<28128xf32, #tpu.memory_space<hbm>>
    tpu.wait_dma2 semaphore(%arg11 : memref<!tpu.dma_semaphore, #tpu.memory_space<semaphore_mem>>) src(%dma_wait3A_837 : memref<28128xf32, #tpu.memory_space<hbm>>) dst(%arg7 : memref<28128xf32, #tpu.memory_space<vmem>>)
    %add3A_838 = arith.constant 6 : i32
    %add3A_839 = arith.addi %mul3A_2, %add3A_838 : i32
    %sub3A_840 = arith.constant 2 : i32
    %sub3A_841 = arith.subi %add3A_839, %sub3A_840 : i32
    %dma_wait3A_842 = arith.constant 0 : i32
    %dma_wait3A_843 = tpu.memref_slice %arg9[%dma_wait3A_842] : memref<24448xf32, #tpu.memory_space<vmem>> -> memref<24448xf32, #tpu.memory_space<vmem>>
    %dma_wait3A_844 = arith.constant 0 : i32
    %dma_wait3A_845 = tpu.memref_slice %arg2[%dma_wait3A_844] : memref<14680064xf32, #tpu.memory_space<hbm>> -> memref<24448xf32, #tpu.memory_space<hbm>>
    %dma_wait3A_846 = arith.constant 0 : i32
    %dma_wait3A_847 = tpu.memref_slice %arg2[%dma_wait3A_846] : memref<14680064xf32, #tpu.memory_space<hbm>> -> memref<24448xf32, #tpu.memory_space<hbm>>
    %dma_wait3A_848 = arith.constant 0 : i32
    %dma_wait3A_849 = tpu.memref_slice %arg9[%dma_wait3A_848] : memref<24448xf32, #tpu.memory_space<vmem>> -> memref<24448xf32, #tpu.memory_space<vmem>>
    tpu.wait_dma2 semaphore(%arg13 : memref<!tpu.dma_semaphore, #tpu.memory_space<semaphore_mem>>) src(%dma_wait3A_849 : memref<24448xf32, #tpu.memory_space<vmem>>) dst(%dma_wait3A_847 : memref<24448xf32, #tpu.memory_space<hbm>>)
    %parallel_loop3A_850 = arith.constant 0 : i32
    %parallel_loop3A_851 = arith.constant 379 : i32
    %parallel_loop3A_852 = arith.constant 1 : i32
    scf.for %parallel_loop3A_1118 = %parallel_loop3A_850 to %parallel_loop3A_851 step %parallel_loop3A_852  : i32 {
      %parallel_loop3A_1119 = arith.constant 16 : i32
      %parallel_loop3A_1120 = arith.muli %parallel_loop3A_1118, %parallel_loop3A_1119 : i32
      %parallel_loop3A_1121 = arith.index_cast %parallel_loop3A_1120 : i32 to index
      %parallel_loop3A_1122 = tpu.vector_load %arg6[%parallel_loop3A_1121] {strides = array<i32>} : memref<12224xi32, #tpu.memory_space<vmem>>, vector<16xi32>,
      %parallel_loop3A_1123 = arith.constant 65535 : i32
      %parallel_loop3A_1124 = vector.broadcast %parallel_loop3A_1123 : i32 to vector<16xi32>
      %parallel_loop3A_1125 = arith.andi %parallel_loop3A_1122, %parallel_loop3A_1124 : vector<16xi32>
      %parallel_loop3A_1126 = arith.constant 16 : i32
      %parallel_loop3A_1127 = vector.broadcast %parallel_loop3A_1126 : i32 to vector<16xi32>
      %parallel_loop3A_1128 = arith.shrui %parallel_loop3A_1122, %parallel_loop3A_1127 : vector<16xi32>
      %parallel_loop3A_1129 = tpu.vector_load_idx %arg7[%parallel_loop3A_1125] : memref<28128xf32, #tpu.memory_space<vmem>>[vector<16xi32>], vector<16xf32>,
      %parallel_loop3A_1130 = arith.constant 32 : i32
      %parallel_loop3A_1131 = arith.muli %parallel_loop3A_1118, %parallel_loop3A_1130 : i32
      %parallel_loop3A_1132 = arith.index_cast %parallel_loop3A_1131 : i32 to index
      %parallel_loop3A_1133 = tpu.vector_load %arg9[%parallel_loop3A_1132] {strides = array<i32>} : memref<24448xf32, #tpu.memory_space<vmem>>, vector<16xf32>,
      tpu.vector_store %arg9[%parallel_loop3A_1132], %parallel_loop3A_1129 {strides = array<i32>} : memref<24448xf32, #tpu.memory_space<vmem>>, vector<16xf32>,
      %parallel_loop3A_1134 = tpu.vector_load_idx %arg7[%parallel_loop3A_1128] : memref<28128xf32, #tpu.memory_space<vmem>>[vector<16xi32>], vector<16xf32>,
      %parallel_loop3A_1135 = arith.constant 32 : i32
      %parallel_loop3A_1136 = arith.muli %parallel_loop3A_1118, %parallel_loop3A_1135 : i32
      %parallel_loop3A_1137 = arith.constant 16 : i32
      %parallel_loop3A_1138 = arith.addi %parallel_loop3A_1136, %parallel_loop3A_1137 : i32
      %parallel_loop3A_1139 = arith.index_cast %parallel_loop3A_1138 : i32 to index
      %parallel_loop3A_1140 = tpu.vector_load %arg9[%parallel_loop3A_1139] {strides = array<i32>} : memref<24448xf32, #tpu.memory_space<vmem>>, vector<16xf32>,
      tpu.vector_store %arg9[%parallel_loop3A_1139], %parallel_loop3A_1134 {strides = array<i32>} : memref<24448xf32, #tpu.memory_space<vmem>>, vector<16xf32>,
    } {sc.loop_unroll_factor = 8 : i64, sc.parallel_access}
    %add3A_853 = arith.constant 7 : i32
    %add3A_854 = arith.addi %mul3A_2, %add3A_853 : i32
    %mul3A_855 = arith.constant 57344 : i32
    %mul3A_856 = arith.muli %add3A_854, %mul3A_855 : i32
    %add3A_857 = arith.constant 256 : i32
    %add3A_858 = arith.addi %mul3A_856, %add3A_857 : i32
    %dma_start3A_859 = tpu.memref_slice %arg2[%add3A_858] : memref<14680064xf32, #tpu.memory_space<hbm>> -> memref<28128xf32, #tpu.memory_space<hbm>>
    %dma_start3A_860 = tpu.memref_slice %arg2[%add3A_858] : memref<14680064xf32, #tpu.memory_space<hbm>> -> memref<28128xf32, #tpu.memory_space<hbm>>
    tpu.enqueue_dma source(%dma_start3A_860 : memref<28128xf32, #tpu.memory_space<hbm>>) target(%arg7 : memref<28128xf32, #tpu.memory_space<vmem>>) target_semaphore(%arg11 : memref<!tpu.dma_semaphore, #tpu.memory_space<semaphore_mem>>)
    %add3A_861 = arith.constant 6 : i32
    %add3A_862 = arith.addi %mul3A_2, %add3A_861 : i32
    %mul3A_863 = arith.constant 57344 : i32
    %mul3A_864 = arith.muli %add3A_862, %mul3A_863 : i32
    %add3A_865 = arith.constant 28160 : i32
    %add3A_866 = arith.addi %mul3A_864, %add3A_865 : i32
    %dma_wait3A_867 = tpu.memref_slice %arg2[%add3A_866] : memref<14680064xf32, #tpu.memory_space<hbm>> -> memref<28640xf32, #tpu.memory_space<hbm>>
    %dma_wait3A_868 = tpu.memref_slice %arg2[%add3A_866] : memref<14680064xf32, #tpu.memory_space<hbm>> -> memref<28640xf32, #tpu.memory_space<hbm>>
    tpu.wait_dma2 semaphore(%arg12 : memref<!tpu.dma_semaphore, #tpu.memory_space<semaphore_mem>>) src(%dma_wait3A_868 : memref<28640xf32, #tpu.memory_space<hbm>>) dst(%arg8 : memref<28640xf32, #tpu.memory_space<vmem>>)
    %parallel_loop3A_869 = arith.constant 379 : i32
    %parallel_loop3A_870 = arith.constant 764 : i32
    %parallel_loop3A_871 = arith.constant 1 : i32
    scf.for %parallel_loop3A_1118 = %parallel_loop3A_869 to %parallel_loop3A_870 step %parallel_loop3A_871  : i32 {
      %parallel_loop3A_1119 = arith.constant 16 : i32
      %parallel_loop3A_1120 = arith.muli %parallel_loop3A_1118, %parallel_loop3A_1119 : i32
      %parallel_loop3A_1121 = arith.index_cast %parallel_loop3A_1120 : i32 to index
      %parallel_loop3A_1122 = tpu.vector_load %arg6[%parallel_loop3A_1121] {strides = array<i32>} : memref<12224xi32, #tpu.memory_space<vmem>>, vector<16xi32>,
      %parallel_loop3A_1123 = arith.constant 65535 : i32
      %parallel_loop3A_1124 = vector.broadcast %parallel_loop3A_1123 : i32 to vector<16xi32>
      %parallel_loop3A_1125 = arith.andi %parallel_loop3A_1122, %parallel_loop3A_1124 : vector<16xi32>
      %parallel_loop3A_1126 = arith.constant 16 : i32
      %parallel_loop3A_1127 = vector.broadcast %parallel_loop3A_1126 : i32 to vector<16xi32>
      %parallel_loop3A_1128 = arith.shrui %parallel_loop3A_1122, %parallel_loop3A_1127 : vector<16xi32>
      %parallel_loop3A_1129 = tpu.vector_load_idx %arg8[%parallel_loop3A_1125] : memref<28640xf32, #tpu.memory_space<vmem>>[vector<16xi32>], vector<16xf32>,
      %parallel_loop3A_1130 = arith.constant 32 : i32
      %parallel_loop3A_1131 = arith.muli %parallel_loop3A_1118, %parallel_loop3A_1130 : i32
      %parallel_loop3A_1132 = arith.index_cast %parallel_loop3A_1131 : i32 to index
      %parallel_loop3A_1133 = tpu.vector_load %arg9[%parallel_loop3A_1132] {strides = array<i32>} : memref<24448xf32, #tpu.memory_space<vmem>>, vector<16xf32>,
      tpu.vector_store %arg9[%parallel_loop3A_1132], %parallel_loop3A_1129 {strides = array<i32>} : memref<24448xf32, #tpu.memory_space<vmem>>, vector<16xf32>,
      %parallel_loop3A_1134 = tpu.vector_load_idx %arg8[%parallel_loop3A_1128] : memref<28640xf32, #tpu.memory_space<vmem>>[vector<16xi32>], vector<16xf32>,
      %parallel_loop3A_1135 = arith.constant 32 : i32
      %parallel_loop3A_1136 = arith.muli %parallel_loop3A_1118, %parallel_loop3A_1135 : i32
      %parallel_loop3A_1137 = arith.constant 16 : i32
      %parallel_loop3A_1138 = arith.addi %parallel_loop3A_1136, %parallel_loop3A_1137 : i32
      %parallel_loop3A_1139 = arith.index_cast %parallel_loop3A_1138 : i32 to index
      %parallel_loop3A_1140 = tpu.vector_load %arg9[%parallel_loop3A_1139] {strides = array<i32>} : memref<24448xf32, #tpu.memory_space<vmem>>, vector<16xf32>,
      tpu.vector_store %arg9[%parallel_loop3A_1139], %parallel_loop3A_1134 {strides = array<i32>} : memref<24448xf32, #tpu.memory_space<vmem>>, vector<16xf32>,
    } {sc.loop_unroll_factor = 8 : i64, sc.parallel_access}
    %add3A_872 = arith.constant 7 : i32
    %add3A_873 = arith.addi %mul3A_2, %add3A_872 : i32
    %mul3A_874 = arith.constant 57344 : i32
    %mul3A_875 = arith.muli %add3A_873, %mul3A_874 : i32
    %add3A_876 = arith.constant 28160 : i32
    %add3A_877 = arith.addi %mul3A_875, %add3A_876 : i32
    %dma_start3A_878 = tpu.memref_slice %arg2[%add3A_877] : memref<14680064xf32, #tpu.memory_space<hbm>> -> memref<28640xf32, #tpu.memory_space<hbm>>
    %dma_start3A_879 = tpu.memref_slice %arg2[%add3A_877] : memref<14680064xf32, #tpu.memory_space<hbm>> -> memref<28640xf32, #tpu.memory_space<hbm>>
    tpu.enqueue_dma source(%dma_start3A_879 : memref<28640xf32, #tpu.memory_space<hbm>>) target(%arg8 : memref<28640xf32, #tpu.memory_space<vmem>>) target_semaphore(%arg12 : memref<!tpu.dma_semaphore, #tpu.memory_space<semaphore_mem>>)
    %add3A_880 = arith.constant 6 : i32
    %add3A_881 = arith.addi %mul3A_2, %add3A_880 : i32
    %scan3A_882 = arith.constant 0 : i32
    %scan3A_883 = arith.constant 0 : i32
    %scan3A_884 = arith.constant 184 : i32
    %scan3A_885 = arith.addi %scan3A_883, %scan3A_884 : i32
    %scan3A_886 = arith.constant 8 : i32
    scf.for %scan3A_1118 = %scan3A_883 to %scan3A_885 step %scan3A_886  : i32 {
      %mul3A_1119 = arith.constant 128 : i32
      %mul3A_1120 = arith.muli %scan3A_1118, %mul3A_1119 : i32
      %mul3A_1121 = arith.constant 128 : i32
      %mul3A_1122 = arith.muli %scan3A_1118, %mul3A_1121 : i32
      %dma_start3A_1123 = tpu.memref_slice %arg9[%mul3A_1120] : memref<24448xf32, #tpu.memory_space<vmem>> -> memref<128xf32, #tpu.memory_space<vmem>>
      %dma_start3A_1124 = tpu.memref_slice %arg4[%add3A_881, %mul3A_1122] : memref<256x24420xf32, #tpu.memory_space<hbm>> -> memref<1x128xf32, #tpu.memory_space<hbm>>
      %dma_start3A_1125 = tpu.memref_squeeze %dma_start3A_1124 : memref<1x128xf32, #tpu.memory_space<hbm>> -> memref<128xf32, #tpu.memory_space<hbm>>
      %dma_start3A_1126 = tpu.memref_slice %arg4[%add3A_881, %mul3A_1122] : memref<256x24420xf32, #tpu.memory_space<hbm>> -> memref<1x128xf32, #tpu.memory_space<hbm>>
      %dma_start3A_1127 = tpu.memref_squeeze %dma_start3A_1126 : memref<1x128xf32, #tpu.memory_space<hbm>> -> memref<128xf32, #tpu.memory_space<hbm>>
      %dma_start3A_1128 = tpu.memref_slice %arg9[%mul3A_1120] : memref<24448xf32, #tpu.memory_space<vmem>> -> memref<128xf32, #tpu.memory_space<vmem>>
      tpu.enqueue_dma source(%dma_start3A_1128 : memref<128xf32, #tpu.memory_space<vmem>>) target(%dma_start3A_1127 : memref<128xf32, #tpu.memory_space<hbm>>) target_semaphore(%arg13 : memref<!tpu.dma_semaphore, #tpu.memory_space<semaphore_mem>>)
      %scan3A_1129 = arith.constant 1 : i32
      %scan3A_1130 = arith.addi %scan3A_1118, %scan3A_1129 : i32
      %mul3A_1131 = arith.constant 128 : i32
      %mul3A_1132 = arith.muli %scan3A_1130, %mul3A_1131 : i32
      %mul3A_1133 = arith.constant 128 : i32
      %mul3A_1134 = arith.muli %scan3A_1130, %mul3A_1133 : i32
      %dma_start3A_1135 = tpu.memref_slice %arg9[%mul3A_1132] : memref<24448xf32, #tpu.memory_space<vmem>> -> memref<128xf32, #tpu.memory_space<vmem>>
      %dma_start3A_1136 = tpu.memref_slice %arg4[%add3A_881, %mul3A_1134] : memref<256x24420xf32, #tpu.memory_space<hbm>> -> memref<1x128xf32, #tpu.memory_space<hbm>>
      %dma_start3A_1137 = tpu.memref_squeeze %dma_start3A_1136 : memref<1x128xf32, #tpu.memory_space<hbm>> -> memref<128xf32, #tpu.memory_space<hbm>>
      %dma_start3A_1138 = tpu.memref_slice %arg4[%add3A_881, %mul3A_1134] : memref<256x24420xf32, #tpu.memory_space<hbm>> -> memref<1x128xf32, #tpu.memory_space<hbm>>
      %dma_start3A_1139 = tpu.memref_squeeze %dma_start3A_1138 : memref<1x128xf32, #tpu.memory_space<hbm>> -> memref<128xf32, #tpu.memory_space<hbm>>
      %dma_start3A_1140 = tpu.memref_slice %arg9[%mul3A_1132] : memref<24448xf32, #tpu.memory_space<vmem>> -> memref<128xf32, #tpu.memory_space<vmem>>
      tpu.enqueue_dma source(%dma_start3A_1140 : memref<128xf32, #tpu.memory_space<vmem>>) target(%dma_start3A_1139 : memref<128xf32, #tpu.memory_space<hbm>>) target_semaphore(%arg13 : memref<!tpu.dma_semaphore, #tpu.memory_space<semaphore_mem>>)
      %scan3A_1141 = arith.constant 2 : i32
      %scan3A_1142 = arith.addi %scan3A_1118, %scan3A_1141 : i32
      %mul3A_1143 = arith.constant 128 : i32
      %mul3A_1144 = arith.muli %scan3A_1142, %mul3A_1143 : i32
      %mul3A_1145 = arith.constant 128 : i32
      %mul3A_1146 = arith.muli %scan3A_1142, %mul3A_1145 : i32
      %dma_start3A_1147 = tpu.memref_slice %arg9[%mul3A_1144] : memref<24448xf32, #tpu.memory_space<vmem>> -> memref<128xf32, #tpu.memory_space<vmem>>
      %dma_start3A_1148 = tpu.memref_slice %arg4[%add3A_881, %mul3A_1146] : memref<256x24420xf32, #tpu.memory_space<hbm>> -> memref<1x128xf32, #tpu.memory_space<hbm>>
      %dma_start3A_1149 = tpu.memref_squeeze %dma_start3A_1148 : memref<1x128xf32, #tpu.memory_space<hbm>> -> memref<128xf32, #tpu.memory_space<hbm>>
      %dma_start3A_1150 = tpu.memref_slice %arg4[%add3A_881, %mul3A_1146] : memref<256x24420xf32, #tpu.memory_space<hbm>> -> memref<1x128xf32, #tpu.memory_space<hbm>>
      %dma_start3A_1151 = tpu.memref_squeeze %dma_start3A_1150 : memref<1x128xf32, #tpu.memory_space<hbm>> -> memref<128xf32, #tpu.memory_space<hbm>>
      %dma_start3A_1152 = tpu.memref_slice %arg9[%mul3A_1144] : memref<24448xf32, #tpu.memory_space<vmem>> -> memref<128xf32, #tpu.memory_space<vmem>>
      tpu.enqueue_dma source(%dma_start3A_1152 : memref<128xf32, #tpu.memory_space<vmem>>) target(%dma_start3A_1151 : memref<128xf32, #tpu.memory_space<hbm>>) target_semaphore(%arg13 : memref<!tpu.dma_semaphore, #tpu.memory_space<semaphore_mem>>)
      %scan3A_1153 = arith.constant 3 : i32
      %scan3A_1154 = arith.addi %scan3A_1118, %scan3A_1153 : i32
      %mul3A_1155 = arith.constant 128 : i32
      %mul3A_1156 = arith.muli %scan3A_1154, %mul3A_1155 : i32
      %mul3A_1157 = arith.constant 128 : i32
      %mul3A_1158 = arith.muli %scan3A_1154, %mul3A_1157 : i32
      %dma_start3A_1159 = tpu.memref_slice %arg9[%mul3A_1156] : memref<24448xf32, #tpu.memory_space<vmem>> -> memref<128xf32, #tpu.memory_space<vmem>>
      %dma_start3A_1160 = tpu.memref_slice %arg4[%add3A_881, %mul3A_1158] : memref<256x24420xf32, #tpu.memory_space<hbm>> -> memref<1x128xf32, #tpu.memory_space<hbm>>
      %dma_start3A_1161 = tpu.memref_squeeze %dma_start3A_1160 : memref<1x128xf32, #tpu.memory_space<hbm>> -> memref<128xf32, #tpu.memory_space<hbm>>
      %dma_start3A_1162 = tpu.memref_slice %arg4[%add3A_881, %mul3A_1158] : memref<256x24420xf32, #tpu.memory_space<hbm>> -> memref<1x128xf32, #tpu.memory_space<hbm>>
      %dma_start3A_1163 = tpu.memref_squeeze %dma_start3A_1162 : memref<1x128xf32, #tpu.memory_space<hbm>> -> memref<128xf32, #tpu.memory_space<hbm>>
      %dma_start3A_1164 = tpu.memref_slice %arg9[%mul3A_1156] : memref<24448xf32, #tpu.memory_space<vmem>> -> memref<128xf32, #tpu.memory_space<vmem>>
      tpu.enqueue_dma source(%dma_start3A_1164 : memref<128xf32, #tpu.memory_space<vmem>>) target(%dma_start3A_1163 : memref<128xf32, #tpu.memory_space<hbm>>) target_semaphore(%arg13 : memref<!tpu.dma_semaphore, #tpu.memory_space<semaphore_mem>>)
      %scan3A_1165 = arith.constant 4 : i32
      %scan3A_1166 = arith.addi %scan3A_1118, %scan3A_1165 : i32
      %mul3A_1167 = arith.constant 128 : i32
      %mul3A_1168 = arith.muli %scan3A_1166, %mul3A_1167 : i32
      %mul3A_1169 = arith.constant 128 : i32
      %mul3A_1170 = arith.muli %scan3A_1166, %mul3A_1169 : i32
      %dma_start3A_1171 = tpu.memref_slice %arg9[%mul3A_1168] : memref<24448xf32, #tpu.memory_space<vmem>> -> memref<128xf32, #tpu.memory_space<vmem>>
      %dma_start3A_1172 = tpu.memref_slice %arg4[%add3A_881, %mul3A_1170] : memref<256x24420xf32, #tpu.memory_space<hbm>> -> memref<1x128xf32, #tpu.memory_space<hbm>>
      %dma_start3A_1173 = tpu.memref_squeeze %dma_start3A_1172 : memref<1x128xf32, #tpu.memory_space<hbm>> -> memref<128xf32, #tpu.memory_space<hbm>>
      %dma_start3A_1174 = tpu.memref_slice %arg4[%add3A_881, %mul3A_1170] : memref<256x24420xf32, #tpu.memory_space<hbm>> -> memref<1x128xf32, #tpu.memory_space<hbm>>
      %dma_start3A_1175 = tpu.memref_squeeze %dma_start3A_1174 : memref<1x128xf32, #tpu.memory_space<hbm>> -> memref<128xf32, #tpu.memory_space<hbm>>
      %dma_start3A_1176 = tpu.memref_slice %arg9[%mul3A_1168] : memref<24448xf32, #tpu.memory_space<vmem>> -> memref<128xf32, #tpu.memory_space<vmem>>
      tpu.enqueue_dma source(%dma_start3A_1176 : memref<128xf32, #tpu.memory_space<vmem>>) target(%dma_start3A_1175 : memref<128xf32, #tpu.memory_space<hbm>>) target_semaphore(%arg13 : memref<!tpu.dma_semaphore, #tpu.memory_space<semaphore_mem>>)
      %scan3A_1177 = arith.constant 5 : i32
      %scan3A_1178 = arith.addi %scan3A_1118, %scan3A_1177 : i32
      %mul3A_1179 = arith.constant 128 : i32
      %mul3A_1180 = arith.muli %scan3A_1178, %mul3A_1179 : i32
      %mul3A_1181 = arith.constant 128 : i32
      %mul3A_1182 = arith.muli %scan3A_1178, %mul3A_1181 : i32
      %dma_start3A_1183 = tpu.memref_slice %arg9[%mul3A_1180] : memref<24448xf32, #tpu.memory_space<vmem>> -> memref<128xf32, #tpu.memory_space<vmem>>
      %dma_start3A_1184 = tpu.memref_slice %arg4[%add3A_881, %mul3A_1182] : memref<256x24420xf32, #tpu.memory_space<hbm>> -> memref<1x128xf32, #tpu.memory_space<hbm>>
      %dma_start3A_1185 = tpu.memref_squeeze %dma_start3A_1184 : memref<1x128xf32, #tpu.memory_space<hbm>> -> memref<128xf32, #tpu.memory_space<hbm>>
      %dma_start3A_1186 = tpu.memref_slice %arg4[%add3A_881, %mul3A_1182] : memref<256x24420xf32, #tpu.memory_space<hbm>> -> memref<1x128xf32, #tpu.memory_space<hbm>>
      %dma_start3A_1187 = tpu.memref_squeeze %dma_start3A_1186 : memref<1x128xf32, #tpu.memory_space<hbm>> -> memref<128xf32, #tpu.memory_space<hbm>>
      %dma_start3A_1188 = tpu.memref_slice %arg9[%mul3A_1180] : memref<24448xf32, #tpu.memory_space<vmem>> -> memref<128xf32, #tpu.memory_space<vmem>>
      tpu.enqueue_dma source(%dma_start3A_1188 : memref<128xf32, #tpu.memory_space<vmem>>) target(%dma_start3A_1187 : memref<128xf32, #tpu.memory_space<hbm>>) target_semaphore(%arg13 : memref<!tpu.dma_semaphore, #tpu.memory_space<semaphore_mem>>)
      %scan3A_1189 = arith.constant 6 : i32
      %scan3A_1190 = arith.addi %scan3A_1118, %scan3A_1189 : i32
      %mul3A_1191 = arith.constant 128 : i32
      %mul3A_1192 = arith.muli %scan3A_1190, %mul3A_1191 : i32
      %mul3A_1193 = arith.constant 128 : i32
      %mul3A_1194 = arith.muli %scan3A_1190, %mul3A_1193 : i32
      %dma_start3A_1195 = tpu.memref_slice %arg9[%mul3A_1192] : memref<24448xf32, #tpu.memory_space<vmem>> -> memref<128xf32, #tpu.memory_space<vmem>>
      %dma_start3A_1196 = tpu.memref_slice %arg4[%add3A_881, %mul3A_1194] : memref<256x24420xf32, #tpu.memory_space<hbm>> -> memref<1x128xf32, #tpu.memory_space<hbm>>
      %dma_start3A_1197 = tpu.memref_squeeze %dma_start3A_1196 : memref<1x128xf32, #tpu.memory_space<hbm>> -> memref<128xf32, #tpu.memory_space<hbm>>
      %dma_start3A_1198 = tpu.memref_slice %arg4[%add3A_881, %mul3A_1194] : memref<256x24420xf32, #tpu.memory_space<hbm>> -> memref<1x128xf32, #tpu.memory_space<hbm>>
      %dma_start3A_1199 = tpu.memref_squeeze %dma_start3A_1198 : memref<1x128xf32, #tpu.memory_space<hbm>> -> memref<128xf32, #tpu.memory_space<hbm>>
      %dma_start3A_1200 = tpu.memref_slice %arg9[%mul3A_1192] : memref<24448xf32, #tpu.memory_space<vmem>> -> memref<128xf32, #tpu.memory_space<vmem>>
      tpu.enqueue_dma source(%dma_start3A_1200 : memref<128xf32, #tpu.memory_space<vmem>>) target(%dma_start3A_1199 : memref<128xf32, #tpu.memory_space<hbm>>) target_semaphore(%arg13 : memref<!tpu.dma_semaphore, #tpu.memory_space<semaphore_mem>>)
      %scan3A_1201 = arith.constant 7 : i32
      %scan3A_1202 = arith.addi %scan3A_1118, %scan3A_1201 : i32
      %mul3A_1203 = arith.constant 128 : i32
      %mul3A_1204 = arith.muli %scan3A_1202, %mul3A_1203 : i32
      %mul3A_1205 = arith.constant 128 : i32
      %mul3A_1206 = arith.muli %scan3A_1202, %mul3A_1205 : i32
      %dma_start3A_1207 = tpu.memref_slice %arg9[%mul3A_1204] : memref<24448xf32, #tpu.memory_space<vmem>> -> memref<128xf32, #tpu.memory_space<vmem>>
      %dma_start3A_1208 = tpu.memref_slice %arg4[%add3A_881, %mul3A_1206] : memref<256x24420xf32, #tpu.memory_space<hbm>> -> memref<1x128xf32, #tpu.memory_space<hbm>>
      %dma_start3A_1209 = tpu.memref_squeeze %dma_start3A_1208 : memref<1x128xf32, #tpu.memory_space<hbm>> -> memref<128xf32, #tpu.memory_space<hbm>>
      %dma_start3A_1210 = tpu.memref_slice %arg4[%add3A_881, %mul3A_1206] : memref<256x24420xf32, #tpu.memory_space<hbm>> -> memref<1x128xf32, #tpu.memory_space<hbm>>
      %dma_start3A_1211 = tpu.memref_squeeze %dma_start3A_1210 : memref<1x128xf32, #tpu.memory_space<hbm>> -> memref<128xf32, #tpu.memory_space<hbm>>
      %dma_start3A_1212 = tpu.memref_slice %arg9[%mul3A_1204] : memref<24448xf32, #tpu.memory_space<vmem>> -> memref<128xf32, #tpu.memory_space<vmem>>
      tpu.enqueue_dma source(%dma_start3A_1212 : memref<128xf32, #tpu.memory_space<vmem>>) target(%dma_start3A_1211 : memref<128xf32, #tpu.memory_space<hbm>>) target_semaphore(%arg13 : memref<!tpu.dma_semaphore, #tpu.memory_space<semaphore_mem>>)
    }
    %scan3A_887 = arith.constant 184 : i32
    %scan3A_888 = arith.addi %scan3A_883, %scan3A_887 : i32
    %mul3A_889 = arith.constant 128 : i32
    %mul3A_890 = arith.muli %scan3A_888, %mul3A_889 : i32
    %mul3A_891 = arith.constant 128 : i32
    %mul3A_892 = arith.muli %scan3A_888, %mul3A_891 : i32
    %dma_start3A_893 = tpu.memref_slice %arg9[%mul3A_890] : memref<24448xf32, #tpu.memory_space<vmem>> -> memref<128xf32, #tpu.memory_space<vmem>>
    %dma_start3A_894 = tpu.memref_slice %arg4[%add3A_881, %mul3A_892] : memref<256x24420xf32, #tpu.memory_space<hbm>> -> memref<1x128xf32, #tpu.memory_space<hbm>>
    %dma_start3A_895 = tpu.memref_squeeze %dma_start3A_894 : memref<1x128xf32, #tpu.memory_space<hbm>> -> memref<128xf32, #tpu.memory_space<hbm>>
    %dma_start3A_896 = tpu.memref_slice %arg4[%add3A_881, %mul3A_892] : memref<256x24420xf32, #tpu.memory_space<hbm>> -> memref<1x128xf32, #tpu.memory_space<hbm>>
    %dma_start3A_897 = tpu.memref_squeeze %dma_start3A_896 : memref<1x128xf32, #tpu.memory_space<hbm>> -> memref<128xf32, #tpu.memory_space<hbm>>
    %dma_start3A_898 = tpu.memref_slice %arg9[%mul3A_890] : memref<24448xf32, #tpu.memory_space<vmem>> -> memref<128xf32, #tpu.memory_space<vmem>>
    tpu.enqueue_dma source(%dma_start3A_898 : memref<128xf32, #tpu.memory_space<vmem>>) target(%dma_start3A_897 : memref<128xf32, #tpu.memory_space<hbm>>) target_semaphore(%arg13 : memref<!tpu.dma_semaphore, #tpu.memory_space<semaphore_mem>>)
    %scan3A_899 = arith.constant 185 : i32
    %scan3A_900 = arith.addi %scan3A_883, %scan3A_899 : i32
    %mul3A_901 = arith.constant 128 : i32
    %mul3A_902 = arith.muli %scan3A_900, %mul3A_901 : i32
    %mul3A_903 = arith.constant 128 : i32
    %mul3A_904 = arith.muli %scan3A_900, %mul3A_903 : i32
    %dma_start3A_905 = tpu.memref_slice %arg9[%mul3A_902] : memref<24448xf32, #tpu.memory_space<vmem>> -> memref<128xf32, #tpu.memory_space<vmem>>
    %dma_start3A_906 = tpu.memref_slice %arg4[%add3A_881, %mul3A_904] : memref<256x24420xf32, #tpu.memory_space<hbm>> -> memref<1x128xf32, #tpu.memory_space<hbm>>
    %dma_start3A_907 = tpu.memref_squeeze %dma_start3A_906 : memref<1x128xf32, #tpu.memory_space<hbm>> -> memref<128xf32, #tpu.memory_space<hbm>>
    %dma_start3A_908 = tpu.memref_slice %arg4[%add3A_881, %mul3A_904] : memref<256x24420xf32, #tpu.memory_space<hbm>> -> memref<1x128xf32, #tpu.memory_space<hbm>>
    %dma_start3A_909 = tpu.memref_squeeze %dma_start3A_908 : memref<1x128xf32, #tpu.memory_space<hbm>> -> memref<128xf32, #tpu.memory_space<hbm>>
    %dma_start3A_910 = tpu.memref_slice %arg9[%mul3A_902] : memref<24448xf32, #tpu.memory_space<vmem>> -> memref<128xf32, #tpu.memory_space<vmem>>
    tpu.enqueue_dma source(%dma_start3A_910 : memref<128xf32, #tpu.memory_space<vmem>>) target(%dma_start3A_909 : memref<128xf32, #tpu.memory_space<hbm>>) target_semaphore(%arg13 : memref<!tpu.dma_semaphore, #tpu.memory_space<semaphore_mem>>)
    %scan3A_911 = arith.constant 186 : i32
    %scan3A_912 = arith.addi %scan3A_883, %scan3A_911 : i32
    %mul3A_913 = arith.constant 128 : i32
    %mul3A_914 = arith.muli %scan3A_912, %mul3A_913 : i32
    %mul3A_915 = arith.constant 128 : i32
    %mul3A_916 = arith.muli %scan3A_912, %mul3A_915 : i32
    %dma_start3A_917 = tpu.memref_slice %arg9[%mul3A_914] : memref<24448xf32, #tpu.memory_space<vmem>> -> memref<128xf32, #tpu.memory_space<vmem>>
    %dma_start3A_918 = tpu.memref_slice %arg4[%add3A_881, %mul3A_916] : memref<256x24420xf32, #tpu.memory_space<hbm>> -> memref<1x128xf32, #tpu.memory_space<hbm>>
    %dma_start3A_919 = tpu.memref_squeeze %dma_start3A_918 : memref<1x128xf32, #tpu.memory_space<hbm>> -> memref<128xf32, #tpu.memory_space<hbm>>
    %dma_start3A_920 = tpu.memref_slice %arg4[%add3A_881, %mul3A_916] : memref<256x24420xf32, #tpu.memory_space<hbm>> -> memref<1x128xf32, #tpu.memory_space<hbm>>
    %dma_start3A_921 = tpu.memref_squeeze %dma_start3A_920 : memref<1x128xf32, #tpu.memory_space<hbm>> -> memref<128xf32, #tpu.memory_space<hbm>>
    %dma_start3A_922 = tpu.memref_slice %arg9[%mul3A_914] : memref<24448xf32, #tpu.memory_space<vmem>> -> memref<128xf32, #tpu.memory_space<vmem>>
    tpu.enqueue_dma source(%dma_start3A_922 : memref<128xf32, #tpu.memory_space<vmem>>) target(%dma_start3A_921 : memref<128xf32, #tpu.memory_space<hbm>>) target_semaphore(%arg13 : memref<!tpu.dma_semaphore, #tpu.memory_space<semaphore_mem>>)
    %scan3A_923 = arith.constant 187 : i32
    %scan3A_924 = arith.addi %scan3A_883, %scan3A_923 : i32
    %mul3A_925 = arith.constant 128 : i32
    %mul3A_926 = arith.muli %scan3A_924, %mul3A_925 : i32
    %mul3A_927 = arith.constant 128 : i32
    %mul3A_928 = arith.muli %scan3A_924, %mul3A_927 : i32
    %dma_start3A_929 = tpu.memref_slice %arg9[%mul3A_926] : memref<24448xf32, #tpu.memory_space<vmem>> -> memref<128xf32, #tpu.memory_space<vmem>>
    %dma_start3A_930 = tpu.memref_slice %arg4[%add3A_881, %mul3A_928] : memref<256x24420xf32, #tpu.memory_space<hbm>> -> memref<1x128xf32, #tpu.memory_space<hbm>>
    %dma_start3A_931 = tpu.memref_squeeze %dma_start3A_930 : memref<1x128xf32, #tpu.memory_space<hbm>> -> memref<128xf32, #tpu.memory_space<hbm>>
    %dma_start3A_932 = tpu.memref_slice %arg4[%add3A_881, %mul3A_928] : memref<256x24420xf32, #tpu.memory_space<hbm>> -> memref<1x128xf32, #tpu.memory_space<hbm>>
    %dma_start3A_933 = tpu.memref_squeeze %dma_start3A_932 : memref<1x128xf32, #tpu.memory_space<hbm>> -> memref<128xf32, #tpu.memory_space<hbm>>
    %dma_start3A_934 = tpu.memref_slice %arg9[%mul3A_926] : memref<24448xf32, #tpu.memory_space<vmem>> -> memref<128xf32, #tpu.memory_space<vmem>>
    tpu.enqueue_dma source(%dma_start3A_934 : memref<128xf32, #tpu.memory_space<vmem>>) target(%dma_start3A_933 : memref<128xf32, #tpu.memory_space<hbm>>) target_semaphore(%arg13 : memref<!tpu.dma_semaphore, #tpu.memory_space<semaphore_mem>>)
    %scan3A_935 = arith.constant 188 : i32
    %scan3A_936 = arith.addi %scan3A_883, %scan3A_935 : i32
    %mul3A_937 = arith.constant 128 : i32
    %mul3A_938 = arith.muli %scan3A_936, %mul3A_937 : i32
    %mul3A_939 = arith.constant 128 : i32
    %mul3A_940 = arith.muli %scan3A_936, %mul3A_939 : i32
    %dma_start3A_941 = tpu.memref_slice %arg9[%mul3A_938] : memref<24448xf32, #tpu.memory_space<vmem>> -> memref<128xf32, #tpu.memory_space<vmem>>
    %dma_start3A_942 = tpu.memref_slice %arg4[%add3A_881, %mul3A_940] : memref<256x24420xf32, #tpu.memory_space<hbm>> -> memref<1x128xf32, #tpu.memory_space<hbm>>
    %dma_start3A_943 = tpu.memref_squeeze %dma_start3A_942 : memref<1x128xf32, #tpu.memory_space<hbm>> -> memref<128xf32, #tpu.memory_space<hbm>>
    %dma_start3A_944 = tpu.memref_slice %arg4[%add3A_881, %mul3A_940] : memref<256x24420xf32, #tpu.memory_space<hbm>> -> memref<1x128xf32, #tpu.memory_space<hbm>>
    %dma_start3A_945 = tpu.memref_squeeze %dma_start3A_944 : memref<1x128xf32, #tpu.memory_space<hbm>> -> memref<128xf32, #tpu.memory_space<hbm>>
    %dma_start3A_946 = tpu.memref_slice %arg9[%mul3A_938] : memref<24448xf32, #tpu.memory_space<vmem>> -> memref<128xf32, #tpu.memory_space<vmem>>
    tpu.enqueue_dma source(%dma_start3A_946 : memref<128xf32, #tpu.memory_space<vmem>>) target(%dma_start3A_945 : memref<128xf32, #tpu.memory_space<hbm>>) target_semaphore(%arg13 : memref<!tpu.dma_semaphore, #tpu.memory_space<semaphore_mem>>)
    %scan3A_947 = arith.constant 189 : i32
    %scan3A_948 = arith.addi %scan3A_883, %scan3A_947 : i32
    %mul3A_949 = arith.constant 128 : i32
    %mul3A_950 = arith.muli %scan3A_948, %mul3A_949 : i32
    %mul3A_951 = arith.constant 128 : i32
    %mul3A_952 = arith.muli %scan3A_948, %mul3A_951 : i32
    %dma_start3A_953 = tpu.memref_slice %arg9[%mul3A_950] : memref<24448xf32, #tpu.memory_space<vmem>> -> memref<128xf32, #tpu.memory_space<vmem>>
    %dma_start3A_954 = tpu.memref_slice %arg4[%add3A_881, %mul3A_952] : memref<256x24420xf32, #tpu.memory_space<hbm>> -> memref<1x128xf32, #tpu.memory_space<hbm>>
    %dma_start3A_955 = tpu.memref_squeeze %dma_start3A_954 : memref<1x128xf32, #tpu.memory_space<hbm>> -> memref<128xf32, #tpu.memory_space<hbm>>
    %dma_start3A_956 = tpu.memref_slice %arg4[%add3A_881, %mul3A_952] : memref<256x24420xf32, #tpu.memory_space<hbm>> -> memref<1x128xf32, #tpu.memory_space<hbm>>
    %dma_start3A_957 = tpu.memref_squeeze %dma_start3A_956 : memref<1x128xf32, #tpu.memory_space<hbm>> -> memref<128xf32, #tpu.memory_space<hbm>>
    %dma_start3A_958 = tpu.memref_slice %arg9[%mul3A_950] : memref<24448xf32, #tpu.memory_space<vmem>> -> memref<128xf32, #tpu.memory_space<vmem>>
    tpu.enqueue_dma source(%dma_start3A_958 : memref<128xf32, #tpu.memory_space<vmem>>) target(%dma_start3A_957 : memref<128xf32, #tpu.memory_space<hbm>>) target_semaphore(%arg13 : memref<!tpu.dma_semaphore, #tpu.memory_space<semaphore_mem>>)
    %scan3A_959 = arith.constant 190 : i32
    %dma_start3A_960 = arith.constant 24320 : i32
    %dma_start3A_961 = tpu.memref_slice %arg9[%dma_start3A_960] : memref<24448xf32, #tpu.memory_space<vmem>> -> memref<128xf32, #tpu.memory_space<vmem>>
    %dma_start3A_962 = arith.constant 0 : i32
    %dma_start3A_963 = tpu.memref_slice %arg5[%add3A_881, %dma_start3A_962] : memref<256x128xf32, #tpu.memory_space<hbm>> -> memref<1x128xf32, #tpu.memory_space<hbm>>
    %dma_start3A_964 = tpu.memref_squeeze %dma_start3A_963 : memref<1x128xf32, #tpu.memory_space<hbm>> -> memref<128xf32, #tpu.memory_space<hbm>>
    %dma_start3A_965 = arith.constant 0 : i32
    %dma_start3A_966 = tpu.memref_slice %arg5[%add3A_881, %dma_start3A_965] : memref<256x128xf32, #tpu.memory_space<hbm>> -> memref<1x128xf32, #tpu.memory_space<hbm>>
    %dma_start3A_967 = tpu.memref_squeeze %dma_start3A_966 : memref<1x128xf32, #tpu.memory_space<hbm>> -> memref<128xf32, #tpu.memory_space<hbm>>
    %dma_start3A_968 = arith.constant 24320 : i32
    %dma_start3A_969 = tpu.memref_slice %arg9[%dma_start3A_968] : memref<24448xf32, #tpu.memory_space<vmem>> -> memref<128xf32, #tpu.memory_space<vmem>>
    tpu.enqueue_dma source(%dma_start3A_969 : memref<128xf32, #tpu.memory_space<vmem>>) target(%dma_start3A_967 : memref<128xf32, #tpu.memory_space<hbm>>) target_semaphore(%arg13 : memref<!tpu.dma_semaphore, #tpu.memory_space<semaphore_mem>>)
    %add3A_970 = arith.constant 7 : i32
    %add3A_971 = arith.addi %mul3A_2, %add3A_970 : i32
    %mul3A_972 = arith.constant 57344 : i32
    %mul3A_973 = arith.muli %add3A_971, %mul3A_972 : i32
    %add3A_974 = arith.constant 256 : i32
    %add3A_975 = arith.addi %mul3A_973, %add3A_974 : i32
    %dma_wait3A_976 = tpu.memref_slice %arg2[%add3A_975] : memref<14680064xf32, #tpu.memory_space<hbm>> -> memref<28128xf32, #tpu.memory_space<hbm>>
    %dma_wait3A_977 = tpu.memref_slice %arg2[%add3A_975] : memref<14680064xf32, #tpu.memory_space<hbm>> -> memref<28128xf32, #tpu.memory_space<hbm>>
    tpu.wait_dma2 semaphore(%arg11 : memref<!tpu.dma_semaphore, #tpu.memory_space<semaphore_mem>>) src(%dma_wait3A_977 : memref<28128xf32, #tpu.memory_space<hbm>>) dst(%arg7 : memref<28128xf32, #tpu.memory_space<vmem>>)
    %add3A_978 = arith.constant 7 : i32
    %add3A_979 = arith.addi %mul3A_2, %add3A_978 : i32
    %sub3A_980 = arith.constant 2 : i32
    %sub3A_981 = arith.subi %add3A_979, %sub3A_980 : i32
    %dma_wait3A_982 = arith.constant 0 : i32
    %dma_wait3A_983 = tpu.memref_slice %arg10[%dma_wait3A_982] : memref<24448xf32, #tpu.memory_space<vmem>> -> memref<24448xf32, #tpu.memory_space<vmem>>
    %dma_wait3A_984 = arith.constant 0 : i32
    %dma_wait3A_985 = tpu.memref_slice %arg2[%dma_wait3A_984] : memref<14680064xf32, #tpu.memory_space<hbm>> -> memref<24448xf32, #tpu.memory_space<hbm>>
    %dma_wait3A_986 = arith.constant 0 : i32
    %dma_wait3A_987 = tpu.memref_slice %arg2[%dma_wait3A_986] : memref<14680064xf32, #tpu.memory_space<hbm>> -> memref<24448xf32, #tpu.memory_space<hbm>>
    %dma_wait3A_988 = arith.constant 0 : i32
    %dma_wait3A_989 = tpu.memref_slice %arg10[%dma_wait3A_988] : memref<24448xf32, #tpu.memory_space<vmem>> -> memref<24448xf32, #tpu.memory_space<vmem>>
    tpu.wait_dma2 semaphore(%arg13 : memref<!tpu.dma_semaphore, #tpu.memory_space<semaphore_mem>>) src(%dma_wait3A_989 : memref<24448xf32, #tpu.memory_space<vmem>>) dst(%dma_wait3A_987 : memref<24448xf32, #tpu.memory_space<hbm>>)
    %parallel_loop3A_990 = arith.constant 0 : i32
    %parallel_loop3A_991 = arith.constant 379 : i32
    %parallel_loop3A_992 = arith.constant 1 : i32
    scf.for %parallel_loop3A_1118 = %parallel_loop3A_990 to %parallel_loop3A_991 step %parallel_loop3A_992  : i32 {
      %parallel_loop3A_1119 = arith.constant 16 : i32
      %parallel_loop3A_1120 = arith.muli %parallel_loop3A_1118, %parallel_loop3A_1119 : i32
      %parallel_loop3A_1121 = arith.index_cast %parallel_loop3A_1120 : i32 to index
      %parallel_loop3A_1122 = tpu.vector_load %arg6[%parallel_loop3A_1121] {strides = array<i32>} : memref<12224xi32, #tpu.memory_space<vmem>>, vector<16xi32>,
      %parallel_loop3A_1123 = arith.constant 65535 : i32
      %parallel_loop3A_1124 = vector.broadcast %parallel_loop3A_1123 : i32 to vector<16xi32>
      %parallel_loop3A_1125 = arith.andi %parallel_loop3A_1122, %parallel_loop3A_1124 : vector<16xi32>
      %parallel_loop3A_1126 = arith.constant 16 : i32
      %parallel_loop3A_1127 = vector.broadcast %parallel_loop3A_1126 : i32 to vector<16xi32>
      %parallel_loop3A_1128 = arith.shrui %parallel_loop3A_1122, %parallel_loop3A_1127 : vector<16xi32>
      %parallel_loop3A_1129 = tpu.vector_load_idx %arg7[%parallel_loop3A_1125] : memref<28128xf32, #tpu.memory_space<vmem>>[vector<16xi32>], vector<16xf32>,
      %parallel_loop3A_1130 = arith.constant 32 : i32
      %parallel_loop3A_1131 = arith.muli %parallel_loop3A_1118, %parallel_loop3A_1130 : i32
      %parallel_loop3A_1132 = arith.index_cast %parallel_loop3A_1131 : i32 to index
      %parallel_loop3A_1133 = tpu.vector_load %arg10[%parallel_loop3A_1132] {strides = array<i32>} : memref<24448xf32, #tpu.memory_space<vmem>>, vector<16xf32>,
      tpu.vector_store %arg10[%parallel_loop3A_1132], %parallel_loop3A_1129 {strides = array<i32>} : memref<24448xf32, #tpu.memory_space<vmem>>, vector<16xf32>,
      %parallel_loop3A_1134 = tpu.vector_load_idx %arg7[%parallel_loop3A_1128] : memref<28128xf32, #tpu.memory_space<vmem>>[vector<16xi32>], vector<16xf32>,
      %parallel_loop3A_1135 = arith.constant 32 : i32
      %parallel_loop3A_1136 = arith.muli %parallel_loop3A_1118, %parallel_loop3A_1135 : i32
      %parallel_loop3A_1137 = arith.constant 16 : i32
      %parallel_loop3A_1138 = arith.addi %parallel_loop3A_1136, %parallel_loop3A_1137 : i32
      %parallel_loop3A_1139 = arith.index_cast %parallel_loop3A_1138 : i32 to index
      %parallel_loop3A_1140 = tpu.vector_load %arg10[%parallel_loop3A_1139] {strides = array<i32>} : memref<24448xf32, #tpu.memory_space<vmem>>, vector<16xf32>,
      tpu.vector_store %arg10[%parallel_loop3A_1139], %parallel_loop3A_1134 {strides = array<i32>} : memref<24448xf32, #tpu.memory_space<vmem>>, vector<16xf32>,
    } {sc.loop_unroll_factor = 8 : i64, sc.parallel_access}
    %add3A_993 = arith.constant 7 : i32
    %add3A_994 = arith.addi %mul3A_2, %add3A_993 : i32
    %mul3A_995 = arith.constant 57344 : i32
    %mul3A_996 = arith.muli %add3A_994, %mul3A_995 : i32
    %add3A_997 = arith.constant 28160 : i32
    %add3A_998 = arith.addi %mul3A_996, %add3A_997 : i32
    %dma_wait3A_999 = tpu.memref_slice %arg2[%add3A_998] : memref<14680064xf32, #tpu.memory_space<hbm>> -> memref<28640xf32, #tpu.memory_space<hbm>>
    %dma_wait3A_1000 = tpu.memref_slice %arg2[%add3A_998] : memref<14680064xf32, #tpu.memory_space<hbm>> -> memref<28640xf32, #tpu.memory_space<hbm>>
    tpu.wait_dma2 semaphore(%arg12 : memref<!tpu.dma_semaphore, #tpu.memory_space<semaphore_mem>>) src(%dma_wait3A_1000 : memref<28640xf32, #tpu.memory_space<hbm>>) dst(%arg8 : memref<28640xf32, #tpu.memory_space<vmem>>)
    %parallel_loop3A_1001 = arith.constant 379 : i32
    %parallel_loop3A_1002 = arith.constant 764 : i32
    %parallel_loop3A_1003 = arith.constant 1 : i32
    scf.for %parallel_loop3A_1118 = %parallel_loop3A_1001 to %parallel_loop3A_1002 step %parallel_loop3A_1003  : i32 {
      %parallel_loop3A_1119 = arith.constant 16 : i32
      %parallel_loop3A_1120 = arith.muli %parallel_loop3A_1118, %parallel_loop3A_1119 : i32
      %parallel_loop3A_1121 = arith.index_cast %parallel_loop3A_1120 : i32 to index
      %parallel_loop3A_1122 = tpu.vector_load %arg6[%parallel_loop3A_1121] {strides = array<i32>} : memref<12224xi32, #tpu.memory_space<vmem>>, vector<16xi32>,
      %parallel_loop3A_1123 = arith.constant 65535 : i32
      %parallel_loop3A_1124 = vector.broadcast %parallel_loop3A_1123 : i32 to vector<16xi32>
      %parallel_loop3A_1125 = arith.andi %parallel_loop3A_1122, %parallel_loop3A_1124 : vector<16xi32>
      %parallel_loop3A_1126 = arith.constant 16 : i32
      %parallel_loop3A_1127 = vector.broadcast %parallel_loop3A_1126 : i32 to vector<16xi32>
      %parallel_loop3A_1128 = arith.shrui %parallel_loop3A_1122, %parallel_loop3A_1127 : vector<16xi32>
      %parallel_loop3A_1129 = tpu.vector_load_idx %arg8[%parallel_loop3A_1125] : memref<28640xf32, #tpu.memory_space<vmem>>[vector<16xi32>], vector<16xf32>,
      %parallel_loop3A_1130 = arith.constant 32 : i32
      %parallel_loop3A_1131 = arith.muli %parallel_loop3A_1118, %parallel_loop3A_1130 : i32
      %parallel_loop3A_1132 = arith.index_cast %parallel_loop3A_1131 : i32 to index
      %parallel_loop3A_1133 = tpu.vector_load %arg10[%parallel_loop3A_1132] {strides = array<i32>} : memref<24448xf32, #tpu.memory_space<vmem>>, vector<16xf32>,
      tpu.vector_store %arg10[%parallel_loop3A_1132], %parallel_loop3A_1129 {strides = array<i32>} : memref<24448xf32, #tpu.memory_space<vmem>>, vector<16xf32>,
      %parallel_loop3A_1134 = tpu.vector_load_idx %arg8[%parallel_loop3A_1128] : memref<28640xf32, #tpu.memory_space<vmem>>[vector<16xi32>], vector<16xf32>,
      %parallel_loop3A_1135 = arith.constant 32 : i32
      %parallel_loop3A_1136 = arith.muli %parallel_loop3A_1118, %parallel_loop3A_1135 : i32
      %parallel_loop3A_1137 = arith.constant 16 : i32
      %parallel_loop3A_1138 = arith.addi %parallel_loop3A_1136, %parallel_loop3A_1137 : i32
      %parallel_loop3A_1139 = arith.index_cast %parallel_loop3A_1138 : i32 to index
      %parallel_loop3A_1140 = tpu.vector_load %arg10[%parallel_loop3A_1139] {strides = array<i32>} : memref<24448xf32, #tpu.memory_space<vmem>>, vector<16xf32>,
      tpu.vector_store %arg10[%parallel_loop3A_1139], %parallel_loop3A_1134 {strides = array<i32>} : memref<24448xf32, #tpu.memory_space<vmem>>, vector<16xf32>,
    } {sc.loop_unroll_factor = 8 : i64, sc.parallel_access}
    %add3A_1004 = arith.constant 7 : i32
    %add3A_1005 = arith.addi %mul3A_2, %add3A_1004 : i32
    %scan3A_1006 = arith.constant 0 : i32
    %scan3A_1007 = arith.constant 0 : i32
    %scan3A_1008 = arith.constant 184 : i32
    %scan3A_1009 = arith.addi %scan3A_1007, %scan3A_1008 : i32
    %scan3A_1010 = arith.constant 8 : i32
    scf.for %scan3A_1118 = %scan3A_1007 to %scan3A_1009 step %scan3A_1010  : i32 {
      %mul3A_1119 = arith.constant 128 : i32
      %mul3A_1120 = arith.muli %scan3A_1118, %mul3A_1119 : i32
      %mul3A_1121 = arith.constant 128 : i32
      %mul3A_1122 = arith.muli %scan3A_1118, %mul3A_1121 : i32
      %dma_start3A_1123 = tpu.memref_slice %arg10[%mul3A_1120] : memref<24448xf32, #tpu.memory_space<vmem>> -> memref<128xf32, #tpu.memory_space<vmem>>
      %dma_start3A_1124 = tpu.memref_slice %arg4[%add3A_1005, %mul3A_1122] : memref<256x24420xf32, #tpu.memory_space<hbm>> -> memref<1x128xf32, #tpu.memory_space<hbm>>
      %dma_start3A_1125 = tpu.memref_squeeze %dma_start3A_1124 : memref<1x128xf32, #tpu.memory_space<hbm>> -> memref<128xf32, #tpu.memory_space<hbm>>
      %dma_start3A_1126 = tpu.memref_slice %arg4[%add3A_1005, %mul3A_1122] : memref<256x24420xf32, #tpu.memory_space<hbm>> -> memref<1x128xf32, #tpu.memory_space<hbm>>
      %dma_start3A_1127 = tpu.memref_squeeze %dma_start3A_1126 : memref<1x128xf32, #tpu.memory_space<hbm>> -> memref<128xf32, #tpu.memory_space<hbm>>
      %dma_start3A_1128 = tpu.memref_slice %arg10[%mul3A_1120] : memref<24448xf32, #tpu.memory_space<vmem>> -> memref<128xf32, #tpu.memory_space<vmem>>
      tpu.enqueue_dma source(%dma_start3A_1128 : memref<128xf32, #tpu.memory_space<vmem>>) target(%dma_start3A_1127 : memref<128xf32, #tpu.memory_space<hbm>>) target_semaphore(%arg13 : memref<!tpu.dma_semaphore, #tpu.memory_space<semaphore_mem>>)
      %scan3A_1129 = arith.constant 1 : i32
      %scan3A_1130 = arith.addi %scan3A_1118, %scan3A_1129 : i32
      %mul3A_1131 = arith.constant 128 : i32
      %mul3A_1132 = arith.muli %scan3A_1130, %mul3A_1131 : i32
      %mul3A_1133 = arith.constant 128 : i32
      %mul3A_1134 = arith.muli %scan3A_1130, %mul3A_1133 : i32
      %dma_start3A_1135 = tpu.memref_slice %arg10[%mul3A_1132] : memref<24448xf32, #tpu.memory_space<vmem>> -> memref<128xf32, #tpu.memory_space<vmem>>
      %dma_start3A_1136 = tpu.memref_slice %arg4[%add3A_1005, %mul3A_1134] : memref<256x24420xf32, #tpu.memory_space<hbm>> -> memref<1x128xf32, #tpu.memory_space<hbm>>
      %dma_start3A_1137 = tpu.memref_squeeze %dma_start3A_1136 : memref<1x128xf32, #tpu.memory_space<hbm>> -> memref<128xf32, #tpu.memory_space<hbm>>
      %dma_start3A_1138 = tpu.memref_slice %arg4[%add3A_1005, %mul3A_1134] : memref<256x24420xf32, #tpu.memory_space<hbm>> -> memref<1x128xf32, #tpu.memory_space<hbm>>
      %dma_start3A_1139 = tpu.memref_squeeze %dma_start3A_1138 : memref<1x128xf32, #tpu.memory_space<hbm>> -> memref<128xf32, #tpu.memory_space<hbm>>
      %dma_start3A_1140 = tpu.memref_slice %arg10[%mul3A_1132] : memref<24448xf32, #tpu.memory_space<vmem>> -> memref<128xf32, #tpu.memory_space<vmem>>
      tpu.enqueue_dma source(%dma_start3A_1140 : memref<128xf32, #tpu.memory_space<vmem>>) target(%dma_start3A_1139 : memref<128xf32, #tpu.memory_space<hbm>>) target_semaphore(%arg13 : memref<!tpu.dma_semaphore, #tpu.memory_space<semaphore_mem>>)
      %scan3A_1141 = arith.constant 2 : i32
      %scan3A_1142 = arith.addi %scan3A_1118, %scan3A_1141 : i32
      %mul3A_1143 = arith.constant 128 : i32
      %mul3A_1144 = arith.muli %scan3A_1142, %mul3A_1143 : i32
      %mul3A_1145 = arith.constant 128 : i32
      %mul3A_1146 = arith.muli %scan3A_1142, %mul3A_1145 : i32
      %dma_start3A_1147 = tpu.memref_slice %arg10[%mul3A_1144] : memref<24448xf32, #tpu.memory_space<vmem>> -> memref<128xf32, #tpu.memory_space<vmem>>
      %dma_start3A_1148 = tpu.memref_slice %arg4[%add3A_1005, %mul3A_1146] : memref<256x24420xf32, #tpu.memory_space<hbm>> -> memref<1x128xf32, #tpu.memory_space<hbm>>
      %dma_start3A_1149 = tpu.memref_squeeze %dma_start3A_1148 : memref<1x128xf32, #tpu.memory_space<hbm>> -> memref<128xf32, #tpu.memory_space<hbm>>
      %dma_start3A_1150 = tpu.memref_slice %arg4[%add3A_1005, %mul3A_1146] : memref<256x24420xf32, #tpu.memory_space<hbm>> -> memref<1x128xf32, #tpu.memory_space<hbm>>
      %dma_start3A_1151 = tpu.memref_squeeze %dma_start3A_1150 : memref<1x128xf32, #tpu.memory_space<hbm>> -> memref<128xf32, #tpu.memory_space<hbm>>
      %dma_start3A_1152 = tpu.memref_slice %arg10[%mul3A_1144] : memref<24448xf32, #tpu.memory_space<vmem>> -> memref<128xf32, #tpu.memory_space<vmem>>
      tpu.enqueue_dma source(%dma_start3A_1152 : memref<128xf32, #tpu.memory_space<vmem>>) target(%dma_start3A_1151 : memref<128xf32, #tpu.memory_space<hbm>>) target_semaphore(%arg13 : memref<!tpu.dma_semaphore, #tpu.memory_space<semaphore_mem>>)
      %scan3A_1153 = arith.constant 3 : i32
      %scan3A_1154 = arith.addi %scan3A_1118, %scan3A_1153 : i32
      %mul3A_1155 = arith.constant 128 : i32
      %mul3A_1156 = arith.muli %scan3A_1154, %mul3A_1155 : i32
      %mul3A_1157 = arith.constant 128 : i32
      %mul3A_1158 = arith.muli %scan3A_1154, %mul3A_1157 : i32
      %dma_start3A_1159 = tpu.memref_slice %arg10[%mul3A_1156] : memref<24448xf32, #tpu.memory_space<vmem>> -> memref<128xf32, #tpu.memory_space<vmem>>
      %dma_start3A_1160 = tpu.memref_slice %arg4[%add3A_1005, %mul3A_1158] : memref<256x24420xf32, #tpu.memory_space<hbm>> -> memref<1x128xf32, #tpu.memory_space<hbm>>
      %dma_start3A_1161 = tpu.memref_squeeze %dma_start3A_1160 : memref<1x128xf32, #tpu.memory_space<hbm>> -> memref<128xf32, #tpu.memory_space<hbm>>
      %dma_start3A_1162 = tpu.memref_slice %arg4[%add3A_1005, %mul3A_1158] : memref<256x24420xf32, #tpu.memory_space<hbm>> -> memref<1x128xf32, #tpu.memory_space<hbm>>
      %dma_start3A_1163 = tpu.memref_squeeze %dma_start3A_1162 : memref<1x128xf32, #tpu.memory_space<hbm>> -> memref<128xf32, #tpu.memory_space<hbm>>
      %dma_start3A_1164 = tpu.memref_slice %arg10[%mul3A_1156] : memref<24448xf32, #tpu.memory_space<vmem>> -> memref<128xf32, #tpu.memory_space<vmem>>
      tpu.enqueue_dma source(%dma_start3A_1164 : memref<128xf32, #tpu.memory_space<vmem>>) target(%dma_start3A_1163 : memref<128xf32, #tpu.memory_space<hbm>>) target_semaphore(%arg13 : memref<!tpu.dma_semaphore, #tpu.memory_space<semaphore_mem>>)
      %scan3A_1165 = arith.constant 4 : i32
      %scan3A_1166 = arith.addi %scan3A_1118, %scan3A_1165 : i32
      %mul3A_1167 = arith.constant 128 : i32
      %mul3A_1168 = arith.muli %scan3A_1166, %mul3A_1167 : i32
      %mul3A_1169 = arith.constant 128 : i32
      %mul3A_1170 = arith.muli %scan3A_1166, %mul3A_1169 : i32
      %dma_start3A_1171 = tpu.memref_slice %arg10[%mul3A_1168] : memref<24448xf32, #tpu.memory_space<vmem>> -> memref<128xf32, #tpu.memory_space<vmem>>
      %dma_start3A_1172 = tpu.memref_slice %arg4[%add3A_1005, %mul3A_1170] : memref<256x24420xf32, #tpu.memory_space<hbm>> -> memref<1x128xf32, #tpu.memory_space<hbm>>
      %dma_start3A_1173 = tpu.memref_squeeze %dma_start3A_1172 : memref<1x128xf32, #tpu.memory_space<hbm>> -> memref<128xf32, #tpu.memory_space<hbm>>
      %dma_start3A_1174 = tpu.memref_slice %arg4[%add3A_1005, %mul3A_1170] : memref<256x24420xf32, #tpu.memory_space<hbm>> -> memref<1x128xf32, #tpu.memory_space<hbm>>
      %dma_start3A_1175 = tpu.memref_squeeze %dma_start3A_1174 : memref<1x128xf32, #tpu.memory_space<hbm>> -> memref<128xf32, #tpu.memory_space<hbm>>
      %dma_start3A_1176 = tpu.memref_slice %arg10[%mul3A_1168] : memref<24448xf32, #tpu.memory_space<vmem>> -> memref<128xf32, #tpu.memory_space<vmem>>
      tpu.enqueue_dma source(%dma_start3A_1176 : memref<128xf32, #tpu.memory_space<vmem>>) target(%dma_start3A_1175 : memref<128xf32, #tpu.memory_space<hbm>>) target_semaphore(%arg13 : memref<!tpu.dma_semaphore, #tpu.memory_space<semaphore_mem>>)
      %scan3A_1177 = arith.constant 5 : i32
      %scan3A_1178 = arith.addi %scan3A_1118, %scan3A_1177 : i32
      %mul3A_1179 = arith.constant 128 : i32
      %mul3A_1180 = arith.muli %scan3A_1178, %mul3A_1179 : i32
      %mul3A_1181 = arith.constant 128 : i32
      %mul3A_1182 = arith.muli %scan3A_1178, %mul3A_1181 : i32
      %dma_start3A_1183 = tpu.memref_slice %arg10[%mul3A_1180] : memref<24448xf32, #tpu.memory_space<vmem>> -> memref<128xf32, #tpu.memory_space<vmem>>
      %dma_start3A_1184 = tpu.memref_slice %arg4[%add3A_1005, %mul3A_1182] : memref<256x24420xf32, #tpu.memory_space<hbm>> -> memref<1x128xf32, #tpu.memory_space<hbm>>
      %dma_start3A_1185 = tpu.memref_squeeze %dma_start3A_1184 : memref<1x128xf32, #tpu.memory_space<hbm>> -> memref<128xf32, #tpu.memory_space<hbm>>
      %dma_start3A_1186 = tpu.memref_slice %arg4[%add3A_1005, %mul3A_1182] : memref<256x24420xf32, #tpu.memory_space<hbm>> -> memref<1x128xf32, #tpu.memory_space<hbm>>
      %dma_start3A_1187 = tpu.memref_squeeze %dma_start3A_1186 : memref<1x128xf32, #tpu.memory_space<hbm>> -> memref<128xf32, #tpu.memory_space<hbm>>
      %dma_start3A_1188 = tpu.memref_slice %arg10[%mul3A_1180] : memref<24448xf32, #tpu.memory_space<vmem>> -> memref<128xf32, #tpu.memory_space<vmem>>
      tpu.enqueue_dma source(%dma_start3A_1188 : memref<128xf32, #tpu.memory_space<vmem>>) target(%dma_start3A_1187 : memref<128xf32, #tpu.memory_space<hbm>>) target_semaphore(%arg13 : memref<!tpu.dma_semaphore, #tpu.memory_space<semaphore_mem>>)
      %scan3A_1189 = arith.constant 6 : i32
      %scan3A_1190 = arith.addi %scan3A_1118, %scan3A_1189 : i32
      %mul3A_1191 = arith.constant 128 : i32
      %mul3A_1192 = arith.muli %scan3A_1190, %mul3A_1191 : i32
      %mul3A_1193 = arith.constant 128 : i32
      %mul3A_1194 = arith.muli %scan3A_1190, %mul3A_1193 : i32
      %dma_start3A_1195 = tpu.memref_slice %arg10[%mul3A_1192] : memref<24448xf32, #tpu.memory_space<vmem>> -> memref<128xf32, #tpu.memory_space<vmem>>
      %dma_start3A_1196 = tpu.memref_slice %arg4[%add3A_1005, %mul3A_1194] : memref<256x24420xf32, #tpu.memory_space<hbm>> -> memref<1x128xf32, #tpu.memory_space<hbm>>
      %dma_start3A_1197 = tpu.memref_squeeze %dma_start3A_1196 : memref<1x128xf32, #tpu.memory_space<hbm>> -> memref<128xf32, #tpu.memory_space<hbm>>
      %dma_start3A_1198 = tpu.memref_slice %arg4[%add3A_1005, %mul3A_1194] : memref<256x24420xf32, #tpu.memory_space<hbm>> -> memref<1x128xf32, #tpu.memory_space<hbm>>
      %dma_start3A_1199 = tpu.memref_squeeze %dma_start3A_1198 : memref<1x128xf32, #tpu.memory_space<hbm>> -> memref<128xf32, #tpu.memory_space<hbm>>
      %dma_start3A_1200 = tpu.memref_slice %arg10[%mul3A_1192] : memref<24448xf32, #tpu.memory_space<vmem>> -> memref<128xf32, #tpu.memory_space<vmem>>
      tpu.enqueue_dma source(%dma_start3A_1200 : memref<128xf32, #tpu.memory_space<vmem>>) target(%dma_start3A_1199 : memref<128xf32, #tpu.memory_space<hbm>>) target_semaphore(%arg13 : memref<!tpu.dma_semaphore, #tpu.memory_space<semaphore_mem>>)
      %scan3A_1201 = arith.constant 7 : i32
      %scan3A_1202 = arith.addi %scan3A_1118, %scan3A_1201 : i32
      %mul3A_1203 = arith.constant 128 : i32
      %mul3A_1204 = arith.muli %scan3A_1202, %mul3A_1203 : i32
      %mul3A_1205 = arith.constant 128 : i32
      %mul3A_1206 = arith.muli %scan3A_1202, %mul3A_1205 : i32
      %dma_start3A_1207 = tpu.memref_slice %arg10[%mul3A_1204] : memref<24448xf32, #tpu.memory_space<vmem>> -> memref<128xf32, #tpu.memory_space<vmem>>
      %dma_start3A_1208 = tpu.memref_slice %arg4[%add3A_1005, %mul3A_1206] : memref<256x24420xf32, #tpu.memory_space<hbm>> -> memref<1x128xf32, #tpu.memory_space<hbm>>
      %dma_start3A_1209 = tpu.memref_squeeze %dma_start3A_1208 : memref<1x128xf32, #tpu.memory_space<hbm>> -> memref<128xf32, #tpu.memory_space<hbm>>
      %dma_start3A_1210 = tpu.memref_slice %arg4[%add3A_1005, %mul3A_1206] : memref<256x24420xf32, #tpu.memory_space<hbm>> -> memref<1x128xf32, #tpu.memory_space<hbm>>
      %dma_start3A_1211 = tpu.memref_squeeze %dma_start3A_1210 : memref<1x128xf32, #tpu.memory_space<hbm>> -> memref<128xf32, #tpu.memory_space<hbm>>
      %dma_start3A_1212 = tpu.memref_slice %arg10[%mul3A_1204] : memref<24448xf32, #tpu.memory_space<vmem>> -> memref<128xf32, #tpu.memory_space<vmem>>
      tpu.enqueue_dma source(%dma_start3A_1212 : memref<128xf32, #tpu.memory_space<vmem>>) target(%dma_start3A_1211 : memref<128xf32, #tpu.memory_space<hbm>>) target_semaphore(%arg13 : memref<!tpu.dma_semaphore, #tpu.memory_space<semaphore_mem>>)
    }
    %scan3A_1011 = arith.constant 184 : i32
    %scan3A_1012 = arith.addi %scan3A_1007, %scan3A_1011 : i32
    %mul3A_1013 = arith.constant 128 : i32
    %mul3A_1014 = arith.muli %scan3A_1012, %mul3A_1013 : i32
    %mul3A_1015 = arith.constant 128 : i32
    %mul3A_1016 = arith.muli %scan3A_1012, %mul3A_1015 : i32
    %dma_start3A_1017 = tpu.memref_slice %arg10[%mul3A_1014] : memref<24448xf32, #tpu.memory_space<vmem>> -> memref<128xf32, #tpu.memory_space<vmem>>
    %dma_start3A_1018 = tpu.memref_slice %arg4[%add3A_1005, %mul3A_1016] : memref<256x24420xf32, #tpu.memory_space<hbm>> -> memref<1x128xf32, #tpu.memory_space<hbm>>
    %dma_start3A_1019 = tpu.memref_squeeze %dma_start3A_1018 : memref<1x128xf32, #tpu.memory_space<hbm>> -> memref<128xf32, #tpu.memory_space<hbm>>
    %dma_start3A_1020 = tpu.memref_slice %arg4[%add3A_1005, %mul3A_1016] : memref<256x24420xf32, #tpu.memory_space<hbm>> -> memref<1x128xf32, #tpu.memory_space<hbm>>
    %dma_start3A_1021 = tpu.memref_squeeze %dma_start3A_1020 : memref<1x128xf32, #tpu.memory_space<hbm>> -> memref<128xf32, #tpu.memory_space<hbm>>
    %dma_start3A_1022 = tpu.memref_slice %arg10[%mul3A_1014] : memref<24448xf32, #tpu.memory_space<vmem>> -> memref<128xf32, #tpu.memory_space<vmem>>
    tpu.enqueue_dma source(%dma_start3A_1022 : memref<128xf32, #tpu.memory_space<vmem>>) target(%dma_start3A_1021 : memref<128xf32, #tpu.memory_space<hbm>>) target_semaphore(%arg13 : memref<!tpu.dma_semaphore, #tpu.memory_space<semaphore_mem>>)
    %scan3A_1023 = arith.constant 185 : i32
    %scan3A_1024 = arith.addi %scan3A_1007, %scan3A_1023 : i32
    %mul3A_1025 = arith.constant 128 : i32
    %mul3A_1026 = arith.muli %scan3A_1024, %mul3A_1025 : i32
    %mul3A_1027 = arith.constant 128 : i32
    %mul3A_1028 = arith.muli %scan3A_1024, %mul3A_1027 : i32
    %dma_start3A_1029 = tpu.memref_slice %arg10[%mul3A_1026] : memref<24448xf32, #tpu.memory_space<vmem>> -> memref<128xf32, #tpu.memory_space<vmem>>
    %dma_start3A_1030 = tpu.memref_slice %arg4[%add3A_1005, %mul3A_1028] : memref<256x24420xf32, #tpu.memory_space<hbm>> -> memref<1x128xf32, #tpu.memory_space<hbm>>
    %dma_start3A_1031 = tpu.memref_squeeze %dma_start3A_1030 : memref<1x128xf32, #tpu.memory_space<hbm>> -> memref<128xf32, #tpu.memory_space<hbm>>
    %dma_start3A_1032 = tpu.memref_slice %arg4[%add3A_1005, %mul3A_1028] : memref<256x24420xf32, #tpu.memory_space<hbm>> -> memref<1x128xf32, #tpu.memory_space<hbm>>
    %dma_start3A_1033 = tpu.memref_squeeze %dma_start3A_1032 : memref<1x128xf32, #tpu.memory_space<hbm>> -> memref<128xf32, #tpu.memory_space<hbm>>
    %dma_start3A_1034 = tpu.memref_slice %arg10[%mul3A_1026] : memref<24448xf32, #tpu.memory_space<vmem>> -> memref<128xf32, #tpu.memory_space<vmem>>
    tpu.enqueue_dma source(%dma_start3A_1034 : memref<128xf32, #tpu.memory_space<vmem>>) target(%dma_start3A_1033 : memref<128xf32, #tpu.memory_space<hbm>>) target_semaphore(%arg13 : memref<!tpu.dma_semaphore, #tpu.memory_space<semaphore_mem>>)
    %scan3A_1035 = arith.constant 186 : i32
    %scan3A_1036 = arith.addi %scan3A_1007, %scan3A_1035 : i32
    %mul3A_1037 = arith.constant 128 : i32
    %mul3A_1038 = arith.muli %scan3A_1036, %mul3A_1037 : i32
    %mul3A_1039 = arith.constant 128 : i32
    %mul3A_1040 = arith.muli %scan3A_1036, %mul3A_1039 : i32
    %dma_start3A_1041 = tpu.memref_slice %arg10[%mul3A_1038] : memref<24448xf32, #tpu.memory_space<vmem>> -> memref<128xf32, #tpu.memory_space<vmem>>
    %dma_start3A_1042 = tpu.memref_slice %arg4[%add3A_1005, %mul3A_1040] : memref<256x24420xf32, #tpu.memory_space<hbm>> -> memref<1x128xf32, #tpu.memory_space<hbm>>
    %dma_start3A_1043 = tpu.memref_squeeze %dma_start3A_1042 : memref<1x128xf32, #tpu.memory_space<hbm>> -> memref<128xf32, #tpu.memory_space<hbm>>
    %dma_start3A_1044 = tpu.memref_slice %arg4[%add3A_1005, %mul3A_1040] : memref<256x24420xf32, #tpu.memory_space<hbm>> -> memref<1x128xf32, #tpu.memory_space<hbm>>
    %dma_start3A_1045 = tpu.memref_squeeze %dma_start3A_1044 : memref<1x128xf32, #tpu.memory_space<hbm>> -> memref<128xf32, #tpu.memory_space<hbm>>
    %dma_start3A_1046 = tpu.memref_slice %arg10[%mul3A_1038] : memref<24448xf32, #tpu.memory_space<vmem>> -> memref<128xf32, #tpu.memory_space<vmem>>
    tpu.enqueue_dma source(%dma_start3A_1046 : memref<128xf32, #tpu.memory_space<vmem>>) target(%dma_start3A_1045 : memref<128xf32, #tpu.memory_space<hbm>>) target_semaphore(%arg13 : memref<!tpu.dma_semaphore, #tpu.memory_space<semaphore_mem>>)
    %scan3A_1047 = arith.constant 187 : i32
    %scan3A_1048 = arith.addi %scan3A_1007, %scan3A_1047 : i32
    %mul3A_1049 = arith.constant 128 : i32
    %mul3A_1050 = arith.muli %scan3A_1048, %mul3A_1049 : i32
    %mul3A_1051 = arith.constant 128 : i32
    %mul3A_1052 = arith.muli %scan3A_1048, %mul3A_1051 : i32
    %dma_start3A_1053 = tpu.memref_slice %arg10[%mul3A_1050] : memref<24448xf32, #tpu.memory_space<vmem>> -> memref<128xf32, #tpu.memory_space<vmem>>
    %dma_start3A_1054 = tpu.memref_slice %arg4[%add3A_1005, %mul3A_1052] : memref<256x24420xf32, #tpu.memory_space<hbm>> -> memref<1x128xf32, #tpu.memory_space<hbm>>
    %dma_start3A_1055 = tpu.memref_squeeze %dma_start3A_1054 : memref<1x128xf32, #tpu.memory_space<hbm>> -> memref<128xf32, #tpu.memory_space<hbm>>
    %dma_start3A_1056 = tpu.memref_slice %arg4[%add3A_1005, %mul3A_1052] : memref<256x24420xf32, #tpu.memory_space<hbm>> -> memref<1x128xf32, #tpu.memory_space<hbm>>
    %dma_start3A_1057 = tpu.memref_squeeze %dma_start3A_1056 : memref<1x128xf32, #tpu.memory_space<hbm>> -> memref<128xf32, #tpu.memory_space<hbm>>
    %dma_start3A_1058 = tpu.memref_slice %arg10[%mul3A_1050] : memref<24448xf32, #tpu.memory_space<vmem>> -> memref<128xf32, #tpu.memory_space<vmem>>
    tpu.enqueue_dma source(%dma_start3A_1058 : memref<128xf32, #tpu.memory_space<vmem>>) target(%dma_start3A_1057 : memref<128xf32, #tpu.memory_space<hbm>>) target_semaphore(%arg13 : memref<!tpu.dma_semaphore, #tpu.memory_space<semaphore_mem>>)
    %scan3A_1059 = arith.constant 188 : i32
    %scan3A_1060 = arith.addi %scan3A_1007, %scan3A_1059 : i32
    %mul3A_1061 = arith.constant 128 : i32
    %mul3A_1062 = arith.muli %scan3A_1060, %mul3A_1061 : i32
    %mul3A_1063 = arith.constant 128 : i32
    %mul3A_1064 = arith.muli %scan3A_1060, %mul3A_1063 : i32
    %dma_start3A_1065 = tpu.memref_slice %arg10[%mul3A_1062] : memref<24448xf32, #tpu.memory_space<vmem>> -> memref<128xf32, #tpu.memory_space<vmem>>
    %dma_start3A_1066 = tpu.memref_slice %arg4[%add3A_1005, %mul3A_1064] : memref<256x24420xf32, #tpu.memory_space<hbm>> -> memref<1x128xf32, #tpu.memory_space<hbm>>
    %dma_start3A_1067 = tpu.memref_squeeze %dma_start3A_1066 : memref<1x128xf32, #tpu.memory_space<hbm>> -> memref<128xf32, #tpu.memory_space<hbm>>
    %dma_start3A_1068 = tpu.memref_slice %arg4[%add3A_1005, %mul3A_1064] : memref<256x24420xf32, #tpu.memory_space<hbm>> -> memref<1x128xf32, #tpu.memory_space<hbm>>
    %dma_start3A_1069 = tpu.memref_squeeze %dma_start3A_1068 : memref<1x128xf32, #tpu.memory_space<hbm>> -> memref<128xf32, #tpu.memory_space<hbm>>
    %dma_start3A_1070 = tpu.memref_slice %arg10[%mul3A_1062] : memref<24448xf32, #tpu.memory_space<vmem>> -> memref<128xf32, #tpu.memory_space<vmem>>
    tpu.enqueue_dma source(%dma_start3A_1070 : memref<128xf32, #tpu.memory_space<vmem>>) target(%dma_start3A_1069 : memref<128xf32, #tpu.memory_space<hbm>>) target_semaphore(%arg13 : memref<!tpu.dma_semaphore, #tpu.memory_space<semaphore_mem>>)
    %scan3A_1071 = arith.constant 189 : i32
    %scan3A_1072 = arith.addi %scan3A_1007, %scan3A_1071 : i32
    %mul3A_1073 = arith.constant 128 : i32
    %mul3A_1074 = arith.muli %scan3A_1072, %mul3A_1073 : i32
    %mul3A_1075 = arith.constant 128 : i32
    %mul3A_1076 = arith.muli %scan3A_1072, %mul3A_1075 : i32
    %dma_start3A_1077 = tpu.memref_slice %arg10[%mul3A_1074] : memref<24448xf32, #tpu.memory_space<vmem>> -> memref<128xf32, #tpu.memory_space<vmem>>
    %dma_start3A_1078 = tpu.memref_slice %arg4[%add3A_1005, %mul3A_1076] : memref<256x24420xf32, #tpu.memory_space<hbm>> -> memref<1x128xf32, #tpu.memory_space<hbm>>
    %dma_start3A_1079 = tpu.memref_squeeze %dma_start3A_1078 : memref<1x128xf32, #tpu.memory_space<hbm>> -> memref<128xf32, #tpu.memory_space<hbm>>
    %dma_start3A_1080 = tpu.memref_slice %arg4[%add3A_1005, %mul3A_1076] : memref<256x24420xf32, #tpu.memory_space<hbm>> -> memref<1x128xf32, #tpu.memory_space<hbm>>
    %dma_start3A_1081 = tpu.memref_squeeze %dma_start3A_1080 : memref<1x128xf32, #tpu.memory_space<hbm>> -> memref<128xf32, #tpu.memory_space<hbm>>
    %dma_start3A_1082 = tpu.memref_slice %arg10[%mul3A_1074] : memref<24448xf32, #tpu.memory_space<vmem>> -> memref<128xf32, #tpu.memory_space<vmem>>
    tpu.enqueue_dma source(%dma_start3A_1082 : memref<128xf32, #tpu.memory_space<vmem>>) target(%dma_start3A_1081 : memref<128xf32, #tpu.memory_space<hbm>>) target_semaphore(%arg13 : memref<!tpu.dma_semaphore, #tpu.memory_space<semaphore_mem>>)
    %scan3A_1083 = arith.constant 190 : i32
    %dma_start3A_1084 = arith.constant 24320 : i32
    %dma_start3A_1085 = tpu.memref_slice %arg10[%dma_start3A_1084] : memref<24448xf32, #tpu.memory_space<vmem>> -> memref<128xf32, #tpu.memory_space<vmem>>
    %dma_start3A_1086 = arith.constant 0 : i32
    %dma_start3A_1087 = tpu.memref_slice %arg5[%add3A_1005, %dma_start3A_1086] : memref<256x128xf32, #tpu.memory_space<hbm>> -> memref<1x128xf32, #tpu.memory_space<hbm>>
    %dma_start3A_1088 = tpu.memref_squeeze %dma_start3A_1087 : memref<1x128xf32, #tpu.memory_space<hbm>> -> memref<128xf32, #tpu.memory_space<hbm>>
    %dma_start3A_1089 = arith.constant 0 : i32
    %dma_start3A_1090 = tpu.memref_slice %arg5[%add3A_1005, %dma_start3A_1089] : memref<256x128xf32, #tpu.memory_space<hbm>> -> memref<1x128xf32, #tpu.memory_space<hbm>>
    %dma_start3A_1091 = tpu.memref_squeeze %dma_start3A_1090 : memref<1x128xf32, #tpu.memory_space<hbm>> -> memref<128xf32, #tpu.memory_space<hbm>>
    %dma_start3A_1092 = arith.constant 24320 : i32
    %dma_start3A_1093 = tpu.memref_slice %arg10[%dma_start3A_1092] : memref<24448xf32, #tpu.memory_space<vmem>> -> memref<128xf32, #tpu.memory_space<vmem>>
    tpu.enqueue_dma source(%dma_start3A_1093 : memref<128xf32, #tpu.memory_space<vmem>>) target(%dma_start3A_1091 : memref<128xf32, #tpu.memory_space<hbm>>) target_semaphore(%arg13 : memref<!tpu.dma_semaphore, #tpu.memory_space<semaphore_mem>>)
    %add3A_1094 = arith.constant 8 : i32
    %add3A_1095 = arith.addi %mul3A_2, %add3A_1094 : i32
    %sub3A_1096 = arith.constant 2 : i32
    %sub3A_1097 = arith.subi %add3A_1095, %sub3A_1096 : i32
    %dma_wait3A_1098 = arith.constant 0 : i32
    %dma_wait3A_1099 = tpu.memref_slice %arg9[%dma_wait3A_1098] : memref<24448xf32, #tpu.memory_space<vmem>> -> memref<24448xf32, #tpu.memory_space<vmem>>
    %dma_wait3A_1100 = arith.constant 0 : i32
    %dma_wait3A_1101 = tpu.memref_slice %arg2[%dma_wait3A_1100] : memref<14680064xf32, #tpu.memory_space<hbm>> -> memref<24448xf32, #tpu.memory_space<hbm>>
    %dma_wait3A_1102 = arith.constant 0 : i32
    %dma_wait3A_1103 = tpu.memref_slice %arg2[%dma_wait3A_1102] : memref<14680064xf32, #tpu.memory_space<hbm>> -> memref<24448xf32, #tpu.memory_space<hbm>>
    %dma_wait3A_1104 = arith.constant 0 : i32
    %dma_wait3A_1105 = tpu.memref_slice %arg9[%dma_wait3A_1104] : memref<24448xf32, #tpu.memory_space<vmem>> -> memref<24448xf32, #tpu.memory_space<vmem>>
    tpu.wait_dma2 semaphore(%arg13 : memref<!tpu.dma_semaphore, #tpu.memory_space<semaphore_mem>>) src(%dma_wait3A_1105 : memref<24448xf32, #tpu.memory_space<vmem>>) dst(%dma_wait3A_1103 : memref<24448xf32, #tpu.memory_space<hbm>>)
    %add3A_1106 = arith.constant 8 : i32
    %add3A_1107 = arith.addi %mul3A_2, %add3A_1106 : i32
    %sub3A_1108 = arith.constant 1 : i32
    %sub3A_1109 = arith.subi %add3A_1107, %sub3A_1108 : i32
    %dma_wait3A_1110 = arith.constant 0 : i32
    %dma_wait3A_1111 = tpu.memref_slice %arg10[%dma_wait3A_1110] : memref<24448xf32, #tpu.memory_space<vmem>> -> memref<24448xf32, #tpu.memory_space<vmem>>
    %dma_wait3A_1112 = arith.constant 0 : i32
    %dma_wait3A_1113 = tpu.memref_slice %arg2[%dma_wait3A_1112] : memref<14680064xf32, #tpu.memory_space<hbm>> -> memref<24448xf32, #tpu.memory_space<hbm>>
    %dma_wait3A_1114 = arith.constant 0 : i32
    %dma_wait3A_1115 = tpu.memref_slice %arg2[%dma_wait3A_1114] : memref<14680064xf32, #tpu.memory_space<hbm>> -> memref<24448xf32, #tpu.memory_space<hbm>>
    %dma_wait3A_1116 = arith.constant 0 : i32
    %dma_wait3A_1117 = tpu.memref_slice %arg10[%dma_wait3A_1116] : memref<24448xf32, #tpu.memory_space<vmem>> -> memref<24448xf32, #tpu.memory_space<vmem>>
    tpu.wait_dma2 semaphore(%arg13 : memref<!tpu.dma_semaphore, #tpu.memory_space<semaphore_mem>>) src(%dma_wait3A_1117 : memref<24448xf32, #tpu.memory_space<vmem>>) dst(%dma_wait3A_1115 : memref<24448xf32, #tpu.memory_space<hbm>>)
    return
  }
}

</mosaic_0001>

<sc_bundles>
// kernel: kernel.3.cloned.1.call-start
scs
__scs_entry_jumppad:
0x0: {  	(pc) =	sbr.rel $0x88, $3  }
0x1: {  	(tag) =	ssettag $0x0;
	lr =	simm.s32 $0x1  }
0x2: {  	[smem:$0x3FA0] =	sst lr;
	_ =	strace $0xD0000000  }
0x3: {  	_ = 	snop  }
0x4: {  	_ = 	snop  }
0x5: {  	_ = 	snop  }
0x6: {  	_ = 	snop  }
0x7: {  	_ = 	snop  }
__scs_overlays_trampoline_lowered:
0x8: {  	[smem:$0x3FAF] =	sst s0  }
0x9: {  	[smem:$0x3FB0] =	sst s1  }
0xa: {  	[smem:$0x3FB1] =	sst s2  }
0xb: {  	[smem:$0x3FB2] =	sst s3  }
0xc: {  	[smem:$0x3FB3] =	sst s4  }
0xd: {  	[smem:$0x3FB4] =	sst s5  }
0xe: {  	[smem:$0x3FB5] =	sst s6  }
0xf: {  	[smem:$0x3FB6] =	sst s7  }
0x10: {  	[smem:$0x3FB7] =	sst s8  }
0x11: {  	[smem:$0x3FB8] =	sst s9;
	s0 =	simm.s32 @!p0 $0x0  }
0x12: {  	s1 =	sld [smem:$0x3F9E];
	s0 =	simm.s32 @p0 $0x1  }
0x13: {  	[smem:$0x3FB9] =	sst s0;
	s0 =	simm.s32 @!p1 $0x0  }
0x14: {  	s2 =	sld [smem:$0x3F9D];
	s0 =	simm.s32 @p1 $0x1  }
0x15: {  	[smem:$0x3FBA] =	sst s0;
	s0 =	simm.s32 @!p2 $0x0  }
0x16: {  	s3 =	sld [smem:$0x3FDB];
	s0 =	simm.s32 @p2 $0x1  }
0x17: {  	s4 =	simm.s32 $0x1BF5;
	[smem:$0x3FBC] =	sst s0  }
0x18: {  	s0 =	sld [smem:$0x3F9F];
	_ =	swait.ge [sflag:s4], $0x0  }
0x19: {  	s7 =	sld [smem:$0x3FA0]  }
0x1a: {  	s8 =	sadd.s32 $0xFFFFE003, lr  }
0x1b: {  	s9 =	sadd.s32 $0xFFFFFEF7, lr;
	s5 =	simm.s32 $0xFFFFFFFF;
	p2 =	slt.u32 s8, $0xFFFFF086  }
0x1c: {  	p1 =	slt.u32 s9, $0xF7A;
	s5 =	simm.s32 @!p2 $0x0  }
0x1d: {  	s5 =	simm.s32 @p1 $0x1;
	p0 =	seq.s32 s7, s2  }
0x1e: {  	s7 =	smul.u32 @!p0 $0xF7A, s2;
	p2 =	seq.s32 @!p0 s5, $0x0  }
0x1f: {  	s9 =	smul.u32 $0xF7A, s1;
	s8 =	simm.s32 @!p0 $0x1BF5;
	p2 =	por !p2, p0  }
0x20: {  	[sflag:s8] =	ssyncset.s32 @!p0 $0xFFFFF086;
	s6 =	sadd.s32 @!p0 s3, s7;
	s7 =	simm.s32 @!p0 $0x108  }
0x21: {  	s3 =	sadd.s32 s3, s9;
	s6 =	sadd.s32 @!p0 $0x88, s6;
	s7 =	simm.s32 @p2 $0x1082  }
0x22: {  	[simem:s7], [sflag:s8] =	dma.local @!p0 [hbm:s6], $0xF7A  }
0x23: {  	s9 =	sor.u32 $0xD0000000, s2;
	s6 =	simm.s32 $0x108;
	_ =	swait.ge @!p0 [sflag:s8], $0x0  }
0x24: {  	s3 =	sadd.s32 $0x88, s3;
	s6 =	simm.s32 @!p1 $0x1082;
	[sflag:s4] =	ssyncset.s32 $0xFFFFF086  }
0x25: {  	[simem:s6], [sflag:s4] =	dma.local [hbm:s3], $0xF7A  }
0x26: {  	[smem:$0x3FA0] =	sst s1;
	(tag) =	ssettag s2;
	_ =	strace s9  }
0x27: {  	s1 =	sld [smem:$0x3FB0]  }
0x28: {  	s2 =	sld [smem:$0x3FB1]  }
0x29: {  	s4 =	sld [smem:$0x3FB3]  }
0x2a: {  	p0 =	seq.s32 s5, $0x0;
	s5 =	sld [smem:$0x3FB4]  }
0x2b: {  	s6 =	sld [smem:$0x3FB5]  }
0x2c: {  	s7 =	sld [smem:$0x3FB6]  }
0x2d: {  	s3 =	simm.s32 $0x108;
	s8 =	sld [smem:$0x3FB7]  }
0x2e: {  	s3 =	simm.s32 @!p0 $0x1082;
	s9 =	sld [smem:$0x3FB8]  }
0x2f: {  	lr =	sadd.s32 s0, s3;
	s0 =	sld [smem:$0x3FAF]  }
0x30: {  	s3 =	sld [smem:$0x3FB2]  }
0x31: {  	[smem:$0x3FBB] =	sst s10  }
0x32: {  	s10 =	sld [smem:$0x3FB9];
	_ =	sdelay $0x3  }
0x33: {  	p0 =	seq.s32 s10, $0x1;
	s10 =	sld [smem:$0x3FBB];
	_ =	sdelay $0x3  }
0x34: {  	[smem:$0x3FBB] =	sst s10  }
0x35: {  	s10 =	sld [smem:$0x3FBA];
	_ =	sdelay $0x3  }
0x36: {  	p1 =	seq.s32 s10, $0x1;
	s10 =	sld [smem:$0x3FBB];
	_ =	sdelay $0x3  }
0x37: {  	[smem:$0x3FBB] =	sst s10  }
0x38: {  	s10 =	sld [smem:$0x3FBC]  }
0x39: {  	_ = 	snop;
	(pc) =	sbr.ind lr, $3  }
0x3a: {  	_ = 	snop  }
0x3b: {  	_ = 	snop  }
0x3c: {  	p2 =	seq.s32 s10, $0x1;
	s10 =	sld [smem:$0x3FBB]  }
0x3d: {  	_ =	shalt  }
0x3e: {  	_ =	shalt  }
0x3f: {  	_ =	shalt  }
0x40: {  	_ =	shalt  }
0x41: {  	_ =	shalt  }
0x42: {  	_ =	shalt  }
0x43: {  	_ =	shalt  }
0x44: {  	_ =	shalt  }
0x45: {  	_ =	shalt  }
0x46: {  	_ =	shalt  }
0x47: {  	_ =	shalt  }
0x48: {  	_ =	shalt  }
0x49: {  	_ =	shalt  }
0x4a: {  	_ =	shalt  }
0x4b: {  	_ =	shalt  }
0x4c: {  	_ =	shalt  }
0x4d: {  	_ =	shalt  }
0x4e: {  	_ =	shalt  }
0x4f: {  	_ =	shalt  }
0x50: {  	_ =	shalt  }
0x51: {  	_ =	shalt  }
0x52: {  	_ =	shalt  }
0x53: {  	_ =	shalt  }
0x54: {  	_ =	shalt  }
0x55: {  	_ =	shalt  }
0x56: {  	_ =	shalt  }
0x57: {  	_ =	shalt  }
0x58: {  	_ =	shalt  }
0x59: {  	_ =	shalt  }
0x5a: {  	_ =	shalt  }
0x5b: {  	_ =	shalt  }
0x5c: {  	_ =	shalt  }
0x5d: {  	_ =	shalt  }
0x5e: {  	_ =	shalt  }
0x5f: {  	_ =	shalt  }
0x60: {  	_ =	shalt  }
0x61: {  	_ =	shalt  }
0x62: {  	_ =	shalt  }
0x63: {  	_ =	shalt  }
0x64: {  	_ =	shalt  }
0x65: {  	_ =	shalt  }
0x66: {  	_ =	shalt  }
0x67: {  	_ =	shalt  }
0x68: {  	_ =	shalt  }
0x69: {  	_ =	shalt  }
0x6a: {  	_ =	shalt  }
0x6b: {  	_ =	shalt  }
0x6c: {  	_ =	shalt  }
0x6d: {  	_ =	shalt  }
0x6e: {  	_ =	shalt  }
0x6f: {  	_ =	shalt  }
0x70: {  	_ =	shalt  }
0x71: {  	_ =	shalt  }
0x72: {  	_ =	shalt  }
0x73: {  	_ =	shalt  }
0x74: {  	_ =	shalt  }
0x75: {  	_ =	shalt  }
0x76: {  	_ =	shalt  }
0x77: {  	_ =	shalt  }
0x78: {  	_ =	shalt  }
0x79: {  	_ =	shalt  }
0x7a: {  	_ =	shalt  }
0x7b: {  	_ =	shalt  }
0x7c: {  	_ =	shalt  }
0x7d: {  	_ =	shalt  }
0x7e: {  	_ =	shalt  }
0x7f: {  	_ =	shalt  }
0x80: {  	_ =	shalt  }
0x81: {  	_ =	shalt  }
0x82: {  	_ =	shalt  }
0x83: {  	_ =	shalt  }
0x84: {  	_ =	shalt  }
0x85: {  	_ =	shalt  }
0x86: {  	_ =	shalt  }
0x87: {  	_ =	shalt  }
.Lfunc_end0:
.L_simem_size_0:
called_computation_lowered:
.L_overlay_start_0:
0x88: {  	s2 =	sld [smem:$0x3FD9]  }
0x89: {  	s3 =	sld [smem:$0x3FFE];
	_ =	sdelay $0x1  }
0x8a: {  	s1 =	srdreg.scid  }
0x8b: {  	s0 =	sand.u32 $0x1, s1  }
0x8c: {  	s17 =	sshll.u32 s0, $0xA;
	s2 =	sadd.s32 s3, s2  }
0x8d: {  	s2 =	sadd.s32 s2, s17  }
0x8e: {  	[smem:$0x3FC7] =	sst s2  }
0x8f: {  	_ = 	snop  }
0x90: {  	s2 =	sld [smem:$0x3FD0];
	(tm) =	ssettm $0x1  }
0x91: {  	s18 =	sld [smem:$0x3FFB];
	_ =	sdelay $0x3  }
0x92: {  	_ =	strace s18  }
0x93: {  	s3 =	sld [smem:$0x3FFC];
	_ =	sdelay $0x3  }
0x94: {  	_ =	strace s3  }
0x95: {  	s3 =	sld [smem:$0x3FFD];
	_ =	sdelay $0x3  }
0x96: {  	_ =	strace s3  }
0x97: {  	_ =	strace $0x8FFFFFFF  }
0x98: {  	s19 =	sld [smem:$0x3FDB];
	_ =	sdelay $0x1  }
0x99: {  	s4 =	simm.s32 $_scs_section_size  }
0x9a: {  	s5 =	simm.s32 $_size__tile_overlayer_lowered;
	s6 =	simm.s32 $_tile_overlayer_lowered  }
0x9b: {  	s22 =	simm.s32 $0x1BFF;
	s21 =	sshll.u32 s6, $0x1;
	s3 =	sadd.s32 s4, s19  }
0x9c: {  	s7 =	simm.s32 $0x0;
	s20 =	sshll.u32 s5, $0x1;
	s5 =	sadd.s32 s21, s3  }
0x9d: {  	[timem:s7], [sflag:s22] =	dma.local [hbm:s5], s20  }
0x9e: {  	_ =	swait.ge [sflag:s22], s20  }
0x9f: {  	s4 =	ssub.s32 $0x0, s20;
	[sflag:s22] =	ssyncset.done $0x0  }
0xa0: {  	[sflag:s22] =	ssyncadd.s32 s4;
	_ =	sdelay $0x1  }
0xa1: {  	s23 =	simm.s32 $0x1B8B  }
0xa2: {  	_ =	swait.ge [sflag:s23], $0x1  }
0xa3: {  	[sflag:s23] =	ssyncset.done $0x0  }
0xa4: {  	s25 =	simm.s32 $0x1B8E;
	s24 =	sld [smem:$0x3FFE];
	[sflag:s23] =	ssyncadd.s32 $0xFFFFFFFF  }
0xa5: {  	s26 =	simm.s32 $execute0_lowered;
	[smem:$0x3FD2] =	sst s25  }
0xa6: {  	s5 =	sshll.u32 s26, $0x1;
	_ =	strace $0x80000046;
	[dreg:$0x1] =	wrdreg $0xFFFFFFFF  }
0xa7: {  	s28 =	simm.s32 $_size_execute0_lowered;
	s3 =	sadd.s32 s3, s5;
	[dreg:$0x0] =	wrdreg $0x0  }
0xa8: {  	s5 =	sshll.u32 s28, $0x1;
	[dreg:$0x2] =	wrdreg s3  }
0xa9: {  	[dreg:$0x3] =	wrdreg s5  }
0xaa: {  	[dreg:$0x4] =	wrdreg $0xC0  }
0xab: {  	_ =	task [dreg:s7], $0x5FFFF  }
0xac: {  	[dreg:$0x1] =	wrdreg $0xFFFFFFFF  }
0xad: {  	[dreg:$0x0] =	wrdreg $0x60  }
0xae: {  	[dreg:$0x2] =	wrdreg s24  }
0xaf: {  	[dreg:$0x3] =	wrdreg s2  }
0xb0: {  	[dreg:$0x4] =	wrdreg $0x9  }
0xb1: {  	_ =	task.clear_ibuf [dreg:s7], $0x5FFFF;
	_ =	strace $0x90000046  }
0xb2: {  	s29 =	simm.s32 $0x9;
	_ =	strace $0x80000048  }
0xb3: {  	_ =	swait.ge [sflag:s29], $0x1  }
0xb4: {  	[sflag:s29] =	ssyncadd.s32 $0xFFFFFFFF  }
0xb5: {  	_ =	strace $0x90000048  }
0xb6: {  	_ =	sfence  }
0xb7: {  	s30 =	sld [smem:$0x0];
	_ =	sdelay $0x2  }
0xb8: {  	s31 =	sshll.u32 s1, $0xD;
	s1 =	sshrl.u32 s1, $0x2  }
0xb9: {  	s3 =	sand.u32 $0x4000, s31;
	s1 =	sadd.s32 s1, s30  }
0xba: {  	s0 =	sor.u32 s3, s0;
	s1 =	sshll.u32 s1, $0x11  }
0xbb: {  	s0 =	sor.u32 s1, s0  }
0xbc: {  	s0 =	sadd.s32 $0x8F2B, s0  }
0xbd: {  	[sflag:s0] =	ssyncadd.remote.s32 $0x1  }
0xbe: {  	_ =	sfence.sel $0xFFFF  }
0xbf: {  	[dreg:$0x0] =	wrdreg $0xFFFFFFFF;
	(pc) =	sbr.abs _section_cstart, $3  }
0xc0: {  	[dreg:$0x1] =	wrdreg $0xFFFFFFFF  }
0xc1: {  	_ =	task.clear_ibuf [dreg:s7], $0x2FFFF;
	_ =	strace $0x9FFFFFFF  }
0xc2: {  	(tm) =	ssettm $0x7FFFFFFF  }
0xc3: {  	_ =	shalt  }
tec
execute0_lowered:
.L_overlay_start_1:
0x0: {  	(tag) =	ssettag $0x1  }
0x1: {  	s0 =	srdreg.scid;
	s4 =	rddreg [dreg:$0x0]  }
0x2: {  	s10 =	stileid.u32;
	s11 =	rddreg [dreg:$0x1];
	s3 =	simm.s32 $0x0  }
0x3: {  	s0 =	sand.u32 $0x1, s0;
	s1 =	sshll.u32 s10, $0x1;
	[smem:$0x7FF] =	sst s3  }
0x4: {  	s14 =	sadd.s32 $0x1C0A00, s4;
	s16 =	sadd.s32 $0xA20, s4;
	s2 =	sor.u32 s0, s1  }
0x5: {  	_ =	strace $0x80000047;
	s7 =	ssub.s32 $0x2, s0;
	s1 =	smul.u32 $0x70000, s2  }
0x6: {  	[dreg:$0x3] =	wrdreg s14;
	s15 =	sshll.u32 s2, $0x7;
	s8 =	sshrl.u32 s7, $0x1  }
0x7: {  	s9 =	smul.u32 $0x2FC00, s2;
	s2 =	ssub.s32 s7, s8;
	s5 =	sshrl.u32 s1, $0x3  }
0x8: {  	s1 =	sadd.s32 s15, s4;
	s2 =	smax.u32 s2, $0x1;
	s6 =	sadd.s32 s5, s4  }
0x9: {  	s4 =	sadd.s32 $0x17C0, s4;
	s12 =	sadd.s32 s5, s16;
	[smem:$0x7C1] =	sst s2  }
0xa: {  	s17 =	sadd.s32 s5, s4;
	[dreg:$0x4] =	wrdreg s12  }
0xb: {  	s18 =	sshrl.u32 s9, $0x3;
	s19 =	sadd.s32 $0x2620, s6;
	[dreg:$0x5] =	wrdreg s17  }
0xc: {  	s8 =	sadd.s32 s11, s18;
	s20 =	sadd.s32 $0x33C0, s6;
	[dreg:$0x6] =	wrdreg s19  }
0xd: {  	s21 =	sadd.s32 $0x5C00, s8;
	[dreg:$0x7] =	wrdreg s20  }
0xe: {  	s22 =	sadd.s32 $0x5C80, s8;
	[dreg:$0x8] =	wrdreg s21  }
0xf: {  	s23 =	sadd.s32 $0x5D00, s8;
	[dreg:$0x9] =	wrdreg s22  }
0x10: {  	s24 =	sadd.s32 $0x5D80, s8;
	[dreg:$0xa] =	wrdreg s23  }
0x11: {  	s25 =	sadd.s32 $0x5E00, s8;
	[dreg:$0xb] =	wrdreg s24  }
0x12: {  	s26 =	sadd.s32 $0x4FC0, s6;
	[dreg:$0xc] =	wrdreg s25  }
0x13: {  	s31 =	sadd.s32 $0x6BC0, s6;
	[dreg:$0xd] =	wrdreg s26  }
0x14: {  	s9 =	sadd.s32 $0xA3C0, s6;
	[dreg:$0xe] =	wrdreg s31  }
0x15: {  	s11 =	sadd.s32 $0xBFC0, s6;
	[dreg:$0x10] =	wrdreg s9  }
0x16: {  	s6 =	sadd.s32 $0xDBC0, s6;
	[dreg:$0x11] =	wrdreg s11  }
0x17: {  	s13 =	sadd.s32 $0x5E80, s8;
	[dreg:$0x12] =	wrdreg s6  }
0x18: {  	s14 =	sadd.s32 $0x5C10, s8;
	[dreg:$0x13] =	wrdreg s13  }
0x19: {  	s15 =	sadd.s32 $0x5C90, s8;
	[dreg:$0x14] =	wrdreg s14  }
0x1a: {  	s5 =	sadd.s32 $0x7000, s5;
	s18 =	sadd.s32 $0x5E10, s8;
	[dreg:$0x15] =	wrdreg s15  }
0x1b: {  	s7 =	sadd.s32 s5, s16;
	[dreg:$0x18] =	wrdreg s18  }
0x1c: {  	s16 =	sadd.s32 $0x5D10, s8;
	[dreg:$0xf] =	wrdreg s7  }
0x1d: {  	s17 =	sadd.s32 $0x5D90, s8;
	[dreg:$0x16] =	wrdreg s16  }
0x1e: {  	s19 =	sadd.s32 $0x5E90, s8;
	[dreg:$0x17] =	wrdreg s17  }
0x1f: {  	s20 =	sadd.s32 $0x5C20, s8;
	[dreg:$0x19] =	wrdreg s19  }
0x20: {  	s21 =	sadd.s32 $0x5CA0, s8;
	[dreg:$0x1a] =	wrdreg s20  }
0x21: {  	s22 =	sadd.s32 $0x5D20, s8;
	[dreg:$0x1b] =	wrdreg s21  }
0x22: {  	s23 =	sadd.s32 $0x5DA0, s8;
	[dreg:$0x1c] =	wrdreg s22  }
0x23: {  	s24 =	sadd.s32 $0x5E20, s8;
	[dreg:$0x1d] =	wrdreg s23  }
0x24: {  	s25 =	sadd.s32 $0x5EA0, s8;
	[dreg:$0x1e] =	wrdreg s24  }
0x25: {  	s26 =	sadd.s32 $0x5C30, s8;
	[dreg:$0x1f] =	wrdreg s25  }
0x26: {  	s31 =	sadd.s32 $0x5CB0, s8;
	[smem:$0x79A] =	sst s26  }
0x27: {  	s9 =	sadd.s32 $0x5DB0, s8;
	[smem:$0x79B] =	sst s31  }
0x28: {  	s11 =	sadd.s32 $0x5E30, s8;
	[smem:$0x79D] =	sst s9  }
0x29: {  	s13 =	sadd.s32 $0x5EB0, s8;
	[smem:$0x79E] =	sst s11  }
0x2a: {  	s14 =	sadd.s32 $0x5C40, s8;
	[smem:$0x79F] =	sst s13  }
0x2b: {  	s15 =	sadd.s32 $0x5CC0, s8;
	[smem:$0x7A0] =	sst s14  }
0x2c: {  	s18 =	sadd.s32 $0x5E40, s8;
	[smem:$0x7A1] =	sst s15  }
0x2d: {  	s4 =	sadd.s32 s5, s4;
	[smem:$0x7A4] =	sst s18  }
0x2e: {  	s7 =	sadd.s32 $0x5D30, s8;
	[smem:$0x7BB] =	sst s4  }
0x2f: {  	s16 =	sadd.s32 $0x5D40, s8;
	[smem:$0x79C] =	sst s7  }
0x30: {  	s17 =	sadd.s32 $0x5DC0, s8;
	[smem:$0x7A2] =	sst s16  }
0x31: {  	s19 =	sadd.s32 $0x5EC0, s8;
	[smem:$0x7A3] =	sst s17  }
0x32: {  	s20 =	sadd.s32 $0x5C50, s8;
	[smem:$0x7A5] =	sst s19  }
0x33: {  	s21 =	sadd.s32 $0x5CD0, s8;
	[smem:$0x7A6] =	sst s20  }
0x34: {  	s22 =	sadd.s32 $0x5D50, s8;
	[smem:$0x7A7] =	sst s21  }
0x35: {  	s23 =	sadd.s32 $0x5DD0, s8;
	[smem:$0x7A8] =	sst s22  }
0x36: {  	s24 =	sadd.s32 $0x5E50, s8;
	[smem:$0x7A9] =	sst s23  }
0x37: {  	s25 =	sadd.s32 $0x5ED0, s8;
	[smem:$0x7AA] =	sst s24  }
0x38: {  	s26 =	sadd.s32 $0x5C60, s8;
	[smem:$0x7AB] =	sst s25  }
0x39: {  	s31 =	sadd.s32 $0x5CE0, s8;
	[smem:$0x7AC] =	sst s26  }
0x3a: {  	s9 =	sadd.s32 $0x5DE0, s8;
	[smem:$0x7AD] =	sst s31  }
0x3b: {  	s11 =	sadd.s32 $0x5E60, s8;
	[smem:$0x7AF] =	sst s9  }
0x3c: {  	s13 =	sadd.s32 $0x5EE0, s8;
	[smem:$0x7B0] =	sst s11  }
0x3d: {  	s14 =	sadd.s32 $0x5C70, s8;
	[smem:$0x7B1] =	sst s13  }
0x3e: {  	s15 =	sadd.s32 $0x5CF0, s8;
	[smem:$0x7B2] =	sst s14  }
0x3f: {  	s18 =	sadd.s32 $0x5E70, s8;
	[smem:$0x7B3] =	sst s15  }
0x40: {  	s7 =	sadd.s32 $0x5D60, s8;
	[smem:$0x7B6] =	sst s18  }
0x41: {  	s16 =	sadd.s32 $0x5D70, s8;
	[smem:$0x7AE] =	sst s7  }
0x42: {  	s17 =	sadd.s32 $0x5DF0, s8;
	[smem:$0x7B4] =	sst s16  }
0x43: {  	s19 =	sadd.s32 $0x5EF0, s8;
	[smem:$0x7B5] =	sst s17  }
0x44: {  	s20 =	sadd.s32 $0x1C1010, s1;
	[smem:$0x7B7] =	sst s19  }
0x45: {  	s21 =	sadd.s32 $0x1C1000, s1;
	[smem:$0x7B8] =	sst s20  }
0x46: {  	s22 =	sadd.s32 $0x1C1020, s1;
	[smem:$0x7B9] =	sst s21  }
0x47: {  	s24 =	sadd.s32 $0x1C1030, s1;
	[smem:$0x7BA] =	sst s22  }
0x48: {  	s25 =	sadd.s32 $0x1C1040, s1;
	[smem:$0x7BC] =	sst s24  }
0x49: {  	s26 =	sadd.s32 $0x1C1050, s1;
	[smem:$0x7BD] =	sst s25  }
0x4a: {  	s31 =	sadd.s32 $0x1C1060, s1;
	[smem:$0x7BE] =	sst s26  }
0x4b: {  	s1 =	sadd.s32 $0x1C1070, s1;
	[smem:$0x7BF] =	sst s31  }
0x4c: {  	s13 =	sadd.s32 $0x3800, s12;
	[smem:$0x7C0] =	sst s1  }
0x4d: {  	s0 =	smul.u32 $0x2FC00, s0;
	s14 =	sadd.s32 $0x5400, s12;
	[smem:$0x7C2] =	sst s13  }
0x4e: {  	s23 =	smul.u32 $0x5F800, s10;
	s15 =	sadd.s32 $0x8C00, s12;
	[smem:$0x7C3] =	sst s14  }
0x4f: {  	[smem:$0x7C4] =	sst s15;
	s16 =	sadd.s32 $0xA800, s12  }
0x50: {  	s21 =	sadd.s32 $0xC400, s12;
	s0 =	sadd.s32 s0, s23;
	[smem:$0x7C5] =	sst s16  }
0x51: {  	[smem:$0x7C6] =	sst s21;
	s5 =	sadd.s32 $0x400, s0;
	s2 =	sshrl.u32 s0, $0x3  }
0x52: {  	s6 =	sadd.s32 $0x800, s0;
	s5 =	sshrl.u32 s5, $0x3;
	[smem:$0x7E9] =	sst s2  }
0x53: {  	s7 =	sadd.s32 $0xC00, s0;
	s10 =	sshrl.u32 s6, $0x3;
	[smem:$0x7EA] =	sst s5  }
0x54: {  	s8 =	sadd.s32 $0x1000, s0;
	s17 =	sshrl.u32 s7, $0x3;
	[smem:$0x7EB] =	sst s10  }
0x55: {  	s9 =	sadd.s32 $0x1400, s0;
	s18 =	sshrl.u32 s8, $0x3;
	[smem:$0x7EC] =	sst s17  }
0x56: {  	s11 =	sadd.s32 $0x1800, s0;
	s19 =	sshrl.u32 s9, $0x3;
	[smem:$0x7ED] =	sst s18  }
0x57: {  	s20 =	sshrl.u32 s11, $0x3;
	[smem:$0x7EE] =	sst s19  }
0x58: {  	s13 =	sor.u32 $0x10, s2;
	[smem:$0x7EF] =	sst s20  }
0x59: {  	s11 =	sor.u32 $0x20, s2;
	[smem:$0x7F1] =	sst s13  }
0x5a: {  	s22 =	sor.u32 $0x10, s5;
	[smem:$0x7F3] =	sst s11  }
0x5b: {  	s23 =	sor.u32 $0x10, s17;
	[smem:$0x7C7] =	sst s22  }
0x5c: {  	s24 =	sor.u32 $0x10, s18;
	[smem:$0x7C8] =	sst s23  }
0x5d: {  	s25 =	sor.u32 $0x10, s19;
	[smem:$0x7C9] =	sst s24  }
0x5e: {  	s26 =	sor.u32 $0x10, s20;
	[smem:$0x7CA] =	sst s25  }
0x5f: {  	s6 =	sor.u32 $0x20, s10;
	[smem:$0x7CB] =	sst s26  }
0x60: {  	s7 =	sor.u32 $0x20, s17;
	[smem:$0x7CD] =	sst s6  }
0x61: {  	s8 =	sor.u32 $0x20, s18;
	[smem:$0x7CE] =	sst s7  }
0x62: {  	s9 =	sor.u32 $0x20, s19;
	[smem:$0x7CF] =	sst s8  }
0x63: {  	s14 =	sor.u32 $0x20, s20;
	[smem:$0x7D0] =	sst s9  }
0x64: {  	s0 =	sadd.s32 $0x1C00, s0;
	s16 =	sor.u32 $0x30, s5;
	[smem:$0x7D1] =	sst s14  }
0x65: {  	s0 =	sshrl.u32 s0, $0x3;
	s21 =	sor.u32 $0x30, s10;
	[smem:$0x7D3] =	sst s16  }
0x66: {  	s1 =	smov.u32 s0;
	[smem:$0x7D4] =	sst s21  }
0x67: {  	s4 =	sor.u32 $0x10, s10;
	[smem:$0x7F0] =	sst s1  }
0x68: {  	s12 =	sor.u32 $0x20, s5;
	[smem:$0x7F2] =	sst s4  }
0x69: {  	s31 =	sor.u32 $0x10, s1;
	[smem:$0x7F4] =	sst s12  }
0x6a: {  	s15 =	sor.u32 $0x20, s1;
	[smem:$0x7CC] =	sst s31  }
0x6b: {  	s22 =	sor.u32 $0x30, s17;
	[smem:$0x7D2] =	sst s15  }
0x6c: {  	s23 =	sor.u32 $0x30, s18;
	[smem:$0x7D5] =	sst s22  }
0x6d: {  	s24 =	sor.u32 $0x30, s19;
	[smem:$0x7D6] =	sst s23  }
0x6e: {  	s25 =	sor.u32 $0x30, s20;
	[smem:$0x7D7] =	sst s24  }
0x6f: {  	s26 =	sor.u32 $0x30, s1;
	[smem:$0x7D8] =	sst s25  }
0x70: {  	s6 =	sor.u32 $0x40, s10;
	[smem:$0x7D9] =	sst s26  }
0x71: {  	s7 =	sor.u32 $0x40, s17;
	[smem:$0x7DB] =	sst s6  }
0x72: {  	s8 =	sor.u32 $0x40, s18;
	[smem:$0x7DC] =	sst s7  }
0x73: {  	s9 =	sor.u32 $0x40, s19;
	[smem:$0x7DD] =	sst s8  }
0x74: {  	s21 =	sor.u32 $0x40, s1;
	[smem:$0x7DE] =	sst s9  }
0x75: {  	s14 =	sor.u32 $0x30, s2;
	[smem:$0x7E0] =	sst s21  }
0x76: {  	s16 =	sor.u32 $0x40, s2;
	[smem:$0x7F5] =	sst s14  }
0x77: {  	s31 =	sor.u32 $0x40, s5;
	[smem:$0x7F6] =	sst s16  }
0x78: {  	s15 =	sor.u32 $0x40, s20;
	[smem:$0x7DA] =	sst s31  }
0x79: {  	s22 =	sor.u32 $0x50, s5;
	[smem:$0x7DF] =	sst s15  }
0x7a: {  	s23 =	sor.u32 $0x50, s10;
	[smem:$0x7E1] =	sst s22  }
0x7b: {  	s24 =	sor.u32 $0x50, s17;
	[smem:$0x7E2] =	sst s23  }
0x7c: {  	s26 =	sor.u32 $0x50, s18;
	[smem:$0x7E3] =	sst s24  }
0x7d: {  	s6 =	sor.u32 $0x50, s20;
	[smem:$0x7E4] =	sst s26  }
0x7e: {  	s29 =	sor.u32 $0x70, s2;
	s7 =	sor.u32 $0x50, s1;
	[smem:$0x7E6] =	sst s6  }
0x7f: {  	s30 =	sor.u32 $0x70, s5;
	s8 =	sor.u32 $0x60, s5;
	[smem:$0x7E7] =	sst s7  }
0x80: {  	s28 =	sor.u32 $0x60, s1;
	s25 =	sor.u32 $0x50, s2;
	[smem:$0x7E8] =	sst s8  }
0x81: {  	s9 =	sor.u32 $0x60, s17;
	s5 =	sor.u32 $0x70, s10;
	[smem:$0x7F7] =	sst s25  }
0x82: {  	s21 =	simm.s32 $0x3000;
	s31 =	sor.u32 $0x50, s19;
	[smem:$0x7FA] =	sst s9  }
0x83: {  	s26 =	sor.u32 $0x60, s2;
	s15 =	sor.u32 $0x60, s10;
	[smem:$0x7E5] =	sst s31  }
0x84: {  	s23 =	sor.u32 $0x60, s18;
	s24 =	sor.u32 $0x60, s19;
	[smem:$0x7F8] =	sst s26  }
0x85: {  	s2 =	sor.u32 $0x70, s17;
	s17 =	sor.u32 $0x70, s18;
	[smem:$0x7F9] =	sst s15  }
0x86: {  	s18 =	sor.u32 $0x70, s19;
	s19 =	sor.u32 $0x70, s20;
	[smem:$0x7FB] =	sst s23  }
0x87: {  	s22 =	simm.s32 $0x9E00;
	s31 =	sor.u32 $0x60, s20;
	[smem:$0x7FC] =	sst s24  }
0x88: {  	s10 =	simm.s32 $0x0;
	s20 =	sor.u32 $0x70, s1;
	[smem:$0x7FD] =	sst s31  }
.LBB2_1:
0x89: {  	s0 =	rddreg [dreg:$0x3];
	s16 =	simm.s32 $0x4  }
0x8a: {  	[tilespmem:s3], [sflag:$0x4] =	stream.linear.gather [hbm4b:s0+s3], $0x3000, $0x38;
	[tilespmem:$0x1CD00] =	vst v63  }
0x8b: {  	_ =	swait.ge [sflag:s16], $0x3000  }
0x8c: {  	[sflag:s16] =	ssyncset.done $0x0  }
0x8d: {  	s23 =	rddreg [dreg:$0x4];
	[sflag:s16] =	ssyncadd.s32 $0xFFFFD000  }
0x8e: {  	[tilespmem:s21], [sflag:$0x1] =	stream.linear.gather [hbm4b:s23+s3], $0x6DE0, $0x38;
	[tilespmem:$0x1CD00] =	vst v63  }
0x8f: {  	s25 =	simm.s32 $0x1;
	s24 =	rddreg [dreg:$0x5]  }
0x90: {  	[tilespmem:s22], [sflag:$0x2] =	stream.linear.gather [hbm4b:s24+s3], $0x6FE0, $0x38;
	[tilespmem:$0x1CD00] =	vst v63  }
0x91: {  	_ =	swait.ge [sflag:s25], $0x6DE0  }
0x92: {  	[sflag:s25] =	ssyncset.done $0x0  }
0x93: {  	s26 =	simm.s32 $0x40;
	[sflag:s25] =	ssyncadd.s32 $0xFFFF9220  }
0x94: {  	v0 =	vld [tilespmem:s26+$0x30]  }
0x95: {  	v1 =	vld [tilespmem:s26+$0xFFFFFFD0]  }
0x96: {  	v2 =	vld [tilespmem:s26+$0xFFFFFFE0]  }
0x97: {  	v3 =	vld [tilespmem:s26+$0xFFFFFFF0]  }
0x98: {  	v4 =	vld [tilespmem:s26+$0x0]  }
0x99: {  	v5 =	vld [tilespmem:s26+$0x10];
	v6 =	vand.u32 $0xFFFF, v0  }
0x9a: {  	v8 =	vld [tilespmem:s26+$0x20];
	v7 =	vand.u32 $0xFFFF, v1  }
0x9b: {  	v10 =	vld [tilespmem:s26+$0xFFFFFFC0];
	v9 =	vand.u32 $0xFFFF, v2  }
0x9c: {  	v11 =	vand.u32 $0xFFFF, v3  }
0x9d: {  	v12 =	vand.u32 $0xFFFF, v4  }
0x9e: {  	v13 =	vand.u32 $0xFFFF, v5;
	v6 =	vld.idx.msk [tilespmem:v6+s21+$0x0], $0xffff  }
0x9f: {  	v14 =	vand.u32 $0xFFFF, v8;
	v7 =	vld.idx.msk [tilespmem:v7+s21+$0x0], $0xffff  }
0xa0: {  	v15 =	vand.u32 $0xFFFF, v10;
	v9 =	vld.idx.msk [tilespmem:v9+s21+$0x0], $0xffff  }
0xa1: {  	v0 =	vshrl.u32 v0, $0x10;
	v11 =	vld.idx.msk [tilespmem:v11+s21+$0x0], $0xffff  }
0xa2: {  	v1 =	vshrl.u32 v1, $0x10;
	v12 =	vld.idx.msk [tilespmem:v12+s21+$0x0], $0xffff  }
0xa3: {  	s23 =	simm.s32 $0x10E80;
	v16 =	vshrl.u32 v2, $0x10;
	v13 =	vld.idx.msk [tilespmem:v13+s21+$0x0], $0xffff  }
0xa4: {  	v17 =	vshrl.u32 v3, $0x10;
	v14 =	vld.idx.msk [tilespmem:v14+s21+$0x0], $0xffff;
	[tilespmem:s23+$0x60] =	vst v6  }
0xa5: {  	v2 =	vld.idx.msk [tilespmem:v15+s21+$0x0], $0xffff;
	v6 =	vshrl.u32 v4, $0x10;
	[tilespmem:s23+$0xFFFFFFA0] =	vst v7  }
0xa6: {  	v7 =	vshrl.u32 v5, $0x10;
	[tilespmem:s23+$0xFFFFFFC0] =	vst v9;
	v18 =	vld.idx.msk [tilespmem:v0+s21+$0x0], $0xffff  }
0xa7: {  	[tilespmem:s23+$0xFFFFFFE0] =	vst v11;
	v3 =	vld.idx.msk [tilespmem:v1+s21+$0x0], $0xffff  }
0xa8: {  	[tilespmem:s23+$0x0] =	vst v12;
	v4 =	vld.idx.msk [tilespmem:v16+s21+$0x0], $0xffff  }
0xa9: {  	[tilespmem:s23+$0x20] =	vst v13;
	v5 =	vld.idx.msk [tilespmem:v17+s21+$0x0], $0xffff  }
0xaa: {  	[tilespmem:s23+$0x40] =	vst v14;
	v6 =	vld.idx.msk [tilespmem:v6+s21+$0x0], $0xffff  }
0xab: {  	s31 =	simm.s32 $0x0;
	s1 =	simm.s32 $0xC0;
	s24 =	simm.s32 $0x13D10;
	v0 =	vshrl.u32 v8, $0x10;
	v1 =	vshrl.u32 v10, $0x10;
	v7 =	vld.idx.msk [tilespmem:v7+s21+$0x0], $0xffff;
	[tilespmem:s23+$0x70] =	vst v18  }
.LBB2_2:
0xac: {  	v8 =	vld [tilespmem:s1+$0x30];
	s31 =	sadd.s32 $0x8, s31;
	[tilespmem:s23+$0xFFFFFF80] =	vst v2  }
0xad: {  	v2 =	vld [tilespmem:s1+$0xFFFFFFD0];
	p0 =	slt.u32 s31, $0x170;
	[tilespmem:s23+$0xFFFFFFB0] =	vst v3  }
0xae: {  	v3 =	vld [tilespmem:s1+$0xFFFFFFE0];
	[tilespmem:s23+$0xFFFFFFD0] =	vst v4  }
0xaf: {  	v4 =	vld [tilespmem:s1+$0xFFFFFFF0];
	[tilespmem:s23+$0xFFFFFFF0] =	vst v5  }
0xb0: {  	v5 =	vld [tilespmem:s1+$0x0];
	[tilespmem:s23+$0x10] =	vst v6  }
0xb1: {  	v6 =	vld [tilespmem:s1+$0x10];
	v9 =	vand.u32 $0xFFFF, v8;
	[tilespmem:s23+$0x30] =	vst v7  }
0xb2: {  	v7 =	vshrl.u32 v2, $0x10;
	v2 =	vand.u32 $0xFFFF, v2;
	v10 =	vld [tilespmem:s1+$0x20]  }
0xb3: {  	v11 =	vld [tilespmem:s1+$0xFFFFFFC0];
	v12 =	vshrl.u32 v3, $0x10;
	v3 =	vand.u32 $0xFFFF, v3  }
0xb4: {  	v13 =	vshrl.u32 v4, $0x10;
	v4 =	vand.u32 $0xFFFF, v4;
	v14 =	vld.idx.msk [tilespmem:v1+s21+$0x0], $0xffff  }
0xb5: {  	v15 =	vshrl.u32 v5, $0x10;
	v5 =	vand.u32 $0xFFFF, v5;
	v16 =	vld.idx.msk [tilespmem:v0+s21+$0x0], $0xffff  }
0xb6: {  	v17 =	vshrl.u32 v6, $0x10;
	v6 =	vand.u32 $0xFFFF, v6;
	v9 =	vld.idx.msk [tilespmem:v9+s21+$0x0], $0xffff  }
0xb7: {  	v2 =	vld.idx.msk [tilespmem:v2+s21+$0x0], $0xffff;
	v0 =	vshrl.u32 v10, $0x10;
	v10 =	vand.u32 $0xFFFF, v10  }
0xb8: {  	v8 =	vshrl.u32 v8, $0x10;
	v1 =	vshrl.u32 v11, $0x10;
	v11 =	vand.u32 $0xFFFF, v11;
	v3 =	vld.idx.msk [tilespmem:v3+s21+$0x0], $0xffff  }
0xb9: {  	v4 =	vld.idx.msk [tilespmem:v4+s21+$0x0], $0xffff  }
0xba: {  	v5 =	vld.idx.msk [tilespmem:v5+s21+$0x0], $0xffff;
	[tilespmem:s23+$0xFFFFFF90] =	vst v14  }
0xbb: {  	v6 =	vld.idx.msk [tilespmem:v6+s21+$0x0], $0xffff;
	[tilespmem:s23+$0x50] =	vst v16;
	s23 =	sadd.s32 $0x100, s23  }
0xbc: {  	v10 =	vld.idx.msk [tilespmem:v10+s21+$0x0], $0xffff;
	[tilespmem:s23+$0x60] =	vst v9  }
0xbd: {  	[tilespmem:s23+$0xFFFFFFA0] =	vst v2;
	v8 =	vld.idx.msk [tilespmem:v8+s21+$0x0], $0xffff  }
0xbe: {  	v2 =	vld.idx.msk [tilespmem:v11+s21+$0x0], $0xffff;
	[tilespmem:s23+$0xFFFFFFC0] =	vst v3  }
.Ltmp0:
0xbf: {  	v3 =	vld.idx.msk [tilespmem:v7+s21+$0x0], $0xffff;
	[tilespmem:s23+$0xFFFFFFE0] =	vst v4;
	(pc) =	sbr.rel @p0 .LBB2_2-.Ltmp0, $4  }
0xc0: {  	v4 =	vld.idx.msk [tilespmem:v12+s21+$0x0], $0xffff;
	[tilespmem:s23+$0x0] =	vst v5  }
0xc1: {  	v5 =	vld.idx.msk [tilespmem:v13+s21+$0x0], $0xffff;
	[tilespmem:s23+$0x20] =	vst v6  }
0xc2: {  	v6 =	vld.idx.msk [tilespmem:v15+s21+$0x0], $0xffff;
	[tilespmem:s23+$0x40] =	vst v10  }
0xc3: {  	s0 =	simm.s32 $0x0;
	s1 =	sadd.s32 $0x80, s1;
	v7 =	vld.idx.msk [tilespmem:v17+s21+$0x0], $0xffff;
	[tilespmem:s23+$0x70] =	vst v8  }
0xc4: {  	_ =	sdelay $0x2  }
0xc5: {  	[tilespmem:s23+$0xFFFFFF80] =	vst v2  }
0xc6: {  	[tilespmem:s23+$0xFFFFFFB0] =	vst v3;
	v0 =	vld.idx.msk [tilespmem:v0+s21+$0x0], $0xffff  }
0xc7: {  	v1 =	vld.idx.msk [tilespmem:v1+s21+$0x0], $0xffff;
	[tilespmem:s23+$0xFFFFFFD0] =	vst v4  }
0xc8: {  	[tilespmem:s23+$0xFFFFFFF0] =	vst v5  }
0xc9: {  	[tilespmem:s23+$0x10] =	vst v6  }
0xca: {  	[tilespmem:s23+$0x30] =	vst v7  }
0xcb: {  	[tilespmem:s23+$0x50] =	vst v0  }
0xcc: {  	[tilespmem:s23+$0xFFFFFF90] =	vst v1  }
.LBB2_4:
0xcd: {  	s1 =	sshra.s32 s0, $0x2  }
0xce: {  	v0 =	vld [tilespmem:s1+$0x1780];
	_ =	sdelay $0x4  }
0xcf: {  	v1 =	vand.u32 $0xFFFF, v0;
	_ =	sdelay $0x4  }
0xd0: {  	v1 =	vld.idx.msk [tilespmem:v1+s21+$0x0], $0xffff  }
0xd1: {  	v0 =	vshrl.u32 v0, $0x10;
	_ =	sdelay $0x3  }
0xd2: {  	[tilespmem:s24+$0xFFFFFFF0] =	vst v1  }
0xd3: {  	p0 =	sne.s32 s0, $0x80;
	v0 =	vld.idx.msk [tilespmem:v0+s21+$0x0], $0xffff  }
.Ltmp1:
0xd4: {  	_ = 	snop;
	(pc) =	sbr.rel @p0 .LBB2_4-.Ltmp1, $2  }
0xd5: {  	_ =	sdelay $0x2  }
0xd6: {  	s0 =	sadd.s32 $0x40, s0;
	[tilespmem:s24+$0x0] =	vst v0;
	s24 =	sadd.s32 $0x20, s24  }
0xd7: {  	[smem:$0x799] =	sst s10  }
0xd8: {  	s0 =	rddreg [dreg:$0x6];
	s26 =	simm.s32 $0x2  }
0xd9: {  	[tilespmem:s21], [sflag:$0x1] =	stream.linear.gather [hbm4b:s0+s3], $0x6DE0, $0x38;
	[tilespmem:$0x1CD00] =	vst v63  }
0xda: {  	_ =	swait.ge [sflag:s26], $0x6FE0  }
0xdb: {  	[sflag:s26] =	ssyncset.done $0x0  }
0xdc: {  	s31 =	simm.s32 $0x1820;
	[sflag:s26] =	ssyncadd.s32 $0xFFFF9020  }
0xdd: {  	v0 =	vld [tilespmem:s31+$0x0]  }
0xde: {  	v1 =	vld [tilespmem:s31+$0xFFFFFFA0]  }
0xdf: {  	v2 =	vld [tilespmem:s31+$0xFFFFFFB0]  }
0xe0: {  	v3 =	vld [tilespmem:s31+$0xFFFFFFC0]  }
0xe1: {  	v4 =	vld [tilespmem:s31+$0xFFFFFFD0]  }
0xe2: {  	v5 =	vld [tilespmem:s31+$0xFFFFFFE0];
	v6 =	vand.u32 $0xFFFF, v0  }
0xe3: {  	v8 =	vld [tilespmem:s31+$0xFFFFFFF0];
	v7 =	vand.u32 $0xFFFF, v1  }
0xe4: {  	v9 =	vand.u32 $0xFFFF, v2  }
0xe5: {  	v10 =	vld [tilespmem:s31+$0xFFFFFF90];
	v11 =	vand.u32 $0xFFFF, v3  }
0xe6: {  	v12 =	vand.u32 $0xFFFF, v4  }
0xe7: {  	v13 =	vand.u32 $0xFFFF, v5;
	v6 =	vld.idx.msk [tilespmem:v6+s22+$0x0], $0xffff  }
0xe8: {  	v14 =	vand.u32 $0xFFFF, v8;
	v7 =	vld.idx.msk [tilespmem:v7+s22+$0x0], $0xffff  }
0xe9: {  	v0 =	vshrl.u32 v0, $0x10;
	v9 =	vld.idx.msk [tilespmem:v9+s22+$0x0], $0xffff  }
0xea: {  	v15 =	vand.u32 $0xFFFF, v10;
	v11 =	vld.idx.msk [tilespmem:v11+s22+$0x0], $0xffff  }
0xeb: {  	s23 =	simm.s32 $0x13E50;
	v1 =	vshrl.u32 v1, $0x10;
	v12 =	vld.idx.msk [tilespmem:v12+s22+$0x0], $0xffff  }
0xec: {  	v16 =	vshrl.u32 v2, $0x10;
	v13 =	vld.idx.msk [tilespmem:v13+s22+$0x0], $0xffff;
	[tilespmem:s23+$0xFFFFFFF0] =	vst v6  }
0xed: {  	v17 =	vshrl.u32 v3, $0x10;
	v14 =	vld.idx.msk [tilespmem:v14+s22+$0x0], $0xffff;
	[tilespmem:s23+$0xFFFFFF30] =	vst v7  }
0xee: {  	v6 =	vshrl.u32 v4, $0x10;
	[tilespmem:s23+$0xFFFFFF50] =	vst v9;
	v18 =	vld.idx.msk [tilespmem:v0+s22+$0x0], $0xffff  }
0xef: {  	v2 =	vld.idx.msk [tilespmem:v15+s22+$0x0], $0xffff;
	v7 =	vshrl.u32 v5, $0x10;
	[tilespmem:s23+$0xFFFFFF70] =	vst v11  }
0xf0: {  	[tilespmem:s23+$0xFFFFFF90] =	vst v12;
	v3 =	vld.idx.msk [tilespmem:v1+s22+$0x0], $0xffff  }
0xf1: {  	[tilespmem:s23+$0xFFFFFFB0] =	vst v13;
	v4 =	vld.idx.msk [tilespmem:v16+s22+$0x0], $0xffff  }
0xf2: {  	[tilespmem:s23+$0xFFFFFFD0] =	vst v14;
	v5 =	vld.idx.msk [tilespmem:v17+s22+$0x0], $0xffff  }
0xf3: {  	v6 =	vld.idx.msk [tilespmem:v6+s22+$0x0], $0xffff;
	[tilespmem:s23+$0x0] =	vst v18  }
0xf4: {  	s24 =	simm.s32 $0x17B;
	s1 =	simm.s32 $0x18A0;
	v0 =	vshrl.u32 v8, $0x10;
	v1 =	vshrl.u32 v10, $0x10;
	v7 =	vld.idx.msk [tilespmem:v7+s22+$0x0], $0xffff;
	s6 =	sld [smem:$0x7EA]  }
.LBB2_6:
0xf5: {  	v8 =	vld [tilespmem:s1+$0x0];
	s24 =	sadd.s32 $0x8, s24;
	[tilespmem:s23+$0xFFFFFF10] =	vst v2  }
0xf6: {  	v2 =	vld [tilespmem:s1+$0xFFFFFFA0];
	p0 =	slt.u32 s24, $0x2F3;
	[tilespmem:s23+$0xFFFFFF40] =	vst v3  }
0xf7: {  	v3 =	vld [tilespmem:s1+$0xFFFFFFB0];
	[tilespmem:s23+$0xFFFFFF60] =	vst v4  }
0xf8: {  	v4 =	vld [tilespmem:s1+$0xFFFFFFC0];
	[tilespmem:s23+$0xFFFFFF80] =	vst v5  }
0xf9: {  	v5 =	vld [tilespmem:s1+$0xFFFFFFD0];
	[tilespmem:s23+$0xFFFFFFA0] =	vst v6  }
0xfa: {  	v6 =	vld [tilespmem:s1+$0xFFFFFFE0];
	v9 =	vand.u32 $0xFFFF, v8;
	[tilespmem:s23+$0xFFFFFFC0] =	vst v7  }
0xfb: {  	v7 =	vshrl.u32 v2, $0x10;
	v2 =	vand.u32 $0xFFFF, v2;
	v10 =	vld [tilespmem:s1+$0xFFFFFFF0]  }
0xfc: {  	v11 =	vld [tilespmem:s1+$0xFFFFFF90];
	v12 =	vshrl.u32 v3, $0x10;
	v3 =	vand.u32 $0xFFFF, v3  }
0xfd: {  	v13 =	vshrl.u32 v4, $0x10;
	v4 =	vand.u32 $0xFFFF, v4;
	v14 =	vld.idx.msk [tilespmem:v1+s22+$0x0], $0xffff  }
0xfe: {  	v15 =	vshrl.u32 v5, $0x10;
	v5 =	vand.u32 $0xFFFF, v5;
	v16 =	vld.idx.msk [tilespmem:v0+s22+$0x0], $0xffff  }
0xff: {  	v17 =	vshrl.u32 v6, $0x10;
	v6 =	vand.u32 $0xFFFF, v6;
	v9 =	vld.idx.msk [tilespmem:v9+s22+$0x0], $0xffff  }
0x100: {  	v2 =	vld.idx.msk [tilespmem:v2+s22+$0x0], $0xffff;
	v0 =	vshrl.u32 v10, $0x10;
	v10 =	vand.u32 $0xFFFF, v10  }
0x101: {  	v8 =	vshrl.u32 v8, $0x10;
	v1 =	vshrl.u32 v11, $0x10;
	v11 =	vand.u32 $0xFFFF, v11;
	v3 =	vld.idx.msk [tilespmem:v3+s22+$0x0], $0xffff  }
0x102: {  	v4 =	vld.idx.msk [tilespmem:v4+s22+$0x0], $0xffff  }
0x103: {  	v5 =	vld.idx.msk [tilespmem:v5+s22+$0x0], $0xffff;
	[tilespmem:s23+$0xFFFFFF20] =	vst v14  }
0x104: {  	v6 =	vld.idx.msk [tilespmem:v6+s22+$0x0], $0xffff;
	[tilespmem:s23+$0xFFFFFFE0] =	vst v16;
	s23 =	sadd.s32 $0x100, s23  }
0x105: {  	v10 =	vld.idx.msk [tilespmem:v10+s22+$0x0], $0xffff;
	[tilespmem:s23+$0xFFFFFFF0] =	vst v9  }
0x106: {  	[tilespmem:s23+$0xFFFFFF30] =	vst v2;
	v8 =	vld.idx.msk [tilespmem:v8+s22+$0x0], $0xffff  }
0x107: {  	v2 =	vld.idx.msk [tilespmem:v11+s22+$0x0], $0xffff;
	[tilespmem:s23+$0xFFFFFF50] =	vst v3  }
.Ltmp2:
0x108: {  	v3 =	vld.idx.msk [tilespmem:v7+s22+$0x0], $0xffff;
	[tilespmem:s23+$0xFFFFFF70] =	vst v4;
	(pc) =	sbr.rel @p0 .LBB2_6-.Ltmp2, $4  }
0x109: {  	v4 =	vld.idx.msk [tilespmem:v12+s22+$0x0], $0xffff;
	[tilespmem:s23+$0xFFFFFF90] =	vst v5  }
0x10a: {  	v5 =	vld.idx.msk [tilespmem:v13+s22+$0x0], $0xffff;
	[tilespmem:s23+$0xFFFFFFB0] =	vst v6  }
0x10b: {  	v6 =	vld.idx.msk [tilespmem:v15+s22+$0x0], $0xffff;
	[tilespmem:s23+$0xFFFFFFD0] =	vst v10  }
0x10c: {  	s1 =	sadd.s32 $0x80, s1;
	v7 =	vld.idx.msk [tilespmem:v17+s22+$0x0], $0xffff;
	[tilespmem:s23+$0x0] =	vst v8  }
0x10d: {  	_ =	sdelay $0x2  }
0x10e: {  	[tilespmem:s23+$0xFFFFFF10] =	vst v2  }
0x10f: {  	[tilespmem:s23+$0xFFFFFF40] =	vst v3;
	v0 =	vld.idx.msk [tilespmem:v0+s22+$0x0], $0xffff  }
0x110: {  	v1 =	vld.idx.msk [tilespmem:v1+s22+$0x0], $0xffff;
	[tilespmem:s23+$0xFFFFFF60] =	vst v4  }
0x111: {  	[tilespmem:s23+$0xFFFFFF80] =	vst v5  }
0x112: {  	[tilespmem:s23+$0xFFFFFFA0] =	vst v6  }
0x113: {  	[tilespmem:s23+$0xFFFFFFC0] =	vst v7  }
0x114: {  	[tilespmem:s23+$0xFFFFFFE0] =	vst v0  }
0x115: {  	[tilespmem:s23+$0xFFFFFF20] =	vst v1  }
0x116: {  	v0 =	vld [tilespmem:$0x2FB0];
	_ =	sdelay $0x4  }
0x117: {  	v63 =	vand.u32 $0xFFFF, v0;
	_ =	sdelay $0x4  }
0x118: {  	v1 =	vld.idx.msk [tilespmem:v63+s22+$0x0], $0xffff  }
0x119: {  	v0 =	vshrl.u32 v0, $0x10;
	_ =	sdelay $0x3  }
0x11a: {  	[tilespmem:$0x16D60] =	vst v1  }
0x11b: {  	v0 =	vld.idx.msk [tilespmem:v0+s22+$0x0], $0xffff;
	_ =	sdelay $0x2  }
0x11c: {  	s4 =	rddreg [dreg:$0x1]  }
0x11d: {  	s11 =	sld [smem:$0x7E9]  }
0x11e: {  	s0 =	rddreg [dreg:$0x7];
	[tilespmem:$0x16D70] =	vst v0  }
0x11f: {  	[tilespmem:s22], [sflag:$0x2] =	stream.linear.gather [hbm4b:s0+s3], $0x6FE0, $0x38;
	[tilespmem:$0x1CD00] =	vst v63  }
0x120: {  	s7 =	simm.s32 $0x10E00;
	s1 =	sadd.s32 s4, s11  }
0x121: {  	[hbm4b:s1+s3] =	stream.linear.scatter [tilespmem:s7], [sflag:$0x3], $0x80, $0x38;
	[tilespmem:$0x1CD00] =	vst v63  }
0x122: {  	s9 =	simm.s32 $0x10E80;
	s8 =	sadd.s32 s4, s6;
	s7 =	sld [smem:$0x7EB]  }
0x123: {  	[hbm4b:s8+s3] =	stream.linear.scatter [tilespmem:s9], [sflag:$0x3], $0x80, $0x38;
	[tilespmem:$0x1CD00] =	vst v63  }
0x124: {  	s12 =	simm.s32 $0x10F00;
	s8 =	sld [smem:$0x7EC]  }
0x125: {  	s14 =	simm.s32 $0x10F80;
	s9 =	sld [smem:$0x7ED];
	s10 =	sadd.s32 s4, s7  }
0x126: {  	[hbm4b:s10+s3] =	stream.linear.scatter [tilespmem:s12], [sflag:$0x3], $0x80, $0x38;
	[tilespmem:$0x1CD00] =	vst v63  }
0x127: {  	s16 =	simm.s32 $0x11000;
	s24 =	simm.s32 $0x11080;
	s10 =	sld [smem:$0x7EE]  }
0x128: {  	s26 =	simm.s32 $0x11100;
	s12 =	sld [smem:$0x7EF];
	s13 =	sadd.s32 s4, s8  }
0x129: {  	[hbm4b:s13+s3] =	stream.linear.scatter [tilespmem:s14], [sflag:$0x3], $0x80, $0x38;
	[tilespmem:$0x1CD00] =	vst v63  }
0x12a: {  	s31 =	simm.s32 $0x11180;
	s15 =	sadd.s32 s4, s9;
	s13 =	sld [smem:$0x7F0]  }
0x12b: {  	[hbm4b:s15+s3] =	stream.linear.scatter [tilespmem:s16], [sflag:$0x3], $0x80, $0x38;
	[tilespmem:$0x1CD00] =	vst v63  }
0x12c: {  	s1 =	simm.s32 $0x0;
	s23 =	sadd.s32 s4, s10;
	s25 =	sadd.s32 s4, s12  }
0x12d: {  	[hbm4b:s23+s3] =	stream.linear.scatter [tilespmem:s24], [sflag:$0x3], $0x80, $0x38;
	[tilespmem:$0x1CD00] =	vst v63  }
0x12e: {  	s0 =	sadd.s32 s4, s13;
	s23 =	simm.s32 $0x11200;
	s24 =	sadd.s32 $0x400, s4  }
0x12f: {  	[hbm4b:s25+s3] =	stream.linear.scatter [tilespmem:s26], [sflag:$0x3], $0x80, $0x38;
	[tilespmem:$0x1CD00] =	vst v63  }
.LBB2_8:
0x130: {  	[hbm4b:s0+s3] =	stream.linear.scatter [tilespmem:s31], [sflag:$0x3], $0x80, $0x38;
	[tilespmem:$0x1CD00] =	vst v63  }
0x131: {  	s0 =	sadd.s32 s24, s11;
	s1 =	sadd.s32 $0x8, s1;
	s31 =	smov.u32 s23  }
0x132: {  	[hbm4b:s0+s3] =	stream.linear.scatter [tilespmem:s23], [sflag:$0x3], $0x80, $0x38;
	[tilespmem:$0x1CD00] =	vst v63  }
0x133: {  	s4 =	sadd.s32 $0x80, s23;
	p0 =	slt.u32 s1, $0xB0;
	s0 =	sadd.s32 s24, s6  }
0x134: {  	[hbm4b:s0+s3] =	stream.linear.scatter [tilespmem:s4], [sflag:$0x3], $0x80, $0x38;
	[tilespmem:$0x1CD00] =	vst v63  }
0x135: {  	s0 =	sadd.s32 s24, s7;
	s4 =	sadd.s32 $0x100, s23  }
0x136: {  	[hbm4b:s0+s3] =	stream.linear.scatter [tilespmem:s4], [sflag:$0x3], $0x80, $0x38;
	[tilespmem:$0x1CD00] =	vst v63  }
0x137: {  	s0 =	sadd.s32 s24, s8;
	s4 =	sadd.s32 $0x180, s23  }
0x138: {  	[hbm4b:s0+s3] =	stream.linear.scatter [tilespmem:s4], [sflag:$0x3], $0x80, $0x38;
	[tilespmem:$0x1CD00] =	vst v63  }
0x139: {  	s0 =	sadd.s32 s24, s9;
	s4 =	sadd.s32 $0x200, s23  }
0x13a: {  	[hbm4b:s0+s3] =	stream.linear.scatter [tilespmem:s4], [sflag:$0x3], $0x80, $0x38;
	[tilespmem:$0x1CD00] =	vst v63  }
.Ltmp3:
0x13b: {  	s0 =	sadd.s32 s24, s10;
	s4 =	sadd.s32 $0x280, s23;
	(pc) =	sbr.rel @p0 .LBB2_8-.Ltmp3, $4  }
0x13c: {  	[hbm4b:s0+s3] =	stream.linear.scatter [tilespmem:s4], [sflag:$0x3], $0x80, $0x38;
	[tilespmem:$0x1CD00] =	vst v63  }
0x13d: {  	s23 =	sadd.s32 $0x400, s23;
	s0 =	sadd.s32 s24, s12;
	s4 =	sadd.s32 $0x300, s31  }
0x13e: {  	[hbm4b:s0+s3] =	stream.linear.scatter [tilespmem:s4], [sflag:$0x3], $0x80, $0x38;
	[tilespmem:$0x1CD00] =	vst v63  }
0x13f: {  	s31 =	sadd.s32 $0x380, s31;
	s0 =	sadd.s32 s24, s13;
	s24 =	sadd.s32 $0x400, s24  }
0x140: {  	[hbm4b:s0+s3] =	stream.linear.scatter [tilespmem:s31], [sflag:$0x3], $0x80, $0x38;
	[tilespmem:$0x1CD00] =	vst v63  }
0x141: {  	s6 =	rddreg [dreg:$0x8]  }
0x142: {  	s1 =	simm.s32 $0x16A00;
	s7 =	rddreg [dreg:$0x9]  }
0x143: {  	[hbm4b:s6+s3] =	stream.linear.scatter [tilespmem:s1], [sflag:$0x3], $0x80, $0x38;
	[tilespmem:$0x1CD00] =	vst v63  }
0x144: {  	s8 =	simm.s32 $0x16A80;
	s9 =	rddreg [dreg:$0xa]  }
0x145: {  	[hbm4b:s7+s3] =	stream.linear.scatter [tilespmem:s8], [sflag:$0x3], $0x80, $0x38;
	[tilespmem:$0x1CD00] =	vst v63  }
0x146: {  	s10 =	simm.s32 $0x16B00;
	s11 =	rddreg [dreg:$0xb]  }
0x147: {  	[hbm4b:s9+s3] =	stream.linear.scatter [tilespmem:s10], [sflag:$0x3], $0x80, $0x38;
	[tilespmem:$0x1CD00] =	vst v63  }
0x148: {  	s12 =	simm.s32 $0x16B80;
	s13 =	rddreg [dreg:$0xc]  }
0x149: {  	[hbm4b:s11+s3] =	stream.linear.scatter [tilespmem:s12], [sflag:$0x3], $0x80, $0x38;
	[tilespmem:$0x1CD00] =	vst v63  }
0x14a: {  	s14 =	simm.s32 $0x16C00;
	s15 =	rddreg [dreg:$0x13]  }
0x14b: {  	[hbm4b:s13+s3] =	stream.linear.scatter [tilespmem:s14], [sflag:$0x3], $0x80, $0x38;
	[tilespmem:$0x1CD00] =	vst v63  }
0x14c: {  	s16 =	simm.s32 $0x16C80;
	s23 =	sld [smem:$0x7B9]  }
0x14d: {  	[hbm4b:s15+s3] =	stream.linear.scatter [tilespmem:s16], [sflag:$0x3], $0x80, $0x38;
	[tilespmem:$0x1CD00] =	vst v63  }
0x14e: {  	s24 =	simm.s32 $0x16D00;
	s25 =	simm.s32 $0x1  }
0x14f: {  	[hbm4b:s23+s3] =	stream.linear.scatter [tilespmem:s24], [sflag:$0x3], $0x80, $0x38;
	[tilespmem:$0x1CD00] =	vst v63  }
0x150: {  	_ =	swait.ge [sflag:s25], $0x6DE0  }
0x151: {  	[sflag:s25] =	ssyncset.done $0x0  }
0x152: {  	s26 =	simm.s32 $0x40;
	[sflag:s25] =	ssyncadd.s32 $0xFFFF9220  }
0x153: {  	v0 =	vld [tilespmem:s26+$0x30]  }
0x154: {  	v1 =	vld [tilespmem:s26+$0xFFFFFFD0]  }
0x155: {  	v2 =	vld [tilespmem:s26+$0xFFFFFFE0]  }
0x156: {  	v3 =	vld [tilespmem:s26+$0xFFFFFFF0]  }
0x157: {  	v4 =	vld [tilespmem:s26+$0x0]  }
0x158: {  	v5 =	vld [tilespmem:s26+$0x10];
	v6 =	vand.u32 $0xFFFF, v0  }
0x159: {  	v8 =	vld [tilespmem:s26+$0x20];
	v7 =	vand.u32 $0xFFFF, v1  }
0x15a: {  	v10 =	vld [tilespmem:s26+$0xFFFFFFC0];
	v9 =	vand.u32 $0xFFFF, v2  }
0x15b: {  	v11 =	vand.u32 $0xFFFF, v3  }
0x15c: {  	v12 =	vand.u32 $0xFFFF, v4  }
0x15d: {  	v13 =	vand.u32 $0xFFFF, v5;
	v6 =	vld.idx.msk [tilespmem:v6+s21+$0x0], $0xffff  }
0x15e: {  	v14 =	vand.u32 $0xFFFF, v8;
	v7 =	vld.idx.msk [tilespmem:v7+s21+$0x0], $0xffff  }
0x15f: {  	v15 =	vand.u32 $0xFFFF, v10;
	v9 =	vld.idx.msk [tilespmem:v9+s21+$0x0], $0xffff  }
0x160: {  	v0 =	vshrl.u32 v0, $0x10;
	v11 =	vld.idx.msk [tilespmem:v11+s21+$0x0], $0xffff  }
0x161: {  	v1 =	vshrl.u32 v1, $0x10;
	v12 =	vld.idx.msk [tilespmem:v12+s21+$0x0], $0xffff  }
0x162: {  	s23 =	simm.s32 $0x16E00;
	v16 =	vshrl.u32 v2, $0x10;
	v13 =	vld.idx.msk [tilespmem:v13+s21+$0x0], $0xffff  }
0x163: {  	v17 =	vshrl.u32 v3, $0x10;
	v14 =	vld.idx.msk [tilespmem:v14+s21+$0x0], $0xffff;
	[tilespmem:s23+$0x60] =	vst v6  }
0x164: {  	v2 =	vld.idx.msk [tilespmem:v15+s21+$0x0], $0xffff;
	v6 =	vshrl.u32 v4, $0x10;
	[tilespmem:s23+$0xFFFFFFA0] =	vst v7  }
0x165: {  	v7 =	vshrl.u32 v5, $0x10;
	[tilespmem:s23+$0xFFFFFFC0] =	vst v9;
	v18 =	vld.idx.msk [tilespmem:v0+s21+$0x0], $0xffff  }
0x166: {  	[tilespmem:s23+$0xFFFFFFE0] =	vst v11;
	v3 =	vld.idx.msk [tilespmem:v1+s21+$0x0], $0xffff  }
0x167: {  	[tilespmem:s23+$0x0] =	vst v12;
	v4 =	vld.idx.msk [tilespmem:v16+s21+$0x0], $0xffff  }
0x168: {  	[tilespmem:s23+$0x20] =	vst v13;
	v5 =	vld.idx.msk [tilespmem:v17+s21+$0x0], $0xffff  }
0x169: {  	[tilespmem:s23+$0x40] =	vst v14;
	v6 =	vld.idx.msk [tilespmem:v6+s21+$0x0], $0xffff  }
0x16a: {  	s31 =	simm.s32 $0x0;
	s1 =	simm.s32 $0xC0;
	s24 =	simm.s32 $0x19C90;
	v0 =	vshrl.u32 v8, $0x10;
	v1 =	vshrl.u32 v10, $0x10;
	v7 =	vld.idx.msk [tilespmem:v7+s21+$0x0], $0xffff;
	[tilespmem:s23+$0x70] =	vst v18  }
.LBB2_10:
0x16b: {  	v8 =	vld [tilespmem:s1+$0x30];
	s31 =	sadd.s32 $0x8, s31;
	[tilespmem:s23+$0xFFFFFF80] =	vst v2  }
0x16c: {  	v2 =	vld [tilespmem:s1+$0xFFFFFFD0];
	p0 =	slt.u32 s31, $0x170;
	[tilespmem:s23+$0xFFFFFFB0] =	vst v3  }
0x16d: {  	v3 =	vld [tilespmem:s1+$0xFFFFFFE0];
	[tilespmem:s23+$0xFFFFFFD0] =	vst v4  }
0x16e: {  	v4 =	vld [tilespmem:s1+$0xFFFFFFF0];
	[tilespmem:s23+$0xFFFFFFF0] =	vst v5  }
0x16f: {  	v5 =	vld [tilespmem:s1+$0x0];
	[tilespmem:s23+$0x10] =	vst v6  }
0x170: {  	v6 =	vld [tilespmem:s1+$0x10];
	v9 =	vand.u32 $0xFFFF, v8;
	[tilespmem:s23+$0x30] =	vst v7  }
0x171: {  	v7 =	vshrl.u32 v2, $0x10;
	v2 =	vand.u32 $0xFFFF, v2;
	v10 =	vld [tilespmem:s1+$0x20]  }
0x172: {  	v11 =	vld [tilespmem:s1+$0xFFFFFFC0];
	v12 =	vshrl.u32 v3, $0x10;
	v3 =	vand.u32 $0xFFFF, v3  }
0x173: {  	v13 =	vshrl.u32 v4, $0x10;
	v4 =	vand.u32 $0xFFFF, v4;
	v14 =	vld.idx.msk [tilespmem:v1+s21+$0x0], $0xffff  }
0x174: {  	v15 =	vshrl.u32 v5, $0x10;
	v5 =	vand.u32 $0xFFFF, v5;
	v16 =	vld.idx.msk [tilespmem:v0+s21+$0x0], $0xffff  }
0x175: {  	v17 =	vshrl.u32 v6, $0x10;
	v6 =	vand.u32 $0xFFFF, v6;
	v9 =	vld.idx.msk [tilespmem:v9+s21+$0x0], $0xffff  }
0x176: {  	v2 =	vld.idx.msk [tilespmem:v2+s21+$0x0], $0xffff;
	v0 =	vshrl.u32 v10, $0x10;
	v10 =	vand.u32 $0xFFFF, v10  }
0x177: {  	v8 =	vshrl.u32 v8, $0x10;
	v1 =	vshrl.u32 v11, $0x10;
	v11 =	vand.u32 $0xFFFF, v11;
	v3 =	vld.idx.msk [tilespmem:v3+s21+$0x0], $0xffff  }
0x178: {  	v4 =	vld.idx.msk [tilespmem:v4+s21+$0x0], $0xffff  }
0x179: {  	v5 =	vld.idx.msk [tilespmem:v5+s21+$0x0], $0xffff;
	[tilespmem:s23+$0xFFFFFF90] =	vst v14  }
0x17a: {  	v6 =	vld.idx.msk [tilespmem:v6+s21+$0x0], $0xffff;
	[tilespmem:s23+$0x50] =	vst v16;
	s23 =	sadd.s32 $0x100, s23  }
0x17b: {  	v10 =	vld.idx.msk [tilespmem:v10+s21+$0x0], $0xffff;
	[tilespmem:s23+$0x60] =	vst v9  }
0x17c: {  	[tilespmem:s23+$0xFFFFFFA0] =	vst v2;
	v8 =	vld.idx.msk [tilespmem:v8+s21+$0x0], $0xffff  }
0x17d: {  	v2 =	vld.idx.msk [tilespmem:v11+s21+$0x0], $0xffff;
	[tilespmem:s23+$0xFFFFFFC0] =	vst v3  }
.Ltmp4:
0x17e: {  	v3 =	vld.idx.msk [tilespmem:v7+s21+$0x0], $0xffff;
	[tilespmem:s23+$0xFFFFFFE0] =	vst v4;
	(pc) =	sbr.rel @p0 .LBB2_10-.Ltmp4, $4  }
0x17f: {  	v4 =	vld.idx.msk [tilespmem:v12+s21+$0x0], $0xffff;
	[tilespmem:s23+$0x0] =	vst v5  }
0x180: {  	v5 =	vld.idx.msk [tilespmem:v13+s21+$0x0], $0xffff;
	[tilespmem:s23+$0x20] =	vst v6  }
0x181: {  	v6 =	vld.idx.msk [tilespmem:v15+s21+$0x0], $0xffff;
	[tilespmem:s23+$0x40] =	vst v10  }
0x182: {  	s0 =	simm.s32 $0x0;
	s1 =	sadd.s32 $0x80, s1;
	v7 =	vld.idx.msk [tilespmem:v17+s21+$0x0], $0xffff;
	[tilespmem:s23+$0x70] =	vst v8  }
0x183: {  	_ =	sdelay $0x2  }
0x184: {  	[tilespmem:s23+$0xFFFFFF80] =	vst v2  }
0x185: {  	[tilespmem:s23+$0xFFFFFFB0] =	vst v3;
	v0 =	vld.idx.msk [tilespmem:v0+s21+$0x0], $0xffff  }
0x186: {  	v1 =	vld.idx.msk [tilespmem:v1+s21+$0x0], $0xffff;
	[tilespmem:s23+$0xFFFFFFD0] =	vst v4  }
0x187: {  	[tilespmem:s23+$0xFFFFFFF0] =	vst v5  }
0x188: {  	[tilespmem:s23+$0x10] =	vst v6  }
0x189: {  	[tilespmem:s23+$0x30] =	vst v7  }
0x18a: {  	[tilespmem:s23+$0x50] =	vst v0  }
0x18b: {  	[tilespmem:s23+$0xFFFFFF90] =	vst v1  }
0x18c: {  	s13 =	sld [smem:$0x7F1]  }
0x18d: {  	s11 =	sld [smem:$0x7C9]  }
0x18e: {  	s9 =	sld [smem:$0x7CB]  }
.LBB2_12:
0x18f: {  	s1 =	sshra.s32 s0, $0x2  }
0x190: {  	v0 =	vld [tilespmem:s1+$0x1780];
	_ =	sdelay $0x4  }
0x191: {  	v1 =	vand.u32 $0xFFFF, v0;
	_ =	sdelay $0x4  }
0x192: {  	v1 =	vld.idx.msk [tilespmem:v1+s21+$0x0], $0xffff  }
0x193: {  	v0 =	vshrl.u32 v0, $0x10;
	_ =	sdelay $0x3  }
0x194: {  	[tilespmem:s24+$0xFFFFFFF0] =	vst v1  }
0x195: {  	p0 =	sne.s32 s0, $0x80;
	v0 =	vld.idx.msk [tilespmem:v0+s21+$0x0], $0xffff  }
.Ltmp5:
0x196: {  	_ = 	snop;
	(pc) =	sbr.rel @p0 .LBB2_12-.Ltmp5, $2  }
0x197: {  	_ =	sdelay $0x2  }
0x198: {  	s0 =	sadd.s32 $0x40, s0;
	[tilespmem:s24+$0x0] =	vst v0;
	s24 =	sadd.s32 $0x20, s24  }
0x199: {  	s0 =	sld [smem:$0x7C2];
	_ =	sdelay $0x1  }
0x19a: {  	s25 =	simm.s32 $0x2  }
0x19b: {  	[tilespmem:s21], [sflag:$0x1] =	stream.linear.gather [hbm4b:s0+s3], $0x6DE0, $0x38;
	[tilespmem:$0x1CD00] =	vst v63  }
0x19c: {  	_ =	swait.ge [sflag:s25], $0x6FE0  }
0x19d: {  	[sflag:s25] =	ssyncset.done $0x0  }
0x19e: {  	s26 =	simm.s32 $0x1820;
	[sflag:s25] =	ssyncadd.s32 $0xFFFF9020  }
0x19f: {  	v0 =	vld [tilespmem:s26+$0x0]  }
0x1a0: {  	v1 =	vld [tilespmem:s26+$0xFFFFFFA0]  }
0x1a1: {  	v2 =	vld [tilespmem:s26+$0xFFFFFFB0]  }
0x1a2: {  	v3 =	vld [tilespmem:s26+$0xFFFFFFC0]  }
0x1a3: {  	v4 =	vld [tilespmem:s26+$0xFFFFFFD0]  }
0x1a4: {  	v5 =	vld [tilespmem:s26+$0xFFFFFFE0];
	v6 =	vand.u32 $0xFFFF, v0  }
0x1a5: {  	v8 =	vld [tilespmem:s26+$0xFFFFFFF0];
	v7 =	vand.u32 $0xFFFF, v1  }
0x1a6: {  	v9 =	vand.u32 $0xFFFF, v2  }
0x1a7: {  	v10 =	vld [tilespmem:s26+$0xFFFFFF90];
	v11 =	vand.u32 $0xFFFF, v3  }
0x1a8: {  	v12 =	vand.u32 $0xFFFF, v4  }
0x1a9: {  	v13 =	vand.u32 $0xFFFF, v5;
	v6 =	vld.idx.msk [tilespmem:v6+s22+$0x0], $0xffff  }
0x1aa: {  	v14 =	vand.u32 $0xFFFF, v8;
	v7 =	vld.idx.msk [tilespmem:v7+s22+$0x0], $0xffff  }
0x1ab: {  	v0 =	vshrl.u32 v0, $0x10;
	v9 =	vld.idx.msk [tilespmem:v9+s22+$0x0], $0xffff  }
0x1ac: {  	v15 =	vand.u32 $0xFFFF, v10;
	v11 =	vld.idx.msk [tilespmem:v11+s22+$0x0], $0xffff  }
0x1ad: {  	s23 =	simm.s32 $0x19DD0;
	v1 =	vshrl.u32 v1, $0x10;
	v12 =	vld.idx.msk [tilespmem:v12+s22+$0x0], $0xffff  }
0x1ae: {  	v16 =	vshrl.u32 v2, $0x10;
	v13 =	vld.idx.msk [tilespmem:v13+s22+$0x0], $0xffff;
	[tilespmem:s23+$0xFFFFFFF0] =	vst v6  }
0x1af: {  	v17 =	vshrl.u32 v3, $0x10;
	v14 =	vld.idx.msk [tilespmem:v14+s22+$0x0], $0xffff;
	[tilespmem:s23+$0xFFFFFF30] =	vst v7  }
0x1b0: {  	v6 =	vshrl.u32 v4, $0x10;
	[tilespmem:s23+$0xFFFFFF50] =	vst v9;
	v18 =	vld.idx.msk [tilespmem:v0+s22+$0x0], $0xffff  }
0x1b1: {  	v2 =	vld.idx.msk [tilespmem:v15+s22+$0x0], $0xffff;
	v7 =	vshrl.u32 v5, $0x10;
	[tilespmem:s23+$0xFFFFFF70] =	vst v11  }
0x1b2: {  	[tilespmem:s23+$0xFFFFFF90] =	vst v12;
	v3 =	vld.idx.msk [tilespmem:v1+s22+$0x0], $0xffff  }
0x1b3: {  	[tilespmem:s23+$0xFFFFFFB0] =	vst v13;
	v4 =	vld.idx.msk [tilespmem:v16+s22+$0x0], $0xffff  }
0x1b4: {  	[tilespmem:s23+$0xFFFFFFD0] =	vst v14;
	v5 =	vld.idx.msk [tilespmem:v17+s22+$0x0], $0xffff  }
0x1b5: {  	v6 =	vld.idx.msk [tilespmem:v6+s22+$0x0], $0xffff;
	[tilespmem:s23+$0x0] =	vst v18  }
0x1b6: {  	s24 =	simm.s32 $0x17B;
	s1 =	simm.s32 $0x18A0;
	v0 =	vshrl.u32 v8, $0x10;
	v1 =	vshrl.u32 v10, $0x10;
	v7 =	vld.idx.msk [tilespmem:v7+s22+$0x0], $0xffff;
	s31 =	sld [smem:$0x7C7]  }
.LBB2_14:
0x1b7: {  	v8 =	vld [tilespmem:s1+$0x0];
	s24 =	sadd.s32 $0x8, s24;
	[tilespmem:s23+$0xFFFFFF10] =	vst v2  }
0x1b8: {  	v2 =	vld [tilespmem:s1+$0xFFFFFFA0];
	p0 =	slt.u32 s24, $0x2F3;
	[tilespmem:s23+$0xFFFFFF40] =	vst v3  }
0x1b9: {  	v3 =	vld [tilespmem:s1+$0xFFFFFFB0];
	[tilespmem:s23+$0xFFFFFF60] =	vst v4  }
0x1ba: {  	v4 =	vld [tilespmem:s1+$0xFFFFFFC0];
	[tilespmem:s23+$0xFFFFFF80] =	vst v5  }
0x1bb: {  	v5 =	vld [tilespmem:s1+$0xFFFFFFD0];
	[tilespmem:s23+$0xFFFFFFA0] =	vst v6  }
0x1bc: {  	v6 =	vld [tilespmem:s1+$0xFFFFFFE0];
	v9 =	vand.u32 $0xFFFF, v8;
	[tilespmem:s23+$0xFFFFFFC0] =	vst v7  }
0x1bd: {  	v7 =	vshrl.u32 v2, $0x10;
	v2 =	vand.u32 $0xFFFF, v2;
	v10 =	vld [tilespmem:s1+$0xFFFFFFF0]  }
0x1be: {  	v11 =	vld [tilespmem:s1+$0xFFFFFF90];
	v12 =	vshrl.u32 v3, $0x10;
	v3 =	vand.u32 $0xFFFF, v3  }
0x1bf: {  	v13 =	vshrl.u32 v4, $0x10;
	v4 =	vand.u32 $0xFFFF, v4;
	v14 =	vld.idx.msk [tilespmem:v1+s22+$0x0], $0xffff  }
0x1c0: {  	v15 =	vshrl.u32 v5, $0x10;
	v5 =	vand.u32 $0xFFFF, v5;
	v16 =	vld.idx.msk [tilespmem:v0+s22+$0x0], $0xffff  }
0x1c1: {  	v17 =	vshrl.u32 v6, $0x10;
	v6 =	vand.u32 $0xFFFF, v6;
	v9 =	vld.idx.msk [tilespmem:v9+s22+$0x0], $0xffff  }
0x1c2: {  	v2 =	vld.idx.msk [tilespmem:v2+s22+$0x0], $0xffff;
	v0 =	vshrl.u32 v10, $0x10;
	v10 =	vand.u32 $0xFFFF, v10  }
0x1c3: {  	v8 =	vshrl.u32 v8, $0x10;
	v1 =	vshrl.u32 v11, $0x10;
	v11 =	vand.u32 $0xFFFF, v11;
	v3 =	vld.idx.msk [tilespmem:v3+s22+$0x0], $0xffff  }
0x1c4: {  	v4 =	vld.idx.msk [tilespmem:v4+s22+$0x0], $0xffff  }
0x1c5: {  	v5 =	vld.idx.msk [tilespmem:v5+s22+$0x0], $0xffff;
	[tilespmem:s23+$0xFFFFFF20] =	vst v14  }
0x1c6: {  	v6 =	vld.idx.msk [tilespmem:v6+s22+$0x0], $0xffff;
	[tilespmem:s23+$0xFFFFFFE0] =	vst v16;
	s23 =	sadd.s32 $0x100, s23  }
0x1c7: {  	v10 =	vld.idx.msk [tilespmem:v10+s22+$0x0], $0xffff;
	[tilespmem:s23+$0xFFFFFFF0] =	vst v9  }
0x1c8: {  	[tilespmem:s23+$0xFFFFFF30] =	vst v2;
	v8 =	vld.idx.msk [tilespmem:v8+s22+$0x0], $0xffff  }
0x1c9: {  	v2 =	vld.idx.msk [tilespmem:v11+s22+$0x0], $0xffff;
	[tilespmem:s23+$0xFFFFFF50] =	vst v3  }
.Ltmp6:
0x1ca: {  	v3 =	vld.idx.msk [tilespmem:v7+s22+$0x0], $0xffff;
	[tilespmem:s23+$0xFFFFFF70] =	vst v4;
	(pc) =	sbr.rel @p0 .LBB2_14-.Ltmp6, $4  }
0x1cb: {  	v4 =	vld.idx.msk [tilespmem:v12+s22+$0x0], $0xffff;
	[tilespmem:s23+$0xFFFFFF90] =	vst v5  }
0x1cc: {  	v5 =	vld.idx.msk [tilespmem:v13+s22+$0x0], $0xffff;
	[tilespmem:s23+$0xFFFFFFB0] =	vst v6  }
0x1cd: {  	v6 =	vld.idx.msk [tilespmem:v15+s22+$0x0], $0xffff;
	[tilespmem:s23+$0xFFFFFFD0] =	vst v10  }
0x1ce: {  	s1 =	sadd.s32 $0x80, s1;
	v7 =	vld.idx.msk [tilespmem:v17+s22+$0x0], $0xffff;
	[tilespmem:s23+$0x0] =	vst v8  }
0x1cf: {  	_ =	sdelay $0x2  }
0x1d0: {  	[tilespmem:s23+$0xFFFFFF10] =	vst v2  }
0x1d1: {  	[tilespmem:s23+$0xFFFFFF40] =	vst v3;
	v0 =	vld.idx.msk [tilespmem:v0+s22+$0x0], $0xffff  }
0x1d2: {  	v1 =	vld.idx.msk [tilespmem:v1+s22+$0x0], $0xffff;
	[tilespmem:s23+$0xFFFFFF60] =	vst v4  }
0x1d3: {  	[tilespmem:s23+$0xFFFFFF80] =	vst v5  }
0x1d4: {  	[tilespmem:s23+$0xFFFFFFA0] =	vst v6  }
0x1d5: {  	[tilespmem:s23+$0xFFFFFFC0] =	vst v7  }
0x1d6: {  	[tilespmem:s23+$0xFFFFFFE0] =	vst v0  }
0x1d7: {  	[tilespmem:s23+$0xFFFFFF20] =	vst v1  }
0x1d8: {  	v0 =	vld [tilespmem:$0x2FB0];
	_ =	sdelay $0x4  }
0x1d9: {  	v63 =	vand.u32 $0xFFFF, v0;
	_ =	sdelay $0x4  }
0x1da: {  	v1 =	vld.idx.msk [tilespmem:v63+s22+$0x0], $0xffff  }
0x1db: {  	v0 =	vshrl.u32 v0, $0x10;
	_ =	sdelay $0x3  }
0x1dc: {  	[tilespmem:$0x1CCE0] =	vst v1  }
0x1dd: {  	v0 =	vld.idx.msk [tilespmem:v0+s22+$0x0], $0xffff;
	_ =	sdelay $0x3  }
0x1de: {  	s4 =	rddreg [dreg:$0x1]  }
0x1df: {  	s0 =	rddreg [dreg:$0xd];
	[tilespmem:$0x1CCF0] =	vst v0  }
0x1e0: {  	[tilespmem:s22], [sflag:$0x2] =	stream.linear.gather [hbm4b:s0+s3], $0x6FE0, $0x38;
	[tilespmem:$0x1CD00] =	vst v63  }
0x1e1: {  	s26 =	simm.s32 $0x16D80;
	s1 =	sadd.s32 s4, s13  }
0x1e2: {  	[hbm4b:s1+s3] =	stream.linear.scatter [tilespmem:s26], [sflag:$0x3], $0x80, $0x38;
	[tilespmem:$0x1CD00] =	vst v63  }
0x1e3: {  	s7 =	simm.s32 $0x16E00;
	s6 =	sadd.s32 s4, s31  }
0x1e4: {  	[hbm4b:s6+s3] =	stream.linear.scatter [tilespmem:s7], [sflag:$0x3], $0x80, $0x38;
	[tilespmem:$0x1CD00] =	vst v63  }
0x1e5: {  	s6 =	sld [smem:$0x7F2];
	_ =	sdelay $0x2  }
0x1e6: {  	s10 =	simm.s32 $0x16E80;
	s8 =	sadd.s32 s4, s6  }
0x1e7: {  	[hbm4b:s8+s3] =	stream.linear.scatter [tilespmem:s10], [sflag:$0x3], $0x80, $0x38;
	[tilespmem:$0x1CD00] =	vst v63  }
0x1e8: {  	s8 =	sld [smem:$0x7C8]  }
0x1e9: {  	s14 =	simm.s32 $0x16F00  }
0x1ea: {  	s16 =	simm.s32 $0x16F80;
	s24 =	simm.s32 $0x17000;
	s15 =	sadd.s32 s4, s11  }
0x1eb: {  	s25 =	sadd.s32 s4, s9;
	s10 =	sld [smem:$0x7CA];
	s12 =	sadd.s32 s4, s8  }
0x1ec: {  	[hbm4b:s12+s3] =	stream.linear.scatter [tilespmem:s14], [sflag:$0x3], $0x80, $0x38;
	[tilespmem:$0x1CD00] =	vst v63  }
0x1ed: {  	s26 =	simm.s32 $0x17080;
	s1 =	simm.s32 $0x0;
	s12 =	sld [smem:$0x7CC]  }
0x1ee: {  	[hbm4b:s15+s3] =	stream.linear.scatter [tilespmem:s16], [sflag:$0x3], $0x80, $0x38;
	[tilespmem:$0x1CD00] =	vst v63  }
0x1ef: {  	s7 =	smov.u32 s31;
	s31 =	simm.s32 $0x17100;
	s23 =	sadd.s32 s4, s10  }
0x1f0: {  	[hbm4b:s23+s3] =	stream.linear.scatter [tilespmem:s24], [sflag:$0x3], $0x80, $0x38;
	[tilespmem:$0x1CD00] =	vst v63  }
0x1f1: {  	s0 =	sadd.s32 s4, s12;
	s23 =	simm.s32 $0x17180;
	s24 =	sadd.s32 $0x400, s4  }
0x1f2: {  	[hbm4b:s25+s3] =	stream.linear.scatter [tilespmem:s26], [sflag:$0x3], $0x80, $0x38;
	[tilespmem:$0x1CD00] =	vst v63  }
.LBB2_16:
0x1f3: {  	[hbm4b:s0+s3] =	stream.linear.scatter [tilespmem:s31], [sflag:$0x3], $0x80, $0x38;
	[tilespmem:$0x1CD00] =	vst v63  }
0x1f4: {  	s0 =	sadd.s32 s24, s13;
	s1 =	sadd.s32 $0x8, s1;
	s4 =	smov.u32 s23  }
0x1f5: {  	[hbm4b:s0+s3] =	stream.linear.scatter [tilespmem:s23], [sflag:$0x3], $0x80, $0x38;
	[tilespmem:$0x1CD00] =	vst v63  }
0x1f6: {  	s31 =	sadd.s32 $0x80, s23;
	p0 =	slt.u32 s1, $0xB0;
	s0 =	sadd.s32 s24, s7  }
0x1f7: {  	[hbm4b:s0+s3] =	stream.linear.scatter [tilespmem:s31], [sflag:$0x3], $0x80, $0x38;
	[tilespmem:$0x1CD00] =	vst v63  }
0x1f8: {  	s0 =	sadd.s32 s24, s6;
	s31 =	sadd.s32 $0x100, s23  }
0x1f9: {  	[hbm4b:s0+s3] =	stream.linear.scatter [tilespmem:s31], [sflag:$0x3], $0x80, $0x38;
	[tilespmem:$0x1CD00] =	vst v63  }
0x1fa: {  	s0 =	sadd.s32 s24, s8;
	s31 =	sadd.s32 $0x180, s23  }
0x1fb: {  	[hbm4b:s0+s3] =	stream.linear.scatter [tilespmem:s31], [sflag:$0x3], $0x80, $0x38;
	[tilespmem:$0x1CD00] =	vst v63  }
0x1fc: {  	s0 =	sadd.s32 s24, s11;
	s31 =	sadd.s32 $0x200, s23  }
0x1fd: {  	[hbm4b:s0+s3] =	stream.linear.scatter [tilespmem:s31], [sflag:$0x3], $0x80, $0x38;
	[tilespmem:$0x1CD00] =	vst v63  }
.Ltmp7:
0x1fe: {  	s0 =	sadd.s32 s24, s10;
	s31 =	sadd.s32 $0x280, s23;
	(pc) =	sbr.rel @p0 .LBB2_16-.Ltmp7, $4  }
0x1ff: {  	[hbm4b:s0+s3] =	stream.linear.scatter [tilespmem:s31], [sflag:$0x3], $0x80, $0x38;
	[tilespmem:$0x1CD00] =	vst v63  }
0x200: {  	s23 =	sadd.s32 $0x400, s23;
	s0 =	sadd.s32 s24, s9;
	s31 =	sadd.s32 $0x300, s4  }
0x201: {  	[hbm4b:s0+s3] =	stream.linear.scatter [tilespmem:s31], [sflag:$0x3], $0x80, $0x38;
	[tilespmem:$0x1CD00] =	vst v63  }
0x202: {  	s0 =	sadd.s32 s24, s12;
	s31 =	sadd.s32 $0x380, s4;
	s24 =	sadd.s32 $0x400, s24  }
0x203: {  	[hbm4b:s0+s3] =	stream.linear.scatter [tilespmem:s31], [sflag:$0x3], $0x80, $0x38;
	[tilespmem:$0x1CD00] =	vst v63  }
0x204: {  	s6 =	rddreg [dreg:$0x14]  }
0x205: {  	s1 =	simm.s32 $0x1C980;
	s7 =	rddreg [dreg:$0x15]  }
0x206: {  	[hbm4b:s6+s3] =	stream.linear.scatter [tilespmem:s1], [sflag:$0x3], $0x80, $0x38;
	[tilespmem:$0x1CD00] =	vst v63  }
0x207: {  	s8 =	simm.s32 $0x1CA00;
	s9 =	rddreg [dreg:$0x16]  }
0x208: {  	[hbm4b:s7+s3] =	stream.linear.scatter [tilespmem:s8], [sflag:$0x3], $0x80, $0x38;
	[tilespmem:$0x1CD00] =	vst v63  }
0x209: {  	s10 =	simm.s32 $0x1CA80;
	s11 =	rddreg [dreg:$0x17]  }
0x20a: {  	[hbm4b:s9+s3] =	stream.linear.scatter [tilespmem:s10], [sflag:$0x3], $0x80, $0x38;
	[tilespmem:$0x1CD00] =	vst v63  }
0x20b: {  	s12 =	simm.s32 $0x1CB00;
	s13 =	rddreg [dreg:$0x18]  }
0x20c: {  	[hbm4b:s11+s3] =	stream.linear.scatter [tilespmem:s12], [sflag:$0x3], $0x80, $0x38;
	[tilespmem:$0x1CD00] =	vst v63  }
0x20d: {  	s14 =	simm.s32 $0x1CB80;
	s15 =	rddreg [dreg:$0x19]  }
0x20e: {  	[hbm4b:s13+s3] =	stream.linear.scatter [tilespmem:s14], [sflag:$0x3], $0x80, $0x38;
	[tilespmem:$0x1CD00] =	vst v63  }
0x20f: {  	s16 =	simm.s32 $0x1CC00;
	s23 =	sld [smem:$0x7B8]  }
0x210: {  	[hbm4b:s15+s3] =	stream.linear.scatter [tilespmem:s16], [sflag:$0x3], $0x80, $0x38;
	[tilespmem:$0x1CD00] =	vst v63  }
0x211: {  	s24 =	simm.s32 $0x1CC80;
	s25 =	simm.s32 $0x1  }
0x212: {  	[hbm4b:s23+s3] =	stream.linear.scatter [tilespmem:s24], [sflag:$0x3], $0x80, $0x38;
	[tilespmem:$0x1CD00] =	vst v63  }
0x213: {  	_ =	swait.ge [sflag:s25], $0x6DE0  }
0x214: {  	[sflag:s25] =	ssyncset.done $0x0  }
0x215: {  	s26 =	simm.s32 $0x3;
	[sflag:s25] =	ssyncadd.s32 $0xFFFF9220  }
0x216: {  	_ =	swait.ge [sflag:s26], $0x5F80  }
0x217: {  	[sflag:s26] =	ssyncset.done $0x0  }
0x218: {  	s31 =	simm.s32 $0x40;
	[sflag:s26] =	ssyncadd.s32 $0xFFFFA080  }
0x219: {  	v0 =	vld [tilespmem:s31+$0x30]  }
0x21a: {  	v1 =	vld [tilespmem:s31+$0xFFFFFFD0]  }
0x21b: {  	v2 =	vld [tilespmem:s31+$0xFFFFFFE0]  }
0x21c: {  	v3 =	vld [tilespmem:s31+$0xFFFFFFF0]  }
0x21d: {  	v4 =	vld [tilespmem:s31+$0x0]  }
0x21e: {  	v5 =	vld [tilespmem:s31+$0x10];
	v6 =	vand.u32 $0xFFFF, v0  }
0x21f: {  	v8 =	vld [tilespmem:s31+$0x20];
	v7 =	vand.u32 $0xFFFF, v1  }
0x220: {  	v10 =	vld [tilespmem:s31+$0xFFFFFFC0];
	v9 =	vand.u32 $0xFFFF, v2  }
0x221: {  	v11 =	vand.u32 $0xFFFF, v3  }
0x222: {  	v12 =	vand.u32 $0xFFFF, v4  }
0x223: {  	v13 =	vand.u32 $0xFFFF, v5;
	v6 =	vld.idx.msk [tilespmem:v6+s21+$0x0], $0xffff  }
0x224: {  	v14 =	vand.u32 $0xFFFF, v8;
	v7 =	vld.idx.msk [tilespmem:v7+s21+$0x0], $0xffff  }
0x225: {  	v15 =	vand.u32 $0xFFFF, v10;
	v9 =	vld.idx.msk [tilespmem:v9+s21+$0x0], $0xffff  }
0x226: {  	v0 =	vshrl.u32 v0, $0x10;
	v11 =	vld.idx.msk [tilespmem:v11+s21+$0x0], $0xffff  }
0x227: {  	v1 =	vshrl.u32 v1, $0x10;
	v12 =	vld.idx.msk [tilespmem:v12+s21+$0x0], $0xffff  }
0x228: {  	s23 =	simm.s32 $0x10E80;
	v16 =	vshrl.u32 v2, $0x10;
	v13 =	vld.idx.msk [tilespmem:v13+s21+$0x0], $0xffff  }
0x229: {  	v17 =	vshrl.u32 v3, $0x10;
	v14 =	vld.idx.msk [tilespmem:v14+s21+$0x0], $0xffff;
	[tilespmem:s23+$0x60] =	vst v6  }
0x22a: {  	v2 =	vld.idx.msk [tilespmem:v15+s21+$0x0], $0xffff;
	v6 =	vshrl.u32 v4, $0x10;
	[tilespmem:s23+$0xFFFFFFA0] =	vst v7  }
0x22b: {  	v7 =	vshrl.u32 v5, $0x10;
	[tilespmem:s23+$0xFFFFFFC0] =	vst v9;
	v18 =	vld.idx.msk [tilespmem:v0+s21+$0x0], $0xffff  }
0x22c: {  	[tilespmem:s23+$0xFFFFFFE0] =	vst v11;
	v3 =	vld.idx.msk [tilespmem:v1+s21+$0x0], $0xffff  }
0x22d: {  	[tilespmem:s23+$0x0] =	vst v12;
	v4 =	vld.idx.msk [tilespmem:v16+s21+$0x0], $0xffff  }
0x22e: {  	[tilespmem:s23+$0x20] =	vst v13;
	v5 =	vld.idx.msk [tilespmem:v17+s21+$0x0], $0xffff  }
0x22f: {  	[tilespmem:s23+$0x40] =	vst v14;
	v6 =	vld.idx.msk [tilespmem:v6+s21+$0x0], $0xffff  }
0x230: {  	s1 =	simm.s32 $0xC0;
	s24 =	simm.s32 $0x0;
	v0 =	vshrl.u32 v8, $0x10;
	v1 =	vshrl.u32 v10, $0x10;
	v7 =	vld.idx.msk [tilespmem:v7+s21+$0x0], $0xffff;
	[tilespmem:s23+$0x70] =	vst v18  }
.LBB2_18:
0x231: {  	v8 =	vld [tilespmem:s1+$0x30];
	s24 =	sadd.s32 $0x8, s24;
	[tilespmem:s23+$0xFFFFFF80] =	vst v2  }
0x232: {  	v2 =	vld [tilespmem:s1+$0xFFFFFFD0];
	p0 =	slt.u32 s24, $0x170;
	[tilespmem:s23+$0xFFFFFFB0] =	vst v3  }
0x233: {  	v3 =	vld [tilespmem:s1+$0xFFFFFFE0];
	[tilespmem:s23+$0xFFFFFFD0] =	vst v4  }
0x234: {  	v4 =	vld [tilespmem:s1+$0xFFFFFFF0];
	[tilespmem:s23+$0xFFFFFFF0] =	vst v5  }
0x235: {  	v5 =	vld [tilespmem:s1+$0x0];
	[tilespmem:s23+$0x10] =	vst v6  }
0x236: {  	v6 =	vld [tilespmem:s1+$0x10];
	v9 =	vand.u32 $0xFFFF, v8;
	[tilespmem:s23+$0x30] =	vst v7  }
0x237: {  	v7 =	vshrl.u32 v2, $0x10;
	v2 =	vand.u32 $0xFFFF, v2;
	v10 =	vld [tilespmem:s1+$0x20]  }
0x238: {  	v11 =	vld [tilespmem:s1+$0xFFFFFFC0];
	v12 =	vshrl.u32 v3, $0x10;
	v3 =	vand.u32 $0xFFFF, v3  }
0x239: {  	v13 =	vshrl.u32 v4, $0x10;
	v4 =	vand.u32 $0xFFFF, v4;
	v14 =	vld.idx.msk [tilespmem:v1+s21+$0x0], $0xffff  }
0x23a: {  	v15 =	vshrl.u32 v5, $0x10;
	v5 =	vand.u32 $0xFFFF, v5;
	v16 =	vld.idx.msk [tilespmem:v0+s21+$0x0], $0xffff  }
0x23b: {  	v17 =	vshrl.u32 v6, $0x10;
	v6 =	vand.u32 $0xFFFF, v6;
	v9 =	vld.idx.msk [tilespmem:v9+s21+$0x0], $0xffff  }
0x23c: {  	v2 =	vld.idx.msk [tilespmem:v2+s21+$0x0], $0xffff;
	v0 =	vshrl.u32 v10, $0x10;
	v10 =	vand.u32 $0xFFFF, v10  }
0x23d: {  	v8 =	vshrl.u32 v8, $0x10;
	v1 =	vshrl.u32 v11, $0x10;
	v11 =	vand.u32 $0xFFFF, v11;
	v3 =	vld.idx.msk [tilespmem:v3+s21+$0x0], $0xffff  }
0x23e: {  	v4 =	vld.idx.msk [tilespmem:v4+s21+$0x0], $0xffff  }
0x23f: {  	v5 =	vld.idx.msk [tilespmem:v5+s21+$0x0], $0xffff;
	[tilespmem:s23+$0xFFFFFF90] =	vst v14  }
0x240: {  	v6 =	vld.idx.msk [tilespmem:v6+s21+$0x0], $0xffff;
	[tilespmem:s23+$0x50] =	vst v16;
	s23 =	sadd.s32 $0x100, s23  }
0x241: {  	v10 =	vld.idx.msk [tilespmem:v10+s21+$0x0], $0xffff;
	[tilespmem:s23+$0x60] =	vst v9  }
0x242: {  	[tilespmem:s23+$0xFFFFFFA0] =	vst v2;
	v8 =	vld.idx.msk [tilespmem:v8+s21+$0x0], $0xffff  }
0x243: {  	v2 =	vld.idx.msk [tilespmem:v11+s21+$0x0], $0xffff;
	[tilespmem:s23+$0xFFFFFFC0] =	vst v3  }
.Ltmp8:
0x244: {  	v3 =	vld.idx.msk [tilespmem:v7+s21+$0x0], $0xffff;
	[tilespmem:s23+$0xFFFFFFE0] =	vst v4;
	(pc) =	sbr.rel @p0 .LBB2_18-.Ltmp8, $4  }
0x245: {  	v4 =	vld.idx.msk [tilespmem:v12+s21+$0x0], $0xffff;
	[tilespmem:s23+$0x0] =	vst v5  }
0x246: {  	v5 =	vld.idx.msk [tilespmem:v13+s21+$0x0], $0xffff;
	[tilespmem:s23+$0x20] =	vst v6  }
0x247: {  	v6 =	vld.idx.msk [tilespmem:v15+s21+$0x0], $0xffff;
	[tilespmem:s23+$0x40] =	vst v10  }
0x248: {  	s31 =	simm.s32 $0x0;
	s0 =	simm.s32 $0x13D10;
	s1 =	sadd.s32 $0x80, s1;
	v7 =	vld.idx.msk [tilespmem:v17+s21+$0x0], $0xffff;
	[tilespmem:s23+$0x70] =	vst v8  }
0x249: {  	_ =	sdelay $0x2  }
0x24a: {  	[tilespmem:s23+$0xFFFFFF80] =	vst v2  }
0x24b: {  	[tilespmem:s23+$0xFFFFFFB0] =	vst v3;
	v0 =	vld.idx.msk [tilespmem:v0+s21+$0x0], $0xffff  }
0x24c: {  	v1 =	vld.idx.msk [tilespmem:v1+s21+$0x0], $0xffff;
	[tilespmem:s23+$0xFFFFFFD0] =	vst v4  }
0x24d: {  	[tilespmem:s23+$0xFFFFFFF0] =	vst v5  }
0x24e: {  	[tilespmem:s23+$0x10] =	vst v6  }
0x24f: {  	[tilespmem:s23+$0x30] =	vst v7  }
0x250: {  	[tilespmem:s23+$0x50] =	vst v0  }
0x251: {  	[tilespmem:s23+$0xFFFFFF90] =	vst v1  }
0x252: {  	s11 =	sld [smem:$0x7F3]  }
0x253: {  	s12 =	sld [smem:$0x7F4]  }
.LBB2_20:
0x254: {  	s1 =	sshra.s32 s31, $0x2  }
0x255: {  	v0 =	vld [tilespmem:s1+$0x1780];
	_ =	sdelay $0x4  }
0x256: {  	v1 =	vand.u32 $0xFFFF, v0;
	_ =	sdelay $0x4  }
0x257: {  	v1 =	vld.idx.msk [tilespmem:v1+s21+$0x0], $0xffff  }
0x258: {  	v0 =	vshrl.u32 v0, $0x10;
	_ =	sdelay $0x3  }
0x259: {  	[tilespmem:s0+$0xFFFFFFF0] =	vst v1  }
0x25a: {  	p0 =	sne.s32 s31, $0x80;
	v0 =	vld.idx.msk [tilespmem:v0+s21+$0x0], $0xffff  }
.Ltmp9:
0x25b: {  	_ = 	snop;
	(pc) =	sbr.rel @p0 .LBB2_20-.Ltmp9, $2  }
0x25c: {  	_ =	sdelay $0x2  }
0x25d: {  	s31 =	sadd.s32 $0x40, s31;
	[tilespmem:s0+$0x0] =	vst v0;
	s0 =	sadd.s32 $0x20, s0  }
0x25e: {  	s0 =	sld [smem:$0x7C3];
	_ =	sdelay $0x1  }
0x25f: {  	s26 =	simm.s32 $0x2  }
0x260: {  	[tilespmem:s21], [sflag:$0x1] =	stream.linear.gather [hbm4b:s0+s3], $0x6DE0, $0x38;
	[tilespmem:$0x1CD00] =	vst v63  }
0x261: {  	_ =	swait.ge [sflag:s26], $0x6FE0  }
0x262: {  	[sflag:s26] =	ssyncset.done $0x0  }
0x263: {  	s31 =	simm.s32 $0x1820;
	[sflag:s26] =	ssyncadd.s32 $0xFFFF9020  }
0x264: {  	v0 =	vld [tilespmem:s31+$0x0]  }
0x265: {  	v1 =	vld [tilespmem:s31+$0xFFFFFFA0]  }
0x266: {  	v2 =	vld [tilespmem:s31+$0xFFFFFFB0]  }
0x267: {  	v3 =	vld [tilespmem:s31+$0xFFFFFFC0]  }
0x268: {  	v4 =	vld [tilespmem:s31+$0xFFFFFFD0]  }
0x269: {  	v5 =	vld [tilespmem:s31+$0xFFFFFFE0];
	v6 =	vand.u32 $0xFFFF, v0  }
0x26a: {  	v8 =	vld [tilespmem:s31+$0xFFFFFFF0];
	v7 =	vand.u32 $0xFFFF, v1  }
0x26b: {  	v10 =	vld [tilespmem:s31+$0xFFFFFF90];
	v9 =	vand.u32 $0xFFFF, v2  }
0x26c: {  	v11 =	vand.u32 $0xFFFF, v3  }
0x26d: {  	v12 =	vand.u32 $0xFFFF, v4  }
0x26e: {  	v13 =	vand.u32 $0xFFFF, v5;
	v6 =	vld.idx.msk [tilespmem:v6+s22+$0x0], $0xffff  }
0x26f: {  	v14 =	vand.u32 $0xFFFF, v8;
	v7 =	vld.idx.msk [tilespmem:v7+s22+$0x0], $0xffff  }
0x270: {  	v15 =	vand.u32 $0xFFFF, v10;
	v9 =	vld.idx.msk [tilespmem:v9+s22+$0x0], $0xffff  }
0x271: {  	v0 =	vshrl.u32 v0, $0x10;
	v11 =	vld.idx.msk [tilespmem:v11+s22+$0x0], $0xffff  }
0x272: {  	v1 =	vshrl.u32 v1, $0x10;
	v12 =	vld.idx.msk [tilespmem:v12+s22+$0x0], $0xffff  }
0x273: {  	s23 =	simm.s32 $0x13E50;
	v16 =	vshrl.u32 v2, $0x10;
	v13 =	vld.idx.msk [tilespmem:v13+s22+$0x0], $0xffff  }
0x274: {  	v17 =	vshrl.u32 v3, $0x10;
	v14 =	vld.idx.msk [tilespmem:v14+s22+$0x0], $0xffff;
	[tilespmem:s23+$0xFFFFFFF0] =	vst v6  }
0x275: {  	v2 =	vld.idx.msk [tilespmem:v15+s22+$0x0], $0xffff;
	v6 =	vshrl.u32 v4, $0x10;
	[tilespmem:s23+$0xFFFFFF30] =	vst v7  }
0x276: {  	v7 =	vshrl.u32 v5, $0x10;
	[tilespmem:s23+$0xFFFFFF50] =	vst v9;
	v18 =	vld.idx.msk [tilespmem:v0+s22+$0x0], $0xffff  }
0x277: {  	[tilespmem:s23+$0xFFFFFF70] =	vst v11;
	v3 =	vld.idx.msk [tilespmem:v1+s22+$0x0], $0xffff  }
0x278: {  	[tilespmem:s23+$0xFFFFFF90] =	vst v12;
	v4 =	vld.idx.msk [tilespmem:v16+s22+$0x0], $0xffff  }
0x279: {  	[tilespmem:s23+$0xFFFFFFB0] =	vst v13;
	v5 =	vld.idx.msk [tilespmem:v17+s22+$0x0], $0xffff  }
0x27a: {  	[tilespmem:s23+$0xFFFFFFD0] =	vst v14;
	v6 =	vld.idx.msk [tilespmem:v6+s22+$0x0], $0xffff  }
0x27b: {  	s24 =	simm.s32 $0x17B;
	s1 =	simm.s32 $0x18A0;
	v0 =	vshrl.u32 v8, $0x10;
	v1 =	vshrl.u32 v10, $0x10;
	v7 =	vld.idx.msk [tilespmem:v7+s22+$0x0], $0xffff;
	[tilespmem:s23+$0x0] =	vst v18  }
.LBB2_22:
0x27c: {  	v8 =	vld [tilespmem:s1+$0x0];
	s24 =	sadd.s32 $0x8, s24;
	[tilespmem:s23+$0xFFFFFF10] =	vst v2  }
0x27d: {  	v2 =	vld [tilespmem:s1+$0xFFFFFFA0];
	p0 =	slt.u32 s24, $0x2F3;
	[tilespmem:s23+$0xFFFFFF40] =	vst v3  }
0x27e: {  	v3 =	vld [tilespmem:s1+$0xFFFFFFB0];
	[tilespmem:s23+$0xFFFFFF60] =	vst v4  }
0x27f: {  	v4 =	vld [tilespmem:s1+$0xFFFFFFC0];
	[tilespmem:s23+$0xFFFFFF80] =	vst v5  }
0x280: {  	v5 =	vld [tilespmem:s1+$0xFFFFFFD0];
	[tilespmem:s23+$0xFFFFFFA0] =	vst v6  }
0x281: {  	v6 =	vld [tilespmem:s1+$0xFFFFFFE0];
	v9 =	vand.u32 $0xFFFF, v8;
	[tilespmem:s23+$0xFFFFFFC0] =	vst v7  }
0x282: {  	v7 =	vshrl.u32 v2, $0x10;
	v2 =	vand.u32 $0xFFFF, v2;
	v10 =	vld [tilespmem:s1+$0xFFFFFFF0]  }
0x283: {  	v11 =	vld [tilespmem:s1+$0xFFFFFF90];
	v12 =	vshrl.u32 v3, $0x10;
	v3 =	vand.u32 $0xFFFF, v3  }
0x284: {  	v13 =	vshrl.u32 v4, $0x10;
	v4 =	vand.u32 $0xFFFF, v4;
	v14 =	vld.idx.msk [tilespmem:v1+s22+$0x0], $0xffff  }
0x285: {  	v15 =	vshrl.u32 v5, $0x10;
	v5 =	vand.u32 $0xFFFF, v5;
	v16 =	vld.idx.msk [tilespmem:v0+s22+$0x0], $0xffff  }
0x286: {  	v17 =	vshrl.u32 v6, $0x10;
	v6 =	vand.u32 $0xFFFF, v6;
	v9 =	vld.idx.msk [tilespmem:v9+s22+$0x0], $0xffff  }
0x287: {  	v2 =	vld.idx.msk [tilespmem:v2+s22+$0x0], $0xffff;
	v0 =	vshrl.u32 v10, $0x10;
	v10 =	vand.u32 $0xFFFF, v10  }
0x288: {  	v8 =	vshrl.u32 v8, $0x10;
	v1 =	vshrl.u32 v11, $0x10;
	v11 =	vand.u32 $0xFFFF, v11;
	v3 =	vld.idx.msk [tilespmem:v3+s22+$0x0], $0xffff  }
0x289: {  	v4 =	vld.idx.msk [tilespmem:v4+s22+$0x0], $0xffff  }
0x28a: {  	v5 =	vld.idx.msk [tilespmem:v5+s22+$0x0], $0xffff;
	[tilespmem:s23+$0xFFFFFF20] =	vst v14  }
0x28b: {  	v6 =	vld.idx.msk [tilespmem:v6+s22+$0x0], $0xffff;
	[tilespmem:s23+$0xFFFFFFE0] =	vst v16;
	s23 =	sadd.s32 $0x100, s23  }
0x28c: {  	v10 =	vld.idx.msk [tilespmem:v10+s22+$0x0], $0xffff;
	[tilespmem:s23+$0xFFFFFFF0] =	vst v9  }
0x28d: {  	[tilespmem:s23+$0xFFFFFF30] =	vst v2;
	v8 =	vld.idx.msk [tilespmem:v8+s22+$0x0], $0xffff  }
0x28e: {  	v2 =	vld.idx.msk [tilespmem:v11+s22+$0x0], $0xffff;
	[tilespmem:s23+$0xFFFFFF50] =	vst v3  }
.Ltmp10:
0x28f: {  	v3 =	vld.idx.msk [tilespmem:v7+s22+$0x0], $0xffff;
	[tilespmem:s23+$0xFFFFFF70] =	vst v4;
	(pc) =	sbr.rel @p0 .LBB2_22-.Ltmp10, $4  }
0x290: {  	v4 =	vld.idx.msk [tilespmem:v12+s22+$0x0], $0xffff;
	[tilespmem:s23+$0xFFFFFF90] =	vst v5  }
0x291: {  	v5 =	vld.idx.msk [tilespmem:v13+s22+$0x0], $0xffff;
	[tilespmem:s23+$0xFFFFFFB0] =	vst v6  }
0x292: {  	v6 =	vld.idx.msk [tilespmem:v15+s22+$0x0], $0xffff;
	[tilespmem:s23+$0xFFFFFFD0] =	vst v10  }
0x293: {  	s1 =	sadd.s32 $0x80, s1;
	v7 =	vld.idx.msk [tilespmem:v17+s22+$0x0], $0xffff;
	[tilespmem:s23+$0x0] =	vst v8  }
0x294: {  	_ =	sdelay $0x2  }
0x295: {  	[tilespmem:s23+$0xFFFFFF10] =	vst v2  }
0x296: {  	[tilespmem:s23+$0xFFFFFF40] =	vst v3;
	v0 =	vld.idx.msk [tilespmem:v0+s22+$0x0], $0xffff  }
0x297: {  	v1 =	vld.idx.msk [tilespmem:v1+s22+$0x0], $0xffff;
	[tilespmem:s23+$0xFFFFFF60] =	vst v4  }
0x298: {  	[tilespmem:s23+$0xFFFFFF80] =	vst v5  }
0x299: {  	[tilespmem:s23+$0xFFFFFFA0] =	vst v6  }
0x29a: {  	[tilespmem:s23+$0xFFFFFFC0] =	vst v7  }
0x29b: {  	[tilespmem:s23+$0xFFFFFFE0] =	vst v0  }
0x29c: {  	[tilespmem:s23+$0xFFFFFF20] =	vst v1  }
0x29d: {  	v0 =	vld [tilespmem:$0x2FB0];
	_ =	sdelay $0x4  }
0x29e: {  	v63 =	vand.u32 $0xFFFF, v0;
	_ =	sdelay $0x4  }
0x29f: {  	v1 =	vld.idx.msk [tilespmem:v63+s22+$0x0], $0xffff  }
0x2a0: {  	v0 =	vshrl.u32 v0, $0x10;
	_ =	sdelay $0x3  }
0x2a1: {  	[tilespmem:$0x16D60] =	vst v1  }
0x2a2: {  	v0 =	vld.idx.msk [tilespmem:v0+s22+$0x0], $0xffff;
	_ =	sdelay $0x3  }
0x2a3: {  	s4 =	rddreg [dreg:$0x1]  }
0x2a4: {  	s0 =	rddreg [dreg:$0xe];
	[tilespmem:$0x16D70] =	vst v0  }
0x2a5: {  	[tilespmem:s22], [sflag:$0x2] =	stream.linear.gather [hbm4b:s0+s3], $0x6FE0, $0x38;
	[tilespmem:$0x1CD00] =	vst v63  }
0x2a6: {  	s6 =	simm.s32 $0x10E00;
	s1 =	sadd.s32 s4, s11  }
0x2a7: {  	[hbm4b:s1+s3] =	stream.linear.scatter [tilespmem:s6], [sflag:$0x3], $0x80, $0x38;
	[tilespmem:$0x1CD00] =	vst v63  }
0x2a8: {  	s8 =	simm.s32 $0x10E80;
	s7 =	sadd.s32 s4, s12;
	s6 =	sld [smem:$0x7CD]  }
0x2a9: {  	[hbm4b:s7+s3] =	stream.linear.scatter [tilespmem:s8], [sflag:$0x3], $0x80, $0x38;
	[tilespmem:$0x1CD00] =	vst v63  }
0x2aa: {  	s10 =	simm.s32 $0x10F00;
	s7 =	sld [smem:$0x7CE]  }
0x2ab: {  	s14 =	simm.s32 $0x10F80;
	s8 =	sld [smem:$0x7CF];
	s9 =	sadd.s32 s4, s6  }
0x2ac: {  	[hbm4b:s9+s3] =	stream.linear.scatter [tilespmem:s10], [sflag:$0x3], $0x80, $0x38;
	[tilespmem:$0x1CD00] =	vst v63  }
0x2ad: {  	s16 =	simm.s32 $0x11000;
	s24 =	simm.s32 $0x11080;
	s9 =	sld [smem:$0x7D0]  }
0x2ae: {  	s26 =	simm.s32 $0x11100;
	s10 =	sld [smem:$0x7D1];
	s13 =	sadd.s32 s4, s7  }
0x2af: {  	[hbm4b:s13+s3] =	stream.linear.scatter [tilespmem:s14], [sflag:$0x3], $0x80, $0x38;
	[tilespmem:$0x1CD00] =	vst v63  }
0x2b0: {  	s31 =	simm.s32 $0x11180;
	s15 =	sadd.s32 s4, s8;
	s14 =	sld [smem:$0x7D2]  }
0x2b1: {  	[hbm4b:s15+s3] =	stream.linear.scatter [tilespmem:s16], [sflag:$0x3], $0x80, $0x38;
	[tilespmem:$0x1CD00] =	vst v63  }
0x2b2: {  	s1 =	simm.s32 $0x0;
	s23 =	sadd.s32 s4, s9;
	s25 =	sadd.s32 s4, s10  }
0x2b3: {  	[hbm4b:s23+s3] =	stream.linear.scatter [tilespmem:s24], [sflag:$0x3], $0x80, $0x38;
	[tilespmem:$0x1CD00] =	vst v63  }
0x2b4: {  	s0 =	sadd.s32 s4, s14;
	s23 =	simm.s32 $0x11200;
	s24 =	sadd.s32 $0x400, s4  }
0x2b5: {  	[hbm4b:s25+s3] =	stream.linear.scatter [tilespmem:s26], [sflag:$0x3], $0x80, $0x38;
	[tilespmem:$0x1CD00] =	vst v63  }
.LBB2_24:
0x2b6: {  	[hbm4b:s0+s3] =	stream.linear.scatter [tilespmem:s31], [sflag:$0x3], $0x80, $0x38;
	[tilespmem:$0x1CD00] =	vst v63  }
0x2b7: {  	s0 =	sadd.s32 s24, s11;
	s1 =	sadd.s32 $0x8, s1;
	s4 =	smov.u32 s23  }
0x2b8: {  	[hbm4b:s0+s3] =	stream.linear.scatter [tilespmem:s23], [sflag:$0x3], $0x80, $0x38;
	[tilespmem:$0x1CD00] =	vst v63  }
0x2b9: {  	s31 =	sadd.s32 $0x80, s23;
	p0 =	slt.u32 s1, $0xB0;
	s0 =	sadd.s32 s24, s12  }
0x2ba: {  	[hbm4b:s0+s3] =	stream.linear.scatter [tilespmem:s31], [sflag:$0x3], $0x80, $0x38;
	[tilespmem:$0x1CD00] =	vst v63  }
0x2bb: {  	s0 =	sadd.s32 s24, s6;
	s31 =	sadd.s32 $0x100, s23  }
0x2bc: {  	[hbm4b:s0+s3] =	stream.linear.scatter [tilespmem:s31], [sflag:$0x3], $0x80, $0x38;
	[tilespmem:$0x1CD00] =	vst v63  }
0x2bd: {  	s0 =	sadd.s32 s24, s7;
	s31 =	sadd.s32 $0x180, s23  }
0x2be: {  	[hbm4b:s0+s3] =	stream.linear.scatter [tilespmem:s31], [sflag:$0x3], $0x80, $0x38;
	[tilespmem:$0x1CD00] =	vst v63  }
0x2bf: {  	s0 =	sadd.s32 s24, s8;
	s31 =	sadd.s32 $0x200, s23  }
0x2c0: {  	[hbm4b:s0+s3] =	stream.linear.scatter [tilespmem:s31], [sflag:$0x3], $0x80, $0x38;
	[tilespmem:$0x1CD00] =	vst v63  }
.Ltmp11:
0x2c1: {  	s0 =	sadd.s32 s24, s9;
	s31 =	sadd.s32 $0x280, s23;
	(pc) =	sbr.rel @p0 .LBB2_24-.Ltmp11, $4  }
0x2c2: {  	[hbm4b:s0+s3] =	stream.linear.scatter [tilespmem:s31], [sflag:$0x3], $0x80, $0x38;
	[tilespmem:$0x1CD00] =	vst v63  }
0x2c3: {  	s23 =	sadd.s32 $0x400, s23;
	s0 =	sadd.s32 s24, s10;
	s31 =	sadd.s32 $0x300, s4  }
0x2c4: {  	[hbm4b:s0+s3] =	stream.linear.scatter [tilespmem:s31], [sflag:$0x3], $0x80, $0x38;
	[tilespmem:$0x1CD00] =	vst v63  }
0x2c5: {  	s0 =	sadd.s32 s24, s14;
	s31 =	sadd.s32 $0x380, s4;
	s24 =	sadd.s32 $0x400, s24  }
0x2c6: {  	[hbm4b:s0+s3] =	stream.linear.scatter [tilespmem:s31], [sflag:$0x3], $0x80, $0x38;
	[tilespmem:$0x1CD00] =	vst v63  }
0x2c7: {  	s6 =	rddreg [dreg:$0x1a]  }
0x2c8: {  	s1 =	simm.s32 $0x16A00;
	s7 =	rddreg [dreg:$0x1b]  }
0x2c9: {  	[hbm4b:s6+s3] =	stream.linear.scatter [tilespmem:s1], [sflag:$0x3], $0x80, $0x38;
	[tilespmem:$0x1CD00] =	vst v63  }
0x2ca: {  	s8 =	simm.s32 $0x16A80;
	s9 =	rddreg [dreg:$0x1c]  }
0x2cb: {  	[hbm4b:s7+s3] =	stream.linear.scatter [tilespmem:s8], [sflag:$0x3], $0x80, $0x38;
	[tilespmem:$0x1CD00] =	vst v63  }
0x2cc: {  	s10 =	simm.s32 $0x16B00;
	s11 =	rddreg [dreg:$0x1d]  }
0x2cd: {  	[hbm4b:s9+s3] =	stream.linear.scatter [tilespmem:s10], [sflag:$0x3], $0x80, $0x38;
	[tilespmem:$0x1CD00] =	vst v63  }
0x2ce: {  	s12 =	simm.s32 $0x16B80;
	s13 =	rddreg [dreg:$0x1e]  }
0x2cf: {  	[hbm4b:s11+s3] =	stream.linear.scatter [tilespmem:s12], [sflag:$0x3], $0x80, $0x38;
	[tilespmem:$0x1CD00] =	vst v63  }
0x2d0: {  	s14 =	simm.s32 $0x16C00;
	s15 =	rddreg [dreg:$0x1f]  }
0x2d1: {  	[hbm4b:s13+s3] =	stream.linear.scatter [tilespmem:s14], [sflag:$0x3], $0x80, $0x38;
	[tilespmem:$0x1CD00] =	vst v63  }
0x2d2: {  	s16 =	simm.s32 $0x16C80;
	s23 =	sld [smem:$0x7BA]  }
0x2d3: {  	[hbm4b:s15+s3] =	stream.linear.scatter [tilespmem:s16], [sflag:$0x3], $0x80, $0x38;
	[tilespmem:$0x1CD00] =	vst v63  }
0x2d4: {  	s24 =	simm.s32 $0x16D00;
	s25 =	simm.s32 $0x1  }
0x2d5: {  	[hbm4b:s23+s3] =	stream.linear.scatter [tilespmem:s24], [sflag:$0x3], $0x80, $0x38;
	[tilespmem:$0x1CD00] =	vst v63  }
0x2d6: {  	_ =	swait.ge [sflag:s25], $0x6DE0  }
0x2d7: {  	[sflag:s25] =	ssyncset.done $0x0  }
0x2d8: {  	s26 =	simm.s32 $0x3;
	[sflag:s25] =	ssyncadd.s32 $0xFFFF9220  }
0x2d9: {  	_ =	swait.ge [sflag:s26], $0x5F80  }
0x2da: {  	[sflag:s26] =	ssyncset.done $0x0  }
0x2db: {  	s31 =	simm.s32 $0x40;
	[sflag:s26] =	ssyncadd.s32 $0xFFFFA080  }
0x2dc: {  	v0 =	vld [tilespmem:s31+$0x30]  }
0x2dd: {  	v1 =	vld [tilespmem:s31+$0xFFFFFFD0]  }
0x2de: {  	v2 =	vld [tilespmem:s31+$0xFFFFFFE0]  }
0x2df: {  	v3 =	vld [tilespmem:s31+$0xFFFFFFF0]  }
0x2e0: {  	v4 =	vld [tilespmem:s31+$0x0]  }
0x2e1: {  	v5 =	vld [tilespmem:s31+$0x10];
	v6 =	vand.u32 $0xFFFF, v0  }
0x2e2: {  	v8 =	vld [tilespmem:s31+$0x20];
	v7 =	vand.u32 $0xFFFF, v1  }
0x2e3: {  	v10 =	vld [tilespmem:s31+$0xFFFFFFC0];
	v9 =	vand.u32 $0xFFFF, v2  }
0x2e4: {  	v11 =	vand.u32 $0xFFFF, v3  }
0x2e5: {  	v12 =	vand.u32 $0xFFFF, v4  }
0x2e6: {  	v13 =	vand.u32 $0xFFFF, v5;
	v6 =	vld.idx.msk [tilespmem:v6+s21+$0x0], $0xffff  }
0x2e7: {  	v14 =	vand.u32 $0xFFFF, v8;
	v7 =	vld.idx.msk [tilespmem:v7+s21+$0x0], $0xffff  }
0x2e8: {  	v15 =	vand.u32 $0xFFFF, v10;
	v9 =	vld.idx.msk [tilespmem:v9+s21+$0x0], $0xffff  }
0x2e9: {  	v0 =	vshrl.u32 v0, $0x10;
	v11 =	vld.idx.msk [tilespmem:v11+s21+$0x0], $0xffff  }
0x2ea: {  	v1 =	vshrl.u32 v1, $0x10;
	v12 =	vld.idx.msk [tilespmem:v12+s21+$0x0], $0xffff  }
0x2eb: {  	s23 =	simm.s32 $0x16E00;
	v16 =	vshrl.u32 v2, $0x10;
	v13 =	vld.idx.msk [tilespmem:v13+s21+$0x0], $0xffff  }
0x2ec: {  	v17 =	vshrl.u32 v3, $0x10;
	v14 =	vld.idx.msk [tilespmem:v14+s21+$0x0], $0xffff;
	[tilespmem:s23+$0x60] =	vst v6  }
0x2ed: {  	v2 =	vld.idx.msk [tilespmem:v15+s21+$0x0], $0xffff;
	v6 =	vshrl.u32 v4, $0x10;
	[tilespmem:s23+$0xFFFFFFA0] =	vst v7  }
0x2ee: {  	v7 =	vshrl.u32 v5, $0x10;
	[tilespmem:s23+$0xFFFFFFC0] =	vst v9;
	v18 =	vld.idx.msk [tilespmem:v0+s21+$0x0], $0xffff  }
0x2ef: {  	[tilespmem:s23+$0xFFFFFFE0] =	vst v11;
	v3 =	vld.idx.msk [tilespmem:v1+s21+$0x0], $0xffff  }
0x2f0: {  	[tilespmem:s23+$0x0] =	vst v12;
	v4 =	vld.idx.msk [tilespmem:v16+s21+$0x0], $0xffff  }
0x2f1: {  	[tilespmem:s23+$0x20] =	vst v13;
	v5 =	vld.idx.msk [tilespmem:v17+s21+$0x0], $0xffff  }
0x2f2: {  	[tilespmem:s23+$0x40] =	vst v14;
	v6 =	vld.idx.msk [tilespmem:v6+s21+$0x0], $0xffff  }
0x2f3: {  	s1 =	simm.s32 $0xC0;
	s24 =	simm.s32 $0x0;
	v0 =	vshrl.u32 v8, $0x10;
	v1 =	vshrl.u32 v10, $0x10;
	v7 =	vld.idx.msk [tilespmem:v7+s21+$0x0], $0xffff;
	[tilespmem:s23+$0x70] =	vst v18  }
.LBB2_26:
0x2f4: {  	v8 =	vld [tilespmem:s1+$0x30];
	s24 =	sadd.s32 $0x8, s24;
	[tilespmem:s23+$0xFFFFFF80] =	vst v2  }
0x2f5: {  	v2 =	vld [tilespmem:s1+$0xFFFFFFD0];
	p0 =	slt.u32 s24, $0x170;
	[tilespmem:s23+$0xFFFFFFB0] =	vst v3  }
0x2f6: {  	v3 =	vld [tilespmem:s1+$0xFFFFFFE0];
	[tilespmem:s23+$0xFFFFFFD0] =	vst v4  }
0x2f7: {  	v4 =	vld [tilespmem:s1+$0xFFFFFFF0];
	[tilespmem:s23+$0xFFFFFFF0] =	vst v5  }
0x2f8: {  	v5 =	vld [tilespmem:s1+$0x0];
	[tilespmem:s23+$0x10] =	vst v6  }
0x2f9: {  	v6 =	vld [tilespmem:s1+$0x10];
	v9 =	vand.u32 $0xFFFF, v8;
	[tilespmem:s23+$0x30] =	vst v7  }
0x2fa: {  	v7 =	vshrl.u32 v2, $0x10;
	v2 =	vand.u32 $0xFFFF, v2;
	v10 =	vld [tilespmem:s1+$0x20]  }
0x2fb: {  	v11 =	vld [tilespmem:s1+$0xFFFFFFC0];
	v12 =	vshrl.u32 v3, $0x10;
	v3 =	vand.u32 $0xFFFF, v3  }
0x2fc: {  	v13 =	vshrl.u32 v4, $0x10;
	v4 =	vand.u32 $0xFFFF, v4;
	v14 =	vld.idx.msk [tilespmem:v1+s21+$0x0], $0xffff  }
0x2fd: {  	v15 =	vshrl.u32 v5, $0x10;
	v5 =	vand.u32 $0xFFFF, v5;
	v16 =	vld.idx.msk [tilespmem:v0+s21+$0x0], $0xffff  }
0x2fe: {  	v17 =	vshrl.u32 v6, $0x10;
	v6 =	vand.u32 $0xFFFF, v6;
	v9 =	vld.idx.msk [tilespmem:v9+s21+$0x0], $0xffff  }
0x2ff: {  	v2 =	vld.idx.msk [tilespmem:v2+s21+$0x0], $0xffff;
	v0 =	vshrl.u32 v10, $0x10;
	v10 =	vand.u32 $0xFFFF, v10  }
0x300: {  	v8 =	vshrl.u32 v8, $0x10;
	v1 =	vshrl.u32 v11, $0x10;
	v11 =	vand.u32 $0xFFFF, v11;
	v3 =	vld.idx.msk [tilespmem:v3+s21+$0x0], $0xffff  }
0x301: {  	v4 =	vld.idx.msk [tilespmem:v4+s21+$0x0], $0xffff  }
0x302: {  	v5 =	vld.idx.msk [tilespmem:v5+s21+$0x0], $0xffff;
	[tilespmem:s23+$0xFFFFFF90] =	vst v14  }
0x303: {  	v6 =	vld.idx.msk [tilespmem:v6+s21+$0x0], $0xffff;
	[tilespmem:s23+$0x50] =	vst v16;
	s23 =	sadd.s32 $0x100, s23  }
0x304: {  	v10 =	vld.idx.msk [tilespmem:v10+s21+$0x0], $0xffff;
	[tilespmem:s23+$0x60] =	vst v9  }
0x305: {  	[tilespmem:s23+$0xFFFFFFA0] =	vst v2;
	v8 =	vld.idx.msk [tilespmem:v8+s21+$0x0], $0xffff  }
0x306: {  	v2 =	vld.idx.msk [tilespmem:v11+s21+$0x0], $0xffff;
	[tilespmem:s23+$0xFFFFFFC0] =	vst v3  }
.Ltmp12:
0x307: {  	v3 =	vld.idx.msk [tilespmem:v7+s21+$0x0], $0xffff;
	[tilespmem:s23+$0xFFFFFFE0] =	vst v4;
	(pc) =	sbr.rel @p0 .LBB2_26-.Ltmp12, $4  }
0x308: {  	v4 =	vld.idx.msk [tilespmem:v12+s21+$0x0], $0xffff;
	[tilespmem:s23+$0x0] =	vst v5  }
0x309: {  	v5 =	vld.idx.msk [tilespmem:v13+s21+$0x0], $0xffff;
	[tilespmem:s23+$0x20] =	vst v6  }
0x30a: {  	v6 =	vld.idx.msk [tilespmem:v15+s21+$0x0], $0xffff;
	[tilespmem:s23+$0x40] =	vst v10  }
0x30b: {  	s31 =	simm.s32 $0x0;
	s0 =	simm.s32 $0x19C90;
	s1 =	sadd.s32 $0x80, s1;
	v7 =	vld.idx.msk [tilespmem:v17+s21+$0x0], $0xffff;
	[tilespmem:s23+$0x70] =	vst v8  }
0x30c: {  	_ =	sdelay $0x2  }
0x30d: {  	[tilespmem:s23+$0xFFFFFF80] =	vst v2  }
0x30e: {  	[tilespmem:s23+$0xFFFFFFB0] =	vst v3;
	v0 =	vld.idx.msk [tilespmem:v0+s21+$0x0], $0xffff  }
0x30f: {  	v1 =	vld.idx.msk [tilespmem:v1+s21+$0x0], $0xffff;
	[tilespmem:s23+$0xFFFFFFD0] =	vst v4  }
0x310: {  	[tilespmem:s23+$0xFFFFFFF0] =	vst v5  }
0x311: {  	[tilespmem:s23+$0x10] =	vst v6  }
0x312: {  	[tilespmem:s23+$0x30] =	vst v7  }
0x313: {  	[tilespmem:s23+$0x50] =	vst v0  }
0x314: {  	[tilespmem:s23+$0xFFFFFF90] =	vst v1  }
0x315: {  	s14 =	sld [smem:$0x7F5]  }
.LBB2_28:
0x316: {  	s1 =	sshra.s32 s31, $0x2  }
0x317: {  	v0 =	vld [tilespmem:s1+$0x1780];
	_ =	sdelay $0x4  }
0x318: {  	v1 =	vand.u32 $0xFFFF, v0;
	_ =	sdelay $0x4  }
0x319: {  	v1 =	vld.idx.msk [tilespmem:v1+s21+$0x0], $0xffff  }
0x31a: {  	v0 =	vshrl.u32 v0, $0x10;
	_ =	sdelay $0x3  }
0x31b: {  	[tilespmem:s0+$0xFFFFFFF0] =	vst v1  }
0x31c: {  	p0 =	sne.s32 s31, $0x80;
	v0 =	vld.idx.msk [tilespmem:v0+s21+$0x0], $0xffff  }
.Ltmp13:
0x31d: {  	_ = 	snop;
	(pc) =	sbr.rel @p0 .LBB2_28-.Ltmp13, $2  }
0x31e: {  	_ =	sdelay $0x2  }
0x31f: {  	s31 =	sadd.s32 $0x40, s31;
	[tilespmem:s0+$0x0] =	vst v0;
	s0 =	sadd.s32 $0x20, s0  }
0x320: {  	s0 =	rddreg [dreg:$0xf];
	s26 =	simm.s32 $0x2  }
0x321: {  	[tilespmem:s21], [sflag:$0x1] =	stream.linear.gather [hbm4b:s0+s3], $0x6DE0, $0x38;
	[tilespmem:$0x1CD00] =	vst v63  }
0x322: {  	_ =	swait.ge [sflag:s26], $0x6FE0  }
0x323: {  	[sflag:s26] =	ssyncset.done $0x0  }
0x324: {  	s31 =	simm.s32 $0x1820;
	[sflag:s26] =	ssyncadd.s32 $0xFFFF9020  }
0x325: {  	v0 =	vld [tilespmem:s31+$0x0]  }
0x326: {  	v1 =	vld [tilespmem:s31+$0xFFFFFFA0]  }
0x327: {  	v2 =	vld [tilespmem:s31+$0xFFFFFFB0]  }
0x328: {  	v3 =	vld [tilespmem:s31+$0xFFFFFFC0]  }
0x329: {  	v4 =	vld [tilespmem:s31+$0xFFFFFFD0]  }
0x32a: {  	v5 =	vld [tilespmem:s31+$0xFFFFFFE0];
	v6 =	vand.u32 $0xFFFF, v0  }
0x32b: {  	v8 =	vld [tilespmem:s31+$0xFFFFFFF0];
	v7 =	vand.u32 $0xFFFF, v1  }
0x32c: {  	v10 =	vld [tilespmem:s31+$0xFFFFFF90];
	v9 =	vand.u32 $0xFFFF, v2  }
0x32d: {  	v11 =	vand.u32 $0xFFFF, v3  }
0x32e: {  	v12 =	vand.u32 $0xFFFF, v4  }
0x32f: {  	v13 =	vand.u32 $0xFFFF, v5;
	v6 =	vld.idx.msk [tilespmem:v6+s22+$0x0], $0xffff  }
0x330: {  	v14 =	vand.u32 $0xFFFF, v8;
	v7 =	vld.idx.msk [tilespmem:v7+s22+$0x0], $0xffff  }
0x331: {  	v15 =	vand.u32 $0xFFFF, v10;
	v9 =	vld.idx.msk [tilespmem:v9+s22+$0x0], $0xffff  }
0x332: {  	v0 =	vshrl.u32 v0, $0x10;
	v11 =	vld.idx.msk [tilespmem:v11+s22+$0x0], $0xffff  }
0x333: {  	v1 =	vshrl.u32 v1, $0x10;
	v12 =	vld.idx.msk [tilespmem:v12+s22+$0x0], $0xffff  }
0x334: {  	s23 =	simm.s32 $0x19DD0;
	v16 =	vshrl.u32 v2, $0x10;
	v13 =	vld.idx.msk [tilespmem:v13+s22+$0x0], $0xffff  }
0x335: {  	v17 =	vshrl.u32 v3, $0x10;
	v14 =	vld.idx.msk [tilespmem:v14+s22+$0x0], $0xffff;
	[tilespmem:s23+$0xFFFFFFF0] =	vst v6  }
0x336: {  	v2 =	vld.idx.msk [tilespmem:v15+s22+$0x0], $0xffff;
	v6 =	vshrl.u32 v4, $0x10;
	[tilespmem:s23+$0xFFFFFF30] =	vst v7  }
0x337: {  	v7 =	vshrl.u32 v5, $0x10;
	[tilespmem:s23+$0xFFFFFF50] =	vst v9;
	v18 =	vld.idx.msk [tilespmem:v0+s22+$0x0], $0xffff  }
0x338: {  	[tilespmem:s23+$0xFFFFFF70] =	vst v11;
	v3 =	vld.idx.msk [tilespmem:v1+s22+$0x0], $0xffff  }
0x339: {  	[tilespmem:s23+$0xFFFFFF90] =	vst v12;
	v4 =	vld.idx.msk [tilespmem:v16+s22+$0x0], $0xffff  }
0x33a: {  	[tilespmem:s23+$0xFFFFFFB0] =	vst v13;
	v5 =	vld.idx.msk [tilespmem:v17+s22+$0x0], $0xffff  }
0x33b: {  	[tilespmem:s23+$0xFFFFFFD0] =	vst v14;
	v6 =	vld.idx.msk [tilespmem:v6+s22+$0x0], $0xffff  }
0x33c: {  	s24 =	simm.s32 $0x17B;
	s1 =	simm.s32 $0x18A0;
	v0 =	vshrl.u32 v8, $0x10;
	v1 =	vshrl.u32 v10, $0x10;
	v7 =	vld.idx.msk [tilespmem:v7+s22+$0x0], $0xffff;
	[tilespmem:s23+$0x0] =	vst v18  }
.LBB2_30:
0x33d: {  	v8 =	vld [tilespmem:s1+$0x0];
	s24 =	sadd.s32 $0x8, s24;
	[tilespmem:s23+$0xFFFFFF10] =	vst v2  }
0x33e: {  	v2 =	vld [tilespmem:s1+$0xFFFFFFA0];
	p0 =	slt.u32 s24, $0x2F3;
	[tilespmem:s23+$0xFFFFFF40] =	vst v3  }
0x33f: {  	v3 =	vld [tilespmem:s1+$0xFFFFFFB0];
	[tilespmem:s23+$0xFFFFFF60] =	vst v4  }
0x340: {  	v4 =	vld [tilespmem:s1+$0xFFFFFFC0];
	[tilespmem:s23+$0xFFFFFF80] =	vst v5  }
0x341: {  	v5 =	vld [tilespmem:s1+$0xFFFFFFD0];
	[tilespmem:s23+$0xFFFFFFA0] =	vst v6  }
0x342: {  	v6 =	vld [tilespmem:s1+$0xFFFFFFE0];
	v9 =	vand.u32 $0xFFFF, v8;
	[tilespmem:s23+$0xFFFFFFC0] =	vst v7  }
0x343: {  	v7 =	vshrl.u32 v2, $0x10;
	v2 =	vand.u32 $0xFFFF, v2;
	v10 =	vld [tilespmem:s1+$0xFFFFFFF0]  }
0x344: {  	v11 =	vld [tilespmem:s1+$0xFFFFFF90];
	v12 =	vshrl.u32 v3, $0x10;
	v3 =	vand.u32 $0xFFFF, v3  }
0x345: {  	v13 =	vshrl.u32 v4, $0x10;
	v4 =	vand.u32 $0xFFFF, v4;
	v14 =	vld.idx.msk [tilespmem:v1+s22+$0x0], $0xffff  }
0x346: {  	v15 =	vshrl.u32 v5, $0x10;
	v5 =	vand.u32 $0xFFFF, v5;
	v16 =	vld.idx.msk [tilespmem:v0+s22+$0x0], $0xffff  }
0x347: {  	v17 =	vshrl.u32 v6, $0x10;
	v6 =	vand.u32 $0xFFFF, v6;
	v9 =	vld.idx.msk [tilespmem:v9+s22+$0x0], $0xffff  }
0x348: {  	v2 =	vld.idx.msk [tilespmem:v2+s22+$0x0], $0xffff;
	v0 =	vshrl.u32 v10, $0x10;
	v10 =	vand.u32 $0xFFFF, v10  }
0x349: {  	v8 =	vshrl.u32 v8, $0x10;
	v1 =	vshrl.u32 v11, $0x10;
	v11 =	vand.u32 $0xFFFF, v11;
	v3 =	vld.idx.msk [tilespmem:v3+s22+$0x0], $0xffff  }
0x34a: {  	v4 =	vld.idx.msk [tilespmem:v4+s22+$0x0], $0xffff  }
0x34b: {  	v5 =	vld.idx.msk [tilespmem:v5+s22+$0x0], $0xffff;
	[tilespmem:s23+$0xFFFFFF20] =	vst v14  }
0x34c: {  	v6 =	vld.idx.msk [tilespmem:v6+s22+$0x0], $0xffff;
	[tilespmem:s23+$0xFFFFFFE0] =	vst v16;
	s23 =	sadd.s32 $0x100, s23  }
0x34d: {  	v10 =	vld.idx.msk [tilespmem:v10+s22+$0x0], $0xffff;
	[tilespmem:s23+$0xFFFFFFF0] =	vst v9  }
0x34e: {  	[tilespmem:s23+$0xFFFFFF30] =	vst v2;
	v8 =	vld.idx.msk [tilespmem:v8+s22+$0x0], $0xffff  }
0x34f: {  	v2 =	vld.idx.msk [tilespmem:v11+s22+$0x0], $0xffff;
	[tilespmem:s23+$0xFFFFFF50] =	vst v3  }
.Ltmp14:
0x350: {  	v3 =	vld.idx.msk [tilespmem:v7+s22+$0x0], $0xffff;
	[tilespmem:s23+$0xFFFFFF70] =	vst v4;
	(pc) =	sbr.rel @p0 .LBB2_30-.Ltmp14, $4  }
0x351: {  	v4 =	vld.idx.msk [tilespmem:v12+s22+$0x0], $0xffff;
	[tilespmem:s23+$0xFFFFFF90] =	vst v5  }
0x352: {  	v5 =	vld.idx.msk [tilespmem:v13+s22+$0x0], $0xffff;
	[tilespmem:s23+$0xFFFFFFB0] =	vst v6  }
0x353: {  	v6 =	vld.idx.msk [tilespmem:v15+s22+$0x0], $0xffff;
	[tilespmem:s23+$0xFFFFFFD0] =	vst v10  }
0x354: {  	s1 =	sadd.s32 $0x80, s1;
	v7 =	vld.idx.msk [tilespmem:v17+s22+$0x0], $0xffff;
	[tilespmem:s23+$0x0] =	vst v8  }
0x355: {  	_ =	sdelay $0x2  }
0x356: {  	[tilespmem:s23+$0xFFFFFF10] =	vst v2  }
0x357: {  	[tilespmem:s23+$0xFFFFFF40] =	vst v3;
	v0 =	vld.idx.msk [tilespmem:v0+s22+$0x0], $0xffff  }
0x358: {  	v1 =	vld.idx.msk [tilespmem:v1+s22+$0x0], $0xffff;
	[tilespmem:s23+$0xFFFFFF60] =	vst v4  }
0x359: {  	[tilespmem:s23+$0xFFFFFF80] =	vst v5  }
0x35a: {  	[tilespmem:s23+$0xFFFFFFA0] =	vst v6  }
0x35b: {  	[tilespmem:s23+$0xFFFFFFC0] =	vst v7  }
0x35c: {  	[tilespmem:s23+$0xFFFFFFE0] =	vst v0  }
0x35d: {  	[tilespmem:s23+$0xFFFFFF20] =	vst v1  }
0x35e: {  	v0 =	vld [tilespmem:$0x2FB0];
	_ =	sdelay $0x4  }
0x35f: {  	v63 =	vand.u32 $0xFFFF, v0;
	_ =	sdelay $0x4  }
0x360: {  	v1 =	vld.idx.msk [tilespmem:v63+s22+$0x0], $0xffff  }
0x361: {  	v0 =	vshrl.u32 v0, $0x10;
	_ =	sdelay $0x3  }
0x362: {  	[tilespmem:$0x1CCE0] =	vst v1  }
0x363: {  	v0 =	vld.idx.msk [tilespmem:v0+s22+$0x0], $0xffff;
	_ =	sdelay $0x2  }
0x364: {  	s0 =	sld [smem:$0x7BB]  }
0x365: {  	s4 =	rddreg [dreg:$0x1]  }
0x366: {  	s6 =	sld [smem:$0x7D3];
	[tilespmem:$0x1CCF0] =	vst v0  }
0x367: {  	[tilespmem:s22], [sflag:$0x2] =	stream.linear.gather [hbm4b:s0+s3], $0x6FE0, $0x38;
	[tilespmem:$0x1CD00] =	vst v63  }
0x368: {  	s7 =	simm.s32 $0x16D80;
	s1 =	sadd.s32 s4, s14  }
0x369: {  	[hbm4b:s1+s3] =	stream.linear.scatter [tilespmem:s7], [sflag:$0x3], $0x80, $0x38;
	[tilespmem:$0x1CD00] =	vst v63  }
0x36a: {  	s9 =	simm.s32 $0x16E00;
	s8 =	sadd.s32 s4, s6;
	s7 =	sld [smem:$0x7D4]  }
0x36b: {  	[hbm4b:s8+s3] =	stream.linear.scatter [tilespmem:s9], [sflag:$0x3], $0x80, $0x38;
	[tilespmem:$0x1CD00] =	vst v63  }
0x36c: {  	s8 =	sld [smem:$0x7D5]  }
0x36d: {  	s11 =	simm.s32 $0x16E80;
	s9 =	sld [smem:$0x7D6];
	s10 =	sadd.s32 s4, s7  }
0x36e: {  	[hbm4b:s10+s3] =	stream.linear.scatter [tilespmem:s11], [sflag:$0x3], $0x80, $0x38;
	[tilespmem:$0x1CD00] =	vst v63  }
0x36f: {  	s13 =	simm.s32 $0x16F00;
	s12 =	sadd.s32 s4, s8  }
0x370: {  	[hbm4b:s12+s3] =	stream.linear.scatter [tilespmem:s13], [sflag:$0x3], $0x80, $0x38;
	[tilespmem:$0x1CD00] =	vst v63  }
0x371: {  	s16 =	simm.s32 $0x16F80;
	s10 =	sld [smem:$0x7D7];
	s15 =	sadd.s32 s4, s9  }
0x372: {  	[hbm4b:s15+s3] =	stream.linear.scatter [tilespmem:s16], [sflag:$0x3], $0x80, $0x38;
	[tilespmem:$0x1CD00] =	vst v63  }
0x373: {  	s24 =	simm.s32 $0x17000;
	s15 =	sld [smem:$0x7D8]  }
0x374: {  	s26 =	simm.s32 $0x17080;
	s23 =	sadd.s32 s4, s10;
	s16 =	sld [smem:$0x7D9]  }
0x375: {  	[hbm4b:s23+s3] =	stream.linear.scatter [tilespmem:s24], [sflag:$0x3], $0x80, $0x38;
	[tilespmem:$0x1CD00] =	vst v63  }
0x376: {  	s31 =	simm.s32 $0x17100;
	s1 =	simm.s32 $0x0;
	s23 =	simm.s32 $0x17180  }
0x377: {  	s24 =	sadd.s32 $0x400, s4;
	s25 =	sadd.s32 s4, s15;
	s0 =	sadd.s32 s4, s16  }
0x378: {  	[hbm4b:s25+s3] =	stream.linear.scatter [tilespmem:s26], [sflag:$0x3], $0x80, $0x38;
	[tilespmem:$0x1CD00] =	vst v63  }
.LBB2_32:
0x379: {  	[hbm4b:s0+s3] =	stream.linear.scatter [tilespmem:s31], [sflag:$0x3], $0x80, $0x38;
	[tilespmem:$0x1CD00] =	vst v63  }
0x37a: {  	s0 =	sadd.s32 s24, s14;
	s1 =	sadd.s32 $0x8, s1;
	s4 =	smov.u32 s23  }
0x37b: {  	[hbm4b:s0+s3] =	stream.linear.scatter [tilespmem:s23], [sflag:$0x3], $0x80, $0x38;
	[tilespmem:$0x1CD00] =	vst v63  }
0x37c: {  	s31 =	sadd.s32 $0x80, s23;
	p0 =	slt.u32 s1, $0xB0;
	s0 =	sadd.s32 s24, s6  }
0x37d: {  	[hbm4b:s0+s3] =	stream.linear.scatter [tilespmem:s31], [sflag:$0x3], $0x80, $0x38;
	[tilespmem:$0x1CD00] =	vst v63  }
0x37e: {  	s0 =	sadd.s32 s24, s7;
	s31 =	sadd.s32 $0x100, s23  }
0x37f: {  	[hbm4b:s0+s3] =	stream.linear.scatter [tilespmem:s31], [sflag:$0x3], $0x80, $0x38;
	[tilespmem:$0x1CD00] =	vst v63  }
0x380: {  	s0 =	sadd.s32 s24, s8;
	s31 =	sadd.s32 $0x180, s23  }
0x381: {  	[hbm4b:s0+s3] =	stream.linear.scatter [tilespmem:s31], [sflag:$0x3], $0x80, $0x38;
	[tilespmem:$0x1CD00] =	vst v63  }
0x382: {  	s0 =	sadd.s32 s24, s9;
	s31 =	sadd.s32 $0x200, s23  }
0x383: {  	[hbm4b:s0+s3] =	stream.linear.scatter [tilespmem:s31], [sflag:$0x3], $0x80, $0x38;
	[tilespmem:$0x1CD00] =	vst v63  }
.Ltmp15:
0x384: {  	s0 =	sadd.s32 s24, s10;
	s31 =	sadd.s32 $0x280, s23;
	(pc) =	sbr.rel @p0 .LBB2_32-.Ltmp15, $4  }
0x385: {  	[hbm4b:s0+s3] =	stream.linear.scatter [tilespmem:s31], [sflag:$0x3], $0x80, $0x38;
	[tilespmem:$0x1CD00] =	vst v63  }
0x386: {  	s23 =	sadd.s32 $0x400, s23;
	s0 =	sadd.s32 s24, s15;
	s31 =	sadd.s32 $0x300, s4  }
0x387: {  	[hbm4b:s0+s3] =	stream.linear.scatter [tilespmem:s31], [sflag:$0x3], $0x80, $0x38;
	[tilespmem:$0x1CD00] =	vst v63  }
0x388: {  	s0 =	sadd.s32 s24, s16;
	s31 =	sadd.s32 $0x380, s4;
	s24 =	sadd.s32 $0x400, s24  }
0x389: {  	s6 =	sld [smem:$0x79A]  }
0x38a: {  	[hbm4b:s0+s3] =	stream.linear.scatter [tilespmem:s31], [sflag:$0x3], $0x80, $0x38;
	[tilespmem:$0x1CD00] =	vst v63  }
0x38b: {  	s1 =	simm.s32 $0x1C980;
	s7 =	sld [smem:$0x79B]  }
0x38c: {  	[hbm4b:s6+s3] =	stream.linear.scatter [tilespmem:s1], [sflag:$0x3], $0x80, $0x38;
	[tilespmem:$0x1CD00] =	vst v63  }
0x38d: {  	s8 =	simm.s32 $0x1CA00;
	s9 =	sld [smem:$0x79C]  }
0x38e: {  	[hbm4b:s7+s3] =	stream.linear.scatter [tilespmem:s8], [sflag:$0x3], $0x80, $0x38;
	[tilespmem:$0x1CD00] =	vst v63  }
0x38f: {  	s10 =	simm.s32 $0x1CA80;
	s11 =	sld [smem:$0x79D]  }
0x390: {  	[hbm4b:s9+s3] =	stream.linear.scatter [tilespmem:s10], [sflag:$0x3], $0x80, $0x38;
	[tilespmem:$0x1CD00] =	vst v63  }
0x391: {  	s12 =	simm.s32 $0x1CB00;
	s13 =	sld [smem:$0x79E]  }
0x392: {  	[hbm4b:s11+s3] =	stream.linear.scatter [tilespmem:s12], [sflag:$0x3], $0x80, $0x38;
	[tilespmem:$0x1CD00] =	vst v63  }
0x393: {  	s14 =	simm.s32 $0x1CB80;
	s15 =	sld [smem:$0x79F]  }
0x394: {  	[hbm4b:s13+s3] =	stream.linear.scatter [tilespmem:s14], [sflag:$0x3], $0x80, $0x38;
	[tilespmem:$0x1CD00] =	vst v63  }
0x395: {  	s16 =	simm.s32 $0x1CC00;
	s23 =	sld [smem:$0x7BC]  }
0x396: {  	[hbm4b:s15+s3] =	stream.linear.scatter [tilespmem:s16], [sflag:$0x3], $0x80, $0x38;
	[tilespmem:$0x1CD00] =	vst v63  }
0x397: {  	s24 =	simm.s32 $0x1CC80;
	s25 =	simm.s32 $0x1  }
0x398: {  	[hbm4b:s23+s3] =	stream.linear.scatter [tilespmem:s24], [sflag:$0x3], $0x80, $0x38;
	[tilespmem:$0x1CD00] =	vst v63  }
0x399: {  	_ =	swait.ge [sflag:s25], $0x6DE0  }
0x39a: {  	[sflag:s25] =	ssyncset.done $0x0  }
0x39b: {  	s26 =	simm.s32 $0x3;
	[sflag:s25] =	ssyncadd.s32 $0xFFFF9220  }
0x39c: {  	_ =	swait.ge [sflag:s26], $0x5F80  }
0x39d: {  	[sflag:s26] =	ssyncset.done $0x0  }
0x39e: {  	s31 =	simm.s32 $0x40;
	[sflag:s26] =	ssyncadd.s32 $0xFFFFA080  }
0x39f: {  	v0 =	vld [tilespmem:s31+$0x30]  }
0x3a0: {  	v1 =	vld [tilespmem:s31+$0xFFFFFFD0]  }
0x3a1: {  	v2 =	vld [tilespmem:s31+$0xFFFFFFE0]  }
0x3a2: {  	v3 =	vld [tilespmem:s31+$0xFFFFFFF0]  }
0x3a3: {  	v4 =	vld [tilespmem:s31+$0x0]  }
0x3a4: {  	v5 =	vld [tilespmem:s31+$0x10];
	v6 =	vand.u32 $0xFFFF, v0  }
0x3a5: {  	v8 =	vld [tilespmem:s31+$0x20];
	v7 =	vand.u32 $0xFFFF, v1  }
0x3a6: {  	v10 =	vld [tilespmem:s31+$0xFFFFFFC0];
	v9 =	vand.u32 $0xFFFF, v2  }
0x3a7: {  	v11 =	vand.u32 $0xFFFF, v3  }
0x3a8: {  	v12 =	vand.u32 $0xFFFF, v4  }
0x3a9: {  	v13 =	vand.u32 $0xFFFF, v5;
	v6 =	vld.idx.msk [tilespmem:v6+s21+$0x0], $0xffff  }
0x3aa: {  	v14 =	vand.u32 $0xFFFF, v8;
	v7 =	vld.idx.msk [tilespmem:v7+s21+$0x0], $0xffff  }
0x3ab: {  	v15 =	vand.u32 $0xFFFF, v10;
	v9 =	vld.idx.msk [tilespmem:v9+s21+$0x0], $0xffff  }
0x3ac: {  	v0 =	vshrl.u32 v0, $0x10;
	v11 =	vld.idx.msk [tilespmem:v11+s21+$0x0], $0xffff  }
0x3ad: {  	v1 =	vshrl.u32 v1, $0x10;
	v12 =	vld.idx.msk [tilespmem:v12+s21+$0x0], $0xffff  }
0x3ae: {  	s23 =	simm.s32 $0x10E80;
	v16 =	vshrl.u32 v2, $0x10;
	v13 =	vld.idx.msk [tilespmem:v13+s21+$0x0], $0xffff  }
0x3af: {  	v17 =	vshrl.u32 v3, $0x10;
	v14 =	vld.idx.msk [tilespmem:v14+s21+$0x0], $0xffff;
	[tilespmem:s23+$0x60] =	vst v6  }
0x3b0: {  	v2 =	vld.idx.msk [tilespmem:v15+s21+$0x0], $0xffff;
	v6 =	vshrl.u32 v4, $0x10;
	[tilespmem:s23+$0xFFFFFFA0] =	vst v7  }
0x3b1: {  	v7 =	vshrl.u32 v5, $0x10;
	[tilespmem:s23+$0xFFFFFFC0] =	vst v9;
	v18 =	vld.idx.msk [tilespmem:v0+s21+$0x0], $0xffff  }
0x3b2: {  	[tilespmem:s23+$0xFFFFFFE0] =	vst v11;
	v3 =	vld.idx.msk [tilespmem:v1+s21+$0x0], $0xffff  }
0x3b3: {  	[tilespmem:s23+$0x0] =	vst v12;
	v4 =	vld.idx.msk [tilespmem:v16+s21+$0x0], $0xffff  }
0x3b4: {  	[tilespmem:s23+$0x20] =	vst v13;
	v5 =	vld.idx.msk [tilespmem:v17+s21+$0x0], $0xffff  }
0x3b5: {  	[tilespmem:s23+$0x40] =	vst v14;
	v6 =	vld.idx.msk [tilespmem:v6+s21+$0x0], $0xffff  }
0x3b6: {  	s1 =	simm.s32 $0xC0;
	s24 =	simm.s32 $0x0;
	v0 =	vshrl.u32 v8, $0x10;
	v1 =	vshrl.u32 v10, $0x10;
	v7 =	vld.idx.msk [tilespmem:v7+s21+$0x0], $0xffff;
	[tilespmem:s23+$0x70] =	vst v18  }
.LBB2_34:
0x3b7: {  	v8 =	vld [tilespmem:s1+$0x30];
	s24 =	sadd.s32 $0x8, s24;
	[tilespmem:s23+$0xFFFFFF80] =	vst v2  }
0x3b8: {  	v2 =	vld [tilespmem:s1+$0xFFFFFFD0];
	p0 =	slt.u32 s24, $0x170;
	[tilespmem:s23+$0xFFFFFFB0] =	vst v3  }
0x3b9: {  	v3 =	vld [tilespmem:s1+$0xFFFFFFE0];
	[tilespmem:s23+$0xFFFFFFD0] =	vst v4  }
0x3ba: {  	v4 =	vld [tilespmem:s1+$0xFFFFFFF0];
	[tilespmem:s23+$0xFFFFFFF0] =	vst v5  }
0x3bb: {  	v5 =	vld [tilespmem:s1+$0x0];
	[tilespmem:s23+$0x10] =	vst v6  }
0x3bc: {  	v6 =	vld [tilespmem:s1+$0x10];
	v9 =	vand.u32 $0xFFFF, v8;
	[tilespmem:s23+$0x30] =	vst v7  }
0x3bd: {  	v7 =	vshrl.u32 v2, $0x10;
	v2 =	vand.u32 $0xFFFF, v2;
	v10 =	vld [tilespmem:s1+$0x20]  }
0x3be: {  	v11 =	vld [tilespmem:s1+$0xFFFFFFC0];
	v12 =	vshrl.u32 v3, $0x10;
	v3 =	vand.u32 $0xFFFF, v3  }
0x3bf: {  	v13 =	vshrl.u32 v4, $0x10;
	v4 =	vand.u32 $0xFFFF, v4;
	v14 =	vld.idx.msk [tilespmem:v1+s21+$0x0], $0xffff  }
0x3c0: {  	v15 =	vshrl.u32 v5, $0x10;
	v5 =	vand.u32 $0xFFFF, v5;
	v16 =	vld.idx.msk [tilespmem:v0+s21+$0x0], $0xffff  }
0x3c1: {  	v17 =	vshrl.u32 v6, $0x10;
	v6 =	vand.u32 $0xFFFF, v6;
	v9 =	vld.idx.msk [tilespmem:v9+s21+$0x0], $0xffff  }
0x3c2: {  	v2 =	vld.idx.msk [tilespmem:v2+s21+$0x0], $0xffff;
	v0 =	vshrl.u32 v10, $0x10;
	v10 =	vand.u32 $0xFFFF, v10  }
0x3c3: {  	v8 =	vshrl.u32 v8, $0x10;
	v1 =	vshrl.u32 v11, $0x10;
	v11 =	vand.u32 $0xFFFF, v11;
	v3 =	vld.idx.msk [tilespmem:v3+s21+$0x0], $0xffff  }
0x3c4: {  	v4 =	vld.idx.msk [tilespmem:v4+s21+$0x0], $0xffff  }
0x3c5: {  	v5 =	vld.idx.msk [tilespmem:v5+s21+$0x0], $0xffff;
	[tilespmem:s23+$0xFFFFFF90] =	vst v14  }
0x3c6: {  	v6 =	vld.idx.msk [tilespmem:v6+s21+$0x0], $0xffff;
	[tilespmem:s23+$0x50] =	vst v16;
	s23 =	sadd.s32 $0x100, s23  }
0x3c7: {  	v10 =	vld.idx.msk [tilespmem:v10+s21+$0x0], $0xffff;
	[tilespmem:s23+$0x60] =	vst v9  }
0x3c8: {  	[tilespmem:s23+$0xFFFFFFA0] =	vst v2;
	v8 =	vld.idx.msk [tilespmem:v8+s21+$0x0], $0xffff  }
0x3c9: {  	v2 =	vld.idx.msk [tilespmem:v11+s21+$0x0], $0xffff;
	[tilespmem:s23+$0xFFFFFFC0] =	vst v3  }
.Ltmp16:
0x3ca: {  	v3 =	vld.idx.msk [tilespmem:v7+s21+$0x0], $0xffff;
	[tilespmem:s23+$0xFFFFFFE0] =	vst v4;
	(pc) =	sbr.rel @p0 .LBB2_34-.Ltmp16, $4  }
0x3cb: {  	v4 =	vld.idx.msk [tilespmem:v12+s21+$0x0], $0xffff;
	[tilespmem:s23+$0x0] =	vst v5  }
0x3cc: {  	v5 =	vld.idx.msk [tilespmem:v13+s21+$0x0], $0xffff;
	[tilespmem:s23+$0x20] =	vst v6  }
0x3cd: {  	v6 =	vld.idx.msk [tilespmem:v15+s21+$0x0], $0xffff;
	[tilespmem:s23+$0x40] =	vst v10  }
0x3ce: {  	s31 =	simm.s32 $0x0;
	s0 =	simm.s32 $0x13D10;
	s1 =	sadd.s32 $0x80, s1;
	v7 =	vld.idx.msk [tilespmem:v17+s21+$0x0], $0xffff;
	[tilespmem:s23+$0x70] =	vst v8  }
0x3cf: {  	_ =	sdelay $0x2  }
0x3d0: {  	[tilespmem:s23+$0xFFFFFF80] =	vst v2  }
0x3d1: {  	[tilespmem:s23+$0xFFFFFFB0] =	vst v3;
	v0 =	vld.idx.msk [tilespmem:v0+s21+$0x0], $0xffff  }
0x3d2: {  	v1 =	vld.idx.msk [tilespmem:v1+s21+$0x0], $0xffff;
	[tilespmem:s23+$0xFFFFFFD0] =	vst v4  }
0x3d3: {  	[tilespmem:s23+$0xFFFFFFF0] =	vst v5  }
0x3d4: {  	[tilespmem:s23+$0x10] =	vst v6  }
0x3d5: {  	[tilespmem:s23+$0x30] =	vst v7  }
0x3d6: {  	[tilespmem:s23+$0x50] =	vst v0  }
0x3d7: {  	[tilespmem:s23+$0xFFFFFF90] =	vst v1  }
0x3d8: {  	s16 =	sld [smem:$0x7F6]  }
.LBB2_36:
0x3d9: {  	s1 =	sshra.s32 s31, $0x2  }
0x3da: {  	v0 =	vld [tilespmem:s1+$0x1780];
	_ =	sdelay $0x4  }
0x3db: {  	v1 =	vand.u32 $0xFFFF, v0;
	_ =	sdelay $0x4  }
0x3dc: {  	v1 =	vld.idx.msk [tilespmem:v1+s21+$0x0], $0xffff  }
0x3dd: {  	v0 =	vshrl.u32 v0, $0x10;
	_ =	sdelay $0x3  }
0x3de: {  	[tilespmem:s0+$0xFFFFFFF0] =	vst v1  }
0x3df: {  	p0 =	sne.s32 s31, $0x80;
	v0 =	vld.idx.msk [tilespmem:v0+s21+$0x0], $0xffff  }
.Ltmp17:
0x3e0: {  	_ = 	snop;
	(pc) =	sbr.rel @p0 .LBB2_36-.Ltmp17, $2  }
0x3e1: {  	_ =	sdelay $0x2  }
0x3e2: {  	s31 =	sadd.s32 $0x40, s31;
	[tilespmem:s0+$0x0] =	vst v0;
	s0 =	sadd.s32 $0x20, s0  }
0x3e3: {  	s0 =	sld [smem:$0x7C4];
	_ =	sdelay $0x1  }
0x3e4: {  	s26 =	simm.s32 $0x2  }
0x3e5: {  	[tilespmem:s21], [sflag:$0x1] =	stream.linear.gather [hbm4b:s0+s3], $0x6DE0, $0x38;
	[tilespmem:$0x1CD00] =	vst v63  }
0x3e6: {  	_ =	swait.ge [sflag:s26], $0x6FE0  }
0x3e7: {  	[sflag:s26] =	ssyncset.done $0x0  }
0x3e8: {  	s31 =	simm.s32 $0x1820;
	[sflag:s26] =	ssyncadd.s32 $0xFFFF9020  }
0x3e9: {  	v0 =	vld [tilespmem:s31+$0x0]  }
0x3ea: {  	v1 =	vld [tilespmem:s31+$0xFFFFFFA0]  }
0x3eb: {  	v2 =	vld [tilespmem:s31+$0xFFFFFFB0]  }
0x3ec: {  	v3 =	vld [tilespmem:s31+$0xFFFFFFC0]  }
0x3ed: {  	v4 =	vld [tilespmem:s31+$0xFFFFFFD0]  }
0x3ee: {  	v5 =	vld [tilespmem:s31+$0xFFFFFFE0];
	v6 =	vand.u32 $0xFFFF, v0  }
0x3ef: {  	v8 =	vld [tilespmem:s31+$0xFFFFFFF0];
	v7 =	vand.u32 $0xFFFF, v1  }
0x3f0: {  	v10 =	vld [tilespmem:s31+$0xFFFFFF90];
	v9 =	vand.u32 $0xFFFF, v2  }
0x3f1: {  	v11 =	vand.u32 $0xFFFF, v3  }
0x3f2: {  	v12 =	vand.u32 $0xFFFF, v4  }
0x3f3: {  	v13 =	vand.u32 $0xFFFF, v5;
	v6 =	vld.idx.msk [tilespmem:v6+s22+$0x0], $0xffff  }
0x3f4: {  	v14 =	vand.u32 $0xFFFF, v8;
	v7 =	vld.idx.msk [tilespmem:v7+s22+$0x0], $0xffff  }
0x3f5: {  	v15 =	vand.u32 $0xFFFF, v10;
	v9 =	vld.idx.msk [tilespmem:v9+s22+$0x0], $0xffff  }
0x3f6: {  	v0 =	vshrl.u32 v0, $0x10;
	v11 =	vld.idx.msk [tilespmem:v11+s22+$0x0], $0xffff  }
0x3f7: {  	v1 =	vshrl.u32 v1, $0x10;
	v12 =	vld.idx.msk [tilespmem:v12+s22+$0x0], $0xffff  }
0x3f8: {  	s23 =	simm.s32 $0x13E50;
	v16 =	vshrl.u32 v2, $0x10;
	v13 =	vld.idx.msk [tilespmem:v13+s22+$0x0], $0xffff  }
0x3f9: {  	v17 =	vshrl.u32 v3, $0x10;
	v14 =	vld.idx.msk [tilespmem:v14+s22+$0x0], $0xffff;
	[tilespmem:s23+$0xFFFFFFF0] =	vst v6  }
0x3fa: {  	v2 =	vld.idx.msk [tilespmem:v15+s22+$0x0], $0xffff;
	v6 =	vshrl.u32 v4, $0x10;
	[tilespmem:s23+$0xFFFFFF30] =	vst v7  }
0x3fb: {  	v7 =	vshrl.u32 v5, $0x10;
	[tilespmem:s23+$0xFFFFFF50] =	vst v9;
	v18 =	vld.idx.msk [tilespmem:v0+s22+$0x0], $0xffff  }
0x3fc: {  	[tilespmem:s23+$0xFFFFFF70] =	vst v11;
	v3 =	vld.idx.msk [tilespmem:v1+s22+$0x0], $0xffff  }
0x3fd: {  	[tilespmem:s23+$0xFFFFFF90] =	vst v12;
	v4 =	vld.idx.msk [tilespmem:v16+s22+$0x0], $0xffff  }
0x3fe: {  	[tilespmem:s23+$0xFFFFFFB0] =	vst v13;
	v5 =	vld.idx.msk [tilespmem:v17+s22+$0x0], $0xffff  }
0x3ff: {  	[tilespmem:s23+$0xFFFFFFD0] =	vst v14;
	v6 =	vld.idx.msk [tilespmem:v6+s22+$0x0], $0xffff  }
0x400: {  	s24 =	simm.s32 $0x17B;
	s1 =	simm.s32 $0x18A0;
	v0 =	vshrl.u32 v8, $0x10;
	v1 =	vshrl.u32 v10, $0x10;
	v7 =	vld.idx.msk [tilespmem:v7+s22+$0x0], $0xffff;
	[tilespmem:s23+$0x0] =	vst v18  }
.LBB2_38:
0x401: {  	v8 =	vld [tilespmem:s1+$0x0];
	s24 =	sadd.s32 $0x8, s24;
	[tilespmem:s23+$0xFFFFFF10] =	vst v2  }
0x402: {  	v2 =	vld [tilespmem:s1+$0xFFFFFFA0];
	p0 =	slt.u32 s24, $0x2F3;
	[tilespmem:s23+$0xFFFFFF40] =	vst v3  }
0x403: {  	v3 =	vld [tilespmem:s1+$0xFFFFFFB0];
	[tilespmem:s23+$0xFFFFFF60] =	vst v4  }
0x404: {  	v4 =	vld [tilespmem:s1+$0xFFFFFFC0];
	[tilespmem:s23+$0xFFFFFF80] =	vst v5  }
0x405: {  	v5 =	vld [tilespmem:s1+$0xFFFFFFD0];
	[tilespmem:s23+$0xFFFFFFA0] =	vst v6  }
0x406: {  	v6 =	vld [tilespmem:s1+$0xFFFFFFE0];
	v9 =	vand.u32 $0xFFFF, v8;
	[tilespmem:s23+$0xFFFFFFC0] =	vst v7  }
0x407: {  	v7 =	vshrl.u32 v2, $0x10;
	v2 =	vand.u32 $0xFFFF, v2;
	v10 =	vld [tilespmem:s1+$0xFFFFFFF0]  }
0x408: {  	v11 =	vld [tilespmem:s1+$0xFFFFFF90];
	v12 =	vshrl.u32 v3, $0x10;
	v3 =	vand.u32 $0xFFFF, v3  }
0x409: {  	v13 =	vshrl.u32 v4, $0x10;
	v4 =	vand.u32 $0xFFFF, v4;
	v14 =	vld.idx.msk [tilespmem:v1+s22+$0x0], $0xffff  }
0x40a: {  	v15 =	vshrl.u32 v5, $0x10;
	v5 =	vand.u32 $0xFFFF, v5;
	v16 =	vld.idx.msk [tilespmem:v0+s22+$0x0], $0xffff  }
0x40b: {  	v17 =	vshrl.u32 v6, $0x10;
	v6 =	vand.u32 $0xFFFF, v6;
	v9 =	vld.idx.msk [tilespmem:v9+s22+$0x0], $0xffff  }
0x40c: {  	v2 =	vld.idx.msk [tilespmem:v2+s22+$0x0], $0xffff;
	v0 =	vshrl.u32 v10, $0x10;
	v10 =	vand.u32 $0xFFFF, v10  }
0x40d: {  	v8 =	vshrl.u32 v8, $0x10;
	v1 =	vshrl.u32 v11, $0x10;
	v11 =	vand.u32 $0xFFFF, v11;
	v3 =	vld.idx.msk [tilespmem:v3+s22+$0x0], $0xffff  }
0x40e: {  	v4 =	vld.idx.msk [tilespmem:v4+s22+$0x0], $0xffff  }
0x40f: {  	v5 =	vld.idx.msk [tilespmem:v5+s22+$0x0], $0xffff;
	[tilespmem:s23+$0xFFFFFF20] =	vst v14  }
0x410: {  	v6 =	vld.idx.msk [tilespmem:v6+s22+$0x0], $0xffff;
	[tilespmem:s23+$0xFFFFFFE0] =	vst v16;
	s23 =	sadd.s32 $0x100, s23  }
0x411: {  	v10 =	vld.idx.msk [tilespmem:v10+s22+$0x0], $0xffff;
	[tilespmem:s23+$0xFFFFFFF0] =	vst v9  }
0x412: {  	[tilespmem:s23+$0xFFFFFF30] =	vst v2;
	v8 =	vld.idx.msk [tilespmem:v8+s22+$0x0], $0xffff  }
0x413: {  	v2 =	vld.idx.msk [tilespmem:v11+s22+$0x0], $0xffff;
	[tilespmem:s23+$0xFFFFFF50] =	vst v3  }
.Ltmp18:
0x414: {  	v3 =	vld.idx.msk [tilespmem:v7+s22+$0x0], $0xffff;
	[tilespmem:s23+$0xFFFFFF70] =	vst v4;
	(pc) =	sbr.rel @p0 .LBB2_38-.Ltmp18, $4  }
0x415: {  	v4 =	vld.idx.msk [tilespmem:v12+s22+$0x0], $0xffff;
	[tilespmem:s23+$0xFFFFFF90] =	vst v5  }
0x416: {  	v5 =	vld.idx.msk [tilespmem:v13+s22+$0x0], $0xffff;
	[tilespmem:s23+$0xFFFFFFB0] =	vst v6  }
0x417: {  	v6 =	vld.idx.msk [tilespmem:v15+s22+$0x0], $0xffff;
	[tilespmem:s23+$0xFFFFFFD0] =	vst v10  }
0x418: {  	s1 =	sadd.s32 $0x80, s1;
	v7 =	vld.idx.msk [tilespmem:v17+s22+$0x0], $0xffff;
	[tilespmem:s23+$0x0] =	vst v8  }
0x419: {  	_ =	sdelay $0x2  }
0x41a: {  	[tilespmem:s23+$0xFFFFFF10] =	vst v2  }
0x41b: {  	[tilespmem:s23+$0xFFFFFF40] =	vst v3;
	v0 =	vld.idx.msk [tilespmem:v0+s22+$0x0], $0xffff  }
0x41c: {  	v1 =	vld.idx.msk [tilespmem:v1+s22+$0x0], $0xffff;
	[tilespmem:s23+$0xFFFFFF60] =	vst v4  }
0x41d: {  	[tilespmem:s23+$0xFFFFFF80] =	vst v5  }
0x41e: {  	[tilespmem:s23+$0xFFFFFFA0] =	vst v6  }
0x41f: {  	[tilespmem:s23+$0xFFFFFFC0] =	vst v7  }
0x420: {  	[tilespmem:s23+$0xFFFFFFE0] =	vst v0  }
0x421: {  	[tilespmem:s23+$0xFFFFFF20] =	vst v1  }
0x422: {  	v0 =	vld [tilespmem:$0x2FB0];
	_ =	sdelay $0x4  }
0x423: {  	v63 =	vand.u32 $0xFFFF, v0;
	_ =	sdelay $0x4  }
0x424: {  	v1 =	vld.idx.msk [tilespmem:v63+s22+$0x0], $0xffff  }
0x425: {  	v0 =	vshrl.u32 v0, $0x10;
	_ =	sdelay $0x3  }
0x426: {  	[tilespmem:$0x16D60] =	vst v1  }
0x427: {  	v0 =	vld.idx.msk [tilespmem:v0+s22+$0x0], $0xffff;
	_ =	sdelay $0x2  }
0x428: {  	s4 =	rddreg [dreg:$0x1]  }
0x429: {  	s0 =	rddreg [dreg:$0x10]  }
0x42a: {  	s15 =	sld [smem:$0x7DA];
	[tilespmem:$0x16D70] =	vst v0  }
0x42b: {  	[tilespmem:s22], [sflag:$0x2] =	stream.linear.gather [hbm4b:s0+s3], $0x6FE0, $0x38;
	[tilespmem:$0x1CD00] =	vst v63  }
0x42c: {  	s6 =	simm.s32 $0x10E00;
	s1 =	sadd.s32 s4, s16  }
0x42d: {  	[hbm4b:s1+s3] =	stream.linear.scatter [tilespmem:s6], [sflag:$0x3], $0x80, $0x38;
	[tilespmem:$0x1CD00] =	vst v63  }
0x42e: {  	s8 =	simm.s32 $0x10E80;
	s7 =	sadd.s32 s4, s15;
	s6 =	sld [smem:$0x7DB]  }
0x42f: {  	[hbm4b:s7+s3] =	stream.linear.scatter [tilespmem:s8], [sflag:$0x3], $0x80, $0x38;
	[tilespmem:$0x1CD00] =	vst v63  }
0x430: {  	s7 =	sld [smem:$0x7DC]  }
0x431: {  	s10 =	simm.s32 $0x10F00;
	s8 =	sld [smem:$0x7DD];
	s9 =	sadd.s32 s4, s6  }
0x432: {  	[hbm4b:s9+s3] =	stream.linear.scatter [tilespmem:s10], [sflag:$0x3], $0x80, $0x38;
	[tilespmem:$0x1CD00] =	vst v63  }
0x433: {  	s12 =	simm.s32 $0x10F80;
	s9 =	sld [smem:$0x7DE];
	s11 =	sadd.s32 s4, s7  }
0x434: {  	[hbm4b:s11+s3] =	stream.linear.scatter [tilespmem:s12], [sflag:$0x3], $0x80, $0x38;
	[tilespmem:$0x1CD00] =	vst v63  }
0x435: {  	s14 =	simm.s32 $0x11000;
	s10 =	sld [smem:$0x7DF];
	s13 =	sadd.s32 s4, s8  }
0x436: {  	[hbm4b:s13+s3] =	stream.linear.scatter [tilespmem:s14], [sflag:$0x3], $0x80, $0x38;
	[tilespmem:$0x1CD00] =	vst v63  }
0x437: {  	s24 =	simm.s32 $0x11080;
	s23 =	sadd.s32 s4, s9  }
0x438: {  	[hbm4b:s23+s3] =	stream.linear.scatter [tilespmem:s24], [sflag:$0x3], $0x80, $0x38;
	[tilespmem:$0x1CD00] =	vst v63  }
0x439: {  	s26 =	simm.s32 $0x11100;
	s25 =	sadd.s32 s4, s10  }
0x43a: {  	[hbm4b:s25+s3] =	stream.linear.scatter [tilespmem:s26], [sflag:$0x3], $0x80, $0x38;
	[tilespmem:$0x1CD00] =	vst v63  }
0x43b: {  	s25 =	sld [smem:$0x7E0];
	_ =	sdelay $0x1  }
0x43c: {  	s31 =	simm.s32 $0x11180;
	s1 =	simm.s32 $0x0  }
0x43d: {  	s23 =	simm.s32 $0x11200;
	s24 =	sadd.s32 $0x400, s4;
	s0 =	sadd.s32 s4, s25  }
.LBB2_40:
0x43e: {  	[hbm4b:s0+s3] =	stream.linear.scatter [tilespmem:s31], [sflag:$0x3], $0x80, $0x38;
	[tilespmem:$0x1CD00] =	vst v63  }
0x43f: {  	s0 =	sadd.s32 s24, s16;
	s1 =	sadd.s32 $0x8, s1;
	s4 =	smov.u32 s23  }
0x440: {  	[hbm4b:s0+s3] =	stream.linear.scatter [tilespmem:s23], [sflag:$0x3], $0x80, $0x38;
	[tilespmem:$0x1CD00] =	vst v63  }
0x441: {  	s31 =	sadd.s32 $0x80, s23;
	p0 =	slt.u32 s1, $0xB0;
	s0 =	sadd.s32 s24, s15  }
0x442: {  	[hbm4b:s0+s3] =	stream.linear.scatter [tilespmem:s31], [sflag:$0x3], $0x80, $0x38;
	[tilespmem:$0x1CD00] =	vst v63  }
0x443: {  	s0 =	sadd.s32 s24, s6;
	s31 =	sadd.s32 $0x100, s23  }
0x444: {  	[hbm4b:s0+s3] =	stream.linear.scatter [tilespmem:s31], [sflag:$0x3], $0x80, $0x38;
	[tilespmem:$0x1CD00] =	vst v63  }
0x445: {  	s0 =	sadd.s32 s24, s7;
	s31 =	sadd.s32 $0x180, s23  }
0x446: {  	[hbm4b:s0+s3] =	stream.linear.scatter [tilespmem:s31], [sflag:$0x3], $0x80, $0x38;
	[tilespmem:$0x1CD00] =	vst v63  }
0x447: {  	s0 =	sadd.s32 s24, s8;
	s31 =	sadd.s32 $0x200, s23  }
0x448: {  	[hbm4b:s0+s3] =	stream.linear.scatter [tilespmem:s31], [sflag:$0x3], $0x80, $0x38;
	[tilespmem:$0x1CD00] =	vst v63  }
.Ltmp19:
0x449: {  	s0 =	sadd.s32 s24, s9;
	s31 =	sadd.s32 $0x280, s23;
	(pc) =	sbr.rel @p0 .LBB2_40-.Ltmp19, $4  }
0x44a: {  	[hbm4b:s0+s3] =	stream.linear.scatter [tilespmem:s31], [sflag:$0x3], $0x80, $0x38;
	[tilespmem:$0x1CD00] =	vst v63  }
0x44b: {  	s23 =	sadd.s32 $0x400, s23;
	s0 =	sadd.s32 s24, s10;
	s31 =	sadd.s32 $0x300, s4  }
0x44c: {  	[hbm4b:s0+s3] =	stream.linear.scatter [tilespmem:s31], [sflag:$0x3], $0x80, $0x38;
	[tilespmem:$0x1CD00] =	vst v63  }
0x44d: {  	s0 =	sadd.s32 s24, s25;
	s31 =	sadd.s32 $0x380, s4;
	s24 =	sadd.s32 $0x400, s24  }
0x44e: {  	s6 =	sld [smem:$0x7A0]  }
0x44f: {  	[hbm4b:s0+s3] =	stream.linear.scatter [tilespmem:s31], [sflag:$0x3], $0x80, $0x38;
	[tilespmem:$0x1CD00] =	vst v63  }
0x450: {  	s1 =	simm.s32 $0x16A00;
	s7 =	sld [smem:$0x7A1]  }
0x451: {  	[hbm4b:s6+s3] =	stream.linear.scatter [tilespmem:s1], [sflag:$0x3], $0x80, $0x38;
	[tilespmem:$0x1CD00] =	vst v63  }
0x452: {  	s8 =	simm.s32 $0x16A80;
	s9 =	sld [smem:$0x7A2]  }
0x453: {  	[hbm4b:s7+s3] =	stream.linear.scatter [tilespmem:s8], [sflag:$0x3], $0x80, $0x38;
	[tilespmem:$0x1CD00] =	vst v63  }
0x454: {  	s10 =	simm.s32 $0x16B00;
	s11 =	sld [smem:$0x7A3]  }
0x455: {  	[hbm4b:s9+s3] =	stream.linear.scatter [tilespmem:s10], [sflag:$0x3], $0x80, $0x38;
	[tilespmem:$0x1CD00] =	vst v63  }
0x456: {  	s12 =	simm.s32 $0x16B80;
	s13 =	sld [smem:$0x7A4]  }
0x457: {  	[hbm4b:s11+s3] =	stream.linear.scatter [tilespmem:s12], [sflag:$0x3], $0x80, $0x38;
	[tilespmem:$0x1CD00] =	vst v63  }
0x458: {  	s14 =	simm.s32 $0x16C00;
	s15 =	sld [smem:$0x7A5]  }
0x459: {  	[hbm4b:s13+s3] =	stream.linear.scatter [tilespmem:s14], [sflag:$0x3], $0x80, $0x38;
	[tilespmem:$0x1CD00] =	vst v63  }
0x45a: {  	s16 =	simm.s32 $0x16C80;
	s23 =	sld [smem:$0x7BD]  }
0x45b: {  	[hbm4b:s15+s3] =	stream.linear.scatter [tilespmem:s16], [sflag:$0x3], $0x80, $0x38;
	[tilespmem:$0x1CD00] =	vst v63  }
0x45c: {  	s24 =	simm.s32 $0x16D00;
	s25 =	simm.s32 $0x1  }
0x45d: {  	[hbm4b:s23+s3] =	stream.linear.scatter [tilespmem:s24], [sflag:$0x3], $0x80, $0x38;
	[tilespmem:$0x1CD00] =	vst v63  }
0x45e: {  	_ =	swait.ge [sflag:s25], $0x6DE0  }
0x45f: {  	[sflag:s25] =	ssyncset.done $0x0  }
0x460: {  	s26 =	simm.s32 $0x3;
	[sflag:s25] =	ssyncadd.s32 $0xFFFF9220  }
0x461: {  	_ =	swait.ge [sflag:s26], $0x5F80  }
0x462: {  	[sflag:s26] =	ssyncset.done $0x0  }
0x463: {  	s31 =	simm.s32 $0x40;
	[sflag:s26] =	ssyncadd.s32 $0xFFFFA080  }
0x464: {  	v0 =	vld [tilespmem:s31+$0x30]  }
0x465: {  	v1 =	vld [tilespmem:s31+$0xFFFFFFD0]  }
0x466: {  	v2 =	vld [tilespmem:s31+$0xFFFFFFE0]  }
0x467: {  	v3 =	vld [tilespmem:s31+$0xFFFFFFF0]  }
0x468: {  	v4 =	vld [tilespmem:s31+$0x0]  }
0x469: {  	v5 =	vld [tilespmem:s31+$0x10];
	v6 =	vand.u32 $0xFFFF, v0  }
0x46a: {  	v8 =	vld [tilespmem:s31+$0x20];
	v7 =	vand.u32 $0xFFFF, v1  }
0x46b: {  	v10 =	vld [tilespmem:s31+$0xFFFFFFC0];
	v9 =	vand.u32 $0xFFFF, v2  }
0x46c: {  	v11 =	vand.u32 $0xFFFF, v3  }
0x46d: {  	v12 =	vand.u32 $0xFFFF, v4  }
0x46e: {  	v13 =	vand.u32 $0xFFFF, v5;
	v6 =	vld.idx.msk [tilespmem:v6+s21+$0x0], $0xffff  }
0x46f: {  	v14 =	vand.u32 $0xFFFF, v8;
	v7 =	vld.idx.msk [tilespmem:v7+s21+$0x0], $0xffff  }
0x470: {  	v15 =	vand.u32 $0xFFFF, v10;
	v9 =	vld.idx.msk [tilespmem:v9+s21+$0x0], $0xffff  }
0x471: {  	v0 =	vshrl.u32 v0, $0x10;
	v11 =	vld.idx.msk [tilespmem:v11+s21+$0x0], $0xffff  }
0x472: {  	v1 =	vshrl.u32 v1, $0x10;
	v12 =	vld.idx.msk [tilespmem:v12+s21+$0x0], $0xffff  }
0x473: {  	s23 =	simm.s32 $0x16E00;
	v16 =	vshrl.u32 v2, $0x10;
	v13 =	vld.idx.msk [tilespmem:v13+s21+$0x0], $0xffff  }
0x474: {  	v17 =	vshrl.u32 v3, $0x10;
	v14 =	vld.idx.msk [tilespmem:v14+s21+$0x0], $0xffff;
	[tilespmem:s23+$0x60] =	vst v6  }
0x475: {  	v2 =	vld.idx.msk [tilespmem:v15+s21+$0x0], $0xffff;
	v6 =	vshrl.u32 v4, $0x10;
	[tilespmem:s23+$0xFFFFFFA0] =	vst v7  }
0x476: {  	v7 =	vshrl.u32 v5, $0x10;
	[tilespmem:s23+$0xFFFFFFC0] =	vst v9;
	v18 =	vld.idx.msk [tilespmem:v0+s21+$0x0], $0xffff  }
0x477: {  	[tilespmem:s23+$0xFFFFFFE0] =	vst v11;
	v3 =	vld.idx.msk [tilespmem:v1+s21+$0x0], $0xffff  }
0x478: {  	[tilespmem:s23+$0x0] =	vst v12;
	v4 =	vld.idx.msk [tilespmem:v16+s21+$0x0], $0xffff  }
0x479: {  	[tilespmem:s23+$0x20] =	vst v13;
	v5 =	vld.idx.msk [tilespmem:v17+s21+$0x0], $0xffff  }
0x47a: {  	[tilespmem:s23+$0x40] =	vst v14;
	v6 =	vld.idx.msk [tilespmem:v6+s21+$0x0], $0xffff  }
0x47b: {  	s1 =	simm.s32 $0xC0;
	s24 =	simm.s32 $0x0;
	v0 =	vshrl.u32 v8, $0x10;
	v1 =	vshrl.u32 v10, $0x10;
	v7 =	vld.idx.msk [tilespmem:v7+s21+$0x0], $0xffff;
	[tilespmem:s23+$0x70] =	vst v18  }
.LBB2_42:
0x47c: {  	v8 =	vld [tilespmem:s1+$0x30];
	s24 =	sadd.s32 $0x8, s24;
	[tilespmem:s23+$0xFFFFFF80] =	vst v2  }
0x47d: {  	v2 =	vld [tilespmem:s1+$0xFFFFFFD0];
	p0 =	slt.u32 s24, $0x170;
	[tilespmem:s23+$0xFFFFFFB0] =	vst v3  }
0x47e: {  	v3 =	vld [tilespmem:s1+$0xFFFFFFE0];
	[tilespmem:s23+$0xFFFFFFD0] =	vst v4  }
0x47f: {  	v4 =	vld [tilespmem:s1+$0xFFFFFFF0];
	[tilespmem:s23+$0xFFFFFFF0] =	vst v5  }
0x480: {  	v5 =	vld [tilespmem:s1+$0x0];
	[tilespmem:s23+$0x10] =	vst v6  }
0x481: {  	v6 =	vld [tilespmem:s1+$0x10];
	v9 =	vand.u32 $0xFFFF, v8;
	[tilespmem:s23+$0x30] =	vst v7  }
0x482: {  	v7 =	vshrl.u32 v2, $0x10;
	v2 =	vand.u32 $0xFFFF, v2;
	v10 =	vld [tilespmem:s1+$0x20]  }
0x483: {  	v11 =	vld [tilespmem:s1+$0xFFFFFFC0];
	v12 =	vshrl.u32 v3, $0x10;
	v3 =	vand.u32 $0xFFFF, v3  }
0x484: {  	v13 =	vshrl.u32 v4, $0x10;
	v4 =	vand.u32 $0xFFFF, v4;
	v14 =	vld.idx.msk [tilespmem:v1+s21+$0x0], $0xffff  }
0x485: {  	v15 =	vshrl.u32 v5, $0x10;
	v5 =	vand.u32 $0xFFFF, v5;
	v16 =	vld.idx.msk [tilespmem:v0+s21+$0x0], $0xffff  }
0x486: {  	v17 =	vshrl.u32 v6, $0x10;
	v6 =	vand.u32 $0xFFFF, v6;
	v9 =	vld.idx.msk [tilespmem:v9+s21+$0x0], $0xffff  }
0x487: {  	v2 =	vld.idx.msk [tilespmem:v2+s21+$0x0], $0xffff;
	v0 =	vshrl.u32 v10, $0x10;
	v10 =	vand.u32 $0xFFFF, v10  }
0x488: {  	v8 =	vshrl.u32 v8, $0x10;
	v1 =	vshrl.u32 v11, $0x10;
	v11 =	vand.u32 $0xFFFF, v11;
	v3 =	vld.idx.msk [tilespmem:v3+s21+$0x0], $0xffff  }
0x489: {  	v4 =	vld.idx.msk [tilespmem:v4+s21+$0x0], $0xffff  }
0x48a: {  	v5 =	vld.idx.msk [tilespmem:v5+s21+$0x0], $0xffff;
	[tilespmem:s23+$0xFFFFFF90] =	vst v14  }
0x48b: {  	v6 =	vld.idx.msk [tilespmem:v6+s21+$0x0], $0xffff;
	[tilespmem:s23+$0x50] =	vst v16;
	s23 =	sadd.s32 $0x100, s23  }
0x48c: {  	v10 =	vld.idx.msk [tilespmem:v10+s21+$0x0], $0xffff;
	[tilespmem:s23+$0x60] =	vst v9  }
0x48d: {  	[tilespmem:s23+$0xFFFFFFA0] =	vst v2;
	v8 =	vld.idx.msk [tilespmem:v8+s21+$0x0], $0xffff  }
0x48e: {  	v2 =	vld.idx.msk [tilespmem:v11+s21+$0x0], $0xffff;
	[tilespmem:s23+$0xFFFFFFC0] =	vst v3  }
.Ltmp20:
0x48f: {  	v3 =	vld.idx.msk [tilespmem:v7+s21+$0x0], $0xffff;
	[tilespmem:s23+$0xFFFFFFE0] =	vst v4;
	(pc) =	sbr.rel @p0 .LBB2_42-.Ltmp20, $4  }
0x490: {  	v4 =	vld.idx.msk [tilespmem:v12+s21+$0x0], $0xffff;
	[tilespmem:s23+$0x0] =	vst v5  }
0x491: {  	v5 =	vld.idx.msk [tilespmem:v13+s21+$0x0], $0xffff;
	[tilespmem:s23+$0x20] =	vst v6  }
0x492: {  	v6 =	vld.idx.msk [tilespmem:v15+s21+$0x0], $0xffff;
	[tilespmem:s23+$0x40] =	vst v10  }
0x493: {  	s31 =	simm.s32 $0x0;
	s0 =	simm.s32 $0x19C90;
	s1 =	sadd.s32 $0x80, s1;
	v7 =	vld.idx.msk [tilespmem:v17+s21+$0x0], $0xffff;
	[tilespmem:s23+$0x70] =	vst v8  }
0x494: {  	_ =	sdelay $0x2  }
0x495: {  	[tilespmem:s23+$0xFFFFFF80] =	vst v2  }
0x496: {  	[tilespmem:s23+$0xFFFFFFB0] =	vst v3;
	v0 =	vld.idx.msk [tilespmem:v0+s21+$0x0], $0xffff  }
0x497: {  	v1 =	vld.idx.msk [tilespmem:v1+s21+$0x0], $0xffff;
	[tilespmem:s23+$0xFFFFFFD0] =	vst v4  }
0x498: {  	[tilespmem:s23+$0xFFFFFFF0] =	vst v5  }
0x499: {  	[tilespmem:s23+$0x10] =	vst v6  }
0x49a: {  	[tilespmem:s23+$0x30] =	vst v7  }
0x49b: {  	[tilespmem:s23+$0x50] =	vst v0  }
0x49c: {  	[tilespmem:s23+$0xFFFFFF90] =	vst v1  }
0x49d: {  	s25 =	sld [smem:$0x7F7]  }
.LBB2_44:
0x49e: {  	s1 =	sshra.s32 s31, $0x2  }
0x49f: {  	v0 =	vld [tilespmem:s1+$0x1780];
	_ =	sdelay $0x4  }
0x4a0: {  	v1 =	vand.u32 $0xFFFF, v0;
	_ =	sdelay $0x4  }
0x4a1: {  	v1 =	vld.idx.msk [tilespmem:v1+s21+$0x0], $0xffff  }
0x4a2: {  	v0 =	vshrl.u32 v0, $0x10;
	_ =	sdelay $0x3  }
0x4a3: {  	[tilespmem:s0+$0xFFFFFFF0] =	vst v1  }
0x4a4: {  	p0 =	sne.s32 s31, $0x80;
	v0 =	vld.idx.msk [tilespmem:v0+s21+$0x0], $0xffff  }
.Ltmp21:
0x4a5: {  	_ = 	snop;
	(pc) =	sbr.rel @p0 .LBB2_44-.Ltmp21, $2  }
0x4a6: {  	_ =	sdelay $0x2  }
0x4a7: {  	s31 =	sadd.s32 $0x40, s31;
	[tilespmem:s0+$0x0] =	vst v0;
	s0 =	sadd.s32 $0x20, s0  }
0x4a8: {  	s0 =	sld [smem:$0x7C5];
	_ =	sdelay $0x1  }
0x4a9: {  	s26 =	simm.s32 $0x2  }
0x4aa: {  	[tilespmem:s21], [sflag:$0x1] =	stream.linear.gather [hbm4b:s0+s3], $0x6DE0, $0x38;
	[tilespmem:$0x1CD00] =	vst v63  }
0x4ab: {  	_ =	swait.ge [sflag:s26], $0x6FE0  }
0x4ac: {  	[sflag:s26] =	ssyncset.done $0x0  }
0x4ad: {  	s31 =	simm.s32 $0x1820;
	[sflag:s26] =	ssyncadd.s32 $0xFFFF9020  }
0x4ae: {  	v0 =	vld [tilespmem:s31+$0x0]  }
0x4af: {  	v1 =	vld [tilespmem:s31+$0xFFFFFFA0]  }
0x4b0: {  	v2 =	vld [tilespmem:s31+$0xFFFFFFB0]  }
0x4b1: {  	v3 =	vld [tilespmem:s31+$0xFFFFFFC0]  }
0x4b2: {  	v4 =	vld [tilespmem:s31+$0xFFFFFFD0]  }
0x4b3: {  	v5 =	vld [tilespmem:s31+$0xFFFFFFE0];
	v6 =	vand.u32 $0xFFFF, v0  }
0x4b4: {  	v8 =	vld [tilespmem:s31+$0xFFFFFFF0];
	v7 =	vand.u32 $0xFFFF, v1  }
0x4b5: {  	v10 =	vld [tilespmem:s31+$0xFFFFFF90];
	v9 =	vand.u32 $0xFFFF, v2  }
0x4b6: {  	v11 =	vand.u32 $0xFFFF, v3  }
0x4b7: {  	v12 =	vand.u32 $0xFFFF, v4  }
0x4b8: {  	v13 =	vand.u32 $0xFFFF, v5;
	v6 =	vld.idx.msk [tilespmem:v6+s22+$0x0], $0xffff  }
0x4b9: {  	v14 =	vand.u32 $0xFFFF, v8;
	v7 =	vld.idx.msk [tilespmem:v7+s22+$0x0], $0xffff  }
0x4ba: {  	v15 =	vand.u32 $0xFFFF, v10;
	v9 =	vld.idx.msk [tilespmem:v9+s22+$0x0], $0xffff  }
0x4bb: {  	v0 =	vshrl.u32 v0, $0x10;
	v11 =	vld.idx.msk [tilespmem:v11+s22+$0x0], $0xffff  }
0x4bc: {  	v1 =	vshrl.u32 v1, $0x10;
	v12 =	vld.idx.msk [tilespmem:v12+s22+$0x0], $0xffff  }
0x4bd: {  	s23 =	simm.s32 $0x19DD0;
	v16 =	vshrl.u32 v2, $0x10;
	v13 =	vld.idx.msk [tilespmem:v13+s22+$0x0], $0xffff  }
0x4be: {  	v17 =	vshrl.u32 v3, $0x10;
	v14 =	vld.idx.msk [tilespmem:v14+s22+$0x0], $0xffff;
	[tilespmem:s23+$0xFFFFFFF0] =	vst v6  }
0x4bf: {  	v2 =	vld.idx.msk [tilespmem:v15+s22+$0x0], $0xffff;
	v6 =	vshrl.u32 v4, $0x10;
	[tilespmem:s23+$0xFFFFFF30] =	vst v7  }
0x4c0: {  	v7 =	vshrl.u32 v5, $0x10;
	[tilespmem:s23+$0xFFFFFF50] =	vst v9;
	v18 =	vld.idx.msk [tilespmem:v0+s22+$0x0], $0xffff  }
0x4c1: {  	[tilespmem:s23+$0xFFFFFF70] =	vst v11;
	v3 =	vld.idx.msk [tilespmem:v1+s22+$0x0], $0xffff  }
0x4c2: {  	[tilespmem:s23+$0xFFFFFF90] =	vst v12;
	v4 =	vld.idx.msk [tilespmem:v16+s22+$0x0], $0xffff  }
0x4c3: {  	[tilespmem:s23+$0xFFFFFFB0] =	vst v13;
	v5 =	vld.idx.msk [tilespmem:v17+s22+$0x0], $0xffff  }
0x4c4: {  	[tilespmem:s23+$0xFFFFFFD0] =	vst v14;
	v6 =	vld.idx.msk [tilespmem:v6+s22+$0x0], $0xffff  }
0x4c5: {  	s24 =	simm.s32 $0x17B;
	s1 =	simm.s32 $0x18A0;
	v0 =	vshrl.u32 v8, $0x10;
	v1 =	vshrl.u32 v10, $0x10;
	v7 =	vld.idx.msk [tilespmem:v7+s22+$0x0], $0xffff;
	[tilespmem:s23+$0x0] =	vst v18  }
.LBB2_46:
0x4c6: {  	v8 =	vld [tilespmem:s1+$0x0];
	s24 =	sadd.s32 $0x8, s24;
	[tilespmem:s23+$0xFFFFFF10] =	vst v2  }
0x4c7: {  	v2 =	vld [tilespmem:s1+$0xFFFFFFA0];
	p0 =	slt.u32 s24, $0x2F3;
	[tilespmem:s23+$0xFFFFFF40] =	vst v3  }
0x4c8: {  	v3 =	vld [tilespmem:s1+$0xFFFFFFB0];
	[tilespmem:s23+$0xFFFFFF60] =	vst v4  }
0x4c9: {  	v4 =	vld [tilespmem:s1+$0xFFFFFFC0];
	[tilespmem:s23+$0xFFFFFF80] =	vst v5  }
0x4ca: {  	v5 =	vld [tilespmem:s1+$0xFFFFFFD0];
	[tilespmem:s23+$0xFFFFFFA0] =	vst v6  }
0x4cb: {  	v6 =	vld [tilespmem:s1+$0xFFFFFFE0];
	v9 =	vand.u32 $0xFFFF, v8;
	[tilespmem:s23+$0xFFFFFFC0] =	vst v7  }
0x4cc: {  	v7 =	vshrl.u32 v2, $0x10;
	v2 =	vand.u32 $0xFFFF, v2;
	v10 =	vld [tilespmem:s1+$0xFFFFFFF0]  }
0x4cd: {  	v11 =	vld [tilespmem:s1+$0xFFFFFF90];
	v12 =	vshrl.u32 v3, $0x10;
	v3 =	vand.u32 $0xFFFF, v3  }
0x4ce: {  	v13 =	vshrl.u32 v4, $0x10;
	v4 =	vand.u32 $0xFFFF, v4;
	v14 =	vld.idx.msk [tilespmem:v1+s22+$0x0], $0xffff  }
0x4cf: {  	v15 =	vshrl.u32 v5, $0x10;
	v5 =	vand.u32 $0xFFFF, v5;
	v16 =	vld.idx.msk [tilespmem:v0+s22+$0x0], $0xffff  }
0x4d0: {  	v17 =	vshrl.u32 v6, $0x10;
	v6 =	vand.u32 $0xFFFF, v6;
	v9 =	vld.idx.msk [tilespmem:v9+s22+$0x0], $0xffff  }
0x4d1: {  	v2 =	vld.idx.msk [tilespmem:v2+s22+$0x0], $0xffff;
	v0 =	vshrl.u32 v10, $0x10;
	v10 =	vand.u32 $0xFFFF, v10  }
0x4d2: {  	v8 =	vshrl.u32 v8, $0x10;
	v1 =	vshrl.u32 v11, $0x10;
	v11 =	vand.u32 $0xFFFF, v11;
	v3 =	vld.idx.msk [tilespmem:v3+s22+$0x0], $0xffff  }
0x4d3: {  	v4 =	vld.idx.msk [tilespmem:v4+s22+$0x0], $0xffff  }
0x4d4: {  	v5 =	vld.idx.msk [tilespmem:v5+s22+$0x0], $0xffff;
	[tilespmem:s23+$0xFFFFFF20] =	vst v14  }
0x4d5: {  	v6 =	vld.idx.msk [tilespmem:v6+s22+$0x0], $0xffff;
	[tilespmem:s23+$0xFFFFFFE0] =	vst v16;
	s23 =	sadd.s32 $0x100, s23  }
0x4d6: {  	v10 =	vld.idx.msk [tilespmem:v10+s22+$0x0], $0xffff;
	[tilespmem:s23+$0xFFFFFFF0] =	vst v9  }
0x4d7: {  	[tilespmem:s23+$0xFFFFFF30] =	vst v2;
	v8 =	vld.idx.msk [tilespmem:v8+s22+$0x0], $0xffff  }
0x4d8: {  	v2 =	vld.idx.msk [tilespmem:v11+s22+$0x0], $0xffff;
	[tilespmem:s23+$0xFFFFFF50] =	vst v3  }
.Ltmp22:
0x4d9: {  	v3 =	vld.idx.msk [tilespmem:v7+s22+$0x0], $0xffff;
	[tilespmem:s23+$0xFFFFFF70] =	vst v4;
	(pc) =	sbr.rel @p0 .LBB2_46-.Ltmp22, $4  }
0x4da: {  	v4 =	vld.idx.msk [tilespmem:v12+s22+$0x0], $0xffff;
	[tilespmem:s23+$0xFFFFFF90] =	vst v5  }
0x4db: {  	v5 =	vld.idx.msk [tilespmem:v13+s22+$0x0], $0xffff;
	[tilespmem:s23+$0xFFFFFFB0] =	vst v6  }
0x4dc: {  	v6 =	vld.idx.msk [tilespmem:v15+s22+$0x0], $0xffff;
	[tilespmem:s23+$0xFFFFFFD0] =	vst v10  }
0x4dd: {  	s1 =	sadd.s32 $0x80, s1;
	v7 =	vld.idx.msk [tilespmem:v17+s22+$0x0], $0xffff;
	[tilespmem:s23+$0x0] =	vst v8  }
0x4de: {  	_ =	sdelay $0x2  }
0x4df: {  	[tilespmem:s23+$0xFFFFFF10] =	vst v2  }
0x4e0: {  	[tilespmem:s23+$0xFFFFFF40] =	vst v3;
	v0 =	vld.idx.msk [tilespmem:v0+s22+$0x0], $0xffff  }
0x4e1: {  	v1 =	vld.idx.msk [tilespmem:v1+s22+$0x0], $0xffff;
	[tilespmem:s23+$0xFFFFFF60] =	vst v4  }
0x4e2: {  	[tilespmem:s23+$0xFFFFFF80] =	vst v5  }
0x4e3: {  	[tilespmem:s23+$0xFFFFFFA0] =	vst v6  }
0x4e4: {  	[tilespmem:s23+$0xFFFFFFC0] =	vst v7  }
0x4e5: {  	[tilespmem:s23+$0xFFFFFFE0] =	vst v0  }
0x4e6: {  	[tilespmem:s23+$0xFFFFFF20] =	vst v1  }
0x4e7: {  	v0 =	vld [tilespmem:$0x2FB0];
	_ =	sdelay $0x4  }
0x4e8: {  	v63 =	vand.u32 $0xFFFF, v0;
	_ =	sdelay $0x4  }
0x4e9: {  	v1 =	vld.idx.msk [tilespmem:v63+s22+$0x0], $0xffff  }
0x4ea: {  	v0 =	vshrl.u32 v0, $0x10;
	_ =	sdelay $0x3  }
0x4eb: {  	[tilespmem:$0x1CCE0] =	vst v1  }
0x4ec: {  	v0 =	vld.idx.msk [tilespmem:v0+s22+$0x0], $0xffff;
	_ =	sdelay $0x2  }
0x4ed: {  	s4 =	rddreg [dreg:$0x1]  }
0x4ee: {  	s0 =	rddreg [dreg:$0x11]  }
0x4ef: {  	s15 =	sld [smem:$0x7E1];
	[tilespmem:$0x1CCF0] =	vst v0  }
0x4f0: {  	[tilespmem:s22], [sflag:$0x2] =	stream.linear.gather [hbm4b:s0+s3], $0x6FE0, $0x38;
	[tilespmem:$0x1CD00] =	vst v63  }
0x4f1: {  	s6 =	simm.s32 $0x16D80;
	s1 =	sadd.s32 s4, s25  }
0x4f2: {  	[hbm4b:s1+s3] =	stream.linear.scatter [tilespmem:s6], [sflag:$0x3], $0x80, $0x38;
	[tilespmem:$0x1CD00] =	vst v63  }
0x4f3: {  	s8 =	simm.s32 $0x16E00;
	s7 =	sadd.s32 s4, s15;
	s6 =	sld [smem:$0x7E2]  }
0x4f4: {  	[hbm4b:s7+s3] =	stream.linear.scatter [tilespmem:s8], [sflag:$0x3], $0x80, $0x38;
	[tilespmem:$0x1CD00] =	vst v63  }
0x4f5: {  	s7 =	sld [smem:$0x7E3]  }
0x4f6: {  	s10 =	simm.s32 $0x16E80;
	s8 =	sld [smem:$0x7E4];
	s9 =	sadd.s32 s4, s6  }
0x4f7: {  	[hbm4b:s9+s3] =	stream.linear.scatter [tilespmem:s10], [sflag:$0x3], $0x80, $0x38;
	[tilespmem:$0x1CD00] =	vst v63  }
0x4f8: {  	s12 =	simm.s32 $0x16F00;
	s9 =	sld [smem:$0x7E5];
	s11 =	sadd.s32 s4, s7  }
0x4f9: {  	[hbm4b:s11+s3] =	stream.linear.scatter [tilespmem:s12], [sflag:$0x3], $0x80, $0x38;
	[tilespmem:$0x1CD00] =	vst v63  }
0x4fa: {  	s14 =	simm.s32 $0x16F80;
	s10 =	sld [smem:$0x7E6];
	s13 =	sadd.s32 s4, s8  }
0x4fb: {  	[hbm4b:s13+s3] =	stream.linear.scatter [tilespmem:s14], [sflag:$0x3], $0x80, $0x38;
	[tilespmem:$0x1CD00] =	vst v63  }
0x4fc: {  	s23 =	simm.s32 $0x17000;
	s16 =	sadd.s32 s4, s9  }
0x4fd: {  	[hbm4b:s16+s3] =	stream.linear.scatter [tilespmem:s23], [sflag:$0x3], $0x80, $0x38;
	[tilespmem:$0x1CD00] =	vst v63  }
0x4fe: {  	s26 =	simm.s32 $0x17080;
	s24 =	sadd.s32 s4, s10  }
0x4ff: {  	[hbm4b:s24+s3] =	stream.linear.scatter [tilespmem:s26], [sflag:$0x3], $0x80, $0x38;
	[tilespmem:$0x1CD00] =	vst v63  }
0x500: {  	s26 =	sld [smem:$0x7E7];
	_ =	sdelay $0x1  }
0x501: {  	s31 =	simm.s32 $0x17100;
	s1 =	simm.s32 $0x0  }
0x502: {  	s23 =	simm.s32 $0x17180;
	s24 =	sadd.s32 $0x400, s4;
	s0 =	sadd.s32 s4, s26  }
.LBB2_48:
0x503: {  	[hbm4b:s0+s3] =	stream.linear.scatter [tilespmem:s31], [sflag:$0x3], $0x80, $0x38;
	[tilespmem:$0x1CD00] =	vst v63  }
0x504: {  	s0 =	sadd.s32 s24, s25;
	s1 =	sadd.s32 $0x8, s1;
	s4 =	smov.u32 s23  }
0x505: {  	[hbm4b:s0+s3] =	stream.linear.scatter [tilespmem:s23], [sflag:$0x3], $0x80, $0x38;
	[tilespmem:$0x1CD00] =	vst v63  }
0x506: {  	s31 =	sadd.s32 $0x80, s23;
	p0 =	slt.u32 s1, $0xB0;
	s0 =	sadd.s32 s24, s15  }
0x507: {  	[hbm4b:s0+s3] =	stream.linear.scatter [tilespmem:s31], [sflag:$0x3], $0x80, $0x38;
	[tilespmem:$0x1CD00] =	vst v63  }
0x508: {  	s0 =	sadd.s32 s24, s6;
	s31 =	sadd.s32 $0x100, s23  }
0x509: {  	[hbm4b:s0+s3] =	stream.linear.scatter [tilespmem:s31], [sflag:$0x3], $0x80, $0x38;
	[tilespmem:$0x1CD00] =	vst v63  }
0x50a: {  	s0 =	sadd.s32 s24, s7;
	s31 =	sadd.s32 $0x180, s23  }
0x50b: {  	[hbm4b:s0+s3] =	stream.linear.scatter [tilespmem:s31], [sflag:$0x3], $0x80, $0x38;
	[tilespmem:$0x1CD00] =	vst v63  }
0x50c: {  	s0 =	sadd.s32 s24, s8;
	s31 =	sadd.s32 $0x200, s23  }
0x50d: {  	[hbm4b:s0+s3] =	stream.linear.scatter [tilespmem:s31], [sflag:$0x3], $0x80, $0x38;
	[tilespmem:$0x1CD00] =	vst v63  }
.Ltmp23:
0x50e: {  	s0 =	sadd.s32 s24, s9;
	s31 =	sadd.s32 $0x280, s23;
	(pc) =	sbr.rel @p0 .LBB2_48-.Ltmp23, $4  }
0x50f: {  	[hbm4b:s0+s3] =	stream.linear.scatter [tilespmem:s31], [sflag:$0x3], $0x80, $0x38;
	[tilespmem:$0x1CD00] =	vst v63  }
0x510: {  	s23 =	sadd.s32 $0x400, s23;
	s0 =	sadd.s32 s24, s10;
	s31 =	sadd.s32 $0x300, s4  }
0x511: {  	[hbm4b:s0+s3] =	stream.linear.scatter [tilespmem:s31], [sflag:$0x3], $0x80, $0x38;
	[tilespmem:$0x1CD00] =	vst v63  }
0x512: {  	s0 =	sadd.s32 s24, s26;
	s31 =	sadd.s32 $0x380, s4;
	s24 =	sadd.s32 $0x400, s24  }
0x513: {  	s6 =	sld [smem:$0x7A6]  }
0x514: {  	[hbm4b:s0+s3] =	stream.linear.scatter [tilespmem:s31], [sflag:$0x3], $0x80, $0x38;
	[tilespmem:$0x1CD00] =	vst v63  }
0x515: {  	s1 =	simm.s32 $0x1C980;
	s7 =	sld [smem:$0x7A7]  }
0x516: {  	[hbm4b:s6+s3] =	stream.linear.scatter [tilespmem:s1], [sflag:$0x3], $0x80, $0x38;
	[tilespmem:$0x1CD00] =	vst v63  }
0x517: {  	s8 =	simm.s32 $0x1CA00;
	s9 =	sld [smem:$0x7A8]  }
0x518: {  	[hbm4b:s7+s3] =	stream.linear.scatter [tilespmem:s8], [sflag:$0x3], $0x80, $0x38;
	[tilespmem:$0x1CD00] =	vst v63  }
0x519: {  	s10 =	simm.s32 $0x1CA80;
	s11 =	sld [smem:$0x7A9]  }
0x51a: {  	[hbm4b:s9+s3] =	stream.linear.scatter [tilespmem:s10], [sflag:$0x3], $0x80, $0x38;
	[tilespmem:$0x1CD00] =	vst v63  }
0x51b: {  	s12 =	simm.s32 $0x1CB00;
	s13 =	sld [smem:$0x7AA]  }
0x51c: {  	[hbm4b:s11+s3] =	stream.linear.scatter [tilespmem:s12], [sflag:$0x3], $0x80, $0x38;
	[tilespmem:$0x1CD00] =	vst v63  }
0x51d: {  	s14 =	simm.s32 $0x1CB80;
	s15 =	sld [smem:$0x7AB]  }
0x51e: {  	[hbm4b:s13+s3] =	stream.linear.scatter [tilespmem:s14], [sflag:$0x3], $0x80, $0x38;
	[tilespmem:$0x1CD00] =	vst v63  }
0x51f: {  	s16 =	simm.s32 $0x1CC00;
	s23 =	sld [smem:$0x7BE]  }
0x520: {  	[hbm4b:s15+s3] =	stream.linear.scatter [tilespmem:s16], [sflag:$0x3], $0x80, $0x38;
	[tilespmem:$0x1CD00] =	vst v63  }
0x521: {  	s24 =	simm.s32 $0x1CC80;
	s25 =	simm.s32 $0x1  }
0x522: {  	[hbm4b:s23+s3] =	stream.linear.scatter [tilespmem:s24], [sflag:$0x3], $0x80, $0x38;
	[tilespmem:$0x1CD00] =	vst v63  }
0x523: {  	_ =	swait.ge [sflag:s25], $0x6DE0  }
0x524: {  	[sflag:s25] =	ssyncset.done $0x0  }
0x525: {  	s26 =	simm.s32 $0x3;
	[sflag:s25] =	ssyncadd.s32 $0xFFFF9220  }
0x526: {  	_ =	swait.ge [sflag:s26], $0x5F80  }
0x527: {  	[sflag:s26] =	ssyncset.done $0x0  }
0x528: {  	s31 =	simm.s32 $0x40;
	[sflag:s26] =	ssyncadd.s32 $0xFFFFA080  }
0x529: {  	v0 =	vld [tilespmem:s31+$0x30]  }
0x52a: {  	v1 =	vld [tilespmem:s31+$0xFFFFFFD0]  }
0x52b: {  	v2 =	vld [tilespmem:s31+$0xFFFFFFE0]  }
0x52c: {  	v3 =	vld [tilespmem:s31+$0xFFFFFFF0]  }
0x52d: {  	v4 =	vld [tilespmem:s31+$0x0]  }
0x52e: {  	v5 =	vld [tilespmem:s31+$0x10];
	v6 =	vand.u32 $0xFFFF, v0  }
0x52f: {  	v8 =	vld [tilespmem:s31+$0x20];
	v7 =	vand.u32 $0xFFFF, v1  }
0x530: {  	v10 =	vld [tilespmem:s31+$0xFFFFFFC0];
	v9 =	vand.u32 $0xFFFF, v2  }
0x531: {  	v11 =	vand.u32 $0xFFFF, v3  }
0x532: {  	v12 =	vand.u32 $0xFFFF, v4  }
0x533: {  	v13 =	vand.u32 $0xFFFF, v5;
	v6 =	vld.idx.msk [tilespmem:v6+s21+$0x0], $0xffff  }
0x534: {  	v14 =	vand.u32 $0xFFFF, v8;
	v7 =	vld.idx.msk [tilespmem:v7+s21+$0x0], $0xffff  }
0x535: {  	v15 =	vand.u32 $0xFFFF, v10;
	v9 =	vld.idx.msk [tilespmem:v9+s21+$0x0], $0xffff  }
0x536: {  	v0 =	vshrl.u32 v0, $0x10;
	v11 =	vld.idx.msk [tilespmem:v11+s21+$0x0], $0xffff  }
0x537: {  	v1 =	vshrl.u32 v1, $0x10;
	v12 =	vld.idx.msk [tilespmem:v12+s21+$0x0], $0xffff  }
0x538: {  	s23 =	simm.s32 $0x10E80;
	v16 =	vshrl.u32 v2, $0x10;
	v13 =	vld.idx.msk [tilespmem:v13+s21+$0x0], $0xffff  }
0x539: {  	v17 =	vshrl.u32 v3, $0x10;
	v14 =	vld.idx.msk [tilespmem:v14+s21+$0x0], $0xffff;
	[tilespmem:s23+$0x60] =	vst v6  }
0x53a: {  	v2 =	vld.idx.msk [tilespmem:v15+s21+$0x0], $0xffff;
	v6 =	vshrl.u32 v4, $0x10;
	[tilespmem:s23+$0xFFFFFFA0] =	vst v7  }
0x53b: {  	v7 =	vshrl.u32 v5, $0x10;
	[tilespmem:s23+$0xFFFFFFC0] =	vst v9;
	v18 =	vld.idx.msk [tilespmem:v0+s21+$0x0], $0xffff  }
0x53c: {  	[tilespmem:s23+$0xFFFFFFE0] =	vst v11;
	v3 =	vld.idx.msk [tilespmem:v1+s21+$0x0], $0xffff  }
0x53d: {  	[tilespmem:s23+$0x0] =	vst v12;
	v4 =	vld.idx.msk [tilespmem:v16+s21+$0x0], $0xffff  }
0x53e: {  	[tilespmem:s23+$0x20] =	vst v13;
	v5 =	vld.idx.msk [tilespmem:v17+s21+$0x0], $0xffff  }
0x53f: {  	[tilespmem:s23+$0x40] =	vst v14;
	v6 =	vld.idx.msk [tilespmem:v6+s21+$0x0], $0xffff  }
0x540: {  	s1 =	simm.s32 $0xC0;
	s24 =	simm.s32 $0x0;
	v0 =	vshrl.u32 v8, $0x10;
	v1 =	vshrl.u32 v10, $0x10;
	v7 =	vld.idx.msk [tilespmem:v7+s21+$0x0], $0xffff;
	[tilespmem:s23+$0x70] =	vst v18  }
.LBB2_50:
0x541: {  	v8 =	vld [tilespmem:s1+$0x30];
	s24 =	sadd.s32 $0x8, s24;
	[tilespmem:s23+$0xFFFFFF80] =	vst v2  }
0x542: {  	v2 =	vld [tilespmem:s1+$0xFFFFFFD0];
	p0 =	slt.u32 s24, $0x170;
	[tilespmem:s23+$0xFFFFFFB0] =	vst v3  }
0x543: {  	v3 =	vld [tilespmem:s1+$0xFFFFFFE0];
	[tilespmem:s23+$0xFFFFFFD0] =	vst v4  }
0x544: {  	v4 =	vld [tilespmem:s1+$0xFFFFFFF0];
	[tilespmem:s23+$0xFFFFFFF0] =	vst v5  }
0x545: {  	v5 =	vld [tilespmem:s1+$0x0];
	[tilespmem:s23+$0x10] =	vst v6  }
0x546: {  	v6 =	vld [tilespmem:s1+$0x10];
	v9 =	vand.u32 $0xFFFF, v8;
	[tilespmem:s23+$0x30] =	vst v7  }
0x547: {  	v7 =	vshrl.u32 v2, $0x10;
	v2 =	vand.u32 $0xFFFF, v2;
	v10 =	vld [tilespmem:s1+$0x20]  }
0x548: {  	v11 =	vld [tilespmem:s1+$0xFFFFFFC0];
	v12 =	vshrl.u32 v3, $0x10;
	v3 =	vand.u32 $0xFFFF, v3  }
0x549: {  	v13 =	vshrl.u32 v4, $0x10;
	v4 =	vand.u32 $0xFFFF, v4;
	v14 =	vld.idx.msk [tilespmem:v1+s21+$0x0], $0xffff  }
0x54a: {  	v15 =	vshrl.u32 v5, $0x10;
	v5 =	vand.u32 $0xFFFF, v5;
	v16 =	vld.idx.msk [tilespmem:v0+s21+$0x0], $0xffff  }
0x54b: {  	v17 =	vshrl.u32 v6, $0x10;
	v6 =	vand.u32 $0xFFFF, v6;
	v9 =	vld.idx.msk [tilespmem:v9+s21+$0x0], $0xffff  }
0x54c: {  	v2 =	vld.idx.msk [tilespmem:v2+s21+$0x0], $0xffff;
	v0 =	vshrl.u32 v10, $0x10;
	v10 =	vand.u32 $0xFFFF, v10  }
0x54d: {  	v8 =	vshrl.u32 v8, $0x10;
	v1 =	vshrl.u32 v11, $0x10;
	v11 =	vand.u32 $0xFFFF, v11;
	v3 =	vld.idx.msk [tilespmem:v3+s21+$0x0], $0xffff  }
0x54e: {  	v4 =	vld.idx.msk [tilespmem:v4+s21+$0x0], $0xffff  }
0x54f: {  	v5 =	vld.idx.msk [tilespmem:v5+s21+$0x0], $0xffff;
	[tilespmem:s23+$0xFFFFFF90] =	vst v14  }
0x550: {  	v6 =	vld.idx.msk [tilespmem:v6+s21+$0x0], $0xffff;
	[tilespmem:s23+$0x50] =	vst v16;
	s23 =	sadd.s32 $0x100, s23  }
0x551: {  	v10 =	vld.idx.msk [tilespmem:v10+s21+$0x0], $0xffff;
	[tilespmem:s23+$0x60] =	vst v9  }
0x552: {  	[tilespmem:s23+$0xFFFFFFA0] =	vst v2;
	v8 =	vld.idx.msk [tilespmem:v8+s21+$0x0], $0xffff  }
0x553: {  	v2 =	vld.idx.msk [tilespmem:v11+s21+$0x0], $0xffff;
	[tilespmem:s23+$0xFFFFFFC0] =	vst v3  }
.Ltmp24:
0x554: {  	v3 =	vld.idx.msk [tilespmem:v7+s21+$0x0], $0xffff;
	[tilespmem:s23+$0xFFFFFFE0] =	vst v4;
	(pc) =	sbr.rel @p0 .LBB2_50-.Ltmp24, $4  }
0x555: {  	v4 =	vld.idx.msk [tilespmem:v12+s21+$0x0], $0xffff;
	[tilespmem:s23+$0x0] =	vst v5  }
0x556: {  	v5 =	vld.idx.msk [tilespmem:v13+s21+$0x0], $0xffff;
	[tilespmem:s23+$0x20] =	vst v6  }
0x557: {  	v6 =	vld.idx.msk [tilespmem:v15+s21+$0x0], $0xffff;
	[tilespmem:s23+$0x40] =	vst v10  }
0x558: {  	s31 =	simm.s32 $0x0;
	s0 =	simm.s32 $0x13D10;
	s1 =	sadd.s32 $0x80, s1;
	v7 =	vld.idx.msk [tilespmem:v17+s21+$0x0], $0xffff;
	[tilespmem:s23+$0x70] =	vst v8  }
0x559: {  	_ =	sdelay $0x2  }
0x55a: {  	[tilespmem:s23+$0xFFFFFF80] =	vst v2  }
0x55b: {  	[tilespmem:s23+$0xFFFFFFB0] =	vst v3;
	v0 =	vld.idx.msk [tilespmem:v0+s21+$0x0], $0xffff  }
0x55c: {  	v1 =	vld.idx.msk [tilespmem:v1+s21+$0x0], $0xffff;
	[tilespmem:s23+$0xFFFFFFD0] =	vst v4  }
0x55d: {  	[tilespmem:s23+$0xFFFFFFF0] =	vst v5  }
0x55e: {  	[tilespmem:s23+$0x10] =	vst v6  }
0x55f: {  	[tilespmem:s23+$0x30] =	vst v7  }
0x560: {  	[tilespmem:s23+$0x50] =	vst v0  }
0x561: {  	[tilespmem:s23+$0xFFFFFF90] =	vst v1  }
0x562: {  	s26 =	sld [smem:$0x7F8]  }
.LBB2_52:
0x563: {  	s1 =	sshra.s32 s31, $0x2  }
0x564: {  	v0 =	vld [tilespmem:s1+$0x1780];
	_ =	sdelay $0x4  }
0x565: {  	v1 =	vand.u32 $0xFFFF, v0;
	_ =	sdelay $0x4  }
0x566: {  	v1 =	vld.idx.msk [tilespmem:v1+s21+$0x0], $0xffff  }
0x567: {  	v0 =	vshrl.u32 v0, $0x10;
	_ =	sdelay $0x3  }
0x568: {  	[tilespmem:s0+$0xFFFFFFF0] =	vst v1  }
0x569: {  	p0 =	sne.s32 s31, $0x80;
	v0 =	vld.idx.msk [tilespmem:v0+s21+$0x0], $0xffff  }
.Ltmp25:
0x56a: {  	_ = 	snop;
	(pc) =	sbr.rel @p0 .LBB2_52-.Ltmp25, $2  }
0x56b: {  	_ =	sdelay $0x2  }
0x56c: {  	s31 =	sadd.s32 $0x40, s31;
	[tilespmem:s0+$0x0] =	vst v0;
	s0 =	sadd.s32 $0x20, s0  }
0x56d: {  	s0 =	sld [smem:$0x7C6];
	_ =	sdelay $0x1  }
0x56e: {  	s25 =	simm.s32 $0x2  }
0x56f: {  	[tilespmem:s21], [sflag:$0x1] =	stream.linear.gather [hbm4b:s0+s3], $0x6DE0, $0x38;
	[tilespmem:$0x1CD00] =	vst v63  }
0x570: {  	_ =	swait.ge [sflag:s25], $0x6FE0  }
0x571: {  	[sflag:s25] =	ssyncset.done $0x0  }
0x572: {  	s31 =	simm.s32 $0x1820;
	[sflag:s25] =	ssyncadd.s32 $0xFFFF9020  }
0x573: {  	v0 =	vld [tilespmem:s31+$0x0]  }
0x574: {  	v1 =	vld [tilespmem:s31+$0xFFFFFFA0]  }
0x575: {  	v2 =	vld [tilespmem:s31+$0xFFFFFFB0]  }
0x576: {  	v3 =	vld [tilespmem:s31+$0xFFFFFFC0]  }
0x577: {  	v4 =	vld [tilespmem:s31+$0xFFFFFFD0]  }
0x578: {  	v5 =	vld [tilespmem:s31+$0xFFFFFFE0];
	v6 =	vand.u32 $0xFFFF, v0  }
0x579: {  	v8 =	vld [tilespmem:s31+$0xFFFFFFF0];
	v7 =	vand.u32 $0xFFFF, v1  }
0x57a: {  	v10 =	vld [tilespmem:s31+$0xFFFFFF90];
	v9 =	vand.u32 $0xFFFF, v2  }
0x57b: {  	v11 =	vand.u32 $0xFFFF, v3  }
0x57c: {  	v12 =	vand.u32 $0xFFFF, v4  }
0x57d: {  	v13 =	vand.u32 $0xFFFF, v5;
	v6 =	vld.idx.msk [tilespmem:v6+s22+$0x0], $0xffff  }
0x57e: {  	v14 =	vand.u32 $0xFFFF, v8;
	v7 =	vld.idx.msk [tilespmem:v7+s22+$0x0], $0xffff  }
0x57f: {  	v15 =	vand.u32 $0xFFFF, v10;
	v9 =	vld.idx.msk [tilespmem:v9+s22+$0x0], $0xffff  }
0x580: {  	v0 =	vshrl.u32 v0, $0x10;
	v11 =	vld.idx.msk [tilespmem:v11+s22+$0x0], $0xffff  }
0x581: {  	v1 =	vshrl.u32 v1, $0x10;
	v12 =	vld.idx.msk [tilespmem:v12+s22+$0x0], $0xffff  }
0x582: {  	s23 =	simm.s32 $0x13E50;
	v16 =	vshrl.u32 v2, $0x10;
	v13 =	vld.idx.msk [tilespmem:v13+s22+$0x0], $0xffff  }
0x583: {  	v17 =	vshrl.u32 v3, $0x10;
	v14 =	vld.idx.msk [tilespmem:v14+s22+$0x0], $0xffff;
	[tilespmem:s23+$0xFFFFFFF0] =	vst v6  }
0x584: {  	v2 =	vld.idx.msk [tilespmem:v15+s22+$0x0], $0xffff;
	v6 =	vshrl.u32 v4, $0x10;
	[tilespmem:s23+$0xFFFFFF30] =	vst v7  }
0x585: {  	v7 =	vshrl.u32 v5, $0x10;
	[tilespmem:s23+$0xFFFFFF50] =	vst v9;
	v18 =	vld.idx.msk [tilespmem:v0+s22+$0x0], $0xffff  }
0x586: {  	[tilespmem:s23+$0xFFFFFF70] =	vst v11;
	v3 =	vld.idx.msk [tilespmem:v1+s22+$0x0], $0xffff  }
0x587: {  	[tilespmem:s23+$0xFFFFFF90] =	vst v12;
	v4 =	vld.idx.msk [tilespmem:v16+s22+$0x0], $0xffff  }
0x588: {  	[tilespmem:s23+$0xFFFFFFB0] =	vst v13;
	v5 =	vld.idx.msk [tilespmem:v17+s22+$0x0], $0xffff  }
0x589: {  	[tilespmem:s23+$0xFFFFFFD0] =	vst v14;
	v6 =	vld.idx.msk [tilespmem:v6+s22+$0x0], $0xffff  }
0x58a: {  	s24 =	simm.s32 $0x17B;
	s1 =	simm.s32 $0x18A0;
	v0 =	vshrl.u32 v8, $0x10;
	v1 =	vshrl.u32 v10, $0x10;
	v7 =	vld.idx.msk [tilespmem:v7+s22+$0x0], $0xffff;
	[tilespmem:s23+$0x0] =	vst v18  }
.LBB2_54:
0x58b: {  	v8 =	vld [tilespmem:s1+$0x0];
	s24 =	sadd.s32 $0x8, s24;
	[tilespmem:s23+$0xFFFFFF10] =	vst v2  }
0x58c: {  	v2 =	vld [tilespmem:s1+$0xFFFFFFA0];
	p0 =	slt.u32 s24, $0x2F3;
	[tilespmem:s23+$0xFFFFFF40] =	vst v3  }
0x58d: {  	v3 =	vld [tilespmem:s1+$0xFFFFFFB0];
	[tilespmem:s23+$0xFFFFFF60] =	vst v4  }
0x58e: {  	v4 =	vld [tilespmem:s1+$0xFFFFFFC0];
	[tilespmem:s23+$0xFFFFFF80] =	vst v5  }
0x58f: {  	v5 =	vld [tilespmem:s1+$0xFFFFFFD0];
	[tilespmem:s23+$0xFFFFFFA0] =	vst v6  }
0x590: {  	v6 =	vld [tilespmem:s1+$0xFFFFFFE0];
	v9 =	vand.u32 $0xFFFF, v8;
	[tilespmem:s23+$0xFFFFFFC0] =	vst v7  }
0x591: {  	v7 =	vshrl.u32 v2, $0x10;
	v2 =	vand.u32 $0xFFFF, v2;
	v10 =	vld [tilespmem:s1+$0xFFFFFFF0]  }
0x592: {  	v11 =	vld [tilespmem:s1+$0xFFFFFF90];
	v12 =	vshrl.u32 v3, $0x10;
	v3 =	vand.u32 $0xFFFF, v3  }
0x593: {  	v13 =	vshrl.u32 v4, $0x10;
	v4 =	vand.u32 $0xFFFF, v4;
	v14 =	vld.idx.msk [tilespmem:v1+s22+$0x0], $0xffff  }
0x594: {  	v15 =	vshrl.u32 v5, $0x10;
	v5 =	vand.u32 $0xFFFF, v5;
	v16 =	vld.idx.msk [tilespmem:v0+s22+$0x0], $0xffff  }
0x595: {  	v17 =	vshrl.u32 v6, $0x10;
	v6 =	vand.u32 $0xFFFF, v6;
	v9 =	vld.idx.msk [tilespmem:v9+s22+$0x0], $0xffff  }
0x596: {  	v2 =	vld.idx.msk [tilespmem:v2+s22+$0x0], $0xffff;
	v0 =	vshrl.u32 v10, $0x10;
	v10 =	vand.u32 $0xFFFF, v10  }
0x597: {  	v8 =	vshrl.u32 v8, $0x10;
	v1 =	vshrl.u32 v11, $0x10;
	v11 =	vand.u32 $0xFFFF, v11;
	v3 =	vld.idx.msk [tilespmem:v3+s22+$0x0], $0xffff  }
0x598: {  	v4 =	vld.idx.msk [tilespmem:v4+s22+$0x0], $0xffff  }
0x599: {  	v5 =	vld.idx.msk [tilespmem:v5+s22+$0x0], $0xffff;
	[tilespmem:s23+$0xFFFFFF20] =	vst v14  }
0x59a: {  	v6 =	vld.idx.msk [tilespmem:v6+s22+$0x0], $0xffff;
	[tilespmem:s23+$0xFFFFFFE0] =	vst v16;
	s23 =	sadd.s32 $0x100, s23  }
0x59b: {  	v10 =	vld.idx.msk [tilespmem:v10+s22+$0x0], $0xffff;
	[tilespmem:s23+$0xFFFFFFF0] =	vst v9  }
0x59c: {  	[tilespmem:s23+$0xFFFFFF30] =	vst v2;
	v8 =	vld.idx.msk [tilespmem:v8+s22+$0x0], $0xffff  }
0x59d: {  	v2 =	vld.idx.msk [tilespmem:v11+s22+$0x0], $0xffff;
	[tilespmem:s23+$0xFFFFFF50] =	vst v3  }
.Ltmp26:
0x59e: {  	v3 =	vld.idx.msk [tilespmem:v7+s22+$0x0], $0xffff;
	[tilespmem:s23+$0xFFFFFF70] =	vst v4;
	(pc) =	sbr.rel @p0 .LBB2_54-.Ltmp26, $4  }
0x59f: {  	v4 =	vld.idx.msk [tilespmem:v12+s22+$0x0], $0xffff;
	[tilespmem:s23+$0xFFFFFF90] =	vst v5  }
0x5a0: {  	v5 =	vld.idx.msk [tilespmem:v13+s22+$0x0], $0xffff;
	[tilespmem:s23+$0xFFFFFFB0] =	vst v6  }
0x5a1: {  	v6 =	vld.idx.msk [tilespmem:v15+s22+$0x0], $0xffff;
	[tilespmem:s23+$0xFFFFFFD0] =	vst v10  }
0x5a2: {  	s1 =	sadd.s32 $0x80, s1;
	v7 =	vld.idx.msk [tilespmem:v17+s22+$0x0], $0xffff;
	[tilespmem:s23+$0x0] =	vst v8  }
0x5a3: {  	_ =	sdelay $0x2  }
0x5a4: {  	[tilespmem:s23+$0xFFFFFF10] =	vst v2  }
0x5a5: {  	[tilespmem:s23+$0xFFFFFF40] =	vst v3;
	v0 =	vld.idx.msk [tilespmem:v0+s22+$0x0], $0xffff  }
0x5a6: {  	v1 =	vld.idx.msk [tilespmem:v1+s22+$0x0], $0xffff;
	[tilespmem:s23+$0xFFFFFF60] =	vst v4  }
0x5a7: {  	[tilespmem:s23+$0xFFFFFF80] =	vst v5  }
0x5a8: {  	[tilespmem:s23+$0xFFFFFFA0] =	vst v6  }
0x5a9: {  	[tilespmem:s23+$0xFFFFFFC0] =	vst v7  }
0x5aa: {  	[tilespmem:s23+$0xFFFFFFE0] =	vst v0  }
0x5ab: {  	[tilespmem:s23+$0xFFFFFF20] =	vst v1  }
0x5ac: {  	v0 =	vld [tilespmem:$0x2FB0];
	_ =	sdelay $0x4  }
0x5ad: {  	v63 =	vand.u32 $0xFFFF, v0;
	_ =	sdelay $0x4  }
0x5ae: {  	v1 =	vld.idx.msk [tilespmem:v63+s22+$0x0], $0xffff  }
0x5af: {  	v0 =	vshrl.u32 v0, $0x10;
	_ =	sdelay $0x3  }
0x5b0: {  	[tilespmem:$0x16D60] =	vst v1  }
0x5b1: {  	v0 =	vld.idx.msk [tilespmem:v0+s22+$0x0], $0xffff;
	_ =	sdelay $0x2  }
0x5b2: {  	s4 =	rddreg [dreg:$0x1]  }
0x5b3: {  	s0 =	rddreg [dreg:$0x12]  }
0x5b4: {  	s15 =	sld [smem:$0x7E8];
	[tilespmem:$0x16D70] =	vst v0  }
0x5b5: {  	[tilespmem:s22], [sflag:$0x2] =	stream.linear.gather [hbm4b:s0+s3], $0x6FE0, $0x38;
	[tilespmem:$0x1CD00] =	vst v63  }
0x5b6: {  	s6 =	simm.s32 $0x10E00;
	s1 =	sadd.s32 s4, s26  }
0x5b7: {  	[hbm4b:s1+s3] =	stream.linear.scatter [tilespmem:s6], [sflag:$0x3], $0x80, $0x38;
	[tilespmem:$0x1CD00] =	vst v63  }
0x5b8: {  	s8 =	simm.s32 $0x10E80;
	s7 =	sadd.s32 s4, s15;
	s6 =	sld [smem:$0x7F9]  }
0x5b9: {  	[hbm4b:s7+s3] =	stream.linear.scatter [tilespmem:s8], [sflag:$0x3], $0x80, $0x38;
	[tilespmem:$0x1CD00] =	vst v63  }
0x5ba: {  	s7 =	sld [smem:$0x7FA]  }
0x5bb: {  	s10 =	simm.s32 $0x10F00;
	s8 =	sld [smem:$0x7FB];
	s9 =	sadd.s32 s4, s6  }
0x5bc: {  	[hbm4b:s9+s3] =	stream.linear.scatter [tilespmem:s10], [sflag:$0x3], $0x80, $0x38;
	[tilespmem:$0x1CD00] =	vst v63  }
0x5bd: {  	s12 =	simm.s32 $0x10F80;
	s9 =	sld [smem:$0x7FC];
	s11 =	sadd.s32 s4, s7  }
0x5be: {  	[hbm4b:s11+s3] =	stream.linear.scatter [tilespmem:s12], [sflag:$0x3], $0x80, $0x38;
	[tilespmem:$0x1CD00] =	vst v63  }
0x5bf: {  	s14 =	simm.s32 $0x11000;
	s10 =	sld [smem:$0x7FD];
	s13 =	sadd.s32 s4, s8  }
0x5c0: {  	[hbm4b:s13+s3] =	stream.linear.scatter [tilespmem:s14], [sflag:$0x3], $0x80, $0x38;
	[tilespmem:$0x1CD00] =	vst v63  }
0x5c1: {  	s25 =	simm.s32 $0x11100;
	s23 =	simm.s32 $0x11080;
	s16 =	sadd.s32 s4, s9  }
0x5c2: {  	[hbm4b:s16+s3] =	stream.linear.scatter [tilespmem:s23], [sflag:$0x3], $0x80, $0x38;
	[tilespmem:$0x1CD00] =	vst v63  }
0x5c3: {  	s31 =	simm.s32 $0x11180;
	s0 =	sadd.s32 s4, s28;
	s24 =	sadd.s32 s4, s10  }
0x5c4: {  	[hbm4b:s24+s3] =	stream.linear.scatter [tilespmem:s25], [sflag:$0x3], $0x80, $0x38;
	[tilespmem:$0x1CD00] =	vst v63  }
0x5c5: {  	s1 =	simm.s32 $0x0;
	s23 =	simm.s32 $0x11200;
	s24 =	sadd.s32 $0x400, s4  }
.LBB2_56:
0x5c6: {  	[hbm4b:s0+s3] =	stream.linear.scatter [tilespmem:s31], [sflag:$0x3], $0x80, $0x38;
	[tilespmem:$0x1CD00] =	vst v63  }
0x5c7: {  	s0 =	sadd.s32 s24, s26;
	s1 =	sadd.s32 $0x8, s1;
	s4 =	smov.u32 s23  }
0x5c8: {  	[hbm4b:s0+s3] =	stream.linear.scatter [tilespmem:s23], [sflag:$0x3], $0x80, $0x38;
	[tilespmem:$0x1CD00] =	vst v63  }
0x5c9: {  	s31 =	sadd.s32 $0x80, s23;
	p0 =	slt.u32 s1, $0xB0;
	s0 =	sadd.s32 s24, s15  }
0x5ca: {  	[hbm4b:s0+s3] =	stream.linear.scatter [tilespmem:s31], [sflag:$0x3], $0x80, $0x38;
	[tilespmem:$0x1CD00] =	vst v63  }
0x5cb: {  	s0 =	sadd.s32 s24, s6;
	s31 =	sadd.s32 $0x100, s23  }
0x5cc: {  	[hbm4b:s0+s3] =	stream.linear.scatter [tilespmem:s31], [sflag:$0x3], $0x80, $0x38;
	[tilespmem:$0x1CD00] =	vst v63  }
0x5cd: {  	s0 =	sadd.s32 s24, s7;
	s31 =	sadd.s32 $0x180, s23  }
0x5ce: {  	[hbm4b:s0+s3] =	stream.linear.scatter [tilespmem:s31], [sflag:$0x3], $0x80, $0x38;
	[tilespmem:$0x1CD00] =	vst v63  }
0x5cf: {  	s0 =	sadd.s32 s24, s8;
	s31 =	sadd.s32 $0x200, s23  }
0x5d0: {  	[hbm4b:s0+s3] =	stream.linear.scatter [tilespmem:s31], [sflag:$0x3], $0x80, $0x38;
	[tilespmem:$0x1CD00] =	vst v63  }
.Ltmp27:
0x5d1: {  	s0 =	sadd.s32 s24, s9;
	s31 =	sadd.s32 $0x280, s23;
	(pc) =	sbr.rel @p0 .LBB2_56-.Ltmp27, $4  }
0x5d2: {  	[hbm4b:s0+s3] =	stream.linear.scatter [tilespmem:s31], [sflag:$0x3], $0x80, $0x38;
	[tilespmem:$0x1CD00] =	vst v63  }
0x5d3: {  	s23 =	sadd.s32 $0x400, s23;
	s0 =	sadd.s32 s24, s10;
	s31 =	sadd.s32 $0x300, s4  }
0x5d4: {  	[hbm4b:s0+s3] =	stream.linear.scatter [tilespmem:s31], [sflag:$0x3], $0x80, $0x38;
	[tilespmem:$0x1CD00] =	vst v63  }
0x5d5: {  	s0 =	sadd.s32 s24, s28;
	s31 =	sadd.s32 $0x380, s4;
	s24 =	sadd.s32 $0x400, s24  }
0x5d6: {  	s6 =	sld [smem:$0x7AC]  }
0x5d7: {  	[hbm4b:s0+s3] =	stream.linear.scatter [tilespmem:s31], [sflag:$0x3], $0x80, $0x38;
	[tilespmem:$0x1CD00] =	vst v63  }
0x5d8: {  	s1 =	simm.s32 $0x16A00;
	s7 =	sld [smem:$0x7AD]  }
0x5d9: {  	[hbm4b:s6+s3] =	stream.linear.scatter [tilespmem:s1], [sflag:$0x3], $0x80, $0x38;
	[tilespmem:$0x1CD00] =	vst v63  }
0x5da: {  	s8 =	simm.s32 $0x16A80;
	s9 =	sld [smem:$0x7AE]  }
0x5db: {  	[hbm4b:s7+s3] =	stream.linear.scatter [tilespmem:s8], [sflag:$0x3], $0x80, $0x38;
	[tilespmem:$0x1CD00] =	vst v63  }
0x5dc: {  	s10 =	simm.s32 $0x16B00;
	s11 =	sld [smem:$0x7AF]  }
0x5dd: {  	[hbm4b:s9+s3] =	stream.linear.scatter [tilespmem:s10], [sflag:$0x3], $0x80, $0x38;
	[tilespmem:$0x1CD00] =	vst v63  }
0x5de: {  	s12 =	simm.s32 $0x16B80;
	s13 =	sld [smem:$0x7B0]  }
0x5df: {  	[hbm4b:s11+s3] =	stream.linear.scatter [tilespmem:s12], [sflag:$0x3], $0x80, $0x38;
	[tilespmem:$0x1CD00] =	vst v63  }
0x5e0: {  	s14 =	simm.s32 $0x16C00;
	s15 =	sld [smem:$0x7B1]  }
0x5e1: {  	[hbm4b:s13+s3] =	stream.linear.scatter [tilespmem:s14], [sflag:$0x3], $0x80, $0x38;
	[tilespmem:$0x1CD00] =	vst v63  }
0x5e2: {  	s16 =	simm.s32 $0x16C80;
	s23 =	sld [smem:$0x7BF]  }
0x5e3: {  	[hbm4b:s15+s3] =	stream.linear.scatter [tilespmem:s16], [sflag:$0x3], $0x80, $0x38;
	[tilespmem:$0x1CD00] =	vst v63  }
0x5e4: {  	s24 =	simm.s32 $0x16D00;
	s25 =	simm.s32 $0x1  }
0x5e5: {  	[hbm4b:s23+s3] =	stream.linear.scatter [tilespmem:s24], [sflag:$0x3], $0x80, $0x38;
	[tilespmem:$0x1CD00] =	vst v63  }
0x5e6: {  	_ =	swait.ge [sflag:s25], $0x6DE0  }
0x5e7: {  	[sflag:s25] =	ssyncset.done $0x0  }
0x5e8: {  	s26 =	simm.s32 $0x3;
	[sflag:s25] =	ssyncadd.s32 $0xFFFF9220  }
0x5e9: {  	_ =	swait.ge [sflag:s26], $0x5F80  }
0x5ea: {  	[sflag:s26] =	ssyncset.done $0x0  }
0x5eb: {  	s31 =	simm.s32 $0x40;
	[sflag:s26] =	ssyncadd.s32 $0xFFFFA080  }
0x5ec: {  	v0 =	vld [tilespmem:s31+$0x30]  }
0x5ed: {  	v1 =	vld [tilespmem:s31+$0xFFFFFFD0]  }
0x5ee: {  	v2 =	vld [tilespmem:s31+$0xFFFFFFE0]  }
0x5ef: {  	v3 =	vld [tilespmem:s31+$0xFFFFFFF0]  }
0x5f0: {  	v4 =	vld [tilespmem:s31+$0x0]  }
0x5f1: {  	v5 =	vld [tilespmem:s31+$0x10];
	v6 =	vand.u32 $0xFFFF, v0  }
0x5f2: {  	v8 =	vld [tilespmem:s31+$0x20];
	v7 =	vand.u32 $0xFFFF, v1  }
0x5f3: {  	v10 =	vld [tilespmem:s31+$0xFFFFFFC0];
	v9 =	vand.u32 $0xFFFF, v2  }
0x5f4: {  	v11 =	vand.u32 $0xFFFF, v3  }
0x5f5: {  	v12 =	vand.u32 $0xFFFF, v4  }
0x5f6: {  	v13 =	vand.u32 $0xFFFF, v5;
	v6 =	vld.idx.msk [tilespmem:v6+s21+$0x0], $0xffff  }
0x5f7: {  	v14 =	vand.u32 $0xFFFF, v8;
	v7 =	vld.idx.msk [tilespmem:v7+s21+$0x0], $0xffff  }
0x5f8: {  	v15 =	vand.u32 $0xFFFF, v10;
	v9 =	vld.idx.msk [tilespmem:v9+s21+$0x0], $0xffff  }
0x5f9: {  	v0 =	vshrl.u32 v0, $0x10;
	v11 =	vld.idx.msk [tilespmem:v11+s21+$0x0], $0xffff  }
0x5fa: {  	v1 =	vshrl.u32 v1, $0x10;
	v12 =	vld.idx.msk [tilespmem:v12+s21+$0x0], $0xffff  }
0x5fb: {  	s23 =	simm.s32 $0x16E00;
	v16 =	vshrl.u32 v2, $0x10;
	v13 =	vld.idx.msk [tilespmem:v13+s21+$0x0], $0xffff  }
0x5fc: {  	v17 =	vshrl.u32 v3, $0x10;
	v14 =	vld.idx.msk [tilespmem:v14+s21+$0x0], $0xffff;
	[tilespmem:s23+$0x60] =	vst v6  }
0x5fd: {  	v2 =	vld.idx.msk [tilespmem:v15+s21+$0x0], $0xffff;
	v6 =	vshrl.u32 v4, $0x10;
	[tilespmem:s23+$0xFFFFFFA0] =	vst v7  }
0x5fe: {  	v7 =	vshrl.u32 v5, $0x10;
	[tilespmem:s23+$0xFFFFFFC0] =	vst v9;
	v18 =	vld.idx.msk [tilespmem:v0+s21+$0x0], $0xffff  }
0x5ff: {  	[tilespmem:s23+$0xFFFFFFE0] =	vst v11;
	v3 =	vld.idx.msk [tilespmem:v1+s21+$0x0], $0xffff  }
0x600: {  	[tilespmem:s23+$0x0] =	vst v12;
	v4 =	vld.idx.msk [tilespmem:v16+s21+$0x0], $0xffff  }
0x601: {  	[tilespmem:s23+$0x20] =	vst v13;
	v5 =	vld.idx.msk [tilespmem:v17+s21+$0x0], $0xffff  }
0x602: {  	[tilespmem:s23+$0x40] =	vst v14;
	v6 =	vld.idx.msk [tilespmem:v6+s21+$0x0], $0xffff  }
0x603: {  	s1 =	simm.s32 $0xC0;
	s24 =	simm.s32 $0x0;
	v0 =	vshrl.u32 v8, $0x10;
	v1 =	vshrl.u32 v10, $0x10;
	v7 =	vld.idx.msk [tilespmem:v7+s21+$0x0], $0xffff;
	[tilespmem:s23+$0x70] =	vst v18  }
.LBB2_58:
0x604: {  	v8 =	vld [tilespmem:s1+$0x30];
	s24 =	sadd.s32 $0x8, s24;
	[tilespmem:s23+$0xFFFFFF80] =	vst v2  }
0x605: {  	v2 =	vld [tilespmem:s1+$0xFFFFFFD0];
	p0 =	slt.u32 s24, $0x170;
	[tilespmem:s23+$0xFFFFFFB0] =	vst v3  }
0x606: {  	v3 =	vld [tilespmem:s1+$0xFFFFFFE0];
	[tilespmem:s23+$0xFFFFFFD0] =	vst v4  }
0x607: {  	v4 =	vld [tilespmem:s1+$0xFFFFFFF0];
	[tilespmem:s23+$0xFFFFFFF0] =	vst v5  }
0x608: {  	v5 =	vld [tilespmem:s1+$0x0];
	[tilespmem:s23+$0x10] =	vst v6  }
0x609: {  	v6 =	vld [tilespmem:s1+$0x10];
	v9 =	vand.u32 $0xFFFF, v8;
	[tilespmem:s23+$0x30] =	vst v7  }
0x60a: {  	v7 =	vshrl.u32 v2, $0x10;
	v2 =	vand.u32 $0xFFFF, v2;
	v10 =	vld [tilespmem:s1+$0x20]  }
0x60b: {  	v11 =	vld [tilespmem:s1+$0xFFFFFFC0];
	v12 =	vshrl.u32 v3, $0x10;
	v3 =	vand.u32 $0xFFFF, v3  }
0x60c: {  	v13 =	vshrl.u32 v4, $0x10;
	v4 =	vand.u32 $0xFFFF, v4;
	v14 =	vld.idx.msk [tilespmem:v1+s21+$0x0], $0xffff  }
0x60d: {  	v15 =	vshrl.u32 v5, $0x10;
	v5 =	vand.u32 $0xFFFF, v5;
	v16 =	vld.idx.msk [tilespmem:v0+s21+$0x0], $0xffff  }
0x60e: {  	v17 =	vshrl.u32 v6, $0x10;
	v6 =	vand.u32 $0xFFFF, v6;
	v9 =	vld.idx.msk [tilespmem:v9+s21+$0x0], $0xffff  }
0x60f: {  	v2 =	vld.idx.msk [tilespmem:v2+s21+$0x0], $0xffff;
	v0 =	vshrl.u32 v10, $0x10;
	v10 =	vand.u32 $0xFFFF, v10  }
0x610: {  	v8 =	vshrl.u32 v8, $0x10;
	v1 =	vshrl.u32 v11, $0x10;
	v11 =	vand.u32 $0xFFFF, v11;
	v3 =	vld.idx.msk [tilespmem:v3+s21+$0x0], $0xffff  }
0x611: {  	v4 =	vld.idx.msk [tilespmem:v4+s21+$0x0], $0xffff  }
0x612: {  	v5 =	vld.idx.msk [tilespmem:v5+s21+$0x0], $0xffff;
	[tilespmem:s23+$0xFFFFFF90] =	vst v14  }
0x613: {  	v6 =	vld.idx.msk [tilespmem:v6+s21+$0x0], $0xffff;
	[tilespmem:s23+$0x50] =	vst v16;
	s23 =	sadd.s32 $0x100, s23  }
0x614: {  	v10 =	vld.idx.msk [tilespmem:v10+s21+$0x0], $0xffff;
	[tilespmem:s23+$0x60] =	vst v9  }
0x615: {  	[tilespmem:s23+$0xFFFFFFA0] =	vst v2;
	v8 =	vld.idx.msk [tilespmem:v8+s21+$0x0], $0xffff  }
0x616: {  	v2 =	vld.idx.msk [tilespmem:v11+s21+$0x0], $0xffff;
	[tilespmem:s23+$0xFFFFFFC0] =	vst v3  }
.Ltmp28:
0x617: {  	v3 =	vld.idx.msk [tilespmem:v7+s21+$0x0], $0xffff;
	[tilespmem:s23+$0xFFFFFFE0] =	vst v4;
	(pc) =	sbr.rel @p0 .LBB2_58-.Ltmp28, $4  }
0x618: {  	v4 =	vld.idx.msk [tilespmem:v12+s21+$0x0], $0xffff;
	[tilespmem:s23+$0x0] =	vst v5  }
0x619: {  	v5 =	vld.idx.msk [tilespmem:v13+s21+$0x0], $0xffff;
	[tilespmem:s23+$0x20] =	vst v6  }
0x61a: {  	v6 =	vld.idx.msk [tilespmem:v15+s21+$0x0], $0xffff;
	[tilespmem:s23+$0x40] =	vst v10  }
0x61b: {  	s31 =	simm.s32 $0x0;
	s0 =	simm.s32 $0x19C90;
	s1 =	sadd.s32 $0x80, s1;
	v7 =	vld.idx.msk [tilespmem:v17+s21+$0x0], $0xffff;
	[tilespmem:s23+$0x70] =	vst v8  }
0x61c: {  	_ =	sdelay $0x2  }
0x61d: {  	[tilespmem:s23+$0xFFFFFF80] =	vst v2  }
0x61e: {  	[tilespmem:s23+$0xFFFFFFB0] =	vst v3;
	v0 =	vld.idx.msk [tilespmem:v0+s21+$0x0], $0xffff  }
0x61f: {  	v1 =	vld.idx.msk [tilespmem:v1+s21+$0x0], $0xffff;
	[tilespmem:s23+$0xFFFFFFD0] =	vst v4  }
0x620: {  	[tilespmem:s23+$0xFFFFFFF0] =	vst v5  }
0x621: {  	[tilespmem:s23+$0x10] =	vst v6  }
0x622: {  	[tilespmem:s23+$0x30] =	vst v7  }
0x623: {  	[tilespmem:s23+$0x50] =	vst v0  }
0x624: {  	[tilespmem:s23+$0xFFFFFF90] =	vst v1  }
0x625: {  	s10 =	sld [smem:$0x799]  }
.LBB2_60:
0x626: {  	s1 =	sshra.s32 s31, $0x2  }
0x627: {  	v0 =	vld [tilespmem:s1+$0x1780];
	_ =	sdelay $0x4  }
0x628: {  	v1 =	vand.u32 $0xFFFF, v0;
	_ =	sdelay $0x4  }
0x629: {  	v1 =	vld.idx.msk [tilespmem:v1+s21+$0x0], $0xffff  }
0x62a: {  	v0 =	vshrl.u32 v0, $0x10;
	_ =	sdelay $0x3  }
0x62b: {  	[tilespmem:s0+$0xFFFFFFF0] =	vst v1  }
0x62c: {  	p0 =	sne.s32 s31, $0x80;
	v0 =	vld.idx.msk [tilespmem:v0+s21+$0x0], $0xffff  }
.Ltmp29:
0x62d: {  	_ = 	snop;
	(pc) =	sbr.rel @p0 .LBB2_60-.Ltmp29, $2  }
0x62e: {  	_ =	sdelay $0x2  }
0x62f: {  	s31 =	sadd.s32 $0x40, s31;
	[tilespmem:s0+$0x0] =	vst v0;
	s0 =	sadd.s32 $0x20, s0  }
0x630: {  	s0 =	simm.s32 $0x2  }
0x631: {  	_ =	swait.ge [sflag:s0], $0x6FE0  }
0x632: {  	[sflag:s0] =	ssyncset.done $0x0  }
0x633: {  	s31 =	simm.s32 $0x1820;
	[sflag:s0] =	ssyncadd.s32 $0xFFFF9020  }
0x634: {  	v0 =	vld [tilespmem:s31+$0x0]  }
0x635: {  	v1 =	vld [tilespmem:s31+$0xFFFFFFA0]  }
0x636: {  	v2 =	vld [tilespmem:s31+$0xFFFFFFB0]  }
0x637: {  	v3 =	vld [tilespmem:s31+$0xFFFFFFC0]  }
0x638: {  	v4 =	vld [tilespmem:s31+$0xFFFFFFD0]  }
0x639: {  	v5 =	vld [tilespmem:s31+$0xFFFFFFE0];
	v6 =	vand.u32 $0xFFFF, v0  }
0x63a: {  	v8 =	vld [tilespmem:s31+$0xFFFFFFF0];
	v7 =	vand.u32 $0xFFFF, v1  }
0x63b: {  	v10 =	vld [tilespmem:s31+$0xFFFFFF90];
	v9 =	vand.u32 $0xFFFF, v2  }
0x63c: {  	v11 =	vand.u32 $0xFFFF, v3  }
0x63d: {  	v12 =	vand.u32 $0xFFFF, v4  }
0x63e: {  	v13 =	vand.u32 $0xFFFF, v5;
	v6 =	vld.idx.msk [tilespmem:v6+s22+$0x0], $0xffff  }
0x63f: {  	v14 =	vand.u32 $0xFFFF, v8;
	v7 =	vld.idx.msk [tilespmem:v7+s22+$0x0], $0xffff  }
0x640: {  	v15 =	vand.u32 $0xFFFF, v10;
	v9 =	vld.idx.msk [tilespmem:v9+s22+$0x0], $0xffff  }
0x641: {  	v0 =	vshrl.u32 v0, $0x10;
	v11 =	vld.idx.msk [tilespmem:v11+s22+$0x0], $0xffff  }
0x642: {  	v1 =	vshrl.u32 v1, $0x10;
	v12 =	vld.idx.msk [tilespmem:v12+s22+$0x0], $0xffff  }
0x643: {  	s23 =	simm.s32 $0x19DD0;
	v16 =	vshrl.u32 v2, $0x10;
	v13 =	vld.idx.msk [tilespmem:v13+s22+$0x0], $0xffff  }
0x644: {  	v17 =	vshrl.u32 v3, $0x10;
	v14 =	vld.idx.msk [tilespmem:v14+s22+$0x0], $0xffff;
	[tilespmem:s23+$0xFFFFFFF0] =	vst v6  }
0x645: {  	v2 =	vld.idx.msk [tilespmem:v15+s22+$0x0], $0xffff;
	v6 =	vshrl.u32 v4, $0x10;
	[tilespmem:s23+$0xFFFFFF30] =	vst v7  }
0x646: {  	v7 =	vshrl.u32 v5, $0x10;
	[tilespmem:s23+$0xFFFFFF50] =	vst v9;
	v18 =	vld.idx.msk [tilespmem:v0+s22+$0x0], $0xffff  }
0x647: {  	[tilespmem:s23+$0xFFFFFF70] =	vst v11;
	v3 =	vld.idx.msk [tilespmem:v1+s22+$0x0], $0xffff  }
0x648: {  	[tilespmem:s23+$0xFFFFFF90] =	vst v12;
	v4 =	vld.idx.msk [tilespmem:v16+s22+$0x0], $0xffff  }
0x649: {  	[tilespmem:s23+$0xFFFFFFB0] =	vst v13;
	v5 =	vld.idx.msk [tilespmem:v17+s22+$0x0], $0xffff  }
0x64a: {  	[tilespmem:s23+$0xFFFFFFD0] =	vst v14;
	v6 =	vld.idx.msk [tilespmem:v6+s22+$0x0], $0xffff  }
0x64b: {  	s24 =	simm.s32 $0x17B;
	s1 =	simm.s32 $0x18A0;
	v0 =	vshrl.u32 v8, $0x10;
	v1 =	vshrl.u32 v10, $0x10;
	v7 =	vld.idx.msk [tilespmem:v7+s22+$0x0], $0xffff;
	[tilespmem:s23+$0x0] =	vst v18  }
.LBB2_62:
0x64c: {  	v8 =	vld [tilespmem:s1+$0x0];
	s24 =	sadd.s32 $0x8, s24;
	[tilespmem:s23+$0xFFFFFF10] =	vst v2  }
0x64d: {  	v2 =	vld [tilespmem:s1+$0xFFFFFFA0];
	p0 =	slt.u32 s24, $0x2F3;
	[tilespmem:s23+$0xFFFFFF40] =	vst v3  }
0x64e: {  	v3 =	vld [tilespmem:s1+$0xFFFFFFB0];
	[tilespmem:s23+$0xFFFFFF60] =	vst v4  }
0x64f: {  	v4 =	vld [tilespmem:s1+$0xFFFFFFC0];
	[tilespmem:s23+$0xFFFFFF80] =	vst v5  }
0x650: {  	v5 =	vld [tilespmem:s1+$0xFFFFFFD0];
	[tilespmem:s23+$0xFFFFFFA0] =	vst v6  }
0x651: {  	v6 =	vld [tilespmem:s1+$0xFFFFFFE0];
	v9 =	vand.u32 $0xFFFF, v8;
	[tilespmem:s23+$0xFFFFFFC0] =	vst v7  }
0x652: {  	v7 =	vshrl.u32 v2, $0x10;
	v2 =	vand.u32 $0xFFFF, v2;
	v10 =	vld [tilespmem:s1+$0xFFFFFFF0]  }
0x653: {  	v11 =	vld [tilespmem:s1+$0xFFFFFF90];
	v12 =	vshrl.u32 v3, $0x10;
	v3 =	vand.u32 $0xFFFF, v3  }
0x654: {  	v13 =	vshrl.u32 v4, $0x10;
	v4 =	vand.u32 $0xFFFF, v4;
	v14 =	vld.idx.msk [tilespmem:v1+s22+$0x0], $0xffff  }
0x655: {  	v15 =	vshrl.u32 v5, $0x10;
	v5 =	vand.u32 $0xFFFF, v5;
	v16 =	vld.idx.msk [tilespmem:v0+s22+$0x0], $0xffff  }
0x656: {  	v17 =	vshrl.u32 v6, $0x10;
	v6 =	vand.u32 $0xFFFF, v6;
	v9 =	vld.idx.msk [tilespmem:v9+s22+$0x0], $0xffff  }
0x657: {  	v2 =	vld.idx.msk [tilespmem:v2+s22+$0x0], $0xffff;
	v0 =	vshrl.u32 v10, $0x10;
	v10 =	vand.u32 $0xFFFF, v10  }
0x658: {  	v8 =	vshrl.u32 v8, $0x10;
	v1 =	vshrl.u32 v11, $0x10;
	v11 =	vand.u32 $0xFFFF, v11;
	v3 =	vld.idx.msk [tilespmem:v3+s22+$0x0], $0xffff  }
0x659: {  	v4 =	vld.idx.msk [tilespmem:v4+s22+$0x0], $0xffff  }
0x65a: {  	v5 =	vld.idx.msk [tilespmem:v5+s22+$0x0], $0xffff;
	[tilespmem:s23+$0xFFFFFF20] =	vst v14  }
0x65b: {  	v6 =	vld.idx.msk [tilespmem:v6+s22+$0x0], $0xffff;
	[tilespmem:s23+$0xFFFFFFE0] =	vst v16;
	s23 =	sadd.s32 $0x100, s23  }
0x65c: {  	v10 =	vld.idx.msk [tilespmem:v10+s22+$0x0], $0xffff;
	[tilespmem:s23+$0xFFFFFFF0] =	vst v9  }
0x65d: {  	[tilespmem:s23+$0xFFFFFF30] =	vst v2;
	v8 =	vld.idx.msk [tilespmem:v8+s22+$0x0], $0xffff  }
0x65e: {  	v2 =	vld.idx.msk [tilespmem:v11+s22+$0x0], $0xffff;
	[tilespmem:s23+$0xFFFFFF50] =	vst v3  }
.Ltmp30:
0x65f: {  	v3 =	vld.idx.msk [tilespmem:v7+s22+$0x0], $0xffff;
	[tilespmem:s23+$0xFFFFFF70] =	vst v4;
	(pc) =	sbr.rel @p0 .LBB2_62-.Ltmp30, $4  }
0x660: {  	v4 =	vld.idx.msk [tilespmem:v12+s22+$0x0], $0xffff;
	[tilespmem:s23+$0xFFFFFF90] =	vst v5  }
0x661: {  	v5 =	vld.idx.msk [tilespmem:v13+s22+$0x0], $0xffff;
	[tilespmem:s23+$0xFFFFFFB0] =	vst v6  }
0x662: {  	v6 =	vld.idx.msk [tilespmem:v15+s22+$0x0], $0xffff;
	[tilespmem:s23+$0xFFFFFFD0] =	vst v10  }
0x663: {  	s1 =	sadd.s32 $0x80, s1;
	v7 =	vld.idx.msk [tilespmem:v17+s22+$0x0], $0xffff;
	[tilespmem:s23+$0x0] =	vst v8  }
0x664: {  	_ =	sdelay $0x2  }
0x665: {  	[tilespmem:s23+$0xFFFFFF10] =	vst v2  }
0x666: {  	[tilespmem:s23+$0xFFFFFF40] =	vst v3;
	v0 =	vld.idx.msk [tilespmem:v0+s22+$0x0], $0xffff  }
0x667: {  	v1 =	vld.idx.msk [tilespmem:v1+s22+$0x0], $0xffff;
	[tilespmem:s23+$0xFFFFFF60] =	vst v4  }
0x668: {  	[tilespmem:s23+$0xFFFFFF80] =	vst v5  }
0x669: {  	[tilespmem:s23+$0xFFFFFFA0] =	vst v6  }
0x66a: {  	[tilespmem:s23+$0xFFFFFFC0] =	vst v7  }
0x66b: {  	[tilespmem:s23+$0xFFFFFFE0] =	vst v0  }
0x66c: {  	[tilespmem:s23+$0xFFFFFF20] =	vst v1  }
0x66d: {  	v0 =	vld [tilespmem:$0x2FB0];
	_ =	sdelay $0x4  }
0x66e: {  	v63 =	vand.u32 $0xFFFF, v0;
	_ =	sdelay $0x4  }
0x66f: {  	v1 =	vld.idx.msk [tilespmem:v63+s22+$0x0], $0xffff  }
0x670: {  	v0 =	vshrl.u32 v0, $0x10;
	_ =	sdelay $0x3  }
0x671: {  	[tilespmem:$0x1CCE0] =	vst v1  }
0x672: {  	v0 =	vld.idx.msk [tilespmem:v0+s22+$0x0], $0xffff;
	_ =	sdelay $0x3  }
0x673: {  	s4 =	rddreg [dreg:$0x1]  }
0x674: {  	s0 =	simm.s32 $0x16D80;
	s1 =	sadd.s32 s4, s29;
	[tilespmem:$0x1CCF0] =	vst v0  }
0x675: {  	[hbm4b:s1+s3] =	stream.linear.scatter [tilespmem:s0], [sflag:$0x3], $0x80, $0x38;
	[tilespmem:$0x1CD00] =	vst v63  }
0x676: {  	s9 =	simm.s32 $0x16E00;
	s8 =	sadd.s32 s4, s30  }
0x677: {  	[hbm4b:s8+s3] =	stream.linear.scatter [tilespmem:s9], [sflag:$0x3], $0x80, $0x38;
	[tilespmem:$0x1CD00] =	vst v63  }
0x678: {  	s12 =	simm.s32 $0x16E80;
	s14 =	simm.s32 $0x16F00;
	s11 =	sadd.s32 s4, s5  }
0x679: {  	[hbm4b:s11+s3] =	stream.linear.scatter [tilespmem:s12], [sflag:$0x3], $0x80, $0x38;
	[tilespmem:$0x1CD00] =	vst v63  }
0x67a: {  	s16 =	simm.s32 $0x16F80;
	s24 =	simm.s32 $0x17000;
	s13 =	sadd.s32 s4, s2  }
0x67b: {  	[hbm4b:s13+s3] =	stream.linear.scatter [tilespmem:s14], [sflag:$0x3], $0x80, $0x38;
	[tilespmem:$0x1CD00] =	vst v63  }
0x67c: {  	s26 =	simm.s32 $0x17080;
	s31 =	simm.s32 $0x17100;
	s15 =	sadd.s32 s4, s17  }
0x67d: {  	[hbm4b:s15+s3] =	stream.linear.scatter [tilespmem:s16], [sflag:$0x3], $0x80, $0x38;
	[tilespmem:$0x1CD00] =	vst v63  }
0x67e: {  	s25 =	sadd.s32 s4, s19;
	s23 =	sadd.s32 s4, s18;
	s1 =	simm.s32 $0x0  }
0x67f: {  	[hbm4b:s23+s3] =	stream.linear.scatter [tilespmem:s24], [sflag:$0x3], $0x80, $0x38;
	[tilespmem:$0x1CD00] =	vst v63  }
0x680: {  	s0 =	sadd.s32 s4, s20;
	s23 =	simm.s32 $0x17180;
	s24 =	sadd.s32 $0x400, s4  }
0x681: {  	[hbm4b:s25+s3] =	stream.linear.scatter [tilespmem:s26], [sflag:$0x3], $0x80, $0x38;
	[tilespmem:$0x1CD00] =	vst v63  }
.LBB2_64:
0x682: {  	[hbm4b:s0+s3] =	stream.linear.scatter [tilespmem:s31], [sflag:$0x3], $0x80, $0x38;
	[tilespmem:$0x1CD00] =	vst v63  }
0x683: {  	s0 =	sadd.s32 s24, s29;
	s1 =	sadd.s32 $0x8, s1;
	s4 =	smov.u32 s23  }
0x684: {  	[hbm4b:s0+s3] =	stream.linear.scatter [tilespmem:s23], [sflag:$0x3], $0x80, $0x38;
	[tilespmem:$0x1CD00] =	vst v63  }
0x685: {  	s31 =	sadd.s32 $0x80, s23;
	p0 =	slt.u32 s1, $0xB0;
	s0 =	sadd.s32 s24, s30  }
0x686: {  	[hbm4b:s0+s3] =	stream.linear.scatter [tilespmem:s31], [sflag:$0x3], $0x80, $0x38;
	[tilespmem:$0x1CD00] =	vst v63  }
0x687: {  	s0 =	sadd.s32 s24, s5;
	s31 =	sadd.s32 $0x100, s23  }
0x688: {  	[hbm4b:s0+s3] =	stream.linear.scatter [tilespmem:s31], [sflag:$0x3], $0x80, $0x38;
	[tilespmem:$0x1CD00] =	vst v63  }
0x689: {  	s0 =	sadd.s32 s24, s2;
	s31 =	sadd.s32 $0x180, s23  }
0x68a: {  	[hbm4b:s0+s3] =	stream.linear.scatter [tilespmem:s31], [sflag:$0x3], $0x80, $0x38;
	[tilespmem:$0x1CD00] =	vst v63  }
0x68b: {  	s0 =	sadd.s32 s24, s17;
	s31 =	sadd.s32 $0x200, s23  }
0x68c: {  	[hbm4b:s0+s3] =	stream.linear.scatter [tilespmem:s31], [sflag:$0x3], $0x80, $0x38;
	[tilespmem:$0x1CD00] =	vst v63  }
.Ltmp31:
0x68d: {  	s0 =	sadd.s32 s24, s18;
	s31 =	sadd.s32 $0x280, s23;
	(pc) =	sbr.rel @p0 .LBB2_64-.Ltmp31, $4  }
0x68e: {  	[hbm4b:s0+s3] =	stream.linear.scatter [tilespmem:s31], [sflag:$0x3], $0x80, $0x38;
	[tilespmem:$0x1CD00] =	vst v63  }
0x68f: {  	s23 =	sadd.s32 $0x400, s23;
	s0 =	sadd.s32 s24, s19;
	s31 =	sadd.s32 $0x300, s4  }
0x690: {  	[hbm4b:s0+s3] =	stream.linear.scatter [tilespmem:s31], [sflag:$0x3], $0x80, $0x38;
	[tilespmem:$0x1CD00] =	vst v63  }
0x691: {  	s0 =	sadd.s32 s24, s20;
	s31 =	sadd.s32 $0x380, s4;
	s24 =	sadd.s32 $0x400, s24  }
0x692: {  	s6 =	sld [smem:$0x7B2]  }
0x693: {  	[hbm4b:s0+s3] =	stream.linear.scatter [tilespmem:s31], [sflag:$0x3], $0x80, $0x38;
	[tilespmem:$0x1CD00] =	vst v63  }
0x694: {  	s1 =	simm.s32 $0x1C980;
	s7 =	sld [smem:$0x7B3]  }
0x695: {  	[hbm4b:s6+s3] =	stream.linear.scatter [tilespmem:s1], [sflag:$0x3], $0x80, $0x38;
	[tilespmem:$0x1CD00] =	vst v63  }
0x696: {  	s8 =	simm.s32 $0x1CA00;
	s9 =	sld [smem:$0x7B4]  }
0x697: {  	[hbm4b:s7+s3] =	stream.linear.scatter [tilespmem:s8], [sflag:$0x3], $0x80, $0x38;
	[tilespmem:$0x1CD00] =	vst v63  }
0x698: {  	s11 =	simm.s32 $0x1CA80;
	s12 =	sld [smem:$0x7B5]  }
0x699: {  	[hbm4b:s9+s3] =	stream.linear.scatter [tilespmem:s11], [sflag:$0x3], $0x80, $0x38;
	[tilespmem:$0x1CD00] =	vst v63  }
0x69a: {  	s13 =	simm.s32 $0x1CB00;
	s14 =	sld [smem:$0x7B6]  }
0x69b: {  	[hbm4b:s12+s3] =	stream.linear.scatter [tilespmem:s13], [sflag:$0x3], $0x80, $0x38;
	[tilespmem:$0x1CD00] =	vst v63  }
0x69c: {  	s15 =	simm.s32 $0x1CB80;
	s16 =	sld [smem:$0x7B7]  }
0x69d: {  	[hbm4b:s14+s3] =	stream.linear.scatter [tilespmem:s15], [sflag:$0x3], $0x80, $0x38;
	[tilespmem:$0x1CD00] =	vst v63  }
0x69e: {  	s23 =	simm.s32 $0x1CC00;
	s24 =	sld [smem:$0x7C0]  }
0x69f: {  	[hbm4b:s16+s3] =	stream.linear.scatter [tilespmem:s23], [sflag:$0x3], $0x80, $0x38;
	[tilespmem:$0x1CD00] =	vst v63  }
0x6a0: {  	s25 =	simm.s32 $0x1CC80;
	s26 =	simm.s32 $0x3  }
0x6a1: {  	[hbm4b:s24+s3] =	stream.linear.scatter [tilespmem:s25], [sflag:$0x3], $0x80, $0x38;
	[tilespmem:$0x1CD00] =	vst v63  }
0x6a2: {  	_ =	swait.ge [sflag:s26], $0x5F80  }
0x6a3: {  	[sflag:s26] =	ssyncset.done $0x0  }
0x6a4: {  	[sflag:s26] =	ssyncadd.s32 $0xFFFFA080  }
0x6a5: {  	_ =	swait.ge [sflag:s26], $0x5F80  }
0x6a6: {  	s31 =	sld [smem:$0x7C1];
	_ =	sdelay $0x1  }
0x6a7: {  	s10 =	sadd.s32 $0x1, s10  }
0x6a8: {  	p0 =	sne.s32 s10, s31  }
.Ltmp32:
0x6a9: {  	_ = 	snop;
	(pc) =	sbr.rel @p0 .LBB2_1-.Ltmp32, $3  }
0x6aa: {  	_ =	sdelay $0x1  }
0x6ab: {  	[sflag:s26] =	ssyncset.done $0x0  }
0x6ac: {  	[sflag:s26] =	ssyncadd.s32 $0xFFFFA080  }
0x6ad: {  	_ =	sfence.sel $0x180000  }
0x6ae: {  	[bflag:$0x0] =	sbarrier.arrive $0xFFFF  }
0x6af: {  	_ =	strace $0x90000047  }
0x6b0: {  	s0 =	stileid.u32;
	[bflag:$0x2] =	sbarrier.arrive $0xFFFF  }
0x6b1: {  	p0 =	sne.s32 s0, $0x0;
	s0 =	rddreg [dreg:$0x2]  }
0x6b2: {  	s0 =	sadd.s32 @!p0 $0x100000, s0  }
0x6b3: {  	[sflag:s0] =	ssyncadd.tile.s32 @!p0 $0x1;
	_ =	shalt  }
.Lfunc_end2:
_tile_overlayer_lowered:
.L_overlay_start_2:
0x6b4: {  	(tag) =	ssettag $0x2  }
0x6b5: {  	s0 =	rddreg [dreg:$0x0];
	s2 =	stileid.u32  }
0x6b6: {  	s1 =	rddreg [dreg:$0x1];
	p0 =	sne.s32 s2, $0x0  }
0x6b7: {  	s3 =	rddreg [dreg:$0x2];
	[bflag:$0x3] =	sbarrier.arrive $0xFFFF;
	s2 =	simm.s32 @!p0 $0x1C04  }
0x6b8: {  	[timem:s3], [sflag:s2] =	dma.local @!p0 [hbm:s0], s1  }
0x6b9: {  	s0 =	simm.s32 @!p0 $0x4  }
0x6ba: {  	_ =	swait.ge @!p0 [sflag:s0], s1  }
0x6bb: {  	s1 =	ssub.s32 @!p0 $0x0, s1;
	[sflag:s0] =	ssyncset.done @!p0 $0x0  }
0x6bc: {  	[sflag:s0] =	ssyncadd.s32 @!p0 s1  }
0x6bd: {  	[bflag:$0x3] =	sbarrier.arrive $0xFFFF  }
0x6be: {  	_ =	shalt  }

</sc_bundles>
